<compile_context>
chip_gen: v7x
topology: tpu7x:2x2x1
jax: 0.10.2.dev20260603
libtpu: 0.0.44.dev20260713+nightly
codegen_flags: <defaults>
</compile_context>

<pallas_src>
import jax
import jax.numpy as jnp
from jax import lax
from jax.experimental import pallas as pl
from jax.experimental.pallas import tpu as pltpu
from jax.experimental.pallas import tpu_sc as plsc

_NC = 2
_NS = 16
_NW = _NC * _NS
_LANES = 16
_WIN = 128


def kernel(idx, W):
    B = idx.shape[0]
    NZ = W.shape[1]
    b_per_w = B // _NW

    mesh = plsc.VectorSubcoreMesh(core_axis_name="c", subcore_axis_name="s")

    @pl.kernel(
        mesh=mesh,
        out_type=jax.ShapeDtypeStruct((NZ, B), W.dtype),
        compiler_params=pltpu.CompilerParams(needs_layout_passes=False),
        scratch_types=[
            pltpu.VMEM((b_per_w,), jnp.int32),
            pltpu.VMEM((NZ,), jnp.int32),
            pltpu.VMEM((_LANES, NZ, _WIN), jnp.float32),
            pltpu.VMEM((NZ, b_per_w), jnp.float32),
        ] + [pltpu.SemaphoreType.DMA] * _LANES,
    )
    def k(idx_hbm, table_hbm, out_hbm, idx_v, zid_v, win_v, out_v, *sems):
        wid = lax.axis_index("s") * _NC + lax.axis_index("c")
        base = wid * b_per_w
        pltpu.sync_copy(idx_hbm.at[pl.ds(base, b_per_w)], idx_v)

        lane = lax.iota(jnp.int32, _LANES)
        for h in range(NZ // _LANES):
            zid_v[pl.ds(h * _LANES, _LANES)] = lane + (h * _LANES)

        @pl.loop(0, b_per_w, step=_LANES)
        def _(i):
            vec = idx_v[pl.ds(i, _LANES)]
            copies = []
            for l in range(_LANES):
                win = (vec[l] // _WIN) * _WIN
                copies.append(pltpu.async_copy(
                    table_hbm.at[zid_v, pl.ds(win, _WIN)],
                    win_v.at[l], sems[l]))
            cols = vec % _WIN
            for l in range(_LANES):
                copies[l].wait()
                for h in range(NZ // _LANES):
                    zrows = lane + (h * _LANES)
                    vals = plsc.load_gather(
                        win_v.at[l], [zrows, jnp.full((_LANES,), cols[l])])
                    plsc.store_scatter(
                        out_v, [zrows, jnp.full((_LANES,), i + l)], vals)

        pltpu.sync_copy(out_v, out_hbm.at[:, pl.ds(base, b_per_w)])

    return k(idx, W.T).T

# --- scband reference (transcript-rebuilt; emitter-appended) ---
"""Pipeline reference for scband-latent-codes-dict-29575144800297 (READ-ONLY COPY).

The authoritative reference and input builder live on the scoring server;
editing this copy changes nothing except your own understanding.
"""

import jax, jax.numpy as jnp
import numpy as np

N = 1000000
NZ = 32
B = 16384

def setup_inputs(seed: int = 0) -> dict:
    key = jax.random.key(seed)
    k_idx, k_w = jax.random.split(key)
    idx = jax.random.randint(k_idx, (B,), 0, N, dtype=jnp.int64) if jax.config.jax_enable_x64 else jax.random.randint(k_idx, (B,), 0, N, dtype=jnp.int32)
    W = 0.01 * jax.random.normal(k_w, (N, NZ), dtype=jnp.float32)
    return {"idx": idx, "W": W}

def reference(idx, W):
    z = jnp.take(W, idx, axis=0)
    z = jnp.squeeze(z)
    return z

if __name__ == "__main__":
    import jax
    _d = setup_inputs()
    print(jax.jit(kernel)(*tuple(_d.values())))

</pallas_src>

<mosaic_0001>
#map = affine_map<(d0, d1) -> (0)>
#map1 = affine_map<(d0, d1) -> (0, 0)>
module attributes {stable_mosaic.version = 14 : i64} {
  func.func @k(%arg0: i32, %arg1: i32, %arg2: memref<16384xi32, #tpu.memory_space<hbm>>, %arg3: memref<32x1000000xf32, #tpu.memory_space<hbm>>, %arg4: memref<32x16384xf32, #tpu.memory_space<hbm>>, %arg5: memref<512xi32, #tpu.memory_space<vmem>>, %arg6: memref<32xi32, #tpu.memory_space<vmem>>, %arg7: memref<16x32x128xf32, #tpu.memory_space<vmem>>, %arg8: memref<32x512xf32, #tpu.memory_space<vmem>>, %arg9: memref<!tpu.dma_semaphore, #tpu.memory_space<semaphore_mem>>, %arg10: memref<!tpu.dma_semaphore, #tpu.memory_space<semaphore_mem>>, %arg11: memref<!tpu.dma_semaphore, #tpu.memory_space<semaphore_mem>>, %arg12: memref<!tpu.dma_semaphore, #tpu.memory_space<semaphore_mem>>, %arg13: memref<!tpu.dma_semaphore, #tpu.memory_space<semaphore_mem>>, %arg14: memref<!tpu.dma_semaphore, #tpu.memory_space<semaphore_mem>>, %arg15: memref<!tpu.dma_semaphore, #tpu.memory_space<semaphore_mem>>, %arg16: memref<!tpu.dma_semaphore, #tpu.memory_space<semaphore_mem>>, %arg17: memref<!tpu.dma_semaphore, #tpu.memory_space<semaphore_mem>>, %arg18: memref<!tpu.dma_semaphore, #tpu.memory_space<semaphore_mem>>, %arg19: memref<!tpu.dma_semaphore, #tpu.memory_space<semaphore_mem>>, %arg20: memref<!tpu.dma_semaphore, #tpu.memory_space<semaphore_mem>>, %arg21: memref<!tpu.dma_semaphore, #tpu.memory_space<semaphore_mem>>, %arg22: memref<!tpu.dma_semaphore, #tpu.memory_space<semaphore_mem>>, %arg23: memref<!tpu.dma_semaphore, #tpu.memory_space<semaphore_mem>>, %arg24: memref<!tpu.dma_semaphore, #tpu.memory_space<semaphore_mem>>) attributes {dimension_semantics = [#tpu.dimension_semantics<core_parallel>, #tpu.dimension_semantics<subcore_parallel>], iteration_bounds = array<i64: 2, 16>, scalar_prefetch = 0 : i64, scratch_operands = 20 : i64, tpu.core_type = #tpu.core_type<sc_vector_subcore>, window_params = [{transform_indices = #map}, {transform_indices = #map1}, {transform_indices = #map1}]} {
    %mul3A = arith.constant 2 : i32
    %mul3A_0 = arith.muli %arg1, %mul3A : i32
    %add3A = arith.addi %mul3A_0, %arg0 : i32
    %mul3A_1 = arith.constant 512 : i32
    %mul3A_2 = arith.muli %add3A, %mul3A_1 : i32
    "tpu.region"() ({
      %run_scoped3A = tpu.sem_alloc : memref<!tpu.dma_semaphore, #tpu.memory_space<semaphore_mem>>
      %dma_start3A = tpu.memref_slice %arg2[%mul3A_2] : memref<16384xi32, #tpu.memory_space<hbm>> -> memref<512xi32, #tpu.memory_space<hbm>>
      %dma_start3A_16 = tpu.memref_slice %arg2[%mul3A_2] : memref<16384xi32, #tpu.memory_space<hbm>> -> memref<512xi32, #tpu.memory_space<hbm>>
      tpu.enqueue_dma source(%dma_start3A_16 : memref<512xi32, #tpu.memory_space<hbm>>) target(%arg5 : memref<512xi32, #tpu.memory_space<vmem>>) target_semaphore(%run_scoped3A : memref<!tpu.dma_semaphore, #tpu.memory_space<semaphore_mem>>)
      %dma_wait3A = tpu.memref_slice %arg2[%mul3A_2] : memref<16384xi32, #tpu.memory_space<hbm>> -> memref<512xi32, #tpu.memory_space<hbm>>
      %dma_wait3A_17 = tpu.memref_slice %arg2[%mul3A_2] : memref<16384xi32, #tpu.memory_space<hbm>> -> memref<512xi32, #tpu.memory_space<hbm>>
      tpu.wait_dma2 semaphore(%run_scoped3A : memref<!tpu.dma_semaphore, #tpu.memory_space<semaphore_mem>>) src(%dma_wait3A_17 : memref<512xi32, #tpu.memory_space<hbm>>) dst(%arg5 : memref<512xi32, #tpu.memory_space<vmem>>)
      tpu.yield
    }) : () -> ()
    %iota3A = tpu.iota {dimensions = array<i32: 0>} : vector<16xi32>
    %add3A_3 = arith.constant 0 : i32
    %add3A_4 = vector.broadcast %add3A_3 : i32 to vector<16xi32>
    %add3A_5 = arith.addi %iota3A, %add3A_4 : vector<16xi32>
    %swap3A = arith.constant 0 : index
    %swap3A_6 = tpu.vector_load %arg6[%swap3A] {strides = array<i32>} : memref<32xi32, #tpu.memory_space<vmem>>, vector<16xi32>,
    tpu.vector_store %arg6[%swap3A], %add3A_5 {strides = array<i32>} : memref<32xi32, #tpu.memory_space<vmem>>, vector<16xi32>,
    %add3A_7 = arith.constant 16 : i32
    %add3A_8 = vector.broadcast %add3A_7 : i32 to vector<16xi32>
    %add3A_9 = arith.addi %iota3A, %add3A_8 : vector<16xi32>
    %swap3A_10 = arith.constant 16 : index
    %swap3A_11 = tpu.vector_load %arg6[%swap3A_10] {strides = array<i32>} : memref<32xi32, #tpu.memory_space<vmem>>, vector<16xi32>,
    tpu.vector_store %arg6[%swap3A_10], %add3A_9 {strides = array<i32>} : memref<32xi32, #tpu.memory_space<vmem>>, vector<16xi32>,
    %scan3A = arith.constant 0 : i32
    %scan3A_12 = arith.constant 32 : i32
    %scan3A_13 = arith.addi %scan3A, %scan3A_12 : i32
    %scan3A_14 = arith.constant 1 : i32
    scf.for %scan3A_16 = %scan3A to %scan3A_13 step %scan3A_14  : i32 {
      %mul3A_17 = arith.constant 16 : i32
      %mul3A_18 = arith.muli %scan3A_16, %mul3A_17 : i32
      %add3A_19 = arith.constant 0 : i32
      %add3A_20 = arith.addi %add3A_19, %mul3A_18 : i32
      %get3A = arith.index_cast %add3A_20 : i32 to index
      %get3A_21 = tpu.vector_load %arg5[%get3A] {strides = array<i32>} : memref<512xi32, #tpu.memory_space<vmem>>, vector<16xi32>,
      %slice3A = vector.extract_strided_slice %get3A_21 {offsets = [0], sizes = [1], strides = [1]} : vector<16xi32> to vector<1xi32>
      %squeeze3A = vector.extract %slice3A[0] : i32 from vector<1xi32>
      %jit3A = arith.constant 128 : i32
      %div3A = arith.divsi %squeeze3A, %jit3A : i32
      %sign3A = arith.constant 0 : i32
      %sign3A_22 = arith.cmpi sgt, %squeeze3A, %sign3A : i32
      %sign3A_23 = arith.extui %sign3A_22 : i1 to i32
      %sign3A_24 = arith.constant 0 : i32
      %sign3A_25 = arith.cmpi slt, %squeeze3A, %sign3A_24 : i32
      %sign3A_26 = arith.extui %sign3A_25 : i1 to i32
      %sign3A_27 = arith.subi %sign3A_23, %sign3A_26 : i32
      %sign3A_28 = arith.constant 0 : i32
      %sign3A_29 = arith.cmpi sgt, %jit3A, %sign3A_28 : i32
      %sign3A_30 = arith.extui %sign3A_29 : i1 to i32
      %sign3A_31 = arith.constant 0 : i32
      %sign3A_32 = arith.cmpi slt, %jit3A, %sign3A_31 : i32
      %sign3A_33 = arith.extui %sign3A_32 : i1 to i32
      %sign3A_34 = arith.subi %sign3A_30, %sign3A_33 : i32
      %ne3A = arith.cmpi ne, %sign3A_27, %sign3A_34 : i32
      %rem3A = arith.remsi %squeeze3A, %jit3A : i32
      %ne3A_35 = arith.constant 0 : i32
      %ne3A_36 = arith.cmpi ne, %rem3A, %ne3A_35 : i32
      %and3A = arith.andi %ne3A, %ne3A_36 : i1
      %sub3A = arith.constant 1 : i32
      %sub3A_37 = arith.subi %div3A, %sub3A : i32
      %select_n3A = arith.select %and3A, %sub3A_37, %div3A : i32
      %mul3A_38 = arith.constant 128 : i32
      %mul3A_39 = arith.muli %select_n3A, %mul3A_38 : i32
      %dma_start3A = arith.constant 0 : i32
      %dma_start3A_40 = arith.constant 0 : i32
      %dma_start3A_41 = arith.constant 0 : i32
      %dma_start3A_42 = tpu.memref_slice %arg7[%dma_start3A, %dma_start3A_40, %dma_start3A_41] : memref<16x32x128xf32, #tpu.memory_space<vmem>> -> memref<1x32x128xf32, #tpu.memory_space<vmem>>
      %dma_start3A_43 = tpu.memref_squeeze %dma_start3A_42 : memref<1x32x128xf32, #tpu.memory_space<vmem>> -> memref<32x128xf32, #tpu.memory_space<vmem>>
      %dma_start3A_44 = arith.constant 0 : i32
      %dma_start3A_45 = tpu.memref_slice %arg3[%dma_start3A_44, %mul3A_39] : memref<32x1000000xf32, #tpu.memory_space<hbm>> -> memref<32x128xf32, #tpu.memory_space<hbm>>
      tpu.enqueue_indirect_dma source(%dma_start3A_45 : memref<32x128xf32, #tpu.memory_space<hbm>>) target(%dma_start3A_43 : memref<32x128xf32, #tpu.memory_space<vmem>>) offsets(%arg6 : memref<32xi32, #tpu.memory_space<vmem>>) semaphore(%arg9 : memref<!tpu.dma_semaphore, #tpu.memory_space<semaphore_mem>>)
      %slice3A_46 = vector.extract_strided_slice %get3A_21 {offsets = [1], sizes = [1], strides = [1]} : vector<16xi32> to vector<1xi32>
      %squeeze3A_47 = vector.extract %slice3A_46[0] : i32 from vector<1xi32>
      %jit3A_48 = arith.constant 128 : i32
      %div3A_49 = arith.divsi %squeeze3A_47, %jit3A_48 : i32
      %sign3A_50 = arith.constant 0 : i32
      %sign3A_51 = arith.cmpi sgt, %squeeze3A_47, %sign3A_50 : i32
      %sign3A_52 = arith.extui %sign3A_51 : i1 to i32
      %sign3A_53 = arith.constant 0 : i32
      %sign3A_54 = arith.cmpi slt, %squeeze3A_47, %sign3A_53 : i32
      %sign3A_55 = arith.extui %sign3A_54 : i1 to i32
      %sign3A_56 = arith.subi %sign3A_52, %sign3A_55 : i32
      %sign3A_57 = arith.constant 0 : i32
      %sign3A_58 = arith.cmpi sgt, %jit3A_48, %sign3A_57 : i32
      %sign3A_59 = arith.extui %sign3A_58 : i1 to i32
      %sign3A_60 = arith.constant 0 : i32
      %sign3A_61 = arith.cmpi slt, %jit3A_48, %sign3A_60 : i32
      %sign3A_62 = arith.extui %sign3A_61 : i1 to i32
      %sign3A_63 = arith.subi %sign3A_59, %sign3A_62 : i32
      %ne3A_64 = arith.cmpi ne, %sign3A_56, %sign3A_63 : i32
      %rem3A_65 = arith.remsi %squeeze3A_47, %jit3A_48 : i32
      %ne3A_66 = arith.constant 0 : i32
      %ne3A_67 = arith.cmpi ne, %rem3A_65, %ne3A_66 : i32
      %and3A_68 = arith.andi %ne3A_64, %ne3A_67 : i1
      %sub3A_69 = arith.constant 1 : i32
      %sub3A_70 = arith.subi %div3A_49, %sub3A_69 : i32
      %select_n3A_71 = arith.select %and3A_68, %sub3A_70, %div3A_49 : i32
      %mul3A_72 = arith.constant 128 : i32
      %mul3A_73 = arith.muli %select_n3A_71, %mul3A_72 : i32
      %dma_start3A_74 = arith.constant 1 : i32
      %dma_start3A_75 = arith.constant 0 : i32
      %dma_start3A_76 = arith.constant 0 : i32
      %dma_start3A_77 = tpu.memref_slice %arg7[%dma_start3A_74, %dma_start3A_75, %dma_start3A_76] : memref<16x32x128xf32, #tpu.memory_space<vmem>> -> memref<1x32x128xf32, #tpu.memory_space<vmem>>
      %dma_start3A_78 = tpu.memref_squeeze %dma_start3A_77 : memref<1x32x128xf32, #tpu.memory_space<vmem>> -> memref<32x128xf32, #tpu.memory_space<vmem>>
      %dma_start3A_79 = arith.constant 0 : i32
      %dma_start3A_80 = tpu.memref_slice %arg3[%dma_start3A_79, %mul3A_73] : memref<32x1000000xf32, #tpu.memory_space<hbm>> -> memref<32x128xf32, #tpu.memory_space<hbm>>
      tpu.enqueue_indirect_dma source(%dma_start3A_80 : memref<32x128xf32, #tpu.memory_space<hbm>>) target(%dma_start3A_78 : memref<32x128xf32, #tpu.memory_space<vmem>>) offsets(%arg6 : memref<32xi32, #tpu.memory_space<vmem>>) semaphore(%arg10 : memref<!tpu.dma_semaphore, #tpu.memory_space<semaphore_mem>>)
      %slice3A_81 = vector.extract_strided_slice %get3A_21 {offsets = [2], sizes = [1], strides = [1]} : vector<16xi32> to vector<1xi32>
      %squeeze3A_82 = vector.extract %slice3A_81[0] : i32 from vector<1xi32>
      %jit3A_83 = arith.constant 128 : i32
      %div3A_84 = arith.divsi %squeeze3A_82, %jit3A_83 : i32
      %sign3A_85 = arith.constant 0 : i32
      %sign3A_86 = arith.cmpi sgt, %squeeze3A_82, %sign3A_85 : i32
      %sign3A_87 = arith.extui %sign3A_86 : i1 to i32
      %sign3A_88 = arith.constant 0 : i32
      %sign3A_89 = arith.cmpi slt, %squeeze3A_82, %sign3A_88 : i32
      %sign3A_90 = arith.extui %sign3A_89 : i1 to i32
      %sign3A_91 = arith.subi %sign3A_87, %sign3A_90 : i32
      %sign3A_92 = arith.constant 0 : i32
      %sign3A_93 = arith.cmpi sgt, %jit3A_83, %sign3A_92 : i32
      %sign3A_94 = arith.extui %sign3A_93 : i1 to i32
      %sign3A_95 = arith.constant 0 : i32
      %sign3A_96 = arith.cmpi slt, %jit3A_83, %sign3A_95 : i32
      %sign3A_97 = arith.extui %sign3A_96 : i1 to i32
      %sign3A_98 = arith.subi %sign3A_94, %sign3A_97 : i32
      %ne3A_99 = arith.cmpi ne, %sign3A_91, %sign3A_98 : i32
      %rem3A_100 = arith.remsi %squeeze3A_82, %jit3A_83 : i32
      %ne3A_101 = arith.constant 0 : i32
      %ne3A_102 = arith.cmpi ne, %rem3A_100, %ne3A_101 : i32
      %and3A_103 = arith.andi %ne3A_99, %ne3A_102 : i1
      %sub3A_104 = arith.constant 1 : i32
      %sub3A_105 = arith.subi %div3A_84, %sub3A_104 : i32
      %select_n3A_106 = arith.select %and3A_103, %sub3A_105, %div3A_84 : i32
      %mul3A_107 = arith.constant 128 : i32
      %mul3A_108 = arith.muli %select_n3A_106, %mul3A_107 : i32
      %dma_start3A_109 = arith.constant 2 : i32
      %dma_start3A_110 = arith.constant 0 : i32
      %dma_start3A_111 = arith.constant 0 : i32
      %dma_start3A_112 = tpu.memref_slice %arg7[%dma_start3A_109, %dma_start3A_110, %dma_start3A_111] : memref<16x32x128xf32, #tpu.memory_space<vmem>> -> memref<1x32x128xf32, #tpu.memory_space<vmem>>
      %dma_start3A_113 = tpu.memref_squeeze %dma_start3A_112 : memref<1x32x128xf32, #tpu.memory_space<vmem>> -> memref<32x128xf32, #tpu.memory_space<vmem>>
      %dma_start3A_114 = arith.constant 0 : i32
      %dma_start3A_115 = tpu.memref_slice %arg3[%dma_start3A_114, %mul3A_108] : memref<32x1000000xf32, #tpu.memory_space<hbm>> -> memref<32x128xf32, #tpu.memory_space<hbm>>
      tpu.enqueue_indirect_dma source(%dma_start3A_115 : memref<32x128xf32, #tpu.memory_space<hbm>>) target(%dma_start3A_113 : memref<32x128xf32, #tpu.memory_space<vmem>>) offsets(%arg6 : memref<32xi32, #tpu.memory_space<vmem>>) semaphore(%arg11 : memref<!tpu.dma_semaphore, #tpu.memory_space<semaphore_mem>>)
      %slice3A_116 = vector.extract_strided_slice %get3A_21 {offsets = [3], sizes = [1], strides = [1]} : vector<16xi32> to vector<1xi32>
      %squeeze3A_117 = vector.extract %slice3A_116[0] : i32 from vector<1xi32>
      %jit3A_118 = arith.constant 128 : i32
      %div3A_119 = arith.divsi %squeeze3A_117, %jit3A_118 : i32
      %sign3A_120 = arith.constant 0 : i32
      %sign3A_121 = arith.cmpi sgt, %squeeze3A_117, %sign3A_120 : i32
      %sign3A_122 = arith.extui %sign3A_121 : i1 to i32
      %sign3A_123 = arith.constant 0 : i32
      %sign3A_124 = arith.cmpi slt, %squeeze3A_117, %sign3A_123 : i32
      %sign3A_125 = arith.extui %sign3A_124 : i1 to i32
      %sign3A_126 = arith.subi %sign3A_122, %sign3A_125 : i32
      %sign3A_127 = arith.constant 0 : i32
      %sign3A_128 = arith.cmpi sgt, %jit3A_118, %sign3A_127 : i32
      %sign3A_129 = arith.extui %sign3A_128 : i1 to i32
      %sign3A_130 = arith.constant 0 : i32
      %sign3A_131 = arith.cmpi slt, %jit3A_118, %sign3A_130 : i32
      %sign3A_132 = arith.extui %sign3A_131 : i1 to i32
      %sign3A_133 = arith.subi %sign3A_129, %sign3A_132 : i32
      %ne3A_134 = arith.cmpi ne, %sign3A_126, %sign3A_133 : i32
      %rem3A_135 = arith.remsi %squeeze3A_117, %jit3A_118 : i32
      %ne3A_136 = arith.constant 0 : i32
      %ne3A_137 = arith.cmpi ne, %rem3A_135, %ne3A_136 : i32
      %and3A_138 = arith.andi %ne3A_134, %ne3A_137 : i1
      %sub3A_139 = arith.constant 1 : i32
      %sub3A_140 = arith.subi %div3A_119, %sub3A_139 : i32
      %select_n3A_141 = arith.select %and3A_138, %sub3A_140, %div3A_119 : i32
      %mul3A_142 = arith.constant 128 : i32
      %mul3A_143 = arith.muli %select_n3A_141, %mul3A_142 : i32
      %dma_start3A_144 = arith.constant 3 : i32
      %dma_start3A_145 = arith.constant 0 : i32
      %dma_start3A_146 = arith.constant 0 : i32
      %dma_start3A_147 = tpu.memref_slice %arg7[%dma_start3A_144, %dma_start3A_145, %dma_start3A_146] : memref<16x32x128xf32, #tpu.memory_space<vmem>> -> memref<1x32x128xf32, #tpu.memory_space<vmem>>
      %dma_start3A_148 = tpu.memref_squeeze %dma_start3A_147 : memref<1x32x128xf32, #tpu.memory_space<vmem>> -> memref<32x128xf32, #tpu.memory_space<vmem>>
      %dma_start3A_149 = arith.constant 0 : i32
      %dma_start3A_150 = tpu.memref_slice %arg3[%dma_start3A_149, %mul3A_143] : memref<32x1000000xf32, #tpu.memory_space<hbm>> -> memref<32x128xf32, #tpu.memory_space<hbm>>
      tpu.enqueue_indirect_dma source(%dma_start3A_150 : memref<32x128xf32, #tpu.memory_space<hbm>>) target(%dma_start3A_148 : memref<32x128xf32, #tpu.memory_space<vmem>>) offsets(%arg6 : memref<32xi32, #tpu.memory_space<vmem>>) semaphore(%arg12 : memref<!tpu.dma_semaphore, #tpu.memory_space<semaphore_mem>>)
      %slice3A_151 = vector.extract_strided_slice %get3A_21 {offsets = [4], sizes = [1], strides = [1]} : vector<16xi32> to vector<1xi32>
      %squeeze3A_152 = vector.extract %slice3A_151[0] : i32 from vector<1xi32>
      %jit3A_153 = arith.constant 128 : i32
      %div3A_154 = arith.divsi %squeeze3A_152, %jit3A_153 : i32
      %sign3A_155 = arith.constant 0 : i32
      %sign3A_156 = arith.cmpi sgt, %squeeze3A_152, %sign3A_155 : i32
      %sign3A_157 = arith.extui %sign3A_156 : i1 to i32
      %sign3A_158 = arith.constant 0 : i32
      %sign3A_159 = arith.cmpi slt, %squeeze3A_152, %sign3A_158 : i32
      %sign3A_160 = arith.extui %sign3A_159 : i1 to i32
      %sign3A_161 = arith.subi %sign3A_157, %sign3A_160 : i32
      %sign3A_162 = arith.constant 0 : i32
      %sign3A_163 = arith.cmpi sgt, %jit3A_153, %sign3A_162 : i32
      %sign3A_164 = arith.extui %sign3A_163 : i1 to i32
      %sign3A_165 = arith.constant 0 : i32
      %sign3A_166 = arith.cmpi slt, %jit3A_153, %sign3A_165 : i32
      %sign3A_167 = arith.extui %sign3A_166 : i1 to i32
      %sign3A_168 = arith.subi %sign3A_164, %sign3A_167 : i32
      %ne3A_169 = arith.cmpi ne, %sign3A_161, %sign3A_168 : i32
      %rem3A_170 = arith.remsi %squeeze3A_152, %jit3A_153 : i32
      %ne3A_171 = arith.constant 0 : i32
      %ne3A_172 = arith.cmpi ne, %rem3A_170, %ne3A_171 : i32
      %and3A_173 = arith.andi %ne3A_169, %ne3A_172 : i1
      %sub3A_174 = arith.constant 1 : i32
      %sub3A_175 = arith.subi %div3A_154, %sub3A_174 : i32
      %select_n3A_176 = arith.select %and3A_173, %sub3A_175, %div3A_154 : i32
      %mul3A_177 = arith.constant 128 : i32
      %mul3A_178 = arith.muli %select_n3A_176, %mul3A_177 : i32
      %dma_start3A_179 = arith.constant 4 : i32
      %dma_start3A_180 = arith.constant 0 : i32
      %dma_start3A_181 = arith.constant 0 : i32
      %dma_start3A_182 = tpu.memref_slice %arg7[%dma_start3A_179, %dma_start3A_180, %dma_start3A_181] : memref<16x32x128xf32, #tpu.memory_space<vmem>> -> memref<1x32x128xf32, #tpu.memory_space<vmem>>
      %dma_start3A_183 = tpu.memref_squeeze %dma_start3A_182 : memref<1x32x128xf32, #tpu.memory_space<vmem>> -> memref<32x128xf32, #tpu.memory_space<vmem>>
      %dma_start3A_184 = arith.constant 0 : i32
      %dma_start3A_185 = tpu.memref_slice %arg3[%dma_start3A_184, %mul3A_178] : memref<32x1000000xf32, #tpu.memory_space<hbm>> -> memref<32x128xf32, #tpu.memory_space<hbm>>
      tpu.enqueue_indirect_dma source(%dma_start3A_185 : memref<32x128xf32, #tpu.memory_space<hbm>>) target(%dma_start3A_183 : memref<32x128xf32, #tpu.memory_space<vmem>>) offsets(%arg6 : memref<32xi32, #tpu.memory_space<vmem>>) semaphore(%arg13 : memref<!tpu.dma_semaphore, #tpu.memory_space<semaphore_mem>>)
      %slice3A_186 = vector.extract_strided_slice %get3A_21 {offsets = [5], sizes = [1], strides = [1]} : vector<16xi32> to vector<1xi32>
      %squeeze3A_187 = vector.extract %slice3A_186[0] : i32 from vector<1xi32>
      %jit3A_188 = arith.constant 128 : i32
      %div3A_189 = arith.divsi %squeeze3A_187, %jit3A_188 : i32
      %sign3A_190 = arith.constant 0 : i32
      %sign3A_191 = arith.cmpi sgt, %squeeze3A_187, %sign3A_190 : i32
      %sign3A_192 = arith.extui %sign3A_191 : i1 to i32
      %sign3A_193 = arith.constant 0 : i32
      %sign3A_194 = arith.cmpi slt, %squeeze3A_187, %sign3A_193 : i32
      %sign3A_195 = arith.extui %sign3A_194 : i1 to i32
      %sign3A_196 = arith.subi %sign3A_192, %sign3A_195 : i32
      %sign3A_197 = arith.constant 0 : i32
      %sign3A_198 = arith.cmpi sgt, %jit3A_188, %sign3A_197 : i32
      %sign3A_199 = arith.extui %sign3A_198 : i1 to i32
      %sign3A_200 = arith.constant 0 : i32
      %sign3A_201 = arith.cmpi slt, %jit3A_188, %sign3A_200 : i32
      %sign3A_202 = arith.extui %sign3A_201 : i1 to i32
      %sign3A_203 = arith.subi %sign3A_199, %sign3A_202 : i32
      %ne3A_204 = arith.cmpi ne, %sign3A_196, %sign3A_203 : i32
      %rem3A_205 = arith.remsi %squeeze3A_187, %jit3A_188 : i32
      %ne3A_206 = arith.constant 0 : i32
      %ne3A_207 = arith.cmpi ne, %rem3A_205, %ne3A_206 : i32
      %and3A_208 = arith.andi %ne3A_204, %ne3A_207 : i1
      %sub3A_209 = arith.constant 1 : i32
      %sub3A_210 = arith.subi %div3A_189, %sub3A_209 : i32
      %select_n3A_211 = arith.select %and3A_208, %sub3A_210, %div3A_189 : i32
      %mul3A_212 = arith.constant 128 : i32
      %mul3A_213 = arith.muli %select_n3A_211, %mul3A_212 : i32
      %dma_start3A_214 = arith.constant 5 : i32
      %dma_start3A_215 = arith.constant 0 : i32
      %dma_start3A_216 = arith.constant 0 : i32
      %dma_start3A_217 = tpu.memref_slice %arg7[%dma_start3A_214, %dma_start3A_215, %dma_start3A_216] : memref<16x32x128xf32, #tpu.memory_space<vmem>> -> memref<1x32x128xf32, #tpu.memory_space<vmem>>
      %dma_start3A_218 = tpu.memref_squeeze %dma_start3A_217 : memref<1x32x128xf32, #tpu.memory_space<vmem>> -> memref<32x128xf32, #tpu.memory_space<vmem>>
      %dma_start3A_219 = arith.constant 0 : i32
      %dma_start3A_220 = tpu.memref_slice %arg3[%dma_start3A_219, %mul3A_213] : memref<32x1000000xf32, #tpu.memory_space<hbm>> -> memref<32x128xf32, #tpu.memory_space<hbm>>
      tpu.enqueue_indirect_dma source(%dma_start3A_220 : memref<32x128xf32, #tpu.memory_space<hbm>>) target(%dma_start3A_218 : memref<32x128xf32, #tpu.memory_space<vmem>>) offsets(%arg6 : memref<32xi32, #tpu.memory_space<vmem>>) semaphore(%arg14 : memref<!tpu.dma_semaphore, #tpu.memory_space<semaphore_mem>>)
      %slice3A_221 = vector.extract_strided_slice %get3A_21 {offsets = [6], sizes = [1], strides = [1]} : vector<16xi32> to vector<1xi32>
      %squeeze3A_222 = vector.extract %slice3A_221[0] : i32 from vector<1xi32>
      %jit3A_223 = arith.constant 128 : i32
      %div3A_224 = arith.divsi %squeeze3A_222, %jit3A_223 : i32
      %sign3A_225 = arith.constant 0 : i32
      %sign3A_226 = arith.cmpi sgt, %squeeze3A_222, %sign3A_225 : i32
      %sign3A_227 = arith.extui %sign3A_226 : i1 to i32
      %sign3A_228 = arith.constant 0 : i32
      %sign3A_229 = arith.cmpi slt, %squeeze3A_222, %sign3A_228 : i32
      %sign3A_230 = arith.extui %sign3A_229 : i1 to i32
      %sign3A_231 = arith.subi %sign3A_227, %sign3A_230 : i32
      %sign3A_232 = arith.constant 0 : i32
      %sign3A_233 = arith.cmpi sgt, %jit3A_223, %sign3A_232 : i32
      %sign3A_234 = arith.extui %sign3A_233 : i1 to i32
      %sign3A_235 = arith.constant 0 : i32
      %sign3A_236 = arith.cmpi slt, %jit3A_223, %sign3A_235 : i32
      %sign3A_237 = arith.extui %sign3A_236 : i1 to i32
      %sign3A_238 = arith.subi %sign3A_234, %sign3A_237 : i32
      %ne3A_239 = arith.cmpi ne, %sign3A_231, %sign3A_238 : i32
      %rem3A_240 = arith.remsi %squeeze3A_222, %jit3A_223 : i32
      %ne3A_241 = arith.constant 0 : i32
      %ne3A_242 = arith.cmpi ne, %rem3A_240, %ne3A_241 : i32
      %and3A_243 = arith.andi %ne3A_239, %ne3A_242 : i1
      %sub3A_244 = arith.constant 1 : i32
      %sub3A_245 = arith.subi %div3A_224, %sub3A_244 : i32
      %select_n3A_246 = arith.select %and3A_243, %sub3A_245, %div3A_224 : i32
      %mul3A_247 = arith.constant 128 : i32
      %mul3A_248 = arith.muli %select_n3A_246, %mul3A_247 : i32
      %dma_start3A_249 = arith.constant 6 : i32
      %dma_start3A_250 = arith.constant 0 : i32
      %dma_start3A_251 = arith.constant 0 : i32
      %dma_start3A_252 = tpu.memref_slice %arg7[%dma_start3A_249, %dma_start3A_250, %dma_start3A_251] : memref<16x32x128xf32, #tpu.memory_space<vmem>> -> memref<1x32x128xf32, #tpu.memory_space<vmem>>
      %dma_start3A_253 = tpu.memref_squeeze %dma_start3A_252 : memref<1x32x128xf32, #tpu.memory_space<vmem>> -> memref<32x128xf32, #tpu.memory_space<vmem>>
      %dma_start3A_254 = arith.constant 0 : i32
      %dma_start3A_255 = tpu.memref_slice %arg3[%dma_start3A_254, %mul3A_248] : memref<32x1000000xf32, #tpu.memory_space<hbm>> -> memref<32x128xf32, #tpu.memory_space<hbm>>
      tpu.enqueue_indirect_dma source(%dma_start3A_255 : memref<32x128xf32, #tpu.memory_space<hbm>>) target(%dma_start3A_253 : memref<32x128xf32, #tpu.memory_space<vmem>>) offsets(%arg6 : memref<32xi32, #tpu.memory_space<vmem>>) semaphore(%arg15 : memref<!tpu.dma_semaphore, #tpu.memory_space<semaphore_mem>>)
      %slice3A_256 = vector.extract_strided_slice %get3A_21 {offsets = [7], sizes = [1], strides = [1]} : vector<16xi32> to vector<1xi32>
      %squeeze3A_257 = vector.extract %slice3A_256[0] : i32 from vector<1xi32>
      %jit3A_258 = arith.constant 128 : i32
      %div3A_259 = arith.divsi %squeeze3A_257, %jit3A_258 : i32
      %sign3A_260 = arith.constant 0 : i32
      %sign3A_261 = arith.cmpi sgt, %squeeze3A_257, %sign3A_260 : i32
      %sign3A_262 = arith.extui %sign3A_261 : i1 to i32
      %sign3A_263 = arith.constant 0 : i32
      %sign3A_264 = arith.cmpi slt, %squeeze3A_257, %sign3A_263 : i32
      %sign3A_265 = arith.extui %sign3A_264 : i1 to i32
      %sign3A_266 = arith.subi %sign3A_262, %sign3A_265 : i32
      %sign3A_267 = arith.constant 0 : i32
      %sign3A_268 = arith.cmpi sgt, %jit3A_258, %sign3A_267 : i32
      %sign3A_269 = arith.extui %sign3A_268 : i1 to i32
      %sign3A_270 = arith.constant 0 : i32
      %sign3A_271 = arith.cmpi slt, %jit3A_258, %sign3A_270 : i32
      %sign3A_272 = arith.extui %sign3A_271 : i1 to i32
      %sign3A_273 = arith.subi %sign3A_269, %sign3A_272 : i32
      %ne3A_274 = arith.cmpi ne, %sign3A_266, %sign3A_273 : i32
      %rem3A_275 = arith.remsi %squeeze3A_257, %jit3A_258 : i32
      %ne3A_276 = arith.constant 0 : i32
      %ne3A_277 = arith.cmpi ne, %rem3A_275, %ne3A_276 : i32
      %and3A_278 = arith.andi %ne3A_274, %ne3A_277 : i1
      %sub3A_279 = arith.constant 1 : i32
      %sub3A_280 = arith.subi %div3A_259, %sub3A_279 : i32
      %select_n3A_281 = arith.select %and3A_278, %sub3A_280, %div3A_259 : i32
      %mul3A_282 = arith.constant 128 : i32
      %mul3A_283 = arith.muli %select_n3A_281, %mul3A_282 : i32
      %dma_start3A_284 = arith.constant 7 : i32
      %dma_start3A_285 = arith.constant 0 : i32
      %dma_start3A_286 = arith.constant 0 : i32
      %dma_start3A_287 = tpu.memref_slice %arg7[%dma_start3A_284, %dma_start3A_285, %dma_start3A_286] : memref<16x32x128xf32, #tpu.memory_space<vmem>> -> memref<1x32x128xf32, #tpu.memory_space<vmem>>
      %dma_start3A_288 = tpu.memref_squeeze %dma_start3A_287 : memref<1x32x128xf32, #tpu.memory_space<vmem>> -> memref<32x128xf32, #tpu.memory_space<vmem>>
      %dma_start3A_289 = arith.constant 0 : i32
      %dma_start3A_290 = tpu.memref_slice %arg3[%dma_start3A_289, %mul3A_283] : memref<32x1000000xf32, #tpu.memory_space<hbm>> -> memref<32x128xf32, #tpu.memory_space<hbm>>
      tpu.enqueue_indirect_dma source(%dma_start3A_290 : memref<32x128xf32, #tpu.memory_space<hbm>>) target(%dma_start3A_288 : memref<32x128xf32, #tpu.memory_space<vmem>>) offsets(%arg6 : memref<32xi32, #tpu.memory_space<vmem>>) semaphore(%arg16 : memref<!tpu.dma_semaphore, #tpu.memory_space<semaphore_mem>>)
      %slice3A_291 = vector.extract_strided_slice %get3A_21 {offsets = [8], sizes = [1], strides = [1]} : vector<16xi32> to vector<1xi32>
      %squeeze3A_292 = vector.extract %slice3A_291[0] : i32 from vector<1xi32>
      %jit3A_293 = arith.constant 128 : i32
      %div3A_294 = arith.divsi %squeeze3A_292, %jit3A_293 : i32
      %sign3A_295 = arith.constant 0 : i32
      %sign3A_296 = arith.cmpi sgt, %squeeze3A_292, %sign3A_295 : i32
      %sign3A_297 = arith.extui %sign3A_296 : i1 to i32
      %sign3A_298 = arith.constant 0 : i32
      %sign3A_299 = arith.cmpi slt, %squeeze3A_292, %sign3A_298 : i32
      %sign3A_300 = arith.extui %sign3A_299 : i1 to i32
      %sign3A_301 = arith.subi %sign3A_297, %sign3A_300 : i32
      %sign3A_302 = arith.constant 0 : i32
      %sign3A_303 = arith.cmpi sgt, %jit3A_293, %sign3A_302 : i32
      %sign3A_304 = arith.extui %sign3A_303 : i1 to i32
      %sign3A_305 = arith.constant 0 : i32
      %sign3A_306 = arith.cmpi slt, %jit3A_293, %sign3A_305 : i32
      %sign3A_307 = arith.extui %sign3A_306 : i1 to i32
      %sign3A_308 = arith.subi %sign3A_304, %sign3A_307 : i32
      %ne3A_309 = arith.cmpi ne, %sign3A_301, %sign3A_308 : i32
      %rem3A_310 = arith.remsi %squeeze3A_292, %jit3A_293 : i32
      %ne3A_311 = arith.constant 0 : i32
      %ne3A_312 = arith.cmpi ne, %rem3A_310, %ne3A_311 : i32
      %and3A_313 = arith.andi %ne3A_309, %ne3A_312 : i1
      %sub3A_314 = arith.constant 1 : i32
      %sub3A_315 = arith.subi %div3A_294, %sub3A_314 : i32
      %select_n3A_316 = arith.select %and3A_313, %sub3A_315, %div3A_294 : i32
      %mul3A_317 = arith.constant 128 : i32
      %mul3A_318 = arith.muli %select_n3A_316, %mul3A_317 : i32
      %dma_start3A_319 = arith.constant 8 : i32
      %dma_start3A_320 = arith.constant 0 : i32
      %dma_start3A_321 = arith.constant 0 : i32
      %dma_start3A_322 = tpu.memref_slice %arg7[%dma_start3A_319, %dma_start3A_320, %dma_start3A_321] : memref<16x32x128xf32, #tpu.memory_space<vmem>> -> memref<1x32x128xf32, #tpu.memory_space<vmem>>
      %dma_start3A_323 = tpu.memref_squeeze %dma_start3A_322 : memref<1x32x128xf32, #tpu.memory_space<vmem>> -> memref<32x128xf32, #tpu.memory_space<vmem>>
      %dma_start3A_324 = arith.constant 0 : i32
      %dma_start3A_325 = tpu.memref_slice %arg3[%dma_start3A_324, %mul3A_318] : memref<32x1000000xf32, #tpu.memory_space<hbm>> -> memref<32x128xf32, #tpu.memory_space<hbm>>
      tpu.enqueue_indirect_dma source(%dma_start3A_325 : memref<32x128xf32, #tpu.memory_space<hbm>>) target(%dma_start3A_323 : memref<32x128xf32, #tpu.memory_space<vmem>>) offsets(%arg6 : memref<32xi32, #tpu.memory_space<vmem>>) semaphore(%arg17 : memref<!tpu.dma_semaphore, #tpu.memory_space<semaphore_mem>>)
      %slice3A_326 = vector.extract_strided_slice %get3A_21 {offsets = [9], sizes = [1], strides = [1]} : vector<16xi32> to vector<1xi32>
      %squeeze3A_327 = vector.extract %slice3A_326[0] : i32 from vector<1xi32>
      %jit3A_328 = arith.constant 128 : i32
      %div3A_329 = arith.divsi %squeeze3A_327, %jit3A_328 : i32
      %sign3A_330 = arith.constant 0 : i32
      %sign3A_331 = arith.cmpi sgt, %squeeze3A_327, %sign3A_330 : i32
      %sign3A_332 = arith.extui %sign3A_331 : i1 to i32
      %sign3A_333 = arith.constant 0 : i32
      %sign3A_334 = arith.cmpi slt, %squeeze3A_327, %sign3A_333 : i32
      %sign3A_335 = arith.extui %sign3A_334 : i1 to i32
      %sign3A_336 = arith.subi %sign3A_332, %sign3A_335 : i32
      %sign3A_337 = arith.constant 0 : i32
      %sign3A_338 = arith.cmpi sgt, %jit3A_328, %sign3A_337 : i32
      %sign3A_339 = arith.extui %sign3A_338 : i1 to i32
      %sign3A_340 = arith.constant 0 : i32
      %sign3A_341 = arith.cmpi slt, %jit3A_328, %sign3A_340 : i32
      %sign3A_342 = arith.extui %sign3A_341 : i1 to i32
      %sign3A_343 = arith.subi %sign3A_339, %sign3A_342 : i32
      %ne3A_344 = arith.cmpi ne, %sign3A_336, %sign3A_343 : i32
      %rem3A_345 = arith.remsi %squeeze3A_327, %jit3A_328 : i32
      %ne3A_346 = arith.constant 0 : i32
      %ne3A_347 = arith.cmpi ne, %rem3A_345, %ne3A_346 : i32
      %and3A_348 = arith.andi %ne3A_344, %ne3A_347 : i1
      %sub3A_349 = arith.constant 1 : i32
      %sub3A_350 = arith.subi %div3A_329, %sub3A_349 : i32
      %select_n3A_351 = arith.select %and3A_348, %sub3A_350, %div3A_329 : i32
      %mul3A_352 = arith.constant 128 : i32
      %mul3A_353 = arith.muli %select_n3A_351, %mul3A_352 : i32
      %dma_start3A_354 = arith.constant 9 : i32
      %dma_start3A_355 = arith.constant 0 : i32
      %dma_start3A_356 = arith.constant 0 : i32
      %dma_start3A_357 = tpu.memref_slice %arg7[%dma_start3A_354, %dma_start3A_355, %dma_start3A_356] : memref<16x32x128xf32, #tpu.memory_space<vmem>> -> memref<1x32x128xf32, #tpu.memory_space<vmem>>
      %dma_start3A_358 = tpu.memref_squeeze %dma_start3A_357 : memref<1x32x128xf32, #tpu.memory_space<vmem>> -> memref<32x128xf32, #tpu.memory_space<vmem>>
      %dma_start3A_359 = arith.constant 0 : i32
      %dma_start3A_360 = tpu.memref_slice %arg3[%dma_start3A_359, %mul3A_353] : memref<32x1000000xf32, #tpu.memory_space<hbm>> -> memref<32x128xf32, #tpu.memory_space<hbm>>
      tpu.enqueue_indirect_dma source(%dma_start3A_360 : memref<32x128xf32, #tpu.memory_space<hbm>>) target(%dma_start3A_358 : memref<32x128xf32, #tpu.memory_space<vmem>>) offsets(%arg6 : memref<32xi32, #tpu.memory_space<vmem>>) semaphore(%arg18 : memref<!tpu.dma_semaphore, #tpu.memory_space<semaphore_mem>>)
      %slice3A_361 = vector.extract_strided_slice %get3A_21 {offsets = [10], sizes = [1], strides = [1]} : vector<16xi32> to vector<1xi32>
      %squeeze3A_362 = vector.extract %slice3A_361[0] : i32 from vector<1xi32>
      %jit3A_363 = arith.constant 128 : i32
      %div3A_364 = arith.divsi %squeeze3A_362, %jit3A_363 : i32
      %sign3A_365 = arith.constant 0 : i32
      %sign3A_366 = arith.cmpi sgt, %squeeze3A_362, %sign3A_365 : i32
      %sign3A_367 = arith.extui %sign3A_366 : i1 to i32
      %sign3A_368 = arith.constant 0 : i32
      %sign3A_369 = arith.cmpi slt, %squeeze3A_362, %sign3A_368 : i32
      %sign3A_370 = arith.extui %sign3A_369 : i1 to i32
      %sign3A_371 = arith.subi %sign3A_367, %sign3A_370 : i32
      %sign3A_372 = arith.constant 0 : i32
      %sign3A_373 = arith.cmpi sgt, %jit3A_363, %sign3A_372 : i32
      %sign3A_374 = arith.extui %sign3A_373 : i1 to i32
      %sign3A_375 = arith.constant 0 : i32
      %sign3A_376 = arith.cmpi slt, %jit3A_363, %sign3A_375 : i32
      %sign3A_377 = arith.extui %sign3A_376 : i1 to i32
      %sign3A_378 = arith.subi %sign3A_374, %sign3A_377 : i32
      %ne3A_379 = arith.cmpi ne, %sign3A_371, %sign3A_378 : i32
      %rem3A_380 = arith.remsi %squeeze3A_362, %jit3A_363 : i32
      %ne3A_381 = arith.constant 0 : i32
      %ne3A_382 = arith.cmpi ne, %rem3A_380, %ne3A_381 : i32
      %and3A_383 = arith.andi %ne3A_379, %ne3A_382 : i1
      %sub3A_384 = arith.constant 1 : i32
      %sub3A_385 = arith.subi %div3A_364, %sub3A_384 : i32
      %select_n3A_386 = arith.select %and3A_383, %sub3A_385, %div3A_364 : i32
      %mul3A_387 = arith.constant 128 : i32
      %mul3A_388 = arith.muli %select_n3A_386, %mul3A_387 : i32
      %dma_start3A_389 = arith.constant 10 : i32
      %dma_start3A_390 = arith.constant 0 : i32
      %dma_start3A_391 = arith.constant 0 : i32
      %dma_start3A_392 = tpu.memref_slice %arg7[%dma_start3A_389, %dma_start3A_390, %dma_start3A_391] : memref<16x32x128xf32, #tpu.memory_space<vmem>> -> memref<1x32x128xf32, #tpu.memory_space<vmem>>
      %dma_start3A_393 = tpu.memref_squeeze %dma_start3A_392 : memref<1x32x128xf32, #tpu.memory_space<vmem>> -> memref<32x128xf32, #tpu.memory_space<vmem>>
      %dma_start3A_394 = arith.constant 0 : i32
      %dma_start3A_395 = tpu.memref_slice %arg3[%dma_start3A_394, %mul3A_388] : memref<32x1000000xf32, #tpu.memory_space<hbm>> -> memref<32x128xf32, #tpu.memory_space<hbm>>
      tpu.enqueue_indirect_dma source(%dma_start3A_395 : memref<32x128xf32, #tpu.memory_space<hbm>>) target(%dma_start3A_393 : memref<32x128xf32, #tpu.memory_space<vmem>>) offsets(%arg6 : memref<32xi32, #tpu.memory_space<vmem>>) semaphore(%arg19 : memref<!tpu.dma_semaphore, #tpu.memory_space<semaphore_mem>>)
      %slice3A_396 = vector.extract_strided_slice %get3A_21 {offsets = [11], sizes = [1], strides = [1]} : vector<16xi32> to vector<1xi32>
      %squeeze3A_397 = vector.extract %slice3A_396[0] : i32 from vector<1xi32>
      %jit3A_398 = arith.constant 128 : i32
      %div3A_399 = arith.divsi %squeeze3A_397, %jit3A_398 : i32
      %sign3A_400 = arith.constant 0 : i32
      %sign3A_401 = arith.cmpi sgt, %squeeze3A_397, %sign3A_400 : i32
      %sign3A_402 = arith.extui %sign3A_401 : i1 to i32
      %sign3A_403 = arith.constant 0 : i32
      %sign3A_404 = arith.cmpi slt, %squeeze3A_397, %sign3A_403 : i32
      %sign3A_405 = arith.extui %sign3A_404 : i1 to i32
      %sign3A_406 = arith.subi %sign3A_402, %sign3A_405 : i32
      %sign3A_407 = arith.constant 0 : i32
      %sign3A_408 = arith.cmpi sgt, %jit3A_398, %sign3A_407 : i32
      %sign3A_409 = arith.extui %sign3A_408 : i1 to i32
      %sign3A_410 = arith.constant 0 : i32
      %sign3A_411 = arith.cmpi slt, %jit3A_398, %sign3A_410 : i32
      %sign3A_412 = arith.extui %sign3A_411 : i1 to i32
      %sign3A_413 = arith.subi %sign3A_409, %sign3A_412 : i32
      %ne3A_414 = arith.cmpi ne, %sign3A_406, %sign3A_413 : i32
      %rem3A_415 = arith.remsi %squeeze3A_397, %jit3A_398 : i32
      %ne3A_416 = arith.constant 0 : i32
      %ne3A_417 = arith.cmpi ne, %rem3A_415, %ne3A_416 : i32
      %and3A_418 = arith.andi %ne3A_414, %ne3A_417 : i1
      %sub3A_419 = arith.constant 1 : i32
      %sub3A_420 = arith.subi %div3A_399, %sub3A_419 : i32
      %select_n3A_421 = arith.select %and3A_418, %sub3A_420, %div3A_399 : i32
      %mul3A_422 = arith.constant 128 : i32
      %mul3A_423 = arith.muli %select_n3A_421, %mul3A_422 : i32
      %dma_start3A_424 = arith.constant 11 : i32
      %dma_start3A_425 = arith.constant 0 : i32
      %dma_start3A_426 = arith.constant 0 : i32
      %dma_start3A_427 = tpu.memref_slice %arg7[%dma_start3A_424, %dma_start3A_425, %dma_start3A_426] : memref<16x32x128xf32, #tpu.memory_space<vmem>> -> memref<1x32x128xf32, #tpu.memory_space<vmem>>
      %dma_start3A_428 = tpu.memref_squeeze %dma_start3A_427 : memref<1x32x128xf32, #tpu.memory_space<vmem>> -> memref<32x128xf32, #tpu.memory_space<vmem>>
      %dma_start3A_429 = arith.constant 0 : i32
      %dma_start3A_430 = tpu.memref_slice %arg3[%dma_start3A_429, %mul3A_423] : memref<32x1000000xf32, #tpu.memory_space<hbm>> -> memref<32x128xf32, #tpu.memory_space<hbm>>
      tpu.enqueue_indirect_dma source(%dma_start3A_430 : memref<32x128xf32, #tpu.memory_space<hbm>>) target(%dma_start3A_428 : memref<32x128xf32, #tpu.memory_space<vmem>>) offsets(%arg6 : memref<32xi32, #tpu.memory_space<vmem>>) semaphore(%arg20 : memref<!tpu.dma_semaphore, #tpu.memory_space<semaphore_mem>>)
      %slice3A_431 = vector.extract_strided_slice %get3A_21 {offsets = [12], sizes = [1], strides = [1]} : vector<16xi32> to vector<1xi32>
      %squeeze3A_432 = vector.extract %slice3A_431[0] : i32 from vector<1xi32>
      %jit3A_433 = arith.constant 128 : i32
      %div3A_434 = arith.divsi %squeeze3A_432, %jit3A_433 : i32
      %sign3A_435 = arith.constant 0 : i32
      %sign3A_436 = arith.cmpi sgt, %squeeze3A_432, %sign3A_435 : i32
      %sign3A_437 = arith.extui %sign3A_436 : i1 to i32
      %sign3A_438 = arith.constant 0 : i32
      %sign3A_439 = arith.cmpi slt, %squeeze3A_432, %sign3A_438 : i32
      %sign3A_440 = arith.extui %sign3A_439 : i1 to i32
      %sign3A_441 = arith.subi %sign3A_437, %sign3A_440 : i32
      %sign3A_442 = arith.constant 0 : i32
      %sign3A_443 = arith.cmpi sgt, %jit3A_433, %sign3A_442 : i32
      %sign3A_444 = arith.extui %sign3A_443 : i1 to i32
      %sign3A_445 = arith.constant 0 : i32
      %sign3A_446 = arith.cmpi slt, %jit3A_433, %sign3A_445 : i32
      %sign3A_447 = arith.extui %sign3A_446 : i1 to i32
      %sign3A_448 = arith.subi %sign3A_444, %sign3A_447 : i32
      %ne3A_449 = arith.cmpi ne, %sign3A_441, %sign3A_448 : i32
      %rem3A_450 = arith.remsi %squeeze3A_432, %jit3A_433 : i32
      %ne3A_451 = arith.constant 0 : i32
      %ne3A_452 = arith.cmpi ne, %rem3A_450, %ne3A_451 : i32
      %and3A_453 = arith.andi %ne3A_449, %ne3A_452 : i1
      %sub3A_454 = arith.constant 1 : i32
      %sub3A_455 = arith.subi %div3A_434, %sub3A_454 : i32
      %select_n3A_456 = arith.select %and3A_453, %sub3A_455, %div3A_434 : i32
      %mul3A_457 = arith.constant 128 : i32
      %mul3A_458 = arith.muli %select_n3A_456, %mul3A_457 : i32
      %dma_start3A_459 = arith.constant 12 : i32
      %dma_start3A_460 = arith.constant 0 : i32
      %dma_start3A_461 = arith.constant 0 : i32
      %dma_start3A_462 = tpu.memref_slice %arg7[%dma_start3A_459, %dma_start3A_460, %dma_start3A_461] : memref<16x32x128xf32, #tpu.memory_space<vmem>> -> memref<1x32x128xf32, #tpu.memory_space<vmem>>
      %dma_start3A_463 = tpu.memref_squeeze %dma_start3A_462 : memref<1x32x128xf32, #tpu.memory_space<vmem>> -> memref<32x128xf32, #tpu.memory_space<vmem>>
      %dma_start3A_464 = arith.constant 0 : i32
      %dma_start3A_465 = tpu.memref_slice %arg3[%dma_start3A_464, %mul3A_458] : memref<32x1000000xf32, #tpu.memory_space<hbm>> -> memref<32x128xf32, #tpu.memory_space<hbm>>
      tpu.enqueue_indirect_dma source(%dma_start3A_465 : memref<32x128xf32, #tpu.memory_space<hbm>>) target(%dma_start3A_463 : memref<32x128xf32, #tpu.memory_space<vmem>>) offsets(%arg6 : memref<32xi32, #tpu.memory_space<vmem>>) semaphore(%arg21 : memref<!tpu.dma_semaphore, #tpu.memory_space<semaphore_mem>>)
      %slice3A_466 = vector.extract_strided_slice %get3A_21 {offsets = [13], sizes = [1], strides = [1]} : vector<16xi32> to vector<1xi32>
      %squeeze3A_467 = vector.extract %slice3A_466[0] : i32 from vector<1xi32>
      %jit3A_468 = arith.constant 128 : i32
      %div3A_469 = arith.divsi %squeeze3A_467, %jit3A_468 : i32
      %sign3A_470 = arith.constant 0 : i32
      %sign3A_471 = arith.cmpi sgt, %squeeze3A_467, %sign3A_470 : i32
      %sign3A_472 = arith.extui %sign3A_471 : i1 to i32
      %sign3A_473 = arith.constant 0 : i32
      %sign3A_474 = arith.cmpi slt, %squeeze3A_467, %sign3A_473 : i32
      %sign3A_475 = arith.extui %sign3A_474 : i1 to i32
      %sign3A_476 = arith.subi %sign3A_472, %sign3A_475 : i32
      %sign3A_477 = arith.constant 0 : i32
      %sign3A_478 = arith.cmpi sgt, %jit3A_468, %sign3A_477 : i32
      %sign3A_479 = arith.extui %sign3A_478 : i1 to i32
      %sign3A_480 = arith.constant 0 : i32
      %sign3A_481 = arith.cmpi slt, %jit3A_468, %sign3A_480 : i32
      %sign3A_482 = arith.extui %sign3A_481 : i1 to i32
      %sign3A_483 = arith.subi %sign3A_479, %sign3A_482 : i32
      %ne3A_484 = arith.cmpi ne, %sign3A_476, %sign3A_483 : i32
      %rem3A_485 = arith.remsi %squeeze3A_467, %jit3A_468 : i32
      %ne3A_486 = arith.constant 0 : i32
      %ne3A_487 = arith.cmpi ne, %rem3A_485, %ne3A_486 : i32
      %and3A_488 = arith.andi %ne3A_484, %ne3A_487 : i1
      %sub3A_489 = arith.constant 1 : i32
      %sub3A_490 = arith.subi %div3A_469, %sub3A_489 : i32
      %select_n3A_491 = arith.select %and3A_488, %sub3A_490, %div3A_469 : i32
      %mul3A_492 = arith.constant 128 : i32
      %mul3A_493 = arith.muli %select_n3A_491, %mul3A_492 : i32
      %dma_start3A_494 = arith.constant 13 : i32
      %dma_start3A_495 = arith.constant 0 : i32
      %dma_start3A_496 = arith.constant 0 : i32
      %dma_start3A_497 = tpu.memref_slice %arg7[%dma_start3A_494, %dma_start3A_495, %dma_start3A_496] : memref<16x32x128xf32, #tpu.memory_space<vmem>> -> memref<1x32x128xf32, #tpu.memory_space<vmem>>
      %dma_start3A_498 = tpu.memref_squeeze %dma_start3A_497 : memref<1x32x128xf32, #tpu.memory_space<vmem>> -> memref<32x128xf32, #tpu.memory_space<vmem>>
      %dma_start3A_499 = arith.constant 0 : i32
      %dma_start3A_500 = tpu.memref_slice %arg3[%dma_start3A_499, %mul3A_493] : memref<32x1000000xf32, #tpu.memory_space<hbm>> -> memref<32x128xf32, #tpu.memory_space<hbm>>
      tpu.enqueue_indirect_dma source(%dma_start3A_500 : memref<32x128xf32, #tpu.memory_space<hbm>>) target(%dma_start3A_498 : memref<32x128xf32, #tpu.memory_space<vmem>>) offsets(%arg6 : memref<32xi32, #tpu.memory_space<vmem>>) semaphore(%arg22 : memref<!tpu.dma_semaphore, #tpu.memory_space<semaphore_mem>>)
      %slice3A_501 = vector.extract_strided_slice %get3A_21 {offsets = [14], sizes = [1], strides = [1]} : vector<16xi32> to vector<1xi32>
      %squeeze3A_502 = vector.extract %slice3A_501[0] : i32 from vector<1xi32>
      %jit3A_503 = arith.constant 128 : i32
      %div3A_504 = arith.divsi %squeeze3A_502, %jit3A_503 : i32
      %sign3A_505 = arith.constant 0 : i32
      %sign3A_506 = arith.cmpi sgt, %squeeze3A_502, %sign3A_505 : i32
      %sign3A_507 = arith.extui %sign3A_506 : i1 to i32
      %sign3A_508 = arith.constant 0 : i32
      %sign3A_509 = arith.cmpi slt, %squeeze3A_502, %sign3A_508 : i32
      %sign3A_510 = arith.extui %sign3A_509 : i1 to i32
      %sign3A_511 = arith.subi %sign3A_507, %sign3A_510 : i32
      %sign3A_512 = arith.constant 0 : i32
      %sign3A_513 = arith.cmpi sgt, %jit3A_503, %sign3A_512 : i32
      %sign3A_514 = arith.extui %sign3A_513 : i1 to i32
      %sign3A_515 = arith.constant 0 : i32
      %sign3A_516 = arith.cmpi slt, %jit3A_503, %sign3A_515 : i32
      %sign3A_517 = arith.extui %sign3A_516 : i1 to i32
      %sign3A_518 = arith.subi %sign3A_514, %sign3A_517 : i32
      %ne3A_519 = arith.cmpi ne, %sign3A_511, %sign3A_518 : i32
      %rem3A_520 = arith.remsi %squeeze3A_502, %jit3A_503 : i32
      %ne3A_521 = arith.constant 0 : i32
      %ne3A_522 = arith.cmpi ne, %rem3A_520, %ne3A_521 : i32
      %and3A_523 = arith.andi %ne3A_519, %ne3A_522 : i1
      %sub3A_524 = arith.constant 1 : i32
      %sub3A_525 = arith.subi %div3A_504, %sub3A_524 : i32
      %select_n3A_526 = arith.select %and3A_523, %sub3A_525, %div3A_504 : i32
      %mul3A_527 = arith.constant 128 : i32
      %mul3A_528 = arith.muli %select_n3A_526, %mul3A_527 : i32
      %dma_start3A_529 = arith.constant 14 : i32
      %dma_start3A_530 = arith.constant 0 : i32
      %dma_start3A_531 = arith.constant 0 : i32
      %dma_start3A_532 = tpu.memref_slice %arg7[%dma_start3A_529, %dma_start3A_530, %dma_start3A_531] : memref<16x32x128xf32, #tpu.memory_space<vmem>> -> memref<1x32x128xf32, #tpu.memory_space<vmem>>
      %dma_start3A_533 = tpu.memref_squeeze %dma_start3A_532 : memref<1x32x128xf32, #tpu.memory_space<vmem>> -> memref<32x128xf32, #tpu.memory_space<vmem>>
      %dma_start3A_534 = arith.constant 0 : i32
      %dma_start3A_535 = tpu.memref_slice %arg3[%dma_start3A_534, %mul3A_528] : memref<32x1000000xf32, #tpu.memory_space<hbm>> -> memref<32x128xf32, #tpu.memory_space<hbm>>
      tpu.enqueue_indirect_dma source(%dma_start3A_535 : memref<32x128xf32, #tpu.memory_space<hbm>>) target(%dma_start3A_533 : memref<32x128xf32, #tpu.memory_space<vmem>>) offsets(%arg6 : memref<32xi32, #tpu.memory_space<vmem>>) semaphore(%arg23 : memref<!tpu.dma_semaphore, #tpu.memory_space<semaphore_mem>>)
      %slice3A_536 = vector.extract_strided_slice %get3A_21 {offsets = [15], sizes = [1], strides = [1]} : vector<16xi32> to vector<1xi32>
      %squeeze3A_537 = vector.extract %slice3A_536[0] : i32 from vector<1xi32>
      %jit3A_538 = arith.constant 128 : i32
      %div3A_539 = arith.divsi %squeeze3A_537, %jit3A_538 : i32
      %sign3A_540 = arith.constant 0 : i32
      %sign3A_541 = arith.cmpi sgt, %squeeze3A_537, %sign3A_540 : i32
      %sign3A_542 = arith.extui %sign3A_541 : i1 to i32
      %sign3A_543 = arith.constant 0 : i32
      %sign3A_544 = arith.cmpi slt, %squeeze3A_537, %sign3A_543 : i32
      %sign3A_545 = arith.extui %sign3A_544 : i1 to i32
      %sign3A_546 = arith.subi %sign3A_542, %sign3A_545 : i32
      %sign3A_547 = arith.constant 0 : i32
      %sign3A_548 = arith.cmpi sgt, %jit3A_538, %sign3A_547 : i32
      %sign3A_549 = arith.extui %sign3A_548 : i1 to i32
      %sign3A_550 = arith.constant 0 : i32
      %sign3A_551 = arith.cmpi slt, %jit3A_538, %sign3A_550 : i32
      %sign3A_552 = arith.extui %sign3A_551 : i1 to i32
      %sign3A_553 = arith.subi %sign3A_549, %sign3A_552 : i32
      %ne3A_554 = arith.cmpi ne, %sign3A_546, %sign3A_553 : i32
      %rem3A_555 = arith.remsi %squeeze3A_537, %jit3A_538 : i32
      %ne3A_556 = arith.constant 0 : i32
      %ne3A_557 = arith.cmpi ne, %rem3A_555, %ne3A_556 : i32
      %and3A_558 = arith.andi %ne3A_554, %ne3A_557 : i1
      %sub3A_559 = arith.constant 1 : i32
      %sub3A_560 = arith.subi %div3A_539, %sub3A_559 : i32
      %select_n3A_561 = arith.select %and3A_558, %sub3A_560, %div3A_539 : i32
      %mul3A_562 = arith.constant 128 : i32
      %mul3A_563 = arith.muli %select_n3A_561, %mul3A_562 : i32
      %dma_start3A_564 = arith.constant 15 : i32
      %dma_start3A_565 = arith.constant 0 : i32
      %dma_start3A_566 = arith.constant 0 : i32
      %dma_start3A_567 = tpu.memref_slice %arg7[%dma_start3A_564, %dma_start3A_565, %dma_start3A_566] : memref<16x32x128xf32, #tpu.memory_space<vmem>> -> memref<1x32x128xf32, #tpu.memory_space<vmem>>
      %dma_start3A_568 = tpu.memref_squeeze %dma_start3A_567 : memref<1x32x128xf32, #tpu.memory_space<vmem>> -> memref<32x128xf32, #tpu.memory_space<vmem>>
      %dma_start3A_569 = arith.constant 0 : i32
      %dma_start3A_570 = tpu.memref_slice %arg3[%dma_start3A_569, %mul3A_563] : memref<32x1000000xf32, #tpu.memory_space<hbm>> -> memref<32x128xf32, #tpu.memory_space<hbm>>
      tpu.enqueue_indirect_dma source(%dma_start3A_570 : memref<32x128xf32, #tpu.memory_space<hbm>>) target(%dma_start3A_568 : memref<32x128xf32, #tpu.memory_space<vmem>>) offsets(%arg6 : memref<32xi32, #tpu.memory_space<vmem>>) semaphore(%arg24 : memref<!tpu.dma_semaphore, #tpu.memory_space<semaphore_mem>>)
      %jit3A_571 = arith.constant 128 : i32
      %eq3A = arith.constant 0 : i32
      %eq3A_572 = arith.cmpi eq, %jit3A_571, %eq3A : i32
      %jit3A_573 = arith.constant 1 : i32
      %select_n3A_574 = arith.select %eq3A_572, %jit3A_573, %jit3A_571 : i32
      %rem3A_575 = vector.broadcast %select_n3A_574 : i32 to vector<16xi32>
      %rem3A_576 = arith.remsi %get3A_21, %rem3A_575 : vector<16xi32>
      %ne3A_577 = arith.constant 0 : i32
      %ne3A_578 = vector.broadcast %ne3A_577 : i32 to vector<16xi32>
      %ne3A_579 = arith.cmpi ne, %rem3A_576, %ne3A_578 : vector<16xi32>
      %lt3A = arith.constant 0 : i32
      %lt3A_580 = vector.broadcast %lt3A : i32 to vector<16xi32>
      %lt3A_581 = arith.cmpi slt, %rem3A_576, %lt3A_580 : vector<16xi32>
      %lt3A_582 = arith.constant 0 : i32
      %lt3A_583 = arith.cmpi slt, %select_n3A_574, %lt3A_582 : i32
      %ne3A_584 = vector.broadcast %lt3A_583 : i1 to vector<16xi1>
      %ne3A_585 = vector.broadcast %ne3A_584 : vector<16xi1> to vector<16xi1>
      %ne3A_586 = arith.xori %lt3A_581, %ne3A_585 : vector<16xi1>
      %and3A_587 = arith.andi %ne3A_586, %ne3A_579 : vector<16xi1>
      %add3A_588 = vector.broadcast %select_n3A_574 : i32 to vector<16xi32>
      %add3A_589 = arith.addi %rem3A_576, %add3A_588 : vector<16xi32>
      %select_n3A_590 = arith.select %and3A_587, %add3A_589, %rem3A_576 : vector<16xi1>, vector<16xi32>
      %dma_wait3A = arith.constant 0 : i32
      %dma_wait3A_591 = arith.constant 0 : i32
      %dma_wait3A_592 = arith.constant 0 : i32
      %dma_wait3A_593 = tpu.memref_slice %arg7[%dma_wait3A, %dma_wait3A_591, %dma_wait3A_592] : memref<16x32x128xf32, #tpu.memory_space<vmem>> -> memref<1x32x128xf32, #tpu.memory_space<vmem>>
      %dma_wait3A_594 = tpu.memref_squeeze %dma_wait3A_593 : memref<1x32x128xf32, #tpu.memory_space<vmem>> -> memref<32x128xf32, #tpu.memory_space<vmem>>
      %dma_wait3A_595 = arith.constant 0 : i32
      %dma_wait3A_596 = tpu.memref_slice %arg3[%dma_wait3A_595, %mul3A_39] : memref<32x1000000xf32, #tpu.memory_space<hbm>> -> memref<32x128xf32, #tpu.memory_space<hbm>>
      tpu.wait_indirect_dma semaphore(%arg9 : memref<!tpu.dma_semaphore, #tpu.memory_space<semaphore_mem>>) src(%dma_wait3A_596 : memref<32x128xf32, #tpu.memory_space<hbm>>) dst(%dma_wait3A_594 : memref<32x128xf32, #tpu.memory_space<vmem>>)
      %add3A_597 = arith.constant 0 : i32
      %add3A_598 = vector.broadcast %add3A_597 : i32 to vector<16xi32>
      %add3A_599 = arith.addi %iota3A, %add3A_598 : vector<16xi32>
      %slice3A_600 = vector.extract_strided_slice %select_n3A_590 {offsets = [0], sizes = [1], strides = [1]} : vector<16xi32> to vector<1xi32>
      %squeeze3A_601 = vector.extract %slice3A_600[0] : i32 from vector<1xi32>
      %broadcast_in_dim3A = vector.broadcast %squeeze3A_601 : i32 to vector<16xi32>
      %gather3A = arith.constant 0 : i32
      %gather3A_602 = arith.constant 0 : i32
      %gather3A_603 = arith.constant 0 : i32
      %gather3A_604 = tpu.memref_slice %arg7[%gather3A, %gather3A_602, %gather3A_603] : memref<16x32x128xf32, #tpu.memory_space<vmem>> -> memref<1x32x128xf32, #tpu.memory_space<vmem>>
      %gather3A_605 = tpu.memref_squeeze %gather3A_604 : memref<1x32x128xf32, #tpu.memory_space<vmem>> -> memref<32x128xf32, #tpu.memory_space<vmem>>
      %gather3A_606 = tpu.vector_load_idx %gather3A_605[%add3A_599, %broadcast_in_dim3A] : memref<32x128xf32, #tpu.memory_space<vmem>>[vector<16xi32>, vector<16xi32>], vector<16xf32>,
      %add3A_607 = arith.constant 0 : i32
      %add3A_608 = arith.addi %add3A_20, %add3A_607 : i32
      %broadcast_in_dim3A_609 = vector.broadcast %add3A_608 : i32 to vector<16xi32>
      tpu.vector_store_idx %arg8[%add3A_599, %broadcast_in_dim3A_609], %gather3A_606 : memref<32x512xf32, #tpu.memory_space<vmem>>[vector<16xi32>, vector<16xi32>], vector<16xf32>,
      %add3A_610 = arith.constant 16 : i32
      %add3A_611 = vector.broadcast %add3A_610 : i32 to vector<16xi32>
      %add3A_612 = arith.addi %iota3A, %add3A_611 : vector<16xi32>
      %slice3A_613 = vector.extract_strided_slice %select_n3A_590 {offsets = [0], sizes = [1], strides = [1]} : vector<16xi32> to vector<1xi32>
      %squeeze3A_614 = vector.extract %slice3A_613[0] : i32 from vector<1xi32>
      %broadcast_in_dim3A_615 = vector.broadcast %squeeze3A_614 : i32 to vector<16xi32>
      %gather3A_616 = arith.constant 0 : i32
      %gather3A_617 = arith.constant 0 : i32
      %gather3A_618 = arith.constant 0 : i32
      %gather3A_619 = tpu.memref_slice %arg7[%gather3A_616, %gather3A_617, %gather3A_618] : memref<16x32x128xf32, #tpu.memory_space<vmem>> -> memref<1x32x128xf32, #tpu.memory_space<vmem>>
      %gather3A_620 = tpu.memref_squeeze %gather3A_619 : memref<1x32x128xf32, #tpu.memory_space<vmem>> -> memref<32x128xf32, #tpu.memory_space<vmem>>
      %gather3A_621 = tpu.vector_load_idx %gather3A_620[%add3A_612, %broadcast_in_dim3A_615] : memref<32x128xf32, #tpu.memory_space<vmem>>[vector<16xi32>, vector<16xi32>], vector<16xf32>,
      %add3A_622 = arith.constant 0 : i32
      %add3A_623 = arith.addi %add3A_20, %add3A_622 : i32
      %broadcast_in_dim3A_624 = vector.broadcast %add3A_623 : i32 to vector<16xi32>
      tpu.vector_store_idx %arg8[%add3A_612, %broadcast_in_dim3A_624], %gather3A_621 : memref<32x512xf32, #tpu.memory_space<vmem>>[vector<16xi32>, vector<16xi32>], vector<16xf32>,
      %dma_wait3A_625 = arith.constant 1 : i32
      %dma_wait3A_626 = arith.constant 0 : i32
      %dma_wait3A_627 = arith.constant 0 : i32
      %dma_wait3A_628 = tpu.memref_slice %arg7[%dma_wait3A_625, %dma_wait3A_626, %dma_wait3A_627] : memref<16x32x128xf32, #tpu.memory_space<vmem>> -> memref<1x32x128xf32, #tpu.memory_space<vmem>>
      %dma_wait3A_629 = tpu.memref_squeeze %dma_wait3A_628 : memref<1x32x128xf32, #tpu.memory_space<vmem>> -> memref<32x128xf32, #tpu.memory_space<vmem>>
      %dma_wait3A_630 = arith.constant 0 : i32
      %dma_wait3A_631 = tpu.memref_slice %arg3[%dma_wait3A_630, %mul3A_73] : memref<32x1000000xf32, #tpu.memory_space<hbm>> -> memref<32x128xf32, #tpu.memory_space<hbm>>
      tpu.wait_indirect_dma semaphore(%arg10 : memref<!tpu.dma_semaphore, #tpu.memory_space<semaphore_mem>>) src(%dma_wait3A_631 : memref<32x128xf32, #tpu.memory_space<hbm>>) dst(%dma_wait3A_629 : memref<32x128xf32, #tpu.memory_space<vmem>>)
      %add3A_632 = arith.constant 0 : i32
      %add3A_633 = vector.broadcast %add3A_632 : i32 to vector<16xi32>
      %add3A_634 = arith.addi %iota3A, %add3A_633 : vector<16xi32>
      %slice3A_635 = vector.extract_strided_slice %select_n3A_590 {offsets = [1], sizes = [1], strides = [1]} : vector<16xi32> to vector<1xi32>
      %squeeze3A_636 = vector.extract %slice3A_635[0] : i32 from vector<1xi32>
      %broadcast_in_dim3A_637 = vector.broadcast %squeeze3A_636 : i32 to vector<16xi32>
      %gather3A_638 = arith.constant 1 : i32
      %gather3A_639 = arith.constant 0 : i32
      %gather3A_640 = arith.constant 0 : i32
      %gather3A_641 = tpu.memref_slice %arg7[%gather3A_638, %gather3A_639, %gather3A_640] : memref<16x32x128xf32, #tpu.memory_space<vmem>> -> memref<1x32x128xf32, #tpu.memory_space<vmem>>
      %gather3A_642 = tpu.memref_squeeze %gather3A_641 : memref<1x32x128xf32, #tpu.memory_space<vmem>> -> memref<32x128xf32, #tpu.memory_space<vmem>>
      %gather3A_643 = tpu.vector_load_idx %gather3A_642[%add3A_634, %broadcast_in_dim3A_637] : memref<32x128xf32, #tpu.memory_space<vmem>>[vector<16xi32>, vector<16xi32>], vector<16xf32>,
      %add3A_644 = arith.constant 1 : i32
      %add3A_645 = arith.addi %add3A_20, %add3A_644 : i32
      %broadcast_in_dim3A_646 = vector.broadcast %add3A_645 : i32 to vector<16xi32>
      tpu.vector_store_idx %arg8[%add3A_634, %broadcast_in_dim3A_646], %gather3A_643 : memref<32x512xf32, #tpu.memory_space<vmem>>[vector<16xi32>, vector<16xi32>], vector<16xf32>,
      %add3A_647 = arith.constant 16 : i32
      %add3A_648 = vector.broadcast %add3A_647 : i32 to vector<16xi32>
      %add3A_649 = arith.addi %iota3A, %add3A_648 : vector<16xi32>
      %slice3A_650 = vector.extract_strided_slice %select_n3A_590 {offsets = [1], sizes = [1], strides = [1]} : vector<16xi32> to vector<1xi32>
      %squeeze3A_651 = vector.extract %slice3A_650[0] : i32 from vector<1xi32>
      %broadcast_in_dim3A_652 = vector.broadcast %squeeze3A_651 : i32 to vector<16xi32>
      %gather3A_653 = arith.constant 1 : i32
      %gather3A_654 = arith.constant 0 : i32
      %gather3A_655 = arith.constant 0 : i32
      %gather3A_656 = tpu.memref_slice %arg7[%gather3A_653, %gather3A_654, %gather3A_655] : memref<16x32x128xf32, #tpu.memory_space<vmem>> -> memref<1x32x128xf32, #tpu.memory_space<vmem>>
      %gather3A_657 = tpu.memref_squeeze %gather3A_656 : memref<1x32x128xf32, #tpu.memory_space<vmem>> -> memref<32x128xf32, #tpu.memory_space<vmem>>
      %gather3A_658 = tpu.vector_load_idx %gather3A_657[%add3A_649, %broadcast_in_dim3A_652] : memref<32x128xf32, #tpu.memory_space<vmem>>[vector<16xi32>, vector<16xi32>], vector<16xf32>,
      %add3A_659 = arith.constant 1 : i32
      %add3A_660 = arith.addi %add3A_20, %add3A_659 : i32
      %broadcast_in_dim3A_661 = vector.broadcast %add3A_660 : i32 to vector<16xi32>
      tpu.vector_store_idx %arg8[%add3A_649, %broadcast_in_dim3A_661], %gather3A_658 : memref<32x512xf32, #tpu.memory_space<vmem>>[vector<16xi32>, vector<16xi32>], vector<16xf32>,
      %dma_wait3A_662 = arith.constant 2 : i32
      %dma_wait3A_663 = arith.constant 0 : i32
      %dma_wait3A_664 = arith.constant 0 : i32
      %dma_wait3A_665 = tpu.memref_slice %arg7[%dma_wait3A_662, %dma_wait3A_663, %dma_wait3A_664] : memref<16x32x128xf32, #tpu.memory_space<vmem>> -> memref<1x32x128xf32, #tpu.memory_space<vmem>>
      %dma_wait3A_666 = tpu.memref_squeeze %dma_wait3A_665 : memref<1x32x128xf32, #tpu.memory_space<vmem>> -> memref<32x128xf32, #tpu.memory_space<vmem>>
      %dma_wait3A_667 = arith.constant 0 : i32
      %dma_wait3A_668 = tpu.memref_slice %arg3[%dma_wait3A_667, %mul3A_108] : memref<32x1000000xf32, #tpu.memory_space<hbm>> -> memref<32x128xf32, #tpu.memory_space<hbm>>
      tpu.wait_indirect_dma semaphore(%arg11 : memref<!tpu.dma_semaphore, #tpu.memory_space<semaphore_mem>>) src(%dma_wait3A_668 : memref<32x128xf32, #tpu.memory_space<hbm>>) dst(%dma_wait3A_666 : memref<32x128xf32, #tpu.memory_space<vmem>>)
      %add3A_669 = arith.constant 0 : i32
      %add3A_670 = vector.broadcast %add3A_669 : i32 to vector<16xi32>
      %add3A_671 = arith.addi %iota3A, %add3A_670 : vector<16xi32>
      %slice3A_672 = vector.extract_strided_slice %select_n3A_590 {offsets = [2], sizes = [1], strides = [1]} : vector<16xi32> to vector<1xi32>
      %squeeze3A_673 = vector.extract %slice3A_672[0] : i32 from vector<1xi32>
      %broadcast_in_dim3A_674 = vector.broadcast %squeeze3A_673 : i32 to vector<16xi32>
      %gather3A_675 = arith.constant 2 : i32
      %gather3A_676 = arith.constant 0 : i32
      %gather3A_677 = arith.constant 0 : i32
      %gather3A_678 = tpu.memref_slice %arg7[%gather3A_675, %gather3A_676, %gather3A_677] : memref<16x32x128xf32, #tpu.memory_space<vmem>> -> memref<1x32x128xf32, #tpu.memory_space<vmem>>
      %gather3A_679 = tpu.memref_squeeze %gather3A_678 : memref<1x32x128xf32, #tpu.memory_space<vmem>> -> memref<32x128xf32, #tpu.memory_space<vmem>>
      %gather3A_680 = tpu.vector_load_idx %gather3A_679[%add3A_671, %broadcast_in_dim3A_674] : memref<32x128xf32, #tpu.memory_space<vmem>>[vector<16xi32>, vector<16xi32>], vector<16xf32>,
      %add3A_681 = arith.constant 2 : i32
      %add3A_682 = arith.addi %add3A_20, %add3A_681 : i32
      %broadcast_in_dim3A_683 = vector.broadcast %add3A_682 : i32 to vector<16xi32>
      tpu.vector_store_idx %arg8[%add3A_671, %broadcast_in_dim3A_683], %gather3A_680 : memref<32x512xf32, #tpu.memory_space<vmem>>[vector<16xi32>, vector<16xi32>], vector<16xf32>,
      %add3A_684 = arith.constant 16 : i32
      %add3A_685 = vector.broadcast %add3A_684 : i32 to vector<16xi32>
      %add3A_686 = arith.addi %iota3A, %add3A_685 : vector<16xi32>
      %slice3A_687 = vector.extract_strided_slice %select_n3A_590 {offsets = [2], sizes = [1], strides = [1]} : vector<16xi32> to vector<1xi32>
      %squeeze3A_688 = vector.extract %slice3A_687[0] : i32 from vector<1xi32>
      %broadcast_in_dim3A_689 = vector.broadcast %squeeze3A_688 : i32 to vector<16xi32>
      %gather3A_690 = arith.constant 2 : i32
      %gather3A_691 = arith.constant 0 : i32
      %gather3A_692 = arith.constant 0 : i32
      %gather3A_693 = tpu.memref_slice %arg7[%gather3A_690, %gather3A_691, %gather3A_692] : memref<16x32x128xf32, #tpu.memory_space<vmem>> -> memref<1x32x128xf32, #tpu.memory_space<vmem>>
      %gather3A_694 = tpu.memref_squeeze %gather3A_693 : memref<1x32x128xf32, #tpu.memory_space<vmem>> -> memref<32x128xf32, #tpu.memory_space<vmem>>
      %gather3A_695 = tpu.vector_load_idx %gather3A_694[%add3A_686, %broadcast_in_dim3A_689] : memref<32x128xf32, #tpu.memory_space<vmem>>[vector<16xi32>, vector<16xi32>], vector<16xf32>,
      %add3A_696 = arith.constant 2 : i32
      %add3A_697 = arith.addi %add3A_20, %add3A_696 : i32
      %broadcast_in_dim3A_698 = vector.broadcast %add3A_697 : i32 to vector<16xi32>
      tpu.vector_store_idx %arg8[%add3A_686, %broadcast_in_dim3A_698], %gather3A_695 : memref<32x512xf32, #tpu.memory_space<vmem>>[vector<16xi32>, vector<16xi32>], vector<16xf32>,
      %dma_wait3A_699 = arith.constant 3 : i32
      %dma_wait3A_700 = arith.constant 0 : i32
      %dma_wait3A_701 = arith.constant 0 : i32
      %dma_wait3A_702 = tpu.memref_slice %arg7[%dma_wait3A_699, %dma_wait3A_700, %dma_wait3A_701] : memref<16x32x128xf32, #tpu.memory_space<vmem>> -> memref<1x32x128xf32, #tpu.memory_space<vmem>>
      %dma_wait3A_703 = tpu.memref_squeeze %dma_wait3A_702 : memref<1x32x128xf32, #tpu.memory_space<vmem>> -> memref<32x128xf32, #tpu.memory_space<vmem>>
      %dma_wait3A_704 = arith.constant 0 : i32
      %dma_wait3A_705 = tpu.memref_slice %arg3[%dma_wait3A_704, %mul3A_143] : memref<32x1000000xf32, #tpu.memory_space<hbm>> -> memref<32x128xf32, #tpu.memory_space<hbm>>
      tpu.wait_indirect_dma semaphore(%arg12 : memref<!tpu.dma_semaphore, #tpu.memory_space<semaphore_mem>>) src(%dma_wait3A_705 : memref<32x128xf32, #tpu.memory_space<hbm>>) dst(%dma_wait3A_703 : memref<32x128xf32, #tpu.memory_space<vmem>>)
      %add3A_706 = arith.constant 0 : i32
      %add3A_707 = vector.broadcast %add3A_706 : i32 to vector<16xi32>
      %add3A_708 = arith.addi %iota3A, %add3A_707 : vector<16xi32>
      %slice3A_709 = vector.extract_strided_slice %select_n3A_590 {offsets = [3], sizes = [1], strides = [1]} : vector<16xi32> to vector<1xi32>
      %squeeze3A_710 = vector.extract %slice3A_709[0] : i32 from vector<1xi32>
      %broadcast_in_dim3A_711 = vector.broadcast %squeeze3A_710 : i32 to vector<16xi32>
      %gather3A_712 = arith.constant 3 : i32
      %gather3A_713 = arith.constant 0 : i32
      %gather3A_714 = arith.constant 0 : i32
      %gather3A_715 = tpu.memref_slice %arg7[%gather3A_712, %gather3A_713, %gather3A_714] : memref<16x32x128xf32, #tpu.memory_space<vmem>> -> memref<1x32x128xf32, #tpu.memory_space<vmem>>
      %gather3A_716 = tpu.memref_squeeze %gather3A_715 : memref<1x32x128xf32, #tpu.memory_space<vmem>> -> memref<32x128xf32, #tpu.memory_space<vmem>>
      %gather3A_717 = tpu.vector_load_idx %gather3A_716[%add3A_708, %broadcast_in_dim3A_711] : memref<32x128xf32, #tpu.memory_space<vmem>>[vector<16xi32>, vector<16xi32>], vector<16xf32>,
      %add3A_718 = arith.constant 3 : i32
      %add3A_719 = arith.addi %add3A_20, %add3A_718 : i32
      %broadcast_in_dim3A_720 = vector.broadcast %add3A_719 : i32 to vector<16xi32>
      tpu.vector_store_idx %arg8[%add3A_708, %broadcast_in_dim3A_720], %gather3A_717 : memref<32x512xf32, #tpu.memory_space<vmem>>[vector<16xi32>, vector<16xi32>], vector<16xf32>,
      %add3A_721 = arith.constant 16 : i32
      %add3A_722 = vector.broadcast %add3A_721 : i32 to vector<16xi32>
      %add3A_723 = arith.addi %iota3A, %add3A_722 : vector<16xi32>
      %slice3A_724 = vector.extract_strided_slice %select_n3A_590 {offsets = [3], sizes = [1], strides = [1]} : vector<16xi32> to vector<1xi32>
      %squeeze3A_725 = vector.extract %slice3A_724[0] : i32 from vector<1xi32>
      %broadcast_in_dim3A_726 = vector.broadcast %squeeze3A_725 : i32 to vector<16xi32>
      %gather3A_727 = arith.constant 3 : i32
      %gather3A_728 = arith.constant 0 : i32
      %gather3A_729 = arith.constant 0 : i32
      %gather3A_730 = tpu.memref_slice %arg7[%gather3A_727, %gather3A_728, %gather3A_729] : memref<16x32x128xf32, #tpu.memory_space<vmem>> -> memref<1x32x128xf32, #tpu.memory_space<vmem>>
      %gather3A_731 = tpu.memref_squeeze %gather3A_730 : memref<1x32x128xf32, #tpu.memory_space<vmem>> -> memref<32x128xf32, #tpu.memory_space<vmem>>
      %gather3A_732 = tpu.vector_load_idx %gather3A_731[%add3A_723, %broadcast_in_dim3A_726] : memref<32x128xf32, #tpu.memory_space<vmem>>[vector<16xi32>, vector<16xi32>], vector<16xf32>,
      %add3A_733 = arith.constant 3 : i32
      %add3A_734 = arith.addi %add3A_20, %add3A_733 : i32
      %broadcast_in_dim3A_735 = vector.broadcast %add3A_734 : i32 to vector<16xi32>
      tpu.vector_store_idx %arg8[%add3A_723, %broadcast_in_dim3A_735], %gather3A_732 : memref<32x512xf32, #tpu.memory_space<vmem>>[vector<16xi32>, vector<16xi32>], vector<16xf32>,
      %dma_wait3A_736 = arith.constant 4 : i32
      %dma_wait3A_737 = arith.constant 0 : i32
      %dma_wait3A_738 = arith.constant 0 : i32
      %dma_wait3A_739 = tpu.memref_slice %arg7[%dma_wait3A_736, %dma_wait3A_737, %dma_wait3A_738] : memref<16x32x128xf32, #tpu.memory_space<vmem>> -> memref<1x32x128xf32, #tpu.memory_space<vmem>>
      %dma_wait3A_740 = tpu.memref_squeeze %dma_wait3A_739 : memref<1x32x128xf32, #tpu.memory_space<vmem>> -> memref<32x128xf32, #tpu.memory_space<vmem>>
      %dma_wait3A_741 = arith.constant 0 : i32
      %dma_wait3A_742 = tpu.memref_slice %arg3[%dma_wait3A_741, %mul3A_178] : memref<32x1000000xf32, #tpu.memory_space<hbm>> -> memref<32x128xf32, #tpu.memory_space<hbm>>
      tpu.wait_indirect_dma semaphore(%arg13 : memref<!tpu.dma_semaphore, #tpu.memory_space<semaphore_mem>>) src(%dma_wait3A_742 : memref<32x128xf32, #tpu.memory_space<hbm>>) dst(%dma_wait3A_740 : memref<32x128xf32, #tpu.memory_space<vmem>>)
      %add3A_743 = arith.constant 0 : i32
      %add3A_744 = vector.broadcast %add3A_743 : i32 to vector<16xi32>
      %add3A_745 = arith.addi %iota3A, %add3A_744 : vector<16xi32>
      %slice3A_746 = vector.extract_strided_slice %select_n3A_590 {offsets = [4], sizes = [1], strides = [1]} : vector<16xi32> to vector<1xi32>
      %squeeze3A_747 = vector.extract %slice3A_746[0] : i32 from vector<1xi32>
      %broadcast_in_dim3A_748 = vector.broadcast %squeeze3A_747 : i32 to vector<16xi32>
      %gather3A_749 = arith.constant 4 : i32
      %gather3A_750 = arith.constant 0 : i32
      %gather3A_751 = arith.constant 0 : i32
      %gather3A_752 = tpu.memref_slice %arg7[%gather3A_749, %gather3A_750, %gather3A_751] : memref<16x32x128xf32, #tpu.memory_space<vmem>> -> memref<1x32x128xf32, #tpu.memory_space<vmem>>
      %gather3A_753 = tpu.memref_squeeze %gather3A_752 : memref<1x32x128xf32, #tpu.memory_space<vmem>> -> memref<32x128xf32, #tpu.memory_space<vmem>>
      %gather3A_754 = tpu.vector_load_idx %gather3A_753[%add3A_745, %broadcast_in_dim3A_748] : memref<32x128xf32, #tpu.memory_space<vmem>>[vector<16xi32>, vector<16xi32>], vector<16xf32>,
      %add3A_755 = arith.constant 4 : i32
      %add3A_756 = arith.addi %add3A_20, %add3A_755 : i32
      %broadcast_in_dim3A_757 = vector.broadcast %add3A_756 : i32 to vector<16xi32>
      tpu.vector_store_idx %arg8[%add3A_745, %broadcast_in_dim3A_757], %gather3A_754 : memref<32x512xf32, #tpu.memory_space<vmem>>[vector<16xi32>, vector<16xi32>], vector<16xf32>,
      %add3A_758 = arith.constant 16 : i32
      %add3A_759 = vector.broadcast %add3A_758 : i32 to vector<16xi32>
      %add3A_760 = arith.addi %iota3A, %add3A_759 : vector<16xi32>
      %slice3A_761 = vector.extract_strided_slice %select_n3A_590 {offsets = [4], sizes = [1], strides = [1]} : vector<16xi32> to vector<1xi32>
      %squeeze3A_762 = vector.extract %slice3A_761[0] : i32 from vector<1xi32>
      %broadcast_in_dim3A_763 = vector.broadcast %squeeze3A_762 : i32 to vector<16xi32>
      %gather3A_764 = arith.constant 4 : i32
      %gather3A_765 = arith.constant 0 : i32
      %gather3A_766 = arith.constant 0 : i32
      %gather3A_767 = tpu.memref_slice %arg7[%gather3A_764, %gather3A_765, %gather3A_766] : memref<16x32x128xf32, #tpu.memory_space<vmem>> -> memref<1x32x128xf32, #tpu.memory_space<vmem>>
      %gather3A_768 = tpu.memref_squeeze %gather3A_767 : memref<1x32x128xf32, #tpu.memory_space<vmem>> -> memref<32x128xf32, #tpu.memory_space<vmem>>
      %gather3A_769 = tpu.vector_load_idx %gather3A_768[%add3A_760, %broadcast_in_dim3A_763] : memref<32x128xf32, #tpu.memory_space<vmem>>[vector<16xi32>, vector<16xi32>], vector<16xf32>,
      %add3A_770 = arith.constant 4 : i32
      %add3A_771 = arith.addi %add3A_20, %add3A_770 : i32
      %broadcast_in_dim3A_772 = vector.broadcast %add3A_771 : i32 to vector<16xi32>
      tpu.vector_store_idx %arg8[%add3A_760, %broadcast_in_dim3A_772], %gather3A_769 : memref<32x512xf32, #tpu.memory_space<vmem>>[vector<16xi32>, vector<16xi32>], vector<16xf32>,
      %dma_wait3A_773 = arith.constant 5 : i32
      %dma_wait3A_774 = arith.constant 0 : i32
      %dma_wait3A_775 = arith.constant 0 : i32
      %dma_wait3A_776 = tpu.memref_slice %arg7[%dma_wait3A_773, %dma_wait3A_774, %dma_wait3A_775] : memref<16x32x128xf32, #tpu.memory_space<vmem>> -> memref<1x32x128xf32, #tpu.memory_space<vmem>>
      %dma_wait3A_777 = tpu.memref_squeeze %dma_wait3A_776 : memref<1x32x128xf32, #tpu.memory_space<vmem>> -> memref<32x128xf32, #tpu.memory_space<vmem>>
      %dma_wait3A_778 = arith.constant 0 : i32
      %dma_wait3A_779 = tpu.memref_slice %arg3[%dma_wait3A_778, %mul3A_213] : memref<32x1000000xf32, #tpu.memory_space<hbm>> -> memref<32x128xf32, #tpu.memory_space<hbm>>
      tpu.wait_indirect_dma semaphore(%arg14 : memref<!tpu.dma_semaphore, #tpu.memory_space<semaphore_mem>>) src(%dma_wait3A_779 : memref<32x128xf32, #tpu.memory_space<hbm>>) dst(%dma_wait3A_777 : memref<32x128xf32, #tpu.memory_space<vmem>>)
      %add3A_780 = arith.constant 0 : i32
      %add3A_781 = vector.broadcast %add3A_780 : i32 to vector<16xi32>
      %add3A_782 = arith.addi %iota3A, %add3A_781 : vector<16xi32>
      %slice3A_783 = vector.extract_strided_slice %select_n3A_590 {offsets = [5], sizes = [1], strides = [1]} : vector<16xi32> to vector<1xi32>
      %squeeze3A_784 = vector.extract %slice3A_783[0] : i32 from vector<1xi32>
      %broadcast_in_dim3A_785 = vector.broadcast %squeeze3A_784 : i32 to vector<16xi32>
      %gather3A_786 = arith.constant 5 : i32
      %gather3A_787 = arith.constant 0 : i32
      %gather3A_788 = arith.constant 0 : i32
      %gather3A_789 = tpu.memref_slice %arg7[%gather3A_786, %gather3A_787, %gather3A_788] : memref<16x32x128xf32, #tpu.memory_space<vmem>> -> memref<1x32x128xf32, #tpu.memory_space<vmem>>
      %gather3A_790 = tpu.memref_squeeze %gather3A_789 : memref<1x32x128xf32, #tpu.memory_space<vmem>> -> memref<32x128xf32, #tpu.memory_space<vmem>>
      %gather3A_791 = tpu.vector_load_idx %gather3A_790[%add3A_782, %broadcast_in_dim3A_785] : memref<32x128xf32, #tpu.memory_space<vmem>>[vector<16xi32>, vector<16xi32>], vector<16xf32>,
      %add3A_792 = arith.constant 5 : i32
      %add3A_793 = arith.addi %add3A_20, %add3A_792 : i32
      %broadcast_in_dim3A_794 = vector.broadcast %add3A_793 : i32 to vector<16xi32>
      tpu.vector_store_idx %arg8[%add3A_782, %broadcast_in_dim3A_794], %gather3A_791 : memref<32x512xf32, #tpu.memory_space<vmem>>[vector<16xi32>, vector<16xi32>], vector<16xf32>,
      %add3A_795 = arith.constant 16 : i32
      %add3A_796 = vector.broadcast %add3A_795 : i32 to vector<16xi32>
      %add3A_797 = arith.addi %iota3A, %add3A_796 : vector<16xi32>
      %slice3A_798 = vector.extract_strided_slice %select_n3A_590 {offsets = [5], sizes = [1], strides = [1]} : vector<16xi32> to vector<1xi32>
      %squeeze3A_799 = vector.extract %slice3A_798[0] : i32 from vector<1xi32>
      %broadcast_in_dim3A_800 = vector.broadcast %squeeze3A_799 : i32 to vector<16xi32>
      %gather3A_801 = arith.constant 5 : i32
      %gather3A_802 = arith.constant 0 : i32
      %gather3A_803 = arith.constant 0 : i32
      %gather3A_804 = tpu.memref_slice %arg7[%gather3A_801, %gather3A_802, %gather3A_803] : memref<16x32x128xf32, #tpu.memory_space<vmem>> -> memref<1x32x128xf32, #tpu.memory_space<vmem>>
      %gather3A_805 = tpu.memref_squeeze %gather3A_804 : memref<1x32x128xf32, #tpu.memory_space<vmem>> -> memref<32x128xf32, #tpu.memory_space<vmem>>
      %gather3A_806 = tpu.vector_load_idx %gather3A_805[%add3A_797, %broadcast_in_dim3A_800] : memref<32x128xf32, #tpu.memory_space<vmem>>[vector<16xi32>, vector<16xi32>], vector<16xf32>,
      %add3A_807 = arith.constant 5 : i32
      %add3A_808 = arith.addi %add3A_20, %add3A_807 : i32
      %broadcast_in_dim3A_809 = vector.broadcast %add3A_808 : i32 to vector<16xi32>
      tpu.vector_store_idx %arg8[%add3A_797, %broadcast_in_dim3A_809], %gather3A_806 : memref<32x512xf32, #tpu.memory_space<vmem>>[vector<16xi32>, vector<16xi32>], vector<16xf32>,
      %dma_wait3A_810 = arith.constant 6 : i32
      %dma_wait3A_811 = arith.constant 0 : i32
      %dma_wait3A_812 = arith.constant 0 : i32
      %dma_wait3A_813 = tpu.memref_slice %arg7[%dma_wait3A_810, %dma_wait3A_811, %dma_wait3A_812] : memref<16x32x128xf32, #tpu.memory_space<vmem>> -> memref<1x32x128xf32, #tpu.memory_space<vmem>>
      %dma_wait3A_814 = tpu.memref_squeeze %dma_wait3A_813 : memref<1x32x128xf32, #tpu.memory_space<vmem>> -> memref<32x128xf32, #tpu.memory_space<vmem>>
      %dma_wait3A_815 = arith.constant 0 : i32
      %dma_wait3A_816 = tpu.memref_slice %arg3[%dma_wait3A_815, %mul3A_248] : memref<32x1000000xf32, #tpu.memory_space<hbm>> -> memref<32x128xf32, #tpu.memory_space<hbm>>
      tpu.wait_indirect_dma semaphore(%arg15 : memref<!tpu.dma_semaphore, #tpu.memory_space<semaphore_mem>>) src(%dma_wait3A_816 : memref<32x128xf32, #tpu.memory_space<hbm>>) dst(%dma_wait3A_814 : memref<32x128xf32, #tpu.memory_space<vmem>>)
      %add3A_817 = arith.constant 0 : i32
      %add3A_818 = vector.broadcast %add3A_817 : i32 to vector<16xi32>
      %add3A_819 = arith.addi %iota3A, %add3A_818 : vector<16xi32>
      %slice3A_820 = vector.extract_strided_slice %select_n3A_590 {offsets = [6], sizes = [1], strides = [1]} : vector<16xi32> to vector<1xi32>
      %squeeze3A_821 = vector.extract %slice3A_820[0] : i32 from vector<1xi32>
      %broadcast_in_dim3A_822 = vector.broadcast %squeeze3A_821 : i32 to vector<16xi32>
      %gather3A_823 = arith.constant 6 : i32
      %gather3A_824 = arith.constant 0 : i32
      %gather3A_825 = arith.constant 0 : i32
      %gather3A_826 = tpu.memref_slice %arg7[%gather3A_823, %gather3A_824, %gather3A_825] : memref<16x32x128xf32, #tpu.memory_space<vmem>> -> memref<1x32x128xf32, #tpu.memory_space<vmem>>
      %gather3A_827 = tpu.memref_squeeze %gather3A_826 : memref<1x32x128xf32, #tpu.memory_space<vmem>> -> memref<32x128xf32, #tpu.memory_space<vmem>>
      %gather3A_828 = tpu.vector_load_idx %gather3A_827[%add3A_819, %broadcast_in_dim3A_822] : memref<32x128xf32, #tpu.memory_space<vmem>>[vector<16xi32>, vector<16xi32>], vector<16xf32>,
      %add3A_829 = arith.constant 6 : i32
      %add3A_830 = arith.addi %add3A_20, %add3A_829 : i32
      %broadcast_in_dim3A_831 = vector.broadcast %add3A_830 : i32 to vector<16xi32>
      tpu.vector_store_idx %arg8[%add3A_819, %broadcast_in_dim3A_831], %gather3A_828 : memref<32x512xf32, #tpu.memory_space<vmem>>[vector<16xi32>, vector<16xi32>], vector<16xf32>,
      %add3A_832 = arith.constant 16 : i32
      %add3A_833 = vector.broadcast %add3A_832 : i32 to vector<16xi32>
      %add3A_834 = arith.addi %iota3A, %add3A_833 : vector<16xi32>
      %slice3A_835 = vector.extract_strided_slice %select_n3A_590 {offsets = [6], sizes = [1], strides = [1]} : vector<16xi32> to vector<1xi32>
      %squeeze3A_836 = vector.extract %slice3A_835[0] : i32 from vector<1xi32>
      %broadcast_in_dim3A_837 = vector.broadcast %squeeze3A_836 : i32 to vector<16xi32>
      %gather3A_838 = arith.constant 6 : i32
      %gather3A_839 = arith.constant 0 : i32
      %gather3A_840 = arith.constant 0 : i32
      %gather3A_841 = tpu.memref_slice %arg7[%gather3A_838, %gather3A_839, %gather3A_840] : memref<16x32x128xf32, #tpu.memory_space<vmem>> -> memref<1x32x128xf32, #tpu.memory_space<vmem>>
      %gather3A_842 = tpu.memref_squeeze %gather3A_841 : memref<1x32x128xf32, #tpu.memory_space<vmem>> -> memref<32x128xf32, #tpu.memory_space<vmem>>
      %gather3A_843 = tpu.vector_load_idx %gather3A_842[%add3A_834, %broadcast_in_dim3A_837] : memref<32x128xf32, #tpu.memory_space<vmem>>[vector<16xi32>, vector<16xi32>], vector<16xf32>,
      %add3A_844 = arith.constant 6 : i32
      %add3A_845 = arith.addi %add3A_20, %add3A_844 : i32
      %broadcast_in_dim3A_846 = vector.broadcast %add3A_845 : i32 to vector<16xi32>
      tpu.vector_store_idx %arg8[%add3A_834, %broadcast_in_dim3A_846], %gather3A_843 : memref<32x512xf32, #tpu.memory_space<vmem>>[vector<16xi32>, vector<16xi32>], vector<16xf32>,
      %dma_wait3A_847 = arith.constant 7 : i32
      %dma_wait3A_848 = arith.constant 0 : i32
      %dma_wait3A_849 = arith.constant 0 : i32
      %dma_wait3A_850 = tpu.memref_slice %arg7[%dma_wait3A_847, %dma_wait3A_848, %dma_wait3A_849] : memref<16x32x128xf32, #tpu.memory_space<vmem>> -> memref<1x32x128xf32, #tpu.memory_space<vmem>>
      %dma_wait3A_851 = tpu.memref_squeeze %dma_wait3A_850 : memref<1x32x128xf32, #tpu.memory_space<vmem>> -> memref<32x128xf32, #tpu.memory_space<vmem>>
      %dma_wait3A_852 = arith.constant 0 : i32
      %dma_wait3A_853 = tpu.memref_slice %arg3[%dma_wait3A_852, %mul3A_283] : memref<32x1000000xf32, #tpu.memory_space<hbm>> -> memref<32x128xf32, #tpu.memory_space<hbm>>
      tpu.wait_indirect_dma semaphore(%arg16 : memref<!tpu.dma_semaphore, #tpu.memory_space<semaphore_mem>>) src(%dma_wait3A_853 : memref<32x128xf32, #tpu.memory_space<hbm>>) dst(%dma_wait3A_851 : memref<32x128xf32, #tpu.memory_space<vmem>>)
      %add3A_854 = arith.constant 0 : i32
      %add3A_855 = vector.broadcast %add3A_854 : i32 to vector<16xi32>
      %add3A_856 = arith.addi %iota3A, %add3A_855 : vector<16xi32>
      %slice3A_857 = vector.extract_strided_slice %select_n3A_590 {offsets = [7], sizes = [1], strides = [1]} : vector<16xi32> to vector<1xi32>
      %squeeze3A_858 = vector.extract %slice3A_857[0] : i32 from vector<1xi32>
      %broadcast_in_dim3A_859 = vector.broadcast %squeeze3A_858 : i32 to vector<16xi32>
      %gather3A_860 = arith.constant 7 : i32
      %gather3A_861 = arith.constant 0 : i32
      %gather3A_862 = arith.constant 0 : i32
      %gather3A_863 = tpu.memref_slice %arg7[%gather3A_860, %gather3A_861, %gather3A_862] : memref<16x32x128xf32, #tpu.memory_space<vmem>> -> memref<1x32x128xf32, #tpu.memory_space<vmem>>
      %gather3A_864 = tpu.memref_squeeze %gather3A_863 : memref<1x32x128xf32, #tpu.memory_space<vmem>> -> memref<32x128xf32, #tpu.memory_space<vmem>>
      %gather3A_865 = tpu.vector_load_idx %gather3A_864[%add3A_856, %broadcast_in_dim3A_859] : memref<32x128xf32, #tpu.memory_space<vmem>>[vector<16xi32>, vector<16xi32>], vector<16xf32>,
      %add3A_866 = arith.constant 7 : i32
      %add3A_867 = arith.addi %add3A_20, %add3A_866 : i32
      %broadcast_in_dim3A_868 = vector.broadcast %add3A_867 : i32 to vector<16xi32>
      tpu.vector_store_idx %arg8[%add3A_856, %broadcast_in_dim3A_868], %gather3A_865 : memref<32x512xf32, #tpu.memory_space<vmem>>[vector<16xi32>, vector<16xi32>], vector<16xf32>,
      %add3A_869 = arith.constant 16 : i32
      %add3A_870 = vector.broadcast %add3A_869 : i32 to vector<16xi32>
      %add3A_871 = arith.addi %iota3A, %add3A_870 : vector<16xi32>
      %slice3A_872 = vector.extract_strided_slice %select_n3A_590 {offsets = [7], sizes = [1], strides = [1]} : vector<16xi32> to vector<1xi32>
      %squeeze3A_873 = vector.extract %slice3A_872[0] : i32 from vector<1xi32>
      %broadcast_in_dim3A_874 = vector.broadcast %squeeze3A_873 : i32 to vector<16xi32>
      %gather3A_875 = arith.constant 7 : i32
      %gather3A_876 = arith.constant 0 : i32
      %gather3A_877 = arith.constant 0 : i32
      %gather3A_878 = tpu.memref_slice %arg7[%gather3A_875, %gather3A_876, %gather3A_877] : memref<16x32x128xf32, #tpu.memory_space<vmem>> -> memref<1x32x128xf32, #tpu.memory_space<vmem>>
      %gather3A_879 = tpu.memref_squeeze %gather3A_878 : memref<1x32x128xf32, #tpu.memory_space<vmem>> -> memref<32x128xf32, #tpu.memory_space<vmem>>
      %gather3A_880 = tpu.vector_load_idx %gather3A_879[%add3A_871, %broadcast_in_dim3A_874] : memref<32x128xf32, #tpu.memory_space<vmem>>[vector<16xi32>, vector<16xi32>], vector<16xf32>,
      %add3A_881 = arith.constant 7 : i32
      %add3A_882 = arith.addi %add3A_20, %add3A_881 : i32
      %broadcast_in_dim3A_883 = vector.broadcast %add3A_882 : i32 to vector<16xi32>
      tpu.vector_store_idx %arg8[%add3A_871, %broadcast_in_dim3A_883], %gather3A_880 : memref<32x512xf32, #tpu.memory_space<vmem>>[vector<16xi32>, vector<16xi32>], vector<16xf32>,
      %dma_wait3A_884 = arith.constant 8 : i32
      %dma_wait3A_885 = arith.constant 0 : i32
      %dma_wait3A_886 = arith.constant 0 : i32
      %dma_wait3A_887 = tpu.memref_slice %arg7[%dma_wait3A_884, %dma_wait3A_885, %dma_wait3A_886] : memref<16x32x128xf32, #tpu.memory_space<vmem>> -> memref<1x32x128xf32, #tpu.memory_space<vmem>>
      %dma_wait3A_888 = tpu.memref_squeeze %dma_wait3A_887 : memref<1x32x128xf32, #tpu.memory_space<vmem>> -> memref<32x128xf32, #tpu.memory_space<vmem>>
      %dma_wait3A_889 = arith.constant 0 : i32
      %dma_wait3A_890 = tpu.memref_slice %arg3[%dma_wait3A_889, %mul3A_318] : memref<32x1000000xf32, #tpu.memory_space<hbm>> -> memref<32x128xf32, #tpu.memory_space<hbm>>
      tpu.wait_indirect_dma semaphore(%arg17 : memref<!tpu.dma_semaphore, #tpu.memory_space<semaphore_mem>>) src(%dma_wait3A_890 : memref<32x128xf32, #tpu.memory_space<hbm>>) dst(%dma_wait3A_888 : memref<32x128xf32, #tpu.memory_space<vmem>>)
      %add3A_891 = arith.constant 0 : i32
      %add3A_892 = vector.broadcast %add3A_891 : i32 to vector<16xi32>
      %add3A_893 = arith.addi %iota3A, %add3A_892 : vector<16xi32>
      %slice3A_894 = vector.extract_strided_slice %select_n3A_590 {offsets = [8], sizes = [1], strides = [1]} : vector<16xi32> to vector<1xi32>
      %squeeze3A_895 = vector.extract %slice3A_894[0] : i32 from vector<1xi32>
      %broadcast_in_dim3A_896 = vector.broadcast %squeeze3A_895 : i32 to vector<16xi32>
      %gather3A_897 = arith.constant 8 : i32
      %gather3A_898 = arith.constant 0 : i32
      %gather3A_899 = arith.constant 0 : i32
      %gather3A_900 = tpu.memref_slice %arg7[%gather3A_897, %gather3A_898, %gather3A_899] : memref<16x32x128xf32, #tpu.memory_space<vmem>> -> memref<1x32x128xf32, #tpu.memory_space<vmem>>
      %gather3A_901 = tpu.memref_squeeze %gather3A_900 : memref<1x32x128xf32, #tpu.memory_space<vmem>> -> memref<32x128xf32, #tpu.memory_space<vmem>>
      %gather3A_902 = tpu.vector_load_idx %gather3A_901[%add3A_893, %broadcast_in_dim3A_896] : memref<32x128xf32, #tpu.memory_space<vmem>>[vector<16xi32>, vector<16xi32>], vector<16xf32>,
      %add3A_903 = arith.constant 8 : i32
      %add3A_904 = arith.addi %add3A_20, %add3A_903 : i32
      %broadcast_in_dim3A_905 = vector.broadcast %add3A_904 : i32 to vector<16xi32>
      tpu.vector_store_idx %arg8[%add3A_893, %broadcast_in_dim3A_905], %gather3A_902 : memref<32x512xf32, #tpu.memory_space<vmem>>[vector<16xi32>, vector<16xi32>], vector<16xf32>,
      %add3A_906 = arith.constant 16 : i32
      %add3A_907 = vector.broadcast %add3A_906 : i32 to vector<16xi32>
      %add3A_908 = arith.addi %iota3A, %add3A_907 : vector<16xi32>
      %slice3A_909 = vector.extract_strided_slice %select_n3A_590 {offsets = [8], sizes = [1], strides = [1]} : vector<16xi32> to vector<1xi32>
      %squeeze3A_910 = vector.extract %slice3A_909[0] : i32 from vector<1xi32>
      %broadcast_in_dim3A_911 = vector.broadcast %squeeze3A_910 : i32 to vector<16xi32>
      %gather3A_912 = arith.constant 8 : i32
      %gather3A_913 = arith.constant 0 : i32
      %gather3A_914 = arith.constant 0 : i32
      %gather3A_915 = tpu.memref_slice %arg7[%gather3A_912, %gather3A_913, %gather3A_914] : memref<16x32x128xf32, #tpu.memory_space<vmem>> -> memref<1x32x128xf32, #tpu.memory_space<vmem>>
      %gather3A_916 = tpu.memref_squeeze %gather3A_915 : memref<1x32x128xf32, #tpu.memory_space<vmem>> -> memref<32x128xf32, #tpu.memory_space<vmem>>
      %gather3A_917 = tpu.vector_load_idx %gather3A_916[%add3A_908, %broadcast_in_dim3A_911] : memref<32x128xf32, #tpu.memory_space<vmem>>[vector<16xi32>, vector<16xi32>], vector<16xf32>,
      %add3A_918 = arith.constant 8 : i32
      %add3A_919 = arith.addi %add3A_20, %add3A_918 : i32
      %broadcast_in_dim3A_920 = vector.broadcast %add3A_919 : i32 to vector<16xi32>
      tpu.vector_store_idx %arg8[%add3A_908, %broadcast_in_dim3A_920], %gather3A_917 : memref<32x512xf32, #tpu.memory_space<vmem>>[vector<16xi32>, vector<16xi32>], vector<16xf32>,
      %dma_wait3A_921 = arith.constant 9 : i32
      %dma_wait3A_922 = arith.constant 0 : i32
      %dma_wait3A_923 = arith.constant 0 : i32
      %dma_wait3A_924 = tpu.memref_slice %arg7[%dma_wait3A_921, %dma_wait3A_922, %dma_wait3A_923] : memref<16x32x128xf32, #tpu.memory_space<vmem>> -> memref<1x32x128xf32, #tpu.memory_space<vmem>>
      %dma_wait3A_925 = tpu.memref_squeeze %dma_wait3A_924 : memref<1x32x128xf32, #tpu.memory_space<vmem>> -> memref<32x128xf32, #tpu.memory_space<vmem>>
      %dma_wait3A_926 = arith.constant 0 : i32
      %dma_wait3A_927 = tpu.memref_slice %arg3[%dma_wait3A_926, %mul3A_353] : memref<32x1000000xf32, #tpu.memory_space<hbm>> -> memref<32x128xf32, #tpu.memory_space<hbm>>
      tpu.wait_indirect_dma semaphore(%arg18 : memref<!tpu.dma_semaphore, #tpu.memory_space<semaphore_mem>>) src(%dma_wait3A_927 : memref<32x128xf32, #tpu.memory_space<hbm>>) dst(%dma_wait3A_925 : memref<32x128xf32, #tpu.memory_space<vmem>>)
      %add3A_928 = arith.constant 0 : i32
      %add3A_929 = vector.broadcast %add3A_928 : i32 to vector<16xi32>
      %add3A_930 = arith.addi %iota3A, %add3A_929 : vector<16xi32>
      %slice3A_931 = vector.extract_strided_slice %select_n3A_590 {offsets = [9], sizes = [1], strides = [1]} : vector<16xi32> to vector<1xi32>
      %squeeze3A_932 = vector.extract %slice3A_931[0] : i32 from vector<1xi32>
      %broadcast_in_dim3A_933 = vector.broadcast %squeeze3A_932 : i32 to vector<16xi32>
      %gather3A_934 = arith.constant 9 : i32
      %gather3A_935 = arith.constant 0 : i32
      %gather3A_936 = arith.constant 0 : i32
      %gather3A_937 = tpu.memref_slice %arg7[%gather3A_934, %gather3A_935, %gather3A_936] : memref<16x32x128xf32, #tpu.memory_space<vmem>> -> memref<1x32x128xf32, #tpu.memory_space<vmem>>
      %gather3A_938 = tpu.memref_squeeze %gather3A_937 : memref<1x32x128xf32, #tpu.memory_space<vmem>> -> memref<32x128xf32, #tpu.memory_space<vmem>>
      %gather3A_939 = tpu.vector_load_idx %gather3A_938[%add3A_930, %broadcast_in_dim3A_933] : memref<32x128xf32, #tpu.memory_space<vmem>>[vector<16xi32>, vector<16xi32>], vector<16xf32>,
      %add3A_940 = arith.constant 9 : i32
      %add3A_941 = arith.addi %add3A_20, %add3A_940 : i32
      %broadcast_in_dim3A_942 = vector.broadcast %add3A_941 : i32 to vector<16xi32>
      tpu.vector_store_idx %arg8[%add3A_930, %broadcast_in_dim3A_942], %gather3A_939 : memref<32x512xf32, #tpu.memory_space<vmem>>[vector<16xi32>, vector<16xi32>], vector<16xf32>,
      %add3A_943 = arith.constant 16 : i32
      %add3A_944 = vector.broadcast %add3A_943 : i32 to vector<16xi32>
      %add3A_945 = arith.addi %iota3A, %add3A_944 : vector<16xi32>
      %slice3A_946 = vector.extract_strided_slice %select_n3A_590 {offsets = [9], sizes = [1], strides = [1]} : vector<16xi32> to vector<1xi32>
      %squeeze3A_947 = vector.extract %slice3A_946[0] : i32 from vector<1xi32>
      %broadcast_in_dim3A_948 = vector.broadcast %squeeze3A_947 : i32 to vector<16xi32>
      %gather3A_949 = arith.constant 9 : i32
      %gather3A_950 = arith.constant 0 : i32
      %gather3A_951 = arith.constant 0 : i32
      %gather3A_952 = tpu.memref_slice %arg7[%gather3A_949, %gather3A_950, %gather3A_951] : memref<16x32x128xf32, #tpu.memory_space<vmem>> -> memref<1x32x128xf32, #tpu.memory_space<vmem>>
      %gather3A_953 = tpu.memref_squeeze %gather3A_952 : memref<1x32x128xf32, #tpu.memory_space<vmem>> -> memref<32x128xf32, #tpu.memory_space<vmem>>
      %gather3A_954 = tpu.vector_load_idx %gather3A_953[%add3A_945, %broadcast_in_dim3A_948] : memref<32x128xf32, #tpu.memory_space<vmem>>[vector<16xi32>, vector<16xi32>], vector<16xf32>,
      %add3A_955 = arith.constant 9 : i32
      %add3A_956 = arith.addi %add3A_20, %add3A_955 : i32
      %broadcast_in_dim3A_957 = vector.broadcast %add3A_956 : i32 to vector<16xi32>
      tpu.vector_store_idx %arg8[%add3A_945, %broadcast_in_dim3A_957], %gather3A_954 : memref<32x512xf32, #tpu.memory_space<vmem>>[vector<16xi32>, vector<16xi32>], vector<16xf32>,
      %dma_wait3A_958 = arith.constant 10 : i32
      %dma_wait3A_959 = arith.constant 0 : i32
      %dma_wait3A_960 = arith.constant 0 : i32
      %dma_wait3A_961 = tpu.memref_slice %arg7[%dma_wait3A_958, %dma_wait3A_959, %dma_wait3A_960] : memref<16x32x128xf32, #tpu.memory_space<vmem>> -> memref<1x32x128xf32, #tpu.memory_space<vmem>>
      %dma_wait3A_962 = tpu.memref_squeeze %dma_wait3A_961 : memref<1x32x128xf32, #tpu.memory_space<vmem>> -> memref<32x128xf32, #tpu.memory_space<vmem>>
      %dma_wait3A_963 = arith.constant 0 : i32
      %dma_wait3A_964 = tpu.memref_slice %arg3[%dma_wait3A_963, %mul3A_388] : memref<32x1000000xf32, #tpu.memory_space<hbm>> -> memref<32x128xf32, #tpu.memory_space<hbm>>
      tpu.wait_indirect_dma semaphore(%arg19 : memref<!tpu.dma_semaphore, #tpu.memory_space<semaphore_mem>>) src(%dma_wait3A_964 : memref<32x128xf32, #tpu.memory_space<hbm>>) dst(%dma_wait3A_962 : memref<32x128xf32, #tpu.memory_space<vmem>>)
      %add3A_965 = arith.constant 0 : i32
      %add3A_966 = vector.broadcast %add3A_965 : i32 to vector<16xi32>
      %add3A_967 = arith.addi %iota3A, %add3A_966 : vector<16xi32>
      %slice3A_968 = vector.extract_strided_slice %select_n3A_590 {offsets = [10], sizes = [1], strides = [1]} : vector<16xi32> to vector<1xi32>
      %squeeze3A_969 = vector.extract %slice3A_968[0] : i32 from vector<1xi32>
      %broadcast_in_dim3A_970 = vector.broadcast %squeeze3A_969 : i32 to vector<16xi32>
      %gather3A_971 = arith.constant 10 : i32
      %gather3A_972 = arith.constant 0 : i32
      %gather3A_973 = arith.constant 0 : i32
      %gather3A_974 = tpu.memref_slice %arg7[%gather3A_971, %gather3A_972, %gather3A_973] : memref<16x32x128xf32, #tpu.memory_space<vmem>> -> memref<1x32x128xf32, #tpu.memory_space<vmem>>
      %gather3A_975 = tpu.memref_squeeze %gather3A_974 : memref<1x32x128xf32, #tpu.memory_space<vmem>> -> memref<32x128xf32, #tpu.memory_space<vmem>>
      %gather3A_976 = tpu.vector_load_idx %gather3A_975[%add3A_967, %broadcast_in_dim3A_970] : memref<32x128xf32, #tpu.memory_space<vmem>>[vector<16xi32>, vector<16xi32>], vector<16xf32>,
      %add3A_977 = arith.constant 10 : i32
      %add3A_978 = arith.addi %add3A_20, %add3A_977 : i32
      %broadcast_in_dim3A_979 = vector.broadcast %add3A_978 : i32 to vector<16xi32>
      tpu.vector_store_idx %arg8[%add3A_967, %broadcast_in_dim3A_979], %gather3A_976 : memref<32x512xf32, #tpu.memory_space<vmem>>[vector<16xi32>, vector<16xi32>], vector<16xf32>,
      %add3A_980 = arith.constant 16 : i32
      %add3A_981 = vector.broadcast %add3A_980 : i32 to vector<16xi32>
      %add3A_982 = arith.addi %iota3A, %add3A_981 : vector<16xi32>
      %slice3A_983 = vector.extract_strided_slice %select_n3A_590 {offsets = [10], sizes = [1], strides = [1]} : vector<16xi32> to vector<1xi32>
      %squeeze3A_984 = vector.extract %slice3A_983[0] : i32 from vector<1xi32>
      %broadcast_in_dim3A_985 = vector.broadcast %squeeze3A_984 : i32 to vector<16xi32>
      %gather3A_986 = arith.constant 10 : i32
      %gather3A_987 = arith.constant 0 : i32
      %gather3A_988 = arith.constant 0 : i32
      %gather3A_989 = tpu.memref_slice %arg7[%gather3A_986, %gather3A_987, %gather3A_988] : memref<16x32x128xf32, #tpu.memory_space<vmem>> -> memref<1x32x128xf32, #tpu.memory_space<vmem>>
      %gather3A_990 = tpu.memref_squeeze %gather3A_989 : memref<1x32x128xf32, #tpu.memory_space<vmem>> -> memref<32x128xf32, #tpu.memory_space<vmem>>
      %gather3A_991 = tpu.vector_load_idx %gather3A_990[%add3A_982, %broadcast_in_dim3A_985] : memref<32x128xf32, #tpu.memory_space<vmem>>[vector<16xi32>, vector<16xi32>], vector<16xf32>,
      %add3A_992 = arith.constant 10 : i32
      %add3A_993 = arith.addi %add3A_20, %add3A_992 : i32
      %broadcast_in_dim3A_994 = vector.broadcast %add3A_993 : i32 to vector<16xi32>
      tpu.vector_store_idx %arg8[%add3A_982, %broadcast_in_dim3A_994], %gather3A_991 : memref<32x512xf32, #tpu.memory_space<vmem>>[vector<16xi32>, vector<16xi32>], vector<16xf32>,
      %dma_wait3A_995 = arith.constant 11 : i32
      %dma_wait3A_996 = arith.constant 0 : i32
      %dma_wait3A_997 = arith.constant 0 : i32
      %dma_wait3A_998 = tpu.memref_slice %arg7[%dma_wait3A_995, %dma_wait3A_996, %dma_wait3A_997] : memref<16x32x128xf32, #tpu.memory_space<vmem>> -> memref<1x32x128xf32, #tpu.memory_space<vmem>>
      %dma_wait3A_999 = tpu.memref_squeeze %dma_wait3A_998 : memref<1x32x128xf32, #tpu.memory_space<vmem>> -> memref<32x128xf32, #tpu.memory_space<vmem>>
      %dma_wait3A_1000 = arith.constant 0 : i32
      %dma_wait3A_1001 = tpu.memref_slice %arg3[%dma_wait3A_1000, %mul3A_423] : memref<32x1000000xf32, #tpu.memory_space<hbm>> -> memref<32x128xf32, #tpu.memory_space<hbm>>
      tpu.wait_indirect_dma semaphore(%arg20 : memref<!tpu.dma_semaphore, #tpu.memory_space<semaphore_mem>>) src(%dma_wait3A_1001 : memref<32x128xf32, #tpu.memory_space<hbm>>) dst(%dma_wait3A_999 : memref<32x128xf32, #tpu.memory_space<vmem>>)
      %add3A_1002 = arith.constant 0 : i32
      %add3A_1003 = vector.broadcast %add3A_1002 : i32 to vector<16xi32>
      %add3A_1004 = arith.addi %iota3A, %add3A_1003 : vector<16xi32>
      %slice3A_1005 = vector.extract_strided_slice %select_n3A_590 {offsets = [11], sizes = [1], strides = [1]} : vector<16xi32> to vector<1xi32>
      %squeeze3A_1006 = vector.extract %slice3A_1005[0] : i32 from vector<1xi32>
      %broadcast_in_dim3A_1007 = vector.broadcast %squeeze3A_1006 : i32 to vector<16xi32>
      %gather3A_1008 = arith.constant 11 : i32
      %gather3A_1009 = arith.constant 0 : i32
      %gather3A_1010 = arith.constant 0 : i32
      %gather3A_1011 = tpu.memref_slice %arg7[%gather3A_1008, %gather3A_1009, %gather3A_1010] : memref<16x32x128xf32, #tpu.memory_space<vmem>> -> memref<1x32x128xf32, #tpu.memory_space<vmem>>
      %gather3A_1012 = tpu.memref_squeeze %gather3A_1011 : memref<1x32x128xf32, #tpu.memory_space<vmem>> -> memref<32x128xf32, #tpu.memory_space<vmem>>
      %gather3A_1013 = tpu.vector_load_idx %gather3A_1012[%add3A_1004, %broadcast_in_dim3A_1007] : memref<32x128xf32, #tpu.memory_space<vmem>>[vector<16xi32>, vector<16xi32>], vector<16xf32>,
      %add3A_1014 = arith.constant 11 : i32
      %add3A_1015 = arith.addi %add3A_20, %add3A_1014 : i32
      %broadcast_in_dim3A_1016 = vector.broadcast %add3A_1015 : i32 to vector<16xi32>
      tpu.vector_store_idx %arg8[%add3A_1004, %broadcast_in_dim3A_1016], %gather3A_1013 : memref<32x512xf32, #tpu.memory_space<vmem>>[vector<16xi32>, vector<16xi32>], vector<16xf32>,
      %add3A_1017 = arith.constant 16 : i32
      %add3A_1018 = vector.broadcast %add3A_1017 : i32 to vector<16xi32>
      %add3A_1019 = arith.addi %iota3A, %add3A_1018 : vector<16xi32>
      %slice3A_1020 = vector.extract_strided_slice %select_n3A_590 {offsets = [11], sizes = [1], strides = [1]} : vector<16xi32> to vector<1xi32>
      %squeeze3A_1021 = vector.extract %slice3A_1020[0] : i32 from vector<1xi32>
      %broadcast_in_dim3A_1022 = vector.broadcast %squeeze3A_1021 : i32 to vector<16xi32>
      %gather3A_1023 = arith.constant 11 : i32
      %gather3A_1024 = arith.constant 0 : i32
      %gather3A_1025 = arith.constant 0 : i32
      %gather3A_1026 = tpu.memref_slice %arg7[%gather3A_1023, %gather3A_1024, %gather3A_1025] : memref<16x32x128xf32, #tpu.memory_space<vmem>> -> memref<1x32x128xf32, #tpu.memory_space<vmem>>
      %gather3A_1027 = tpu.memref_squeeze %gather3A_1026 : memref<1x32x128xf32, #tpu.memory_space<vmem>> -> memref<32x128xf32, #tpu.memory_space<vmem>>
      %gather3A_1028 = tpu.vector_load_idx %gather3A_1027[%add3A_1019, %broadcast_in_dim3A_1022] : memref<32x128xf32, #tpu.memory_space<vmem>>[vector<16xi32>, vector<16xi32>], vector<16xf32>,
      %add3A_1029 = arith.constant 11 : i32
      %add3A_1030 = arith.addi %add3A_20, %add3A_1029 : i32
      %broadcast_in_dim3A_1031 = vector.broadcast %add3A_1030 : i32 to vector<16xi32>
      tpu.vector_store_idx %arg8[%add3A_1019, %broadcast_in_dim3A_1031], %gather3A_1028 : memref<32x512xf32, #tpu.memory_space<vmem>>[vector<16xi32>, vector<16xi32>], vector<16xf32>,
      %dma_wait3A_1032 = arith.constant 12 : i32
      %dma_wait3A_1033 = arith.constant 0 : i32
      %dma_wait3A_1034 = arith.constant 0 : i32
      %dma_wait3A_1035 = tpu.memref_slice %arg7[%dma_wait3A_1032, %dma_wait3A_1033, %dma_wait3A_1034] : memref<16x32x128xf32, #tpu.memory_space<vmem>> -> memref<1x32x128xf32, #tpu.memory_space<vmem>>
      %dma_wait3A_1036 = tpu.memref_squeeze %dma_wait3A_1035 : memref<1x32x128xf32, #tpu.memory_space<vmem>> -> memref<32x128xf32, #tpu.memory_space<vmem>>
      %dma_wait3A_1037 = arith.constant 0 : i32
      %dma_wait3A_1038 = tpu.memref_slice %arg3[%dma_wait3A_1037, %mul3A_458] : memref<32x1000000xf32, #tpu.memory_space<hbm>> -> memref<32x128xf32, #tpu.memory_space<hbm>>
      tpu.wait_indirect_dma semaphore(%arg21 : memref<!tpu.dma_semaphore, #tpu.memory_space<semaphore_mem>>) src(%dma_wait3A_1038 : memref<32x128xf32, #tpu.memory_space<hbm>>) dst(%dma_wait3A_1036 : memref<32x128xf32, #tpu.memory_space<vmem>>)
      %add3A_1039 = arith.constant 0 : i32
      %add3A_1040 = vector.broadcast %add3A_1039 : i32 to vector<16xi32>
      %add3A_1041 = arith.addi %iota3A, %add3A_1040 : vector<16xi32>
      %slice3A_1042 = vector.extract_strided_slice %select_n3A_590 {offsets = [12], sizes = [1], strides = [1]} : vector<16xi32> to vector<1xi32>
      %squeeze3A_1043 = vector.extract %slice3A_1042[0] : i32 from vector<1xi32>
      %broadcast_in_dim3A_1044 = vector.broadcast %squeeze3A_1043 : i32 to vector<16xi32>
      %gather3A_1045 = arith.constant 12 : i32
      %gather3A_1046 = arith.constant 0 : i32
      %gather3A_1047 = arith.constant 0 : i32
      %gather3A_1048 = tpu.memref_slice %arg7[%gather3A_1045, %gather3A_1046, %gather3A_1047] : memref<16x32x128xf32, #tpu.memory_space<vmem>> -> memref<1x32x128xf32, #tpu.memory_space<vmem>>
      %gather3A_1049 = tpu.memref_squeeze %gather3A_1048 : memref<1x32x128xf32, #tpu.memory_space<vmem>> -> memref<32x128xf32, #tpu.memory_space<vmem>>
      %gather3A_1050 = tpu.vector_load_idx %gather3A_1049[%add3A_1041, %broadcast_in_dim3A_1044] : memref<32x128xf32, #tpu.memory_space<vmem>>[vector<16xi32>, vector<16xi32>], vector<16xf32>,
      %add3A_1051 = arith.constant 12 : i32
      %add3A_1052 = arith.addi %add3A_20, %add3A_1051 : i32
      %broadcast_in_dim3A_1053 = vector.broadcast %add3A_1052 : i32 to vector<16xi32>
      tpu.vector_store_idx %arg8[%add3A_1041, %broadcast_in_dim3A_1053], %gather3A_1050 : memref<32x512xf32, #tpu.memory_space<vmem>>[vector<16xi32>, vector<16xi32>], vector<16xf32>,
      %add3A_1054 = arith.constant 16 : i32
      %add3A_1055 = vector.broadcast %add3A_1054 : i32 to vector<16xi32>
      %add3A_1056 = arith.addi %iota3A, %add3A_1055 : vector<16xi32>
      %slice3A_1057 = vector.extract_strided_slice %select_n3A_590 {offsets = [12], sizes = [1], strides = [1]} : vector<16xi32> to vector<1xi32>
      %squeeze3A_1058 = vector.extract %slice3A_1057[0] : i32 from vector<1xi32>
      %broadcast_in_dim3A_1059 = vector.broadcast %squeeze3A_1058 : i32 to vector<16xi32>
      %gather3A_1060 = arith.constant 12 : i32
      %gather3A_1061 = arith.constant 0 : i32
      %gather3A_1062 = arith.constant 0 : i32
      %gather3A_1063 = tpu.memref_slice %arg7[%gather3A_1060, %gather3A_1061, %gather3A_1062] : memref<16x32x128xf32, #tpu.memory_space<vmem>> -> memref<1x32x128xf32, #tpu.memory_space<vmem>>
      %gather3A_1064 = tpu.memref_squeeze %gather3A_1063 : memref<1x32x128xf32, #tpu.memory_space<vmem>> -> memref<32x128xf32, #tpu.memory_space<vmem>>
      %gather3A_1065 = tpu.vector_load_idx %gather3A_1064[%add3A_1056, %broadcast_in_dim3A_1059] : memref<32x128xf32, #tpu.memory_space<vmem>>[vector<16xi32>, vector<16xi32>], vector<16xf32>,
      %add3A_1066 = arith.constant 12 : i32
      %add3A_1067 = arith.addi %add3A_20, %add3A_1066 : i32
      %broadcast_in_dim3A_1068 = vector.broadcast %add3A_1067 : i32 to vector<16xi32>
      tpu.vector_store_idx %arg8[%add3A_1056, %broadcast_in_dim3A_1068], %gather3A_1065 : memref<32x512xf32, #tpu.memory_space<vmem>>[vector<16xi32>, vector<16xi32>], vector<16xf32>,
      %dma_wait3A_1069 = arith.constant 13 : i32
      %dma_wait3A_1070 = arith.constant 0 : i32
      %dma_wait3A_1071 = arith.constant 0 : i32
      %dma_wait3A_1072 = tpu.memref_slice %arg7[%dma_wait3A_1069, %dma_wait3A_1070, %dma_wait3A_1071] : memref<16x32x128xf32, #tpu.memory_space<vmem>> -> memref<1x32x128xf32, #tpu.memory_space<vmem>>
      %dma_wait3A_1073 = tpu.memref_squeeze %dma_wait3A_1072 : memref<1x32x128xf32, #tpu.memory_space<vmem>> -> memref<32x128xf32, #tpu.memory_space<vmem>>
      %dma_wait3A_1074 = arith.constant 0 : i32
      %dma_wait3A_1075 = tpu.memref_slice %arg3[%dma_wait3A_1074, %mul3A_493] : memref<32x1000000xf32, #tpu.memory_space<hbm>> -> memref<32x128xf32, #tpu.memory_space<hbm>>
      tpu.wait_indirect_dma semaphore(%arg22 : memref<!tpu.dma_semaphore, #tpu.memory_space<semaphore_mem>>) src(%dma_wait3A_1075 : memref<32x128xf32, #tpu.memory_space<hbm>>) dst(%dma_wait3A_1073 : memref<32x128xf32, #tpu.memory_space<vmem>>)
      %add3A_1076 = arith.constant 0 : i32
      %add3A_1077 = vector.broadcast %add3A_1076 : i32 to vector<16xi32>
      %add3A_1078 = arith.addi %iota3A, %add3A_1077 : vector<16xi32>
      %slice3A_1079 = vector.extract_strided_slice %select_n3A_590 {offsets = [13], sizes = [1], strides = [1]} : vector<16xi32> to vector<1xi32>
      %squeeze3A_1080 = vector.extract %slice3A_1079[0] : i32 from vector<1xi32>
      %broadcast_in_dim3A_1081 = vector.broadcast %squeeze3A_1080 : i32 to vector<16xi32>
      %gather3A_1082 = arith.constant 13 : i32
      %gather3A_1083 = arith.constant 0 : i32
      %gather3A_1084 = arith.constant 0 : i32
      %gather3A_1085 = tpu.memref_slice %arg7[%gather3A_1082, %gather3A_1083, %gather3A_1084] : memref<16x32x128xf32, #tpu.memory_space<vmem>> -> memref<1x32x128xf32, #tpu.memory_space<vmem>>
      %gather3A_1086 = tpu.memref_squeeze %gather3A_1085 : memref<1x32x128xf32, #tpu.memory_space<vmem>> -> memref<32x128xf32, #tpu.memory_space<vmem>>
      %gather3A_1087 = tpu.vector_load_idx %gather3A_1086[%add3A_1078, %broadcast_in_dim3A_1081] : memref<32x128xf32, #tpu.memory_space<vmem>>[vector<16xi32>, vector<16xi32>], vector<16xf32>,
      %add3A_1088 = arith.constant 13 : i32
      %add3A_1089 = arith.addi %add3A_20, %add3A_1088 : i32
      %broadcast_in_dim3A_1090 = vector.broadcast %add3A_1089 : i32 to vector<16xi32>
      tpu.vector_store_idx %arg8[%add3A_1078, %broadcast_in_dim3A_1090], %gather3A_1087 : memref<32x512xf32, #tpu.memory_space<vmem>>[vector<16xi32>, vector<16xi32>], vector<16xf32>,
      %add3A_1091 = arith.constant 16 : i32
      %add3A_1092 = vector.broadcast %add3A_1091 : i32 to vector<16xi32>
      %add3A_1093 = arith.addi %iota3A, %add3A_1092 : vector<16xi32>
      %slice3A_1094 = vector.extract_strided_slice %select_n3A_590 {offsets = [13], sizes = [1], strides = [1]} : vector<16xi32> to vector<1xi32>
      %squeeze3A_1095 = vector.extract %slice3A_1094[0] : i32 from vector<1xi32>
      %broadcast_in_dim3A_1096 = vector.broadcast %squeeze3A_1095 : i32 to vector<16xi32>
      %gather3A_1097 = arith.constant 13 : i32
      %gather3A_1098 = arith.constant 0 : i32
      %gather3A_1099 = arith.constant 0 : i32
      %gather3A_1100 = tpu.memref_slice %arg7[%gather3A_1097, %gather3A_1098, %gather3A_1099] : memref<16x32x128xf32, #tpu.memory_space<vmem>> -> memref<1x32x128xf32, #tpu.memory_space<vmem>>
      %gather3A_1101 = tpu.memref_squeeze %gather3A_1100 : memref<1x32x128xf32, #tpu.memory_space<vmem>> -> memref<32x128xf32, #tpu.memory_space<vmem>>
      %gather3A_1102 = tpu.vector_load_idx %gather3A_1101[%add3A_1093, %broadcast_in_dim3A_1096] : memref<32x128xf32, #tpu.memory_space<vmem>>[vector<16xi32>, vector<16xi32>], vector<16xf32>,
      %add3A_1103 = arith.constant 13 : i32
      %add3A_1104 = arith.addi %add3A_20, %add3A_1103 : i32
      %broadcast_in_dim3A_1105 = vector.broadcast %add3A_1104 : i32 to vector<16xi32>
      tpu.vector_store_idx %arg8[%add3A_1093, %broadcast_in_dim3A_1105], %gather3A_1102 : memref<32x512xf32, #tpu.memory_space<vmem>>[vector<16xi32>, vector<16xi32>], vector<16xf32>,
      %dma_wait3A_1106 = arith.constant 14 : i32
      %dma_wait3A_1107 = arith.constant 0 : i32
      %dma_wait3A_1108 = arith.constant 0 : i32
      %dma_wait3A_1109 = tpu.memref_slice %arg7[%dma_wait3A_1106, %dma_wait3A_1107, %dma_wait3A_1108] : memref<16x32x128xf32, #tpu.memory_space<vmem>> -> memref<1x32x128xf32, #tpu.memory_space<vmem>>
      %dma_wait3A_1110 = tpu.memref_squeeze %dma_wait3A_1109 : memref<1x32x128xf32, #tpu.memory_space<vmem>> -> memref<32x128xf32, #tpu.memory_space<vmem>>
      %dma_wait3A_1111 = arith.constant 0 : i32
      %dma_wait3A_1112 = tpu.memref_slice %arg3[%dma_wait3A_1111, %mul3A_528] : memref<32x1000000xf32, #tpu.memory_space<hbm>> -> memref<32x128xf32, #tpu.memory_space<hbm>>
      tpu.wait_indirect_dma semaphore(%arg23 : memref<!tpu.dma_semaphore, #tpu.memory_space<semaphore_mem>>) src(%dma_wait3A_1112 : memref<32x128xf32, #tpu.memory_space<hbm>>) dst(%dma_wait3A_1110 : memref<32x128xf32, #tpu.memory_space<vmem>>)
      %add3A_1113 = arith.constant 0 : i32
      %add3A_1114 = vector.broadcast %add3A_1113 : i32 to vector<16xi32>
      %add3A_1115 = arith.addi %iota3A, %add3A_1114 : vector<16xi32>
      %slice3A_1116 = vector.extract_strided_slice %select_n3A_590 {offsets = [14], sizes = [1], strides = [1]} : vector<16xi32> to vector<1xi32>
      %squeeze3A_1117 = vector.extract %slice3A_1116[0] : i32 from vector<1xi32>
      %broadcast_in_dim3A_1118 = vector.broadcast %squeeze3A_1117 : i32 to vector<16xi32>
      %gather3A_1119 = arith.constant 14 : i32
      %gather3A_1120 = arith.constant 0 : i32
      %gather3A_1121 = arith.constant 0 : i32
      %gather3A_1122 = tpu.memref_slice %arg7[%gather3A_1119, %gather3A_1120, %gather3A_1121] : memref<16x32x128xf32, #tpu.memory_space<vmem>> -> memref<1x32x128xf32, #tpu.memory_space<vmem>>
      %gather3A_1123 = tpu.memref_squeeze %gather3A_1122 : memref<1x32x128xf32, #tpu.memory_space<vmem>> -> memref<32x128xf32, #tpu.memory_space<vmem>>
      %gather3A_1124 = tpu.vector_load_idx %gather3A_1123[%add3A_1115, %broadcast_in_dim3A_1118] : memref<32x128xf32, #tpu.memory_space<vmem>>[vector<16xi32>, vector<16xi32>], vector<16xf32>,
      %add3A_1125 = arith.constant 14 : i32
      %add3A_1126 = arith.addi %add3A_20, %add3A_1125 : i32
      %broadcast_in_dim3A_1127 = vector.broadcast %add3A_1126 : i32 to vector<16xi32>
      tpu.vector_store_idx %arg8[%add3A_1115, %broadcast_in_dim3A_1127], %gather3A_1124 : memref<32x512xf32, #tpu.memory_space<vmem>>[vector<16xi32>, vector<16xi32>], vector<16xf32>,
      %add3A_1128 = arith.constant 16 : i32
      %add3A_1129 = vector.broadcast %add3A_1128 : i32 to vector<16xi32>
      %add3A_1130 = arith.addi %iota3A, %add3A_1129 : vector<16xi32>
      %slice3A_1131 = vector.extract_strided_slice %select_n3A_590 {offsets = [14], sizes = [1], strides = [1]} : vector<16xi32> to vector<1xi32>
      %squeeze3A_1132 = vector.extract %slice3A_1131[0] : i32 from vector<1xi32>
      %broadcast_in_dim3A_1133 = vector.broadcast %squeeze3A_1132 : i32 to vector<16xi32>
      %gather3A_1134 = arith.constant 14 : i32
      %gather3A_1135 = arith.constant 0 : i32
      %gather3A_1136 = arith.constant 0 : i32
      %gather3A_1137 = tpu.memref_slice %arg7[%gather3A_1134, %gather3A_1135, %gather3A_1136] : memref<16x32x128xf32, #tpu.memory_space<vmem>> -> memref<1x32x128xf32, #tpu.memory_space<vmem>>
      %gather3A_1138 = tpu.memref_squeeze %gather3A_1137 : memref<1x32x128xf32, #tpu.memory_space<vmem>> -> memref<32x128xf32, #tpu.memory_space<vmem>>
      %gather3A_1139 = tpu.vector_load_idx %gather3A_1138[%add3A_1130, %broadcast_in_dim3A_1133] : memref<32x128xf32, #tpu.memory_space<vmem>>[vector<16xi32>, vector<16xi32>], vector<16xf32>,
      %add3A_1140 = arith.constant 14 : i32
      %add3A_1141 = arith.addi %add3A_20, %add3A_1140 : i32
      %broadcast_in_dim3A_1142 = vector.broadcast %add3A_1141 : i32 to vector<16xi32>
      tpu.vector_store_idx %arg8[%add3A_1130, %broadcast_in_dim3A_1142], %gather3A_1139 : memref<32x512xf32, #tpu.memory_space<vmem>>[vector<16xi32>, vector<16xi32>], vector<16xf32>,
      %dma_wait3A_1143 = arith.constant 15 : i32
      %dma_wait3A_1144 = arith.constant 0 : i32
      %dma_wait3A_1145 = arith.constant 0 : i32
      %dma_wait3A_1146 = tpu.memref_slice %arg7[%dma_wait3A_1143, %dma_wait3A_1144, %dma_wait3A_1145] : memref<16x32x128xf32, #tpu.memory_space<vmem>> -> memref<1x32x128xf32, #tpu.memory_space<vmem>>
      %dma_wait3A_1147 = tpu.memref_squeeze %dma_wait3A_1146 : memref<1x32x128xf32, #tpu.memory_space<vmem>> -> memref<32x128xf32, #tpu.memory_space<vmem>>
      %dma_wait3A_1148 = arith.constant 0 : i32
      %dma_wait3A_1149 = tpu.memref_slice %arg3[%dma_wait3A_1148, %mul3A_563] : memref<32x1000000xf32, #tpu.memory_space<hbm>> -> memref<32x128xf32, #tpu.memory_space<hbm>>
      tpu.wait_indirect_dma semaphore(%arg24 : memref<!tpu.dma_semaphore, #tpu.memory_space<semaphore_mem>>) src(%dma_wait3A_1149 : memref<32x128xf32, #tpu.memory_space<hbm>>) dst(%dma_wait3A_1147 : memref<32x128xf32, #tpu.memory_space<vmem>>)
      %add3A_1150 = arith.constant 0 : i32
      %add3A_1151 = vector.broadcast %add3A_1150 : i32 to vector<16xi32>
      %add3A_1152 = arith.addi %iota3A, %add3A_1151 : vector<16xi32>
      %slice3A_1153 = vector.extract_strided_slice %select_n3A_590 {offsets = [15], sizes = [1], strides = [1]} : vector<16xi32> to vector<1xi32>
      %squeeze3A_1154 = vector.extract %slice3A_1153[0] : i32 from vector<1xi32>
      %broadcast_in_dim3A_1155 = vector.broadcast %squeeze3A_1154 : i32 to vector<16xi32>
      %gather3A_1156 = arith.constant 15 : i32
      %gather3A_1157 = arith.constant 0 : i32
      %gather3A_1158 = arith.constant 0 : i32
      %gather3A_1159 = tpu.memref_slice %arg7[%gather3A_1156, %gather3A_1157, %gather3A_1158] : memref<16x32x128xf32, #tpu.memory_space<vmem>> -> memref<1x32x128xf32, #tpu.memory_space<vmem>>
      %gather3A_1160 = tpu.memref_squeeze %gather3A_1159 : memref<1x32x128xf32, #tpu.memory_space<vmem>> -> memref<32x128xf32, #tpu.memory_space<vmem>>
      %gather3A_1161 = tpu.vector_load_idx %gather3A_1160[%add3A_1152, %broadcast_in_dim3A_1155] : memref<32x128xf32, #tpu.memory_space<vmem>>[vector<16xi32>, vector<16xi32>], vector<16xf32>,
      %add3A_1162 = arith.constant 15 : i32
      %add3A_1163 = arith.addi %add3A_20, %add3A_1162 : i32
      %broadcast_in_dim3A_1164 = vector.broadcast %add3A_1163 : i32 to vector<16xi32>
      tpu.vector_store_idx %arg8[%add3A_1152, %broadcast_in_dim3A_1164], %gather3A_1161 : memref<32x512xf32, #tpu.memory_space<vmem>>[vector<16xi32>, vector<16xi32>], vector<16xf32>,
      %add3A_1165 = arith.constant 16 : i32
      %add3A_1166 = vector.broadcast %add3A_1165 : i32 to vector<16xi32>
      %add3A_1167 = arith.addi %iota3A, %add3A_1166 : vector<16xi32>
      %slice3A_1168 = vector.extract_strided_slice %select_n3A_590 {offsets = [15], sizes = [1], strides = [1]} : vector<16xi32> to vector<1xi32>
      %squeeze3A_1169 = vector.extract %slice3A_1168[0] : i32 from vector<1xi32>
      %broadcast_in_dim3A_1170 = vector.broadcast %squeeze3A_1169 : i32 to vector<16xi32>
      %gather3A_1171 = arith.constant 15 : i32
      %gather3A_1172 = arith.constant 0 : i32
      %gather3A_1173 = arith.constant 0 : i32
      %gather3A_1174 = tpu.memref_slice %arg7[%gather3A_1171, %gather3A_1172, %gather3A_1173] : memref<16x32x128xf32, #tpu.memory_space<vmem>> -> memref<1x32x128xf32, #tpu.memory_space<vmem>>
      %gather3A_1175 = tpu.memref_squeeze %gather3A_1174 : memref<1x32x128xf32, #tpu.memory_space<vmem>> -> memref<32x128xf32, #tpu.memory_space<vmem>>
      %gather3A_1176 = tpu.vector_load_idx %gather3A_1175[%add3A_1167, %broadcast_in_dim3A_1170] : memref<32x128xf32, #tpu.memory_space<vmem>>[vector<16xi32>, vector<16xi32>], vector<16xf32>,
      %add3A_1177 = arith.constant 15 : i32
      %add3A_1178 = arith.addi %add3A_20, %add3A_1177 : i32
      %broadcast_in_dim3A_1179 = vector.broadcast %add3A_1178 : i32 to vector<16xi32>
      tpu.vector_store_idx %arg8[%add3A_1167, %broadcast_in_dim3A_1179], %gather3A_1176 : memref<32x512xf32, #tpu.memory_space<vmem>>[vector<16xi32>, vector<16xi32>], vector<16xf32>,
    }
    %scan3A_15 = arith.constant 32 : i32
    "tpu.region"() ({
      %run_scoped3A = tpu.sem_alloc : memref<!tpu.dma_semaphore, #tpu.memory_space<semaphore_mem>>
      %dma_start3A = arith.constant 0 : i32
      %dma_start3A_16 = tpu.memref_slice %arg4[%dma_start3A, %mul3A_2] : memref<32x16384xf32, #tpu.memory_space<hbm>> -> memref<32x512xf32, #tpu.memory_space<hbm>>
      %dma_start3A_17 = arith.constant 0 : i32
      %dma_start3A_18 = tpu.memref_slice %arg4[%dma_start3A_17, %mul3A_2] : memref<32x16384xf32, #tpu.memory_space<hbm>> -> memref<32x512xf32, #tpu.memory_space<hbm>>
      tpu.enqueue_dma source(%arg8 : memref<32x512xf32, #tpu.memory_space<vmem>>) target(%dma_start3A_18 : memref<32x512xf32, #tpu.memory_space<hbm>>) target_semaphore(%run_scoped3A : memref<!tpu.dma_semaphore, #tpu.memory_space<semaphore_mem>>)
      %dma_wait3A = arith.constant 0 : i32
      %dma_wait3A_19 = tpu.memref_slice %arg4[%dma_wait3A, %mul3A_2] : memref<32x16384xf32, #tpu.memory_space<hbm>> -> memref<32x512xf32, #tpu.memory_space<hbm>>
      %dma_wait3A_20 = arith.constant 0 : i32
      %dma_wait3A_21 = tpu.memref_slice %arg4[%dma_wait3A_20, %mul3A_2] : memref<32x16384xf32, #tpu.memory_space<hbm>> -> memref<32x512xf32, #tpu.memory_space<hbm>>
      tpu.wait_dma2 semaphore(%run_scoped3A : memref<!tpu.dma_semaphore, #tpu.memory_space<semaphore_mem>>) src(%arg8 : memref<32x512xf32, #tpu.memory_space<vmem>>) dst(%dma_wait3A_21 : memref<32x512xf32, #tpu.memory_space<hbm>>)
      tpu.yield
    }) : () -> ()
    return
  }
}

</mosaic_0001>

<sc_bundles>
// kernel: kernel.3.cloned.1.call-start
scs
__scs_entry_jumppad:
0x0: {  	(pc) =	sbr.rel $0x88, $3  }
0x1: {  	(tag) =	ssettag $0x0;
	lr =	simm.s32 $0x1  }
0x2: {  	[smem:$0x3F9F] =	sst lr;
	_ =	strace $0xD0000000  }
0x3: {  	_ = 	snop  }
0x4: {  	_ = 	snop  }
0x5: {  	_ = 	snop  }
0x6: {  	_ = 	snop  }
0x7: {  	_ = 	snop  }
__scs_overlays_trampoline_lowered:
0x8: {  	[smem:$0x3FAE] =	sst s0  }
0x9: {  	[smem:$0x3FAF] =	sst s1  }
0xa: {  	[smem:$0x3FB0] =	sst s2  }
0xb: {  	[smem:$0x3FB1] =	sst s3  }
0xc: {  	[smem:$0x3FB2] =	sst s4  }
0xd: {  	[smem:$0x3FB3] =	sst s5  }
0xe: {  	[smem:$0x3FB4] =	sst s6  }
0xf: {  	[smem:$0x3FB5] =	sst s7  }
0x10: {  	[smem:$0x3FB6] =	sst s8  }
0x11: {  	[smem:$0x3FB7] =	sst s9;
	s0 =	simm.s32 @!p0 $0x0  }
0x12: {  	s1 =	sld [smem:$0x3F9D];
	s0 =	simm.s32 @p0 $0x1  }
0x13: {  	[smem:$0x3FB8] =	sst s0;
	s0 =	simm.s32 @!p1 $0x0  }
0x14: {  	s2 =	sld [smem:$0x3F9C];
	s0 =	simm.s32 @p1 $0x1  }
0x15: {  	[smem:$0x3FB9] =	sst s0;
	s0 =	simm.s32 @!p2 $0x0  }
0x16: {  	s3 =	sld [smem:$0x3FDB];
	s0 =	simm.s32 @p2 $0x1  }
0x17: {  	s4 =	simm.s32 $0x1BF5;
	[smem:$0x3FBB] =	sst s0  }
0x18: {  	s0 =	sld [smem:$0x3F9E];
	_ =	swait.ge [sflag:s4], $0x0  }
0x19: {  	s7 =	sld [smem:$0x3F9F]  }
0x1a: {  	s8 =	sadd.s32 $0xFFFFE003, lr  }
0x1b: {  	s9 =	sadd.s32 $0xFFFFFEF7, lr;
	s5 =	simm.s32 $0xFFFFFFFF;
	p2 =	slt.u32 s8, $0xFFFFF086  }
0x1c: {  	p1 =	slt.u32 s9, $0xF7A;
	s5 =	simm.s32 @!p2 $0x0  }
0x1d: {  	s5 =	simm.s32 @p1 $0x1;
	p0 =	seq.s32 s7, s2  }
0x1e: {  	s7 =	smul.u32 @!p0 $0xF7A, s2;
	p2 =	seq.s32 @!p0 s5, $0x0  }
0x1f: {  	s9 =	smul.u32 $0xF7A, s1;
	s8 =	simm.s32 @!p0 $0x1BF5;
	p2 =	por !p2, p0  }
0x20: {  	[sflag:s8] =	ssyncset.s32 @!p0 $0xFFFFF086;
	s6 =	sadd.s32 @!p0 s3, s7;
	s7 =	simm.s32 @!p0 $0x108  }
0x21: {  	s3 =	sadd.s32 s3, s9;
	s6 =	sadd.s32 @!p0 $0x88, s6;
	s7 =	simm.s32 @p2 $0x1082  }
0x22: {  	[simem:s7], [sflag:s8] =	dma.local @!p0 [hbm:s6], $0xF7A  }
0x23: {  	s9 =	sor.u32 $0xD0000000, s2;
	s6 =	simm.s32 $0x108;
	_ =	swait.ge @!p0 [sflag:s8], $0x0  }
0x24: {  	s3 =	sadd.s32 $0x88, s3;
	s6 =	simm.s32 @!p1 $0x1082;
	[sflag:s4] =	ssyncset.s32 $0xFFFFF086  }
0x25: {  	[simem:s6], [sflag:s4] =	dma.local [hbm:s3], $0xF7A  }
0x26: {  	[smem:$0x3F9F] =	sst s1;
	(tag) =	ssettag s2;
	_ =	strace s9  }
0x27: {  	s1 =	sld [smem:$0x3FAF]  }
0x28: {  	s2 =	sld [smem:$0x3FB0]  }
0x29: {  	s4 =	sld [smem:$0x3FB2]  }
0x2a: {  	p0 =	seq.s32 s5, $0x0;
	s5 =	sld [smem:$0x3FB3]  }
0x2b: {  	s6 =	sld [smem:$0x3FB4]  }
0x2c: {  	s7 =	sld [smem:$0x3FB5]  }
0x2d: {  	s3 =	simm.s32 $0x108;
	s8 =	sld [smem:$0x3FB6]  }
0x2e: {  	s3 =	simm.s32 @!p0 $0x1082;
	s9 =	sld [smem:$0x3FB7]  }
0x2f: {  	lr =	sadd.s32 s0, s3;
	s0 =	sld [smem:$0x3FAE]  }
0x30: {  	s3 =	sld [smem:$0x3FB1]  }
0x31: {  	[smem:$0x3FBA] =	sst s10  }
0x32: {  	s10 =	sld [smem:$0x3FB8];
	_ =	sdelay $0x3  }
0x33: {  	p0 =	seq.s32 s10, $0x1;
	s10 =	sld [smem:$0x3FBA];
	_ =	sdelay $0x3  }
0x34: {  	[smem:$0x3FBA] =	sst s10  }
0x35: {  	s10 =	sld [smem:$0x3FB9];
	_ =	sdelay $0x3  }
0x36: {  	p1 =	seq.s32 s10, $0x1;
	s10 =	sld [smem:$0x3FBA];
	_ =	sdelay $0x3  }
0x37: {  	[smem:$0x3FBA] =	sst s10  }
0x38: {  	s10 =	sld [smem:$0x3FBB]  }
0x39: {  	_ = 	snop;
	(pc) =	sbr.ind lr, $3  }
0x3a: {  	_ = 	snop  }
0x3b: {  	_ = 	snop  }
0x3c: {  	p2 =	seq.s32 s10, $0x1;
	s10 =	sld [smem:$0x3FBA]  }
0x3d: {  	_ =	shalt  }
0x3e: {  	_ =	shalt  }
0x3f: {  	_ =	shalt  }
0x40: {  	_ =	shalt  }
0x41: {  	_ =	shalt  }
0x42: {  	_ =	shalt  }
0x43: {  	_ =	shalt  }
0x44: {  	_ =	shalt  }
0x45: {  	_ =	shalt  }
0x46: {  	_ =	shalt  }
0x47: {  	_ =	shalt  }
0x48: {  	_ =	shalt  }
0x49: {  	_ =	shalt  }
0x4a: {  	_ =	shalt  }
0x4b: {  	_ =	shalt  }
0x4c: {  	_ =	shalt  }
0x4d: {  	_ =	shalt  }
0x4e: {  	_ =	shalt  }
0x4f: {  	_ =	shalt  }
0x50: {  	_ =	shalt  }
0x51: {  	_ =	shalt  }
0x52: {  	_ =	shalt  }
0x53: {  	_ =	shalt  }
0x54: {  	_ =	shalt  }
0x55: {  	_ =	shalt  }
0x56: {  	_ =	shalt  }
0x57: {  	_ =	shalt  }
0x58: {  	_ =	shalt  }
0x59: {  	_ =	shalt  }
0x5a: {  	_ =	shalt  }
0x5b: {  	_ =	shalt  }
0x5c: {  	_ =	shalt  }
0x5d: {  	_ =	shalt  }
0x5e: {  	_ =	shalt  }
0x5f: {  	_ =	shalt  }
0x60: {  	_ =	shalt  }
0x61: {  	_ =	shalt  }
0x62: {  	_ =	shalt  }
0x63: {  	_ =	shalt  }
0x64: {  	_ =	shalt  }
0x65: {  	_ =	shalt  }
0x66: {  	_ =	shalt  }
0x67: {  	_ =	shalt  }
0x68: {  	_ =	shalt  }
0x69: {  	_ =	shalt  }
0x6a: {  	_ =	shalt  }
0x6b: {  	_ =	shalt  }
0x6c: {  	_ =	shalt  }
0x6d: {  	_ =	shalt  }
0x6e: {  	_ =	shalt  }
0x6f: {  	_ =	shalt  }
0x70: {  	_ =	shalt  }
0x71: {  	_ =	shalt  }
0x72: {  	_ =	shalt  }
0x73: {  	_ =	shalt  }
0x74: {  	_ =	shalt  }
0x75: {  	_ =	shalt  }
0x76: {  	_ =	shalt  }
0x77: {  	_ =	shalt  }
0x78: {  	_ =	shalt  }
0x79: {  	_ =	shalt  }
0x7a: {  	_ =	shalt  }
0x7b: {  	_ =	shalt  }
0x7c: {  	_ =	shalt  }
0x7d: {  	_ =	shalt  }
0x7e: {  	_ =	shalt  }
0x7f: {  	_ =	shalt  }
0x80: {  	_ =	shalt  }
0x81: {  	_ =	shalt  }
0x82: {  	_ =	shalt  }
0x83: {  	_ =	shalt  }
0x84: {  	_ =	shalt  }
0x85: {  	_ =	shalt  }
0x86: {  	_ =	shalt  }
0x87: {  	_ =	shalt  }
.Lfunc_end0:
.L_simem_size_0:
called_computation_lowered:
.L_overlay_start_0:
0x88: {  	s2 =	sld [smem:$0x3FD9]  }
0x89: {  	s3 =	sld [smem:$0x3FFE];
	_ =	sdelay $0x1  }
0x8a: {  	s1 =	srdreg.scid  }
0x8b: {  	s0 =	sand.u32 $0x1, s1  }
0x8c: {  	s18 =	sshll.u32 s0, $0xA;
	s2 =	sadd.s32 s3, s2  }
0x8d: {  	s2 =	sadd.s32 s2, s18  }
0x8e: {  	[smem:$0x3FC6] =	sst s2  }
0x8f: {  	_ = 	snop  }
0x90: {  	s2 =	sld [smem:$0x3FC9]  }
0x91: {  	s19 =	sld [smem:$0x3FC8]  }
0x92: {  	s4 =	sld [smem:$0x3FD0];
	(tm) =	ssettm $0x1  }
0x93: {  	s5 =	sld [smem:$0x3FFB];
	_ =	sdelay $0x3  }
0x94: {  	_ =	strace s5  }
0x95: {  	s5 =	sld [smem:$0x3FFC];
	_ =	sdelay $0x3  }
0x96: {  	_ =	strace s5  }
0x97: {  	s5 =	sld [smem:$0x3FFD];
	_ =	sdelay $0x3  }
0x98: {  	_ =	strace s5  }
0x99: {  	_ =	strace $0x8FFFFFFF  }
0x9a: {  	s20 =	sld [smem:$0x3FDB];
	_ =	sdelay $0x1  }
0x9b: {  	s6 =	simm.s32 $_scs_section_size  }
0x9c: {  	s7 =	simm.s32 $_size__tile_overlayer_lowered;
	s8 =	simm.s32 $_tile_overlayer_lowered  }
0x9d: {  	s23 =	simm.s32 $0x1BFF;
	s22 =	sshll.u32 s8, $0x1;
	s5 =	sadd.s32 s6, s20  }
0x9e: {  	s9 =	simm.s32 $0x0;
	s21 =	sshll.u32 s7, $0x1;
	s7 =	sadd.s32 s22, s5  }
0x9f: {  	[timem:s9], [sflag:s23] =	dma.local [hbm:s7], s21  }
0xa0: {  	_ =	swait.ge [sflag:s23], s21  }
0xa1: {  	s6 =	ssub.s32 $0x0, s21;
	[sflag:s23] =	ssyncset.done $0x0  }
0xa2: {  	[sflag:s23] =	ssyncadd.s32 s6;
	_ =	sdelay $0x1  }
0xa3: {  	s24 =	simm.s32 $0x1B8B  }
0xa4: {  	_ =	swait.ge [sflag:s24], $0x1  }
0xa5: {  	[sflag:s24] =	ssyncset.done $0x0  }
0xa6: {  	s25 =	simm.s32 $0x1B8E;
	[sflag:s24] =	ssyncadd.s32 $0xFFFFFFFF  }
0xa7: {  	s26 =	simm.s32 $execute0_lowered;
	[smem:$0x3FD2] =	sst s25  }
0xa8: {  	s6 =	sshll.u32 s26, $0x1;
	_ =	strace $0x80000046;
	[dreg:$0x1] =	wrdreg $0xFFFFFFFF  }
0xa9: {  	s28 =	simm.s32 $_size_execute0_lowered;
	s5 =	sadd.s32 s5, s6;
	[dreg:$0x0] =	wrdreg $0x0  }
0xaa: {  	s6 =	sshll.u32 s28, $0x1;
	[dreg:$0x2] =	wrdreg s5  }
0xab: {  	[dreg:$0x3] =	wrdreg s6  }
0xac: {  	[dreg:$0x4] =	wrdreg $0xC0  }
0xad: {  	_ =	task [dreg:s9], $0x5FFFF  }
0xae: {  	[dreg:$0x1] =	wrdreg $0xFFFFFFFF  }
0xaf: {  	[dreg:$0x0] =	wrdreg $0x60  }
0xb0: {  	[dreg:$0x2] =	wrdreg s2  }
0xb1: {  	[dreg:$0x3] =	wrdreg s19  }
0xb2: {  	[dreg:$0x4] =	wrdreg s4  }
0xb3: {  	[dreg:$0x5] =	wrdreg $0x9  }
0xb4: {  	_ =	task.clear_ibuf [dreg:s9], $0x6FFFF;
	_ =	strace $0x90000046  }
0xb5: {  	s29 =	simm.s32 $0x9;
	_ =	strace $0x80000048  }
0xb6: {  	_ =	swait.ge [sflag:s29], $0x1  }
0xb7: {  	[sflag:s29] =	ssyncadd.s32 $0xFFFFFFFF  }
0xb8: {  	_ =	strace $0x90000048  }
0xb9: {  	_ =	sfence  }
0xba: {  	s30 =	sld [smem:$0x0];
	_ =	sdelay $0x2  }
0xbb: {  	s31 =	sshll.u32 s1, $0xD;
	s1 =	sshrl.u32 s1, $0x2  }
0xbc: {  	s3 =	sand.u32 $0x4000, s31;
	s1 =	sadd.s32 s1, s30  }
0xbd: {  	s0 =	sor.u32 s3, s0;
	s1 =	sshll.u32 s1, $0x11  }
0xbe: {  	s0 =	sor.u32 s1, s0  }
0xbf: {  	s0 =	sadd.s32 $0x8F2B, s0  }
0xc0: {  	[sflag:s0] =	ssyncadd.remote.s32 $0x1  }
0xc1: {  	_ =	sfence.sel $0xFFFF  }
0xc2: {  	[dreg:$0x0] =	wrdreg $0xFFFFFFFF;
	(pc) =	sbr.abs _section_cstart, $3  }
0xc3: {  	[dreg:$0x1] =	wrdreg $0xFFFFFFFF  }
0xc4: {  	_ =	task.clear_ibuf [dreg:s9], $0x2FFFF;
	_ =	strace $0x9FFFFFFF  }
0xc5: {  	(tm) =	ssettm $0x7FFFFFFF  }
tec
execute0_lowered:
.L_overlay_start_1:
0x0: {  	(tag) =	ssettag $0x1  }
0x1: {  	s3 =	rddreg [dreg:$0x0]  }
0x2: {  	s1 =	rddreg [dreg:$0x1]  }
0x3: {  	s0 =	rddreg [dreg:$0x2];
	s2 =	simm.s32 $0x0  }
0x4: {  	s4 =	simm.s32 $0x300;
	[smem:$0x7FF] =	sst s2  }
0x5: {  	s23 =	simm.s32 $0x380;
	_ =	strace $0x80000047;
	[dreg:$0x4] =	wrdreg s4  }
0x6: {  	s24 =	simm.s32 $0x400;
	[dreg:$0x5] =	wrdreg s23  }
0x7: {  	s25 =	simm.s32 $0x480;
	[dreg:$0x6] =	wrdreg s24  }
0x8: {  	s26 =	simm.s32 $0x500;
	[dreg:$0x7] =	wrdreg s25  }
0x9: {  	s5 =	simm.s32 $0x580;
	[dreg:$0x8] =	wrdreg s26  }
0xa: {  	s6 =	simm.s32 $0x600;
	[dreg:$0x9] =	wrdreg s5  }
0xb: {  	s7 =	simm.s32 $0x680;
	[dreg:$0xa] =	wrdreg s6  }
0xc: {  	s8 =	simm.s32 $0x700;
	[dreg:$0xb] =	wrdreg s7  }
0xd: {  	s9 =	simm.s32 $0x780;
	[dreg:$0xc] =	wrdreg s8  }
0xe: {  	s10 =	simm.s32 $0x800;
	[dreg:$0xd] =	wrdreg s9  }
0xf: {  	s11 =	simm.s32 $0x880;
	[dreg:$0xe] =	wrdreg s10  }
0x10: {  	s12 =	simm.s32 $0x900;
	[dreg:$0xf] =	wrdreg s11  }
0x11: {  	s13 =	simm.s32 $0x980;
	[dreg:$0x10] =	wrdreg s12  }
0x12: {  	s14 =	simm.s32 $0xA00;
	[dreg:$0x11] =	wrdreg s13  }
0x13: {  	s15 =	simm.s32 $0xA80;
	[dreg:$0x12] =	wrdreg s14  }
0x14: {  	s16 =	simm.s32 $0xB00;
	[dreg:$0x13] =	wrdreg s15  }
0x15: {  	s17 =	simm.s32 $0xB80;
	[dreg:$0x14] =	wrdreg s16  }
0x16: {  	s18 =	simm.s32 $0xC00;
	[dreg:$0x15] =	wrdreg s17  }
0x17: {  	s19 =	simm.s32 $0xC80;
	[dreg:$0x16] =	wrdreg s18  }
0x18: {  	s20 =	simm.s32 $0xD00;
	[dreg:$0x17] =	wrdreg s19  }
0x19: {  	s21 =	simm.s32 $0xD80;
	[dreg:$0x18] =	wrdreg s20  }
0x1a: {  	s22 =	simm.s32 $0xE00;
	[dreg:$0x19] =	wrdreg s21  }
0x1b: {  	[dreg:$0x1a] =	wrdreg s22;
	s23 =	simm.s32 $0xE80  }
0x1c: {  	s24 =	simm.s32 $0xF00;
	[dreg:$0x1b] =	wrdreg s23  }
0x1d: {  	s25 =	simm.s32 $0xF80;
	[dreg:$0x1c] =	wrdreg s24  }
0x1e: {  	s26 =	simm.s32 $0x1080;
	[dreg:$0x1d] =	wrdreg s25  }
0x1f: {  	s5 =	simm.s32 $0x1100;
	[dreg:$0x1e] =	wrdreg s26  }
0x20: {  	s6 =	simm.s32 $0x1180;
	[dreg:$0x1f] =	wrdreg s5  }
0x21: {  	s7 =	simm.s32 $0x1200;
	[smem:$0x628] =	sst s6  }
0x22: {  	s8 =	simm.s32 $0x1300;
	[smem:$0x629] =	sst s7  }
0x23: {  	s9 =	simm.s32 $0x1380;
	[smem:$0x62A] =	sst s8  }
0x24: {  	s10 =	simm.s32 $0x1400;
	[smem:$0x62B] =	sst s9  }
0x25: {  	s11 =	simm.s32 $0x1480;
	[smem:$0x62C] =	sst s10  }
0x26: {  	s12 =	simm.s32 $0x1500;
	[smem:$0x62D] =	sst s11  }
0x27: {  	s13 =	simm.s32 $0x1580;
	[smem:$0x62E] =	sst s12  }
0x28: {  	s14 =	simm.s32 $0x1600;
	[smem:$0x62F] =	sst s13  }
0x29: {  	s15 =	simm.s32 $0x1680;
	[smem:$0x630] =	sst s14  }
0x2a: {  	s16 =	simm.s32 $0x1700;
	[smem:$0x631] =	sst s15  }
0x2b: {  	s17 =	simm.s32 $0x1780;
	[smem:$0x632] =	sst s16  }
0x2c: {  	s18 =	simm.s32 $0x1800;
	[smem:$0x633] =	sst s17  }
0x2d: {  	s19 =	simm.s32 $0x1880;
	[smem:$0x634] =	sst s18  }
0x2e: {  	s20 =	simm.s32 $0x1900;
	[smem:$0x635] =	sst s19  }
0x2f: {  	s21 =	simm.s32 $0x1980;
	[smem:$0x636] =	sst s20  }
0x30: {  	s22 =	simm.s32 $0x1A00;
	[smem:$0x637] =	sst s21  }
0x31: {  	[smem:$0x638] =	sst s22;
	s23 =	simm.s32 $0x1A80  }
0x32: {  	s24 =	simm.s32 $0x1B00;
	[smem:$0x639] =	sst s23  }
0x33: {  	s25 =	simm.s32 $0x1B80;
	[smem:$0x63A] =	sst s24  }
0x34: {  	s26 =	simm.s32 $0x1C00;
	[smem:$0x63B] =	sst s25  }
0x35: {  	s5 =	simm.s32 $0x1C80;
	[smem:$0x63C] =	sst s26  }
0x36: {  	s6 =	simm.s32 $0x1D00;
	[smem:$0x63D] =	sst s5  }
0x37: {  	s7 =	simm.s32 $0x1D80;
	[smem:$0x63E] =	sst s6  }
0x38: {  	s8 =	simm.s32 $0x1E00;
	[smem:$0x63F] =	sst s7  }
0x39: {  	s9 =	simm.s32 $0x1E80;
	[smem:$0x640] =	sst s8  }
0x3a: {  	s10 =	simm.s32 $0x1F00;
	[smem:$0x641] =	sst s9  }
0x3b: {  	s11 =	simm.s32 $0x1F80;
	[smem:$0x642] =	sst s10  }
0x3c: {  	s12 =	simm.s32 $0x2000;
	[smem:$0x643] =	sst s11  }
0x3d: {  	s13 =	simm.s32 $0x2080;
	[smem:$0x644] =	sst s12  }
0x3e: {  	s14 =	simm.s32 $0x2100;
	[smem:$0x645] =	sst s13  }
0x3f: {  	s15 =	simm.s32 $0x2180;
	[smem:$0x646] =	sst s14  }
0x40: {  	s16 =	simm.s32 $0x2200;
	[smem:$0x647] =	sst s15  }
0x41: {  	s17 =	simm.s32 $0x2300;
	[smem:$0x648] =	sst s16  }
0x42: {  	s18 =	simm.s32 $0x2380;
	[smem:$0x649] =	sst s17  }
0x43: {  	s19 =	simm.s32 $0x2400;
	[smem:$0x64A] =	sst s18  }
0x44: {  	s20 =	simm.s32 $0x2480;
	[smem:$0x64B] =	sst s19  }
0x45: {  	s21 =	simm.s32 $0x2500;
	[smem:$0x64C] =	sst s20  }
0x46: {  	s22 =	simm.s32 $0x2580;
	[smem:$0x64D] =	sst s21  }
0x47: {  	[smem:$0x64E] =	sst s22;
	s23 =	simm.s32 $0x2600  }
0x48: {  	s24 =	simm.s32 $0x2680;
	[smem:$0x64F] =	sst s23  }
0x49: {  	s25 =	simm.s32 $0x2700;
	[smem:$0x650] =	sst s24  }
0x4a: {  	s26 =	simm.s32 $0x2780;
	[smem:$0x651] =	sst s25  }
0x4b: {  	s5 =	simm.s32 $0x2800;
	[smem:$0x652] =	sst s26  }
0x4c: {  	s6 =	simm.s32 $0x2880;
	[smem:$0x653] =	sst s5  }
0x4d: {  	s7 =	simm.s32 $0x2900;
	[smem:$0x654] =	sst s6  }
0x4e: {  	s8 =	simm.s32 $0x2980;
	[smem:$0x655] =	sst s7  }
0x4f: {  	s9 =	simm.s32 $0x2A00;
	[smem:$0x656] =	sst s8  }
0x50: {  	s10 =	simm.s32 $0x2A80;
	[smem:$0x657] =	sst s9  }
0x51: {  	s11 =	simm.s32 $0x2B00;
	[smem:$0x658] =	sst s10  }
0x52: {  	s12 =	simm.s32 $0x2B80;
	[smem:$0x659] =	sst s11  }
0x53: {  	s13 =	simm.s32 $0x2C00;
	[smem:$0x65A] =	sst s12  }
0x54: {  	s14 =	simm.s32 $0x2C80;
	[smem:$0x65B] =	sst s13  }
0x55: {  	s15 =	simm.s32 $0x2D00;
	[smem:$0x65C] =	sst s14  }
0x56: {  	s16 =	simm.s32 $0x2D80;
	[smem:$0x65D] =	sst s15  }
0x57: {  	s17 =	simm.s32 $0x2E00;
	[smem:$0x65E] =	sst s16  }
0x58: {  	s18 =	simm.s32 $0x2E80;
	[smem:$0x65F] =	sst s17  }
0x59: {  	s19 =	simm.s32 $0x2F00;
	[smem:$0x660] =	sst s18  }
0x5a: {  	s20 =	simm.s32 $0x2F80;
	[smem:$0x661] =	sst s19  }
0x5b: {  	s21 =	simm.s32 $0x3000;
	[smem:$0x662] =	sst s20  }
0x5c: {  	s22 =	simm.s32 $0x3080;
	[smem:$0x663] =	sst s21  }
0x5d: {  	[smem:$0x664] =	sst s22;
	s23 =	simm.s32 $0x3100  }
0x5e: {  	s24 =	simm.s32 $0x3180;
	[smem:$0x665] =	sst s23  }
0x5f: {  	s25 =	simm.s32 $0x3200;
	[smem:$0x666] =	sst s24  }
0x60: {  	s26 =	simm.s32 $0x3300;
	[smem:$0x667] =	sst s25  }
0x61: {  	s5 =	simm.s32 $0x3380;
	[smem:$0x668] =	sst s26  }
0x62: {  	s6 =	simm.s32 $0x3400;
	[smem:$0x669] =	sst s5  }
0x63: {  	s7 =	simm.s32 $0x3480;
	[smem:$0x66A] =	sst s6  }
0x64: {  	s8 =	simm.s32 $0x3500;
	[smem:$0x66B] =	sst s7  }
0x65: {  	s9 =	simm.s32 $0x3580;
	[smem:$0x66C] =	sst s8  }
0x66: {  	s10 =	simm.s32 $0x3600;
	[smem:$0x66D] =	sst s9  }
0x67: {  	s11 =	simm.s32 $0x3680;
	[smem:$0x66E] =	sst s10  }
0x68: {  	s12 =	simm.s32 $0x3700;
	[smem:$0x66F] =	sst s11  }
0x69: {  	s13 =	simm.s32 $0x3780;
	[smem:$0x670] =	sst s12  }
0x6a: {  	s14 =	simm.s32 $0x3800;
	[smem:$0x671] =	sst s13  }
0x6b: {  	s15 =	simm.s32 $0x3880;
	[smem:$0x672] =	sst s14  }
0x6c: {  	s16 =	simm.s32 $0x3900;
	[smem:$0x673] =	sst s15  }
0x6d: {  	s17 =	simm.s32 $0x3980;
	[smem:$0x674] =	sst s16  }
0x6e: {  	s18 =	simm.s32 $0x3A00;
	[smem:$0x675] =	sst s17  }
0x6f: {  	s19 =	simm.s32 $0x3A80;
	[smem:$0x676] =	sst s18  }
0x70: {  	s20 =	simm.s32 $0x3B00;
	[smem:$0x677] =	sst s19  }
0x71: {  	s21 =	simm.s32 $0x3B80;
	[smem:$0x678] =	sst s20  }
0x72: {  	s22 =	simm.s32 $0x3C00;
	[smem:$0x679] =	sst s21  }
0x73: {  	[smem:$0x67A] =	sst s22;
	s23 =	simm.s32 $0x3C80  }
0x74: {  	s24 =	simm.s32 $0x3D00;
	[smem:$0x67B] =	sst s23  }
0x75: {  	s25 =	simm.s32 $0x3D80;
	[smem:$0x67C] =	sst s24  }
0x76: {  	s26 =	simm.s32 $0x3E00;
	[smem:$0x67D] =	sst s25  }
0x77: {  	s5 =	simm.s32 $0x3E80;
	[smem:$0x67E] =	sst s26  }
0x78: {  	s6 =	simm.s32 $0x3F00;
	[smem:$0x67F] =	sst s5  }
0x79: {  	s7 =	simm.s32 $0x3F80;
	[smem:$0x680] =	sst s6  }
0x7a: {  	s8 =	simm.s32 $0x4000;
	[smem:$0x681] =	sst s7  }
0x7b: {  	s9 =	simm.s32 $0x4080;
	[smem:$0x682] =	sst s8  }
0x7c: {  	s10 =	simm.s32 $0x4100;
	[smem:$0x683] =	sst s9  }
0x7d: {  	s11 =	simm.s32 $0x4180;
	[smem:$0x684] =	sst s10  }
0x7e: {  	s12 =	simm.s32 $0x4200;
	[smem:$0x685] =	sst s11  }
0x7f: {  	s13 =	simm.s32 $0x4300;
	[smem:$0x686] =	sst s12  }
0x80: {  	s14 =	simm.s32 $0x4380;
	[smem:$0x687] =	sst s13  }
0x81: {  	s15 =	simm.s32 $0x4400;
	[smem:$0x688] =	sst s14  }
0x82: {  	s16 =	simm.s32 $0x4480;
	[smem:$0x689] =	sst s15  }
0x83: {  	s17 =	simm.s32 $0x4500;
	[smem:$0x68A] =	sst s16  }
0x84: {  	s18 =	simm.s32 $0x4580;
	[smem:$0x68B] =	sst s17  }
0x85: {  	s19 =	simm.s32 $0x4600;
	[smem:$0x68C] =	sst s18  }
0x86: {  	s20 =	simm.s32 $0x4680;
	[smem:$0x68D] =	sst s19  }
0x87: {  	s21 =	simm.s32 $0x4700;
	[smem:$0x68E] =	sst s20  }
0x88: {  	s22 =	simm.s32 $0x4780;
	[smem:$0x68F] =	sst s21  }
0x89: {  	[smem:$0x690] =	sst s22;
	s23 =	simm.s32 $0x4800  }
0x8a: {  	s24 =	simm.s32 $0x4880;
	[smem:$0x691] =	sst s23  }
0x8b: {  	s25 =	simm.s32 $0x4900;
	[smem:$0x692] =	sst s24  }
0x8c: {  	s26 =	simm.s32 $0x4980;
	[smem:$0x693] =	sst s25  }
0x8d: {  	s5 =	simm.s32 $0x4A00;
	[smem:$0x694] =	sst s26  }
0x8e: {  	s6 =	simm.s32 $0x4A80;
	[smem:$0x695] =	sst s5  }
0x8f: {  	s7 =	simm.s32 $0x4B00;
	[smem:$0x696] =	sst s6  }
0x90: {  	s8 =	simm.s32 $0x4B80;
	[smem:$0x697] =	sst s7  }
0x91: {  	s9 =	simm.s32 $0x4C00;
	[smem:$0x698] =	sst s8  }
0x92: {  	s10 =	simm.s32 $0x4C80;
	[smem:$0x699] =	sst s9  }
0x93: {  	s11 =	simm.s32 $0x4D00;
	[smem:$0x69A] =	sst s10  }
0x94: {  	s12 =	simm.s32 $0x4D80;
	[smem:$0x69B] =	sst s11  }
0x95: {  	s13 =	simm.s32 $0x4E00;
	[smem:$0x69C] =	sst s12  }
0x96: {  	s14 =	simm.s32 $0x4E80;
	[smem:$0x69D] =	sst s13  }
0x97: {  	s15 =	simm.s32 $0x4F00;
	[smem:$0x69E] =	sst s14  }
0x98: {  	s16 =	simm.s32 $0x4F80;
	[smem:$0x69F] =	sst s15  }
0x99: {  	s17 =	simm.s32 $0x5000;
	[smem:$0x6A0] =	sst s16  }
0x9a: {  	s18 =	simm.s32 $0x5080;
	[smem:$0x6A1] =	sst s17  }
0x9b: {  	s19 =	simm.s32 $0x5100;
	[smem:$0x6A2] =	sst s18  }
0x9c: {  	s20 =	simm.s32 $0x5180;
	[smem:$0x6A3] =	sst s19  }
0x9d: {  	s21 =	simm.s32 $0x5200;
	[smem:$0x6A4] =	sst s20  }
0x9e: {  	s22 =	simm.s32 $0x5300;
	[smem:$0x6A5] =	sst s21  }
0x9f: {  	[smem:$0x6A6] =	sst s22;
	s23 =	simm.s32 $0x5380  }
0xa0: {  	s24 =	simm.s32 $0x5400;
	[smem:$0x6A7] =	sst s23  }
0xa1: {  	s25 =	simm.s32 $0x5480;
	[smem:$0x6A8] =	sst s24  }
0xa2: {  	s26 =	simm.s32 $0x5500;
	[smem:$0x6A9] =	sst s25  }
0xa3: {  	s5 =	simm.s32 $0x5580;
	[smem:$0x6AA] =	sst s26  }
0xa4: {  	s6 =	simm.s32 $0x5600;
	[smem:$0x6AB] =	sst s5  }
0xa5: {  	s7 =	simm.s32 $0x5680;
	[smem:$0x6AC] =	sst s6  }
0xa6: {  	s8 =	simm.s32 $0x5700;
	[smem:$0x6AD] =	sst s7  }
0xa7: {  	s9 =	simm.s32 $0x5780;
	[smem:$0x6AE] =	sst s8  }
0xa8: {  	s10 =	simm.s32 $0x5800;
	[smem:$0x6AF] =	sst s9  }
0xa9: {  	s11 =	simm.s32 $0x5880;
	[smem:$0x6B0] =	sst s10  }
0xaa: {  	s12 =	simm.s32 $0x5900;
	[smem:$0x6B1] =	sst s11  }
0xab: {  	s13 =	simm.s32 $0x5980;
	[smem:$0x6B2] =	sst s12  }
0xac: {  	s14 =	simm.s32 $0x5A00;
	[smem:$0x6B3] =	sst s13  }
0xad: {  	s15 =	simm.s32 $0x5A80;
	[smem:$0x6B4] =	sst s14  }
0xae: {  	s16 =	simm.s32 $0x5B00;
	[smem:$0x6B5] =	sst s15  }
0xaf: {  	s17 =	simm.s32 $0x5B80;
	[smem:$0x6B6] =	sst s16  }
0xb0: {  	s18 =	simm.s32 $0x5C00;
	[smem:$0x6B7] =	sst s17  }
0xb1: {  	s19 =	simm.s32 $0x5C80;
	[smem:$0x6B8] =	sst s18  }
0xb2: {  	s20 =	simm.s32 $0x5D00;
	[smem:$0x6B9] =	sst s19  }
0xb3: {  	s21 =	simm.s32 $0x5D80;
	[smem:$0x6BA] =	sst s20  }
0xb4: {  	s22 =	simm.s32 $0x5E00;
	[smem:$0x6BB] =	sst s21  }
0xb5: {  	[smem:$0x6BC] =	sst s22;
	s23 =	simm.s32 $0x5E80  }
0xb6: {  	s24 =	simm.s32 $0x5F00;
	[smem:$0x6BD] =	sst s23  }
0xb7: {  	s25 =	simm.s32 $0x5F80;
	[smem:$0x6BE] =	sst s24  }
0xb8: {  	s26 =	simm.s32 $0x6000;
	[smem:$0x6BF] =	sst s25  }
0xb9: {  	s5 =	simm.s32 $0x6080;
	[smem:$0x6C0] =	sst s26  }
0xba: {  	s6 =	simm.s32 $0x6100;
	[smem:$0x6C1] =	sst s5  }
0xbb: {  	s7 =	simm.s32 $0x6180;
	[smem:$0x6C2] =	sst s6  }
0xbc: {  	s8 =	simm.s32 $0x6200;
	[smem:$0x6C3] =	sst s7  }
0xbd: {  	s9 =	simm.s32 $0x6300;
	[smem:$0x6C4] =	sst s8  }
0xbe: {  	s10 =	simm.s32 $0x6380;
	[smem:$0x6C5] =	sst s9  }
0xbf: {  	s11 =	simm.s32 $0x6400;
	[smem:$0x6C6] =	sst s10  }
0xc0: {  	s12 =	simm.s32 $0x6480;
	[smem:$0x6C7] =	sst s11  }
0xc1: {  	s13 =	simm.s32 $0x6500;
	[smem:$0x6C8] =	sst s12  }
0xc2: {  	s14 =	simm.s32 $0x6580;
	[smem:$0x6C9] =	sst s13  }
0xc3: {  	s15 =	simm.s32 $0x6600;
	[smem:$0x6CA] =	sst s14  }
0xc4: {  	s16 =	simm.s32 $0x6680;
	[smem:$0x6CB] =	sst s15  }
0xc5: {  	s17 =	simm.s32 $0x6700;
	[smem:$0x6CC] =	sst s16  }
0xc6: {  	s18 =	simm.s32 $0x6780;
	[smem:$0x6CD] =	sst s17  }
0xc7: {  	s19 =	simm.s32 $0x6800;
	[smem:$0x6CE] =	sst s18  }
0xc8: {  	s20 =	simm.s32 $0x6880;
	[smem:$0x6CF] =	sst s19  }
0xc9: {  	s21 =	simm.s32 $0x6900;
	[smem:$0x6D0] =	sst s20  }
0xca: {  	s22 =	simm.s32 $0x6980;
	[smem:$0x6D1] =	sst s21  }
0xcb: {  	[smem:$0x6D2] =	sst s22;
	s23 =	simm.s32 $0x6A00  }
0xcc: {  	s24 =	simm.s32 $0x6A80;
	[smem:$0x6D3] =	sst s23  }
0xcd: {  	s25 =	simm.s32 $0x6B00;
	[smem:$0x6D4] =	sst s24  }
0xce: {  	s26 =	simm.s32 $0x6B80;
	[smem:$0x6D5] =	sst s25  }
0xcf: {  	s5 =	simm.s32 $0x6C00;
	[smem:$0x6D6] =	sst s26  }
0xd0: {  	s6 =	simm.s32 $0x6C80;
	[smem:$0x6D7] =	sst s5  }
0xd1: {  	s7 =	simm.s32 $0x6D00;
	[smem:$0x6D8] =	sst s6  }
0xd2: {  	s8 =	simm.s32 $0x6D80;
	[smem:$0x6D9] =	sst s7  }
0xd3: {  	s9 =	simm.s32 $0x6E00;
	[smem:$0x6DA] =	sst s8  }
0xd4: {  	s10 =	simm.s32 $0x6E80;
	[smem:$0x6DB] =	sst s9  }
0xd5: {  	s11 =	simm.s32 $0x6F00;
	[smem:$0x6DC] =	sst s10  }
0xd6: {  	s12 =	simm.s32 $0x6F80;
	[smem:$0x6DD] =	sst s11  }
0xd7: {  	s13 =	simm.s32 $0x7000;
	[smem:$0x6DE] =	sst s12  }
0xd8: {  	s14 =	simm.s32 $0x7080;
	[smem:$0x6DF] =	sst s13  }
0xd9: {  	s15 =	simm.s32 $0x7100;
	[smem:$0x6E0] =	sst s14  }
0xda: {  	s16 =	simm.s32 $0x7180;
	[smem:$0x6E1] =	sst s15  }
0xdb: {  	s17 =	simm.s32 $0x7200;
	[smem:$0x6E2] =	sst s16  }
0xdc: {  	s18 =	simm.s32 $0x7300;
	[smem:$0x6E3] =	sst s17  }
0xdd: {  	s19 =	simm.s32 $0x7380;
	[smem:$0x6E4] =	sst s18  }
0xde: {  	s20 =	simm.s32 $0x7400;
	[smem:$0x6E5] =	sst s19  }
0xdf: {  	s21 =	simm.s32 $0x7480;
	[smem:$0x6E6] =	sst s20  }
0xe0: {  	s22 =	simm.s32 $0x7500;
	[smem:$0x6E7] =	sst s21  }
0xe1: {  	[smem:$0x6E8] =	sst s22;
	s23 =	simm.s32 $0x7580  }
0xe2: {  	s24 =	simm.s32 $0x7600;
	[smem:$0x6E9] =	sst s23  }
0xe3: {  	s25 =	simm.s32 $0x7680;
	[smem:$0x6EA] =	sst s24  }
0xe4: {  	s26 =	simm.s32 $0x7700;
	[smem:$0x6EB] =	sst s25  }
0xe5: {  	s5 =	simm.s32 $0x7780;
	[smem:$0x6EC] =	sst s26  }
0xe6: {  	s6 =	simm.s32 $0x7800;
	[smem:$0x6ED] =	sst s5  }
0xe7: {  	s7 =	simm.s32 $0x7880;
	[smem:$0x6EE] =	sst s6  }
0xe8: {  	s8 =	simm.s32 $0x7900;
	[smem:$0x6EF] =	sst s7  }
0xe9: {  	s9 =	simm.s32 $0x7980;
	[smem:$0x6F0] =	sst s8  }
0xea: {  	s10 =	simm.s32 $0x7A00;
	[smem:$0x6F1] =	sst s9  }
0xeb: {  	s11 =	simm.s32 $0x7A80;
	[smem:$0x6F2] =	sst s10  }
0xec: {  	s12 =	simm.s32 $0x7B00;
	[smem:$0x6F3] =	sst s11  }
0xed: {  	s13 =	simm.s32 $0x7B80;
	[smem:$0x6F4] =	sst s12  }
0xee: {  	s14 =	simm.s32 $0x7C00;
	[smem:$0x6F5] =	sst s13  }
0xef: {  	s15 =	simm.s32 $0x7C80;
	[smem:$0x6F6] =	sst s14  }
0xf0: {  	s16 =	simm.s32 $0x7D00;
	[smem:$0x6F7] =	sst s15  }
0xf1: {  	s17 =	simm.s32 $0x7D80;
	[smem:$0x6F8] =	sst s16  }
0xf2: {  	s18 =	simm.s32 $0x7E00;
	[smem:$0x6F9] =	sst s17  }
0xf3: {  	s19 =	simm.s32 $0x7E80;
	[smem:$0x6FA] =	sst s18  }
0xf4: {  	s20 =	simm.s32 $0x7F00;
	[smem:$0x6FB] =	sst s19  }
0xf5: {  	s21 =	simm.s32 $0x7F80;
	[smem:$0x6FC] =	sst s20  }
0xf6: {  	s22 =	simm.s32 $0x8000;
	[smem:$0x6FD] =	sst s21  }
0xf7: {  	[smem:$0x6FE] =	sst s22;
	s23 =	simm.s32 $0x8080  }
0xf8: {  	s24 =	simm.s32 $0x8100;
	[smem:$0x6FF] =	sst s23  }
0xf9: {  	s25 =	simm.s32 $0x8180;
	[smem:$0x700] =	sst s24  }
0xfa: {  	s26 =	simm.s32 $0x8200;
	[smem:$0x701] =	sst s25  }
0xfb: {  	s5 =	simm.s32 $0x8300;
	[smem:$0x702] =	sst s26  }
0xfc: {  	s6 =	simm.s32 $0x8380;
	[smem:$0x703] =	sst s5  }
0xfd: {  	s7 =	simm.s32 $0x8400;
	[smem:$0x704] =	sst s6  }
0xfe: {  	s8 =	simm.s32 $0x8480;
	[smem:$0x705] =	sst s7  }
0xff: {  	s9 =	simm.s32 $0x8500;
	[smem:$0x706] =	sst s8  }
0x100: {  	s10 =	simm.s32 $0x8580;
	[smem:$0x707] =	sst s9  }
0x101: {  	s11 =	simm.s32 $0x8600;
	[smem:$0x708] =	sst s10  }
0x102: {  	s12 =	simm.s32 $0x8680;
	[smem:$0x709] =	sst s11  }
0x103: {  	s13 =	simm.s32 $0x10200;
	[smem:$0x70A] =	sst s12  }
0x104: {  	s14 =	simm.s32 $0x8700;
	[smem:$0x70B] =	sst s13  }
0x105: {  	s15 =	simm.s32 $0x8800;
	[smem:$0x70C] =	sst s14  }
0x106: {  	s16 =	simm.s32 $0x8880;
	[smem:$0x70E] =	sst s15  }
0x107: {  	s17 =	simm.s32 $0x8900;
	[smem:$0x70F] =	sst s16  }
0x108: {  	s18 =	simm.s32 $0x8980;
	[smem:$0x710] =	sst s17  }
0x109: {  	s19 =	simm.s32 $0x8A00;
	[smem:$0x711] =	sst s18  }
0x10a: {  	s20 =	simm.s32 $0xF880;
	[smem:$0x712] =	sst s19  }
0x10b: {  	s21 =	simm.s32 $0xFF80;
	[smem:$0x713] =	sst s20  }
0x10c: {  	s22 =	simm.s32 $0x8A80;
	[smem:$0x714] =	sst s21  }
0x10d: {  	s5 =	simm.s32 $0x8780;
	[smem:$0x715] =	sst s22  }
0x10e: {  	s23 =	simm.s32 $0x8B00;
	[smem:$0x70D] =	sst s5  }
0x10f: {  	s24 =	simm.s32 $0x8B80;
	[smem:$0x716] =	sst s23  }
0x110: {  	s25 =	simm.s32 $0x8C00;
	[smem:$0x717] =	sst s24  }
0x111: {  	s26 =	simm.s32 $0x8C80;
	[smem:$0x718] =	sst s25  }
0x112: {  	s6 =	simm.s32 $0x8D00;
	[smem:$0x719] =	sst s26  }
0x113: {  	s7 =	simm.s32 $0x8D80;
	[smem:$0x71A] =	sst s6  }
0x114: {  	s8 =	simm.s32 $0x8E00;
	[smem:$0x71B] =	sst s7  }
0x115: {  	s9 =	simm.s32 $0x8E80;
	[smem:$0x71C] =	sst s8  }
0x116: {  	s10 =	simm.s32 $0x8F00;
	[smem:$0x71D] =	sst s9  }
0x117: {  	s11 =	simm.s32 $0x8F80;
	[smem:$0x71E] =	sst s10  }
0x118: {  	s12 =	simm.s32 $0xF900;
	[smem:$0x71F] =	sst s11  }
0x119: {  	s13 =	simm.s32 $0x9000;
	[smem:$0x720] =	sst s12  }
0x11a: {  	s14 =	simm.s32 $0x9080;
	[smem:$0x721] =	sst s13  }
0x11b: {  	s15 =	simm.s32 $0x9100;
	[smem:$0x722] =	sst s14  }
0x11c: {  	s16 =	simm.s32 $0x9180;
	[smem:$0x723] =	sst s15  }
0x11d: {  	s17 =	simm.s32 $0x9200;
	[smem:$0x724] =	sst s16  }
0x11e: {  	s18 =	simm.s32 $0x9300;
	[smem:$0x725] =	sst s17  }
0x11f: {  	s19 =	simm.s32 $0x9380;
	[smem:$0x726] =	sst s18  }
0x120: {  	s20 =	simm.s32 $0x9400;
	[smem:$0x727] =	sst s19  }
0x121: {  	s21 =	simm.s32 $0x9480;
	[smem:$0x728] =	sst s20  }
0x122: {  	s22 =	simm.s32 $0x9500;
	[smem:$0x729] =	sst s21  }
0x123: {  	s23 =	simm.s32 $0x9580;
	[smem:$0x72A] =	sst s22  }
0x124: {  	s24 =	simm.s32 $0x9600;
	[smem:$0x72B] =	sst s23  }
0x125: {  	s25 =	simm.s32 $0x9680;
	[smem:$0x72C] =	sst s24  }
0x126: {  	s26 =	simm.s32 $0x9700;
	[smem:$0x72D] =	sst s25  }
0x127: {  	s6 =	simm.s32 $0x9780;
	[smem:$0x72E] =	sst s26  }
0x128: {  	s7 =	simm.s32 $0x9800;
	[smem:$0x72F] =	sst s6  }
0x129: {  	s8 =	simm.s32 $0x9880;
	[smem:$0x730] =	sst s7  }
0x12a: {  	s9 =	simm.s32 $0x9900;
	[smem:$0x731] =	sst s8  }
0x12b: {  	s10 =	simm.s32 $0x9980;
	[smem:$0x732] =	sst s9  }
0x12c: {  	s11 =	simm.s32 $0x9A00;
	[smem:$0x733] =	sst s10  }
0x12d: {  	s12 =	simm.s32 $0x9A80;
	[smem:$0x734] =	sst s11  }
0x12e: {  	s13 =	simm.s32 $0x9B00;
	[smem:$0x735] =	sst s12  }
0x12f: {  	s14 =	simm.s32 $0x9B80;
	[smem:$0x736] =	sst s13  }
0x130: {  	s15 =	simm.s32 $0x9C00;
	[smem:$0x737] =	sst s14  }
0x131: {  	s16 =	simm.s32 $0x9C80;
	[smem:$0x738] =	sst s15  }
0x132: {  	s17 =	simm.s32 $0x9D00;
	[smem:$0x739] =	sst s16  }
0x133: {  	s18 =	simm.s32 $0x9D80;
	[smem:$0x73A] =	sst s17  }
0x134: {  	s19 =	simm.s32 $0x9E00;
	[smem:$0x73B] =	sst s18  }
0x135: {  	s20 =	simm.s32 $0xFF00;
	[smem:$0x73C] =	sst s19  }
0x136: {  	s21 =	simm.s32 $0x9E80;
	[smem:$0x73D] =	sst s20  }
0x137: {  	s22 =	simm.s32 $0x9F00;
	[smem:$0x73E] =	sst s21  }
0x138: {  	s23 =	simm.s32 $0x9F80;
	[smem:$0x73F] =	sst s22  }
0x139: {  	s24 =	simm.s32 $0xA000;
	[smem:$0x740] =	sst s23  }
0x13a: {  	s25 =	simm.s32 $0xA080;
	[smem:$0x741] =	sst s24  }
0x13b: {  	s26 =	simm.s32 $0xA100;
	[smem:$0x742] =	sst s25  }
0x13c: {  	s6 =	simm.s32 $0xA180;
	[smem:$0x743] =	sst s26  }
0x13d: {  	s7 =	simm.s32 $0xA200;
	[smem:$0x744] =	sst s6  }
0x13e: {  	s8 =	simm.s32 $0xA300;
	[smem:$0x745] =	sst s7  }
0x13f: {  	s9 =	simm.s32 $0xA380;
	[smem:$0x746] =	sst s8  }
0x140: {  	s10 =	simm.s32 $0xA400;
	[smem:$0x747] =	sst s9  }
0x141: {  	s11 =	simm.s32 $0xA480;
	[smem:$0x748] =	sst s10  }
0x142: {  	s12 =	simm.s32 $0xA500;
	[smem:$0x749] =	sst s11  }
0x143: {  	s13 =	simm.s32 $0xA580;
	[smem:$0x74A] =	sst s12  }
0x144: {  	s14 =	simm.s32 $0xA600;
	[smem:$0x74B] =	sst s13  }
0x145: {  	s15 =	simm.s32 $0xA680;
	[smem:$0x74C] =	sst s14  }
0x146: {  	s16 =	simm.s32 $0xA700;
	[smem:$0x74D] =	sst s15  }
0x147: {  	s17 =	simm.s32 $0xA780;
	[smem:$0x74E] =	sst s16  }
0x148: {  	s18 =	simm.s32 $0xA800;
	[smem:$0x74F] =	sst s17  }
0x149: {  	s19 =	simm.s32 $0xA880;
	[smem:$0x750] =	sst s18  }
0x14a: {  	s20 =	simm.s32 $0xA900;
	[smem:$0x751] =	sst s19  }
0x14b: {  	s21 =	simm.s32 $0xA980;
	[smem:$0x752] =	sst s20  }
0x14c: {  	s22 =	simm.s32 $0xAA00;
	[smem:$0x753] =	sst s21  }
0x14d: {  	s23 =	simm.s32 $0xAA80;
	[smem:$0x754] =	sst s22  }
0x14e: {  	s24 =	simm.s32 $0xAB00;
	[smem:$0x755] =	sst s23  }
0x14f: {  	s25 =	simm.s32 $0xAB80;
	[smem:$0x756] =	sst s24  }
0x150: {  	s26 =	simm.s32 $0xAC00;
	[smem:$0x757] =	sst s25  }
0x151: {  	s6 =	simm.s32 $0xAC80;
	[smem:$0x758] =	sst s26  }
0x152: {  	s7 =	simm.s32 $0xAD00;
	[smem:$0x759] =	sst s6  }
0x153: {  	s8 =	simm.s32 $0xAD80;
	[smem:$0x75A] =	sst s7  }
0x154: {  	s9 =	simm.s32 $0xAE00;
	[smem:$0x75B] =	sst s8  }
0x155: {  	s10 =	simm.s32 $0xFE80;
	[smem:$0x75C] =	sst s9  }
0x156: {  	s11 =	simm.s32 $0xAE80;
	[smem:$0x75D] =	sst s10  }
0x157: {  	s12 =	simm.s32 $0xAF00;
	[smem:$0x75E] =	sst s11  }
0x158: {  	s13 =	simm.s32 $0xAF80;
	[smem:$0x75F] =	sst s12  }
0x159: {  	s14 =	simm.s32 $0xB000;
	[smem:$0x760] =	sst s13  }
0x15a: {  	s15 =	simm.s32 $0xB080;
	[smem:$0x761] =	sst s14  }
0x15b: {  	s16 =	simm.s32 $0xB100;
	[smem:$0x762] =	sst s15  }
0x15c: {  	s17 =	simm.s32 $0xB180;
	[smem:$0x763] =	sst s16  }
0x15d: {  	s18 =	simm.s32 $0xB200;
	[smem:$0x764] =	sst s17  }
0x15e: {  	s19 =	simm.s32 $0xB300;
	[smem:$0x765] =	sst s18  }
0x15f: {  	s20 =	simm.s32 $0xB380;
	[smem:$0x766] =	sst s19  }
0x160: {  	s21 =	simm.s32 $0xB400;
	[smem:$0x767] =	sst s20  }
0x161: {  	s22 =	simm.s32 $0xB480;
	[smem:$0x768] =	sst s21  }
0x162: {  	s23 =	simm.s32 $0xB500;
	[smem:$0x769] =	sst s22  }
0x163: {  	s24 =	simm.s32 $0xB580;
	[smem:$0x76A] =	sst s23  }
0x164: {  	s25 =	simm.s32 $0xB600;
	[smem:$0x76B] =	sst s24  }
0x165: {  	s26 =	simm.s32 $0xB680;
	[smem:$0x76C] =	sst s25  }
0x166: {  	s6 =	simm.s32 $0xB700;
	[smem:$0x76D] =	sst s26  }
0x167: {  	s7 =	simm.s32 $0xB780;
	[smem:$0x76E] =	sst s6  }
0x168: {  	s8 =	simm.s32 $0xB800;
	[smem:$0x76F] =	sst s7  }
0x169: {  	s9 =	simm.s32 $0xB880;
	[smem:$0x770] =	sst s8  }
0x16a: {  	s10 =	simm.s32 $0xB900;
	[smem:$0x771] =	sst s9  }
0x16b: {  	s11 =	simm.s32 $0xB980;
	[smem:$0x772] =	sst s10  }
0x16c: {  	s12 =	simm.s32 $0xBA00;
	[smem:$0x773] =	sst s11  }
0x16d: {  	s13 =	simm.s32 $0xBA80;
	[smem:$0x774] =	sst s12  }
0x16e: {  	s14 =	simm.s32 $0xBB00;
	[smem:$0x775] =	sst s13  }
0x16f: {  	s15 =	simm.s32 $0xBB80;
	[smem:$0x776] =	sst s14  }
0x170: {  	s16 =	simm.s32 $0xBC00;
	[smem:$0x777] =	sst s15  }
0x171: {  	s17 =	simm.s32 $0xBC80;
	[smem:$0x778] =	sst s16  }
0x172: {  	s18 =	simm.s32 $0xBD00;
	[smem:$0x779] =	sst s17  }
0x173: {  	s19 =	simm.s32 $0xBD80;
	[smem:$0x77A] =	sst s18  }
0x174: {  	s20 =	simm.s32 $0xBE00;
	[smem:$0x77B] =	sst s19  }
0x175: {  	s21 =	simm.s32 $0xFE00;
	[smem:$0x77C] =	sst s20  }
0x176: {  	s22 =	simm.s32 $0xBE80;
	[smem:$0x77D] =	sst s21  }
0x177: {  	s23 =	simm.s32 $0xBF00;
	[smem:$0x77E] =	sst s22  }
0x178: {  	s24 =	simm.s32 $0xBF80;
	[smem:$0x77F] =	sst s23  }
0x179: {  	s25 =	simm.s32 $0xC000;
	[smem:$0x780] =	sst s24  }
0x17a: {  	s26 =	simm.s32 $0xC080;
	[smem:$0x781] =	sst s25  }
0x17b: {  	s6 =	simm.s32 $0xC100;
	[smem:$0x782] =	sst s26  }
0x17c: {  	s7 =	simm.s32 $0xC180;
	[smem:$0x783] =	sst s6  }
0x17d: {  	s8 =	simm.s32 $0xC200;
	[smem:$0x784] =	sst s7  }
0x17e: {  	s9 =	simm.s32 $0xC300;
	[smem:$0x785] =	sst s8  }
0x17f: {  	s10 =	simm.s32 $0xC380;
	[smem:$0x786] =	sst s9  }
0x180: {  	s11 =	simm.s32 $0xC400;
	[smem:$0x787] =	sst s10  }
0x181: {  	s12 =	simm.s32 $0xC480;
	[smem:$0x788] =	sst s11  }
0x182: {  	s13 =	simm.s32 $0xC500;
	[smem:$0x789] =	sst s12  }
0x183: {  	s14 =	simm.s32 $0xC580;
	[smem:$0x78A] =	sst s13  }
0x184: {  	s15 =	simm.s32 $0xC600;
	[smem:$0x78B] =	sst s14  }
0x185: {  	s16 =	simm.s32 $0xC680;
	[smem:$0x78C] =	sst s15  }
0x186: {  	s17 =	simm.s32 $0xC700;
	[smem:$0x78D] =	sst s16  }
0x187: {  	s18 =	simm.s32 $0xC780;
	[smem:$0x78E] =	sst s17  }
0x188: {  	s19 =	simm.s32 $0xC800;
	[smem:$0x78F] =	sst s18  }
0x189: {  	s20 =	simm.s32 $0xC880;
	[smem:$0x790] =	sst s19  }
0x18a: {  	s21 =	simm.s32 $0xC900;
	[smem:$0x791] =	sst s20  }
0x18b: {  	s22 =	simm.s32 $0xC980;
	[smem:$0x792] =	sst s21  }
0x18c: {  	s23 =	simm.s32 $0xCA00;
	[smem:$0x793] =	sst s22  }
0x18d: {  	s24 =	simm.s32 $0xCA80;
	[smem:$0x794] =	sst s23  }
0x18e: {  	s25 =	simm.s32 $0xCB00;
	[smem:$0x795] =	sst s24  }
0x18f: {  	s26 =	simm.s32 $0xCB80;
	[smem:$0x796] =	sst s25  }
0x190: {  	s6 =	simm.s32 $0xCC00;
	[smem:$0x797] =	sst s26  }
0x191: {  	s7 =	simm.s32 $0xCC80;
	[smem:$0x798] =	sst s6  }
0x192: {  	s8 =	simm.s32 $0xCD00;
	[smem:$0x799] =	sst s7  }
0x193: {  	s9 =	simm.s32 $0xCD80;
	[smem:$0x79A] =	sst s8  }
0x194: {  	s10 =	simm.s32 $0xCE00;
	[smem:$0x79B] =	sst s9  }
0x195: {  	s11 =	simm.s32 $0xFD80;
	[smem:$0x79C] =	sst s10  }
0x196: {  	s12 =	simm.s32 $0xCE80;
	[smem:$0x79D] =	sst s11  }
0x197: {  	s13 =	simm.s32 $0xCF00;
	[smem:$0x79E] =	sst s12  }
0x198: {  	s14 =	simm.s32 $0xCF80;
	[smem:$0x79F] =	sst s13  }
0x199: {  	s15 =	simm.s32 $0xD000;
	[smem:$0x7A0] =	sst s14  }
0x19a: {  	s16 =	simm.s32 $0xD080;
	[smem:$0x7A1] =	sst s15  }
0x19b: {  	s17 =	simm.s32 $0xD100;
	[smem:$0x7A2] =	sst s16  }
0x19c: {  	s18 =	simm.s32 $0xD180;
	[smem:$0x7A3] =	sst s17  }
0x19d: {  	s19 =	simm.s32 $0xD200;
	[smem:$0x7A4] =	sst s18  }
0x19e: {  	s20 =	simm.s32 $0xD300;
	[smem:$0x7A5] =	sst s19  }
0x19f: {  	s21 =	simm.s32 $0xD380;
	[smem:$0x7A6] =	sst s20  }
0x1a0: {  	s22 =	simm.s32 $0xD400;
	[smem:$0x7A7] =	sst s21  }
0x1a1: {  	s23 =	simm.s32 $0xD480;
	[smem:$0x7A8] =	sst s22  }
0x1a2: {  	s24 =	simm.s32 $0xD500;
	[smem:$0x7A9] =	sst s23  }
0x1a3: {  	s25 =	simm.s32 $0xD580;
	[smem:$0x7AA] =	sst s24  }
0x1a4: {  	s26 =	simm.s32 $0xD600;
	[smem:$0x7AB] =	sst s25  }
0x1a5: {  	s6 =	simm.s32 $0xD680;
	[smem:$0x7AC] =	sst s26  }
0x1a6: {  	s7 =	simm.s32 $0xD700;
	[smem:$0x7AD] =	sst s6  }
0x1a7: {  	s8 =	simm.s32 $0xD780;
	[smem:$0x7AE] =	sst s7  }
0x1a8: {  	s9 =	simm.s32 $0xD800;
	[smem:$0x7AF] =	sst s8  }
0x1a9: {  	s10 =	simm.s32 $0xD880;
	[smem:$0x7B0] =	sst s9  }
0x1aa: {  	s11 =	simm.s32 $0xD900;
	[smem:$0x7B1] =	sst s10  }
0x1ab: {  	s12 =	simm.s32 $0xD980;
	[smem:$0x7B2] =	sst s11  }
0x1ac: {  	s13 =	simm.s32 $0xDA00;
	[smem:$0x7B3] =	sst s12  }
0x1ad: {  	s14 =	simm.s32 $0xDA80;
	[smem:$0x7B4] =	sst s13  }
0x1ae: {  	s15 =	simm.s32 $0xDB00;
	[smem:$0x7B5] =	sst s14  }
0x1af: {  	s16 =	simm.s32 $0xDB80;
	[smem:$0x7B6] =	sst s15  }
0x1b0: {  	s17 =	simm.s32 $0xDC00;
	[smem:$0x7B7] =	sst s16  }
0x1b1: {  	s18 =	simm.s32 $0xDC80;
	[smem:$0x7B8] =	sst s17  }
0x1b2: {  	s19 =	simm.s32 $0xDD00;
	[smem:$0x7B9] =	sst s18  }
0x1b3: {  	s20 =	simm.s32 $0xDD80;
	[smem:$0x7BA] =	sst s19  }
0x1b4: {  	s21 =	simm.s32 $0xDE00;
	[smem:$0x7BB] =	sst s20  }
0x1b5: {  	s22 =	simm.s32 $0xFD00;
	[smem:$0x7BC] =	sst s21  }
0x1b6: {  	s23 =	simm.s32 $0xDE80;
	[smem:$0x7BD] =	sst s22  }
0x1b7: {  	s24 =	simm.s32 $0xDF00;
	[smem:$0x7BE] =	sst s23  }
0x1b8: {  	s25 =	simm.s32 $0xDF80;
	[smem:$0x7BF] =	sst s24  }
0x1b9: {  	s26 =	simm.s32 $0xE000;
	[smem:$0x7C0] =	sst s25  }
0x1ba: {  	s6 =	simm.s32 $0xE080;
	[smem:$0x7C1] =	sst s26  }
0x1bb: {  	s7 =	simm.s32 $0xE100;
	[smem:$0x7C2] =	sst s6  }
0x1bc: {  	s8 =	simm.s32 $0xE180;
	[smem:$0x7C3] =	sst s7  }
0x1bd: {  	s9 =	simm.s32 $0xE200;
	[smem:$0x7C4] =	sst s8  }
0x1be: {  	s10 =	simm.s32 $0xE300;
	[smem:$0x7C5] =	sst s9  }
0x1bf: {  	s11 =	simm.s32 $0xE380;
	[smem:$0x7C6] =	sst s10  }
0x1c0: {  	s12 =	simm.s32 $0xE400;
	[smem:$0x7C7] =	sst s11  }
0x1c1: {  	s13 =	simm.s32 $0xE480;
	[smem:$0x7C8] =	sst s12  }
0x1c2: {  	s14 =	simm.s32 $0xE500;
	[smem:$0x7C9] =	sst s13  }
0x1c3: {  	s15 =	simm.s32 $0xE580;
	[smem:$0x7CA] =	sst s14  }
0x1c4: {  	s16 =	simm.s32 $0xE600;
	[smem:$0x7CB] =	sst s15  }
0x1c5: {  	s17 =	simm.s32 $0xE680;
	[smem:$0x7CC] =	sst s16  }
0x1c6: {  	s18 =	simm.s32 $0xE700;
	[smem:$0x7CD] =	sst s17  }
0x1c7: {  	s19 =	simm.s32 $0xE780;
	[smem:$0x7CE] =	sst s18  }
0x1c8: {  	s20 =	simm.s32 $0xE800;
	[smem:$0x7CF] =	sst s19  }
0x1c9: {  	s21 =	simm.s32 $0xE880;
	[smem:$0x7D0] =	sst s20  }
0x1ca: {  	s22 =	simm.s32 $0xE900;
	[smem:$0x7D1] =	sst s21  }
0x1cb: {  	s23 =	simm.s32 $0xE980;
	[smem:$0x7D2] =	sst s22  }
0x1cc: {  	s24 =	simm.s32 $0xEA00;
	[smem:$0x7D3] =	sst s23  }
0x1cd: {  	s25 =	simm.s32 $0xEA80;
	[smem:$0x7D4] =	sst s24  }
0x1ce: {  	s26 =	simm.s32 $0xEB00;
	[smem:$0x7D5] =	sst s25  }
0x1cf: {  	s6 =	simm.s32 $0xEB80;
	[smem:$0x7D6] =	sst s26  }
0x1d0: {  	s7 =	simm.s32 $0xEC00;
	[smem:$0x7D7] =	sst s6  }
0x1d1: {  	s8 =	simm.s32 $0xEC80;
	[smem:$0x7D8] =	sst s7  }
0x1d2: {  	s9 =	simm.s32 $0xED00;
	[smem:$0x7D9] =	sst s8  }
0x1d3: {  	s10 =	simm.s32 $0xED80;
	[smem:$0x7DA] =	sst s9  }
0x1d4: {  	s11 =	simm.s32 $0xEE00;
	[smem:$0x7DB] =	sst s10  }
0x1d5: {  	s12 =	simm.s32 $0xFC80;
	[smem:$0x7DC] =	sst s11  }
0x1d6: {  	s13 =	simm.s32 $0xEE80;
	[smem:$0x7DD] =	sst s12  }
0x1d7: {  	s14 =	simm.s32 $0xEF00;
	[smem:$0x7DE] =	sst s13  }
0x1d8: {  	s15 =	simm.s32 $0xEF80;
	[smem:$0x7DF] =	sst s14  }
0x1d9: {  	s16 =	simm.s32 $0xF000;
	[smem:$0x7E0] =	sst s15  }
0x1da: {  	s17 =	simm.s32 $0xF080;
	[smem:$0x7E1] =	sst s16  }
0x1db: {  	s19 =	simm.s32 $0xF180;
	[smem:$0x7E2] =	sst s17  }
0x1dc: {  	s20 =	simm.s32 $0xF200;
	[smem:$0x7E4] =	sst s19  }
0x1dd: {  	s6 =	simm.s32 $0xF100;
	[smem:$0x7E5] =	sst s20  }
0x1de: {  	s7 =	simm.s32 $0xF300;
	[smem:$0x7E3] =	sst s6  }
0x1df: {  	s8 =	simm.s32 $0xF380;
	[smem:$0x7E6] =	sst s7  }
0x1e0: {  	s23 =	simm.s32 $0xF400;
	[smem:$0x7E7] =	sst s8  }
0x1e1: {  	s25 =	simm.s32 $0xF480;
	[smem:$0x7E8] =	sst s23  }
0x1e2: {  	s26 =	simm.s32 $0xF500;
	[smem:$0x7E9] =	sst s25  }
0x1e3: {  	s28 =	simm.s32 $0x1;
	s11 =	simm.s32 $0xF600;
	[smem:$0x7EA] =	sst s26  }
0x1e4: {  	v0 =	vlaneseq.u32;
	v2 =	vimm.s32 $0x3;
	v3 =	vimm.s32 $0x7;
	s29 =	simm.s32 $0x3;
	s12 =	simm.s32 $0xF680;
	[smem:$0x7ED] =	sst s11  }
0x1e5: {  	v4 =	vimm.s32 $0x0;
	vm0 =	vmmov $0x1;
	v6 =	vimm.s32 $0x1;
	s30 =	simm.s32 $0x280;
	s13 =	simm.s32 $0xFC00;
	[smem:$0x7EF] =	sst s12  }
0x1e6: {  	v7 =	vimm.s32 $0x2;
	v8 =	vimm.s32 $0x4;
	v9 =	vimm.s32 $0x5;
	s31 =	simm.s32 $0x2;
	s15 =	simm.s32 $0xFB80;
	[smem:$0x7F1] =	sst s13  }
0x1e7: {  	v10 =	vimm.s32 $0x6;
	v11 =	vimm.s32 $0x8;
	v12 =	vimm.s32 $0x9;
	s18 =	srdreg.scid;
	s16 =	simm.s32 $0xF700;
	[smem:$0x7F2] =	sst s15  }
0x1e8: {  	v13 =	vimm.s32 $0xA;
	v14 =	vimm.s32 $0xB;
	v15 =	vimm.s32 $0xC;
	s9 =	stileid.u32;
	s17 =	simm.s32 $0xF780;
	[smem:$0x7F3] =	sst s16  }
0x1e9: {  	v16 =	vimm.s32 $0xD;
	v17 =	vimm.s32 $0xE;
	v19 =	vimm.s32 $0x1380;
	s5 =	sand.u32 $0x1, s18;
	s18 =	simm.s32 $0xF800;
	[smem:$0x7F4] =	sst s17  }
0x1ea: {  	vm1 =	vcmask $0x300;
	v18 =	vimm.s32 $0xF;
	v21 =	vimm.s32 $0x3380;
	s19 =	simm.s32 $0xFB00;
	s20 =	simm.s32 $0xFA80;
	[smem:$0x7F5] =	sst s18  }
0x1eb: {  	vm2 =	vcmask $0x704;
	v1 =	vor.u32 $0x10, v0;
	v5 =	vmul.u32 $0x8, v0;
	s21 =	ssub.s32 $0x2, s5;
	s24 =	sshll.u32 s9, $0xA;
	[smem:$0x7F6] =	sst s19  }
0x1ec: {  	v20 =	vsel vm1, $0x0, v19;
	v19 =	vmul.u32 $0x80, v0;
	v21 =	vsel vm1, $0x2000, v21;
	s5 =	sshll.u32 s5, $0x9;
	s9 =	simm.s32 $0xF580;
	[smem:$0x7F7] =	sst s20  }
0x1ed: {  	vm1 =	vcmask $0xB08;
	v20 =	vsel vm2, $0x80, v20;
	v21 =	vsel vm2, $0x2080, v21;
	s23 =	simm.s32 $0x10000;
	s25 =	simm.s32 $0x10100;
	s26 =	simm.s32 $0x10180  }
0x1ee: {  	vm2 =	vcmask $0xF0C;
	v20 =	vsel vm1, $0x100, v20;
	v21 =	vsel vm1, $0x2100, v21;
	s6 =	simm.s32 $0xA280;
	s7 =	simm.s32 $0xB280;
	s8 =	simm.s32 $0xC280  }
0x1ef: {  	vm1 =	vcmask $0x1310;
	v20 =	vsel vm2, $0x180, v20;
	v21 =	vsel vm2, $0x2180, v21;
	s11 =	simm.s32 $0xF280;
	s12 =	simm.s32 $0x10;
	[smem:$0x7EB] =	sst s9  }
0x1f0: {  	vm2 =	vcmask $0x1714;
	v20 =	vsel vm1, $0x200, v20;
	v21 =	vsel vm1, $0x2200, v21;
	s15 =	simm.s32 $0x0;
	s22 =	sshrl.u32 s21, $0x1;
	[smem:$0x7FA] =	sst s23  }
0x1f1: {  	vm1 =	vcmask $0x1B18;
	v20 =	vsel vm2, $0x280, v20;
	v21 =	vsel vm2, $0x2280, v21;
	s5 =	sor.u32 s5, s24;
	s24 =	simm.s32 $0x10080;
	[smem:$0x7FC] =	sst s25  }
0x1f2: {  	vm2 =	vcmask $0x1F1C;
	v20 =	vsel vm1, $0x300, v20;
	v21 =	vsel vm1, $0x2300, v21;
	s23 =	simm.s32 $0xD;
	[smem:$0x7FD] =	sst s26;
	s25 =	simm.s32 $0x5  }
0x1f3: {  	vm1 =	vcmask $0x2320;
	v20 =	vsel vm2, $0x380, v20;
	v21 =	vsel vm2, $0x2380, v21;
	s26 =	simm.s32 $0x4;
	s9 =	simm.s32 $0xD280;
	s4 =	ssub.s32 s21, s22  }
0x1f4: {  	vm2 =	vcmask $0x2724;
	v20 =	vsel vm1, $0x1000, v20;
	v21 =	vsel vm1, $0x3000, v21;
	s10 =	sshrl.u32 s5, $0x3;
	s0 =	sadd.s32 s0, s5;
	[smem:$0x7FB] =	sst s24  }
0x1f5: {  	vm1 =	vcmask $0x2B28;
	v20 =	vsel vm2, $0x1080, v20;
	v21 =	vsel vm2, $0x3080, v21;
	s21 =	simm.s32 $0xFA00;
	s22 =	simm.s32 $0xF980;
	[smem:$0x7EE] =	sst s0  }
0x1f6: {  	vm2 =	vcmask $0x2F2C;
	v20 =	vsel vm1, $0x1100, v20;
	v21 =	vsel vm1, $0x3100, v21;
	s24 =	simm.s32 $0x8280;
	s5 =	simm.s32 $0x9280;
	[smem:$0x7F8] =	sst s21  }
0x1f7: {  	vm1 =	vcmask $0x3330;
	v20 =	vsel vm2, $0x1180, v20;
	v21 =	vsel vm2, $0x3180, v21;
	s3 =	sadd.s32 s3, s10;
	s14 =	smax.u32 s4, $0x1;
	[smem:$0x7F9] =	sst s22  }
0x1f8: {  	vm2 =	vcmask $0x3734;
	v20 =	vsel vm1, $0x1200, v20;
	v21 =	vsel vm1, $0x3200, v21;
	s22 =	simm.s32 $0xC;
	s0 =	simm.s32 $0xE;
	s4 =	simm.s32 $0x10280  }
0x1f9: {  	vm1 =	vcmask $0x3B38;
	v20 =	vsel vm2, $0x1280, v20;
	v22 =	vsel vm2, $0x3280, v21;
	s10 =	simm.s32 $0xE280;
	s21 =	simm.s32 $0x7280;
	[smem:$0x7EC] =	sst s3  }
0x1fa: {  	v21 =	vor.u32 $0x800, v19;
	v20 =	vsel vm1, $0x1300, v20;
	v22 =	vsel vm1, $0x3300, v22;
	[smem:$0x7F0] =	sst s14;
	s14 =	simm.s32 $0x11;
	s3 =	simm.s32 $0xF  }
.LBB2_1:
0x1fb: {  	s13 =	sld [smem:$0x7EC];
	_ =	sdelay $0x1  }
0x1fc: {  	[smem:$0x627] =	sst s15  }
0x1fd: {  	[tilespmem:s2], [sflag:$0x11] =	stream.linear.gather [hbm4b:s13+s2], $0x200, $0x38;
	[tilespmem:$0x14280] =	vst v63  }
0x1fe: {  	_ =	swait.ge [sflag:s14], $0x200  }
0x1ff: {  	[sflag:s14] =	ssyncset.done $0x0  }
0x200: {  	[sflag:s14] =	ssyncadd.s32 $0xFFFFFE00  }
0x201: {  	[tilespmem:$0x200] =	vst v0  }
0x202: {  	s13 =	simm.s32 $0x0;
	s14 =	simm.s32 $0xF;
	[tilespmem:$0x210] =	vst v1  }
.LBB2_2:
0x203: {  	v23 =	vld [tilespmem:s13+$0x0];
	_ =	sdelay $0x4  }
0x204: {  	(v2sf) =	vpush v23, $0x0;
	_ =	sdelay $0x8  }
0x205: {  	v24 =	vld [tilespmem:$0x200];
	_ =	sdelay $0x4  }
0x206: {  	v25 =	vshrl.u32 v24, $0x3  }
0x207: {  	v25 =	vmul.u32 $0xF428, v25;
	s15 =	spop (v2sf)  }
0x208: {  	v24 =	vand.u32 $0x7, v24;
	s16 =	sand.u32 $0x7F, s15  }
0x209: {  	v24 =	vor.u32 v24, v25;
	s17 =	sshra.s32 s15, $0x1F;
	p0 =	slt.s32 s15, $0x1;
	p1 =	sne.s32 s16, $0x0  }
0x20a: {  	v25 =	vperm.xlane v24, v4;
	s17 =	sshrl.u32 s17, $0x19;
	p0 =	por !p0, !p1  }
0x20b: {  	s16 =	simm.s32 $0x1;
	s15 =	sadd.s32 s17, s15;
	p0 =	por !p0, !p0  }
0x20c: {  	v26 =	vperm.xlane v24, v6;
	v25 =	vadd.s32 v5, v25;
	s15 =	sshrl.u32 s15, $0x7;
	s16 =	simm.s32 @!p0 $0x0  }
0x20d: {  	s15 =	ssub.s32 s15, s16  }
0x20e: {  	v27 =	vperm.xlane v24, v7;
	v26 =	vadd.s32 v5, v26;
	s15 =	sshll.u32 s15, $0x7  }
0x20f: {  	s15 =	sand.u32 $0x1FFFFF80, s15  }
0x210: {  	v28 =	vperm.xlane v24, v2;
	v27 =	vadd.s32 v5, v27;
	s15 =	sadd.s32 s1, s15  }
0x211: {  	[tilespmem:s30], [sflag:$0x1] =	stream.indirect_vreg.gather [hbm4b:s15+s2], $0x80, v25, vm0, $0xb8;
	[tilespmem:$0x14280] =	vst v63  }
0x212: {  	v53 =	vperm.xlane v24, v8;
	v52 =	vadd.s32 v5, v28;
	s16 =	rddreg [dreg:$0x4]  }
0x213: {  	[tilespmem:s16], [sflag:$0x1] =	stream.indirect_vreg.gather [hbm4b:s15+s2], $0x80, v26, vm0, $0xb8;
	[tilespmem:$0x14280] =	vst v63  }
0x214: {  	v55 =	vperm.xlane v24, v9;
	v54 =	vadd.s32 v5, v53;
	s17 =	rddreg [dreg:$0x5]  }
0x215: {  	[tilespmem:s17], [sflag:$0x1] =	stream.indirect_vreg.gather [hbm4b:s15+s2], $0x80, v27, vm0, $0xb8;
	[tilespmem:$0x14280] =	vst v63  }
0x216: {  	v57 =	vperm.xlane v24, v10;
	v56 =	vadd.s32 v5, v55;
	s16 =	rddreg [dreg:$0x6]  }
0x217: {  	[tilespmem:s16], [sflag:$0x1] =	stream.indirect_vreg.gather [hbm4b:s15+s2], $0x80, v52, vm0, $0xb8;
	[tilespmem:$0x14280] =	vst v63  }
0x218: {  	v59 =	vperm.xlane v24, v3;
	v58 =	vadd.s32 v5, v57;
	s17 =	rddreg [dreg:$0x7]  }
0x219: {  	[tilespmem:s17], [sflag:$0x1] =	stream.indirect_vreg.gather [hbm4b:s15+s2], $0x80, v54, vm0, $0xb8;
	[tilespmem:$0x14280] =	vst v63  }
0x21a: {  	v61 =	vperm.xlane v24, v11;
	v60 =	vadd.s32 v5, v59;
	s16 =	rddreg [dreg:$0x8]  }
0x21b: {  	[tilespmem:s16], [sflag:$0x1] =	stream.indirect_vreg.gather [hbm4b:s15+s2], $0x80, v56, vm0, $0xb8;
	[tilespmem:$0x14280] =	vst v63  }
0x21c: {  	v63 =	vperm.xlane v24, v12;
	v62 =	vadd.s32 v5, v61;
	s17 =	rddreg [dreg:$0x9]  }
0x21d: {  	[tilespmem:s17], [sflag:$0x1] =	stream.indirect_vreg.gather [hbm4b:s15+s2], $0x80, v58, vm0, $0xb8;
	[tilespmem:$0x14280] =	vst v63  }
0x21e: {  	v33 =	vperm.xlane v24, v13;
	v32 =	vadd.s32 v5, v63;
	s16 =	rddreg [dreg:$0xa]  }
0x21f: {  	[tilespmem:s16], [sflag:$0x1] =	stream.indirect_vreg.gather [hbm4b:s15+s2], $0x80, v60, vm0, $0xb8;
	[tilespmem:$0x14280] =	vst v63  }
0x220: {  	v35 =	vperm.xlane v24, v14;
	v34 =	vadd.s32 v5, v33;
	s17 =	rddreg [dreg:$0xb]  }
0x221: {  	[tilespmem:s17], [sflag:$0x1] =	stream.indirect_vreg.gather [hbm4b:s15+s2], $0x80, v62, vm0, $0xb8;
	[tilespmem:$0x14280] =	vst v63  }
0x222: {  	v37 =	vperm.xlane v24, v15;
	v36 =	vadd.s32 v5, v35;
	s16 =	rddreg [dreg:$0xc]  }
0x223: {  	[tilespmem:s16], [sflag:$0x1] =	stream.indirect_vreg.gather [hbm4b:s15+s2], $0x80, v32, vm0, $0xb8;
	[tilespmem:$0x14280] =	vst v63  }
0x224: {  	v39 =	vperm.xlane v24, v16;
	v38 =	vadd.s32 v5, v37;
	s17 =	rddreg [dreg:$0xd]  }
0x225: {  	[tilespmem:s17], [sflag:$0x1] =	stream.indirect_vreg.gather [hbm4b:s15+s2], $0x80, v34, vm0, $0xb8;
	[tilespmem:$0x14280] =	vst v63  }
0x226: {  	v41 =	vperm.xlane v24, v17;
	v40 =	vadd.s32 v5, v39;
	s16 =	rddreg [dreg:$0xe]  }
0x227: {  	[tilespmem:s16], [sflag:$0x1] =	stream.indirect_vreg.gather [hbm4b:s15+s2], $0x80, v36, vm0, $0xb8;
	[tilespmem:$0x14280] =	vst v63  }
0x228: {  	v24 =	vperm.xlane v24, v18;
	v42 =	vadd.s32 v5, v41;
	s17 =	rddreg [dreg:$0xf]  }
0x229: {  	[tilespmem:s17], [sflag:$0x1] =	stream.indirect_vreg.gather [hbm4b:s15+s2], $0x80, v38, vm0, $0xb8;
	[tilespmem:$0x14280] =	vst v63  }
0x22a: {  	v24 =	vadd.s32 v5, v24;
	s16 =	rddreg [dreg:$0x10]  }
0x22b: {  	[tilespmem:s16], [sflag:$0x1] =	stream.indirect_vreg.gather [hbm4b:s15+s2], $0x80, v40, vm0, $0xb8;
	[tilespmem:$0x14280] =	vst v63  }
0x22c: {  	s17 =	rddreg [dreg:$0x11]  }
0x22d: {  	[tilespmem:s17], [sflag:$0x1] =	stream.indirect_vreg.gather [hbm4b:s15+s2], $0x80, v42, vm0, $0xb8;
	[tilespmem:$0x14280] =	vst v63  }
0x22e: {  	s16 =	rddreg [dreg:$0x12]  }
0x22f: {  	[tilespmem:s16], [sflag:$0x1] =	stream.indirect_vreg.gather [hbm4b:s15+s2], $0x80, v24, vm0, $0xb8;
	[tilespmem:$0x14280] =	vst v63  }
0x230: {  	v24 =	vld [tilespmem:$0x210];
	_ =	sdelay $0x4  }
0x231: {  	v43 =	vshrl.u32 v24, $0x3  }
0x232: {  	v25 =	vmul.u32 $0xF428, v43  }
0x233: {  	v24 =	vand.u32 $0x7, v24  }
0x234: {  	v24 =	vor.u32 v24, v25  }
0x235: {  	v25 =	vperm.xlane v24, v4;
	_ =	sdelay $0x1  }
0x236: {  	v44 =	vperm.xlane v24, v6;
	v25 =	vadd.s32 v5, v25;
	_ =	sdelay $0x1  }
0x237: {  	v45 =	vperm.xlane v24, v7;
	v26 =	vadd.s32 v5, v44;
	_ =	sdelay $0x1  }
0x238: {  	s16 =	rddreg [dreg:$0x13];
	v46 =	vperm.xlane v24, v2;
	v27 =	vadd.s32 v5, v45  }
0x239: {  	[tilespmem:s16], [sflag:$0x1] =	stream.indirect_vreg.gather [hbm4b:s15+s2], $0x80, v25, vm0, $0xb8;
	[tilespmem:$0x14280] =	vst v63  }
0x23a: {  	s17 =	rddreg [dreg:$0x14];
	v48 =	vperm.xlane v24, v8;
	v47 =	vadd.s32 v5, v46  }
0x23b: {  	[tilespmem:s17], [sflag:$0x1] =	stream.indirect_vreg.gather [hbm4b:s15+s2], $0x80, v26, vm0, $0xb8;
	[tilespmem:$0x14280] =	vst v63  }
0x23c: {  	v50 =	vperm.xlane v24, v9;
	v49 =	vadd.s32 v5, v48;
	s16 =	rddreg [dreg:$0x15]  }
0x23d: {  	[tilespmem:s16], [sflag:$0x1] =	stream.indirect_vreg.gather [hbm4b:s15+s2], $0x80, v27, vm0, $0xb8;
	[tilespmem:$0x14280] =	vst v63  }
0x23e: {  	v52 =	vperm.xlane v24, v10;
	v51 =	vadd.s32 v5, v50;
	s17 =	rddreg [dreg:$0x16]  }
0x23f: {  	[tilespmem:s17], [sflag:$0x1] =	stream.indirect_vreg.gather [hbm4b:s15+s2], $0x80, v47, vm0, $0xb8;
	[tilespmem:$0x14280] =	vst v63  }
0x240: {  	v54 =	vperm.xlane v24, v3;
	v53 =	vadd.s32 v5, v52;
	s16 =	rddreg [dreg:$0x17]  }
0x241: {  	[tilespmem:s16], [sflag:$0x1] =	stream.indirect_vreg.gather [hbm4b:s15+s2], $0x80, v49, vm0, $0xb8;
	[tilespmem:$0x14280] =	vst v63  }
0x242: {  	v56 =	vperm.xlane v24, v11;
	v55 =	vadd.s32 v5, v54;
	s17 =	rddreg [dreg:$0x18]  }
0x243: {  	[tilespmem:s17], [sflag:$0x1] =	stream.indirect_vreg.gather [hbm4b:s15+s2], $0x80, v51, vm0, $0xb8;
	[tilespmem:$0x14280] =	vst v63  }
0x244: {  	v58 =	vperm.xlane v24, v12;
	v57 =	vadd.s32 v5, v56;
	s16 =	rddreg [dreg:$0x19]  }
0x245: {  	[tilespmem:s16], [sflag:$0x1] =	stream.indirect_vreg.gather [hbm4b:s15+s2], $0x80, v53, vm0, $0xb8;
	[tilespmem:$0x14280] =	vst v63  }
0x246: {  	v60 =	vperm.xlane v24, v13;
	v59 =	vadd.s32 v5, v58;
	s17 =	rddreg [dreg:$0x1a]  }
0x247: {  	[tilespmem:s17], [sflag:$0x1] =	stream.indirect_vreg.gather [hbm4b:s15+s2], $0x80, v55, vm0, $0xb8;
	[tilespmem:$0x14280] =	vst v63  }
0x248: {  	v62 =	vperm.xlane v24, v14;
	v61 =	vadd.s32 v5, v60;
	s16 =	rddreg [dreg:$0x1b]  }
0x249: {  	[tilespmem:s16], [sflag:$0x1] =	stream.indirect_vreg.gather [hbm4b:s15+s2], $0x80, v57, vm0, $0xb8;
	[tilespmem:$0x14280] =	vst v63  }
0x24a: {  	v32 =	vperm.xlane v24, v15;
	v63 =	vadd.s32 v5, v62;
	s17 =	rddreg [dreg:$0x1c]  }
0x24b: {  	[tilespmem:s17], [sflag:$0x1] =	stream.indirect_vreg.gather [hbm4b:s15+s2], $0x80, v59, vm0, $0xb8;
	[tilespmem:$0x14280] =	vst v63  }
0x24c: {  	v34 =	vperm.xlane v24, v16;
	v33 =	vadd.s32 v5, v32;
	s16 =	rddreg [dreg:$0x1d]  }
0x24d: {  	[tilespmem:s16], [sflag:$0x1] =	stream.indirect_vreg.gather [hbm4b:s15+s2], $0x80, v61, vm0, $0xb8;
	[tilespmem:$0x14280] =	vst v63  }
0x24e: {  	v36 =	vperm.xlane v24, v17;
	v35 =	vadd.s32 v5, v34;
	s17 =	simm.s32 $0x1000;
	s16 =	rddreg [dreg:$0x1e]  }
0x24f: {  	(v2sf) =	vpush v23, $0x1;
	[tilespmem:s17], [sflag:$0x1] =	stream.indirect_vreg.gather [hbm4b:s15+s2], $0x80, v63, vm0, $0xb8;
	[tilespmem:$0x14280] =	vst v63  }
0x250: {  	v24 =	vperm.xlane v24, v18;
	v37 =	vadd.s32 v5, v36;
	s17 =	rddreg [dreg:$0x1f]  }
0x251: {  	[tilespmem:s16], [sflag:$0x1] =	stream.indirect_vreg.gather [hbm4b:s15+s2], $0x80, v33, vm0, $0xb8;
	[tilespmem:$0x14280] =	vst v63  }
0x252: {  	v24 =	vadd.s32 v5, v24;
	s16 =	sld [smem:$0x628]  }
0x253: {  	[tilespmem:s17], [sflag:$0x1] =	stream.indirect_vreg.gather [hbm4b:s15+s2], $0x80, v35, vm0, $0xb8;
	[tilespmem:$0x14280] =	vst v63  }
0x254: {  	s17 =	sld [smem:$0x629]  }
0x255: {  	[tilespmem:s16], [sflag:$0x1] =	stream.indirect_vreg.gather [hbm4b:s15+s2], $0x80, v37, vm0, $0xb8;
	[tilespmem:$0x14280] =	vst v63  }
0x256: {  	_ = 	snop  }
0x257: {  	[tilespmem:s17], [sflag:$0x1] =	stream.indirect_vreg.gather [hbm4b:s15+s2], $0x80, v24, vm0, $0xb8;
	[tilespmem:$0x14280] =	vst v63  }
0x258: {  	v24 =	vld [tilespmem:$0x200];
	_ =	sdelay $0x4  }
0x259: {  	v38 =	vshrl.u32 v24, $0x3  }
0x25a: {  	s15 =	spop (v2sf);
	v25 =	vmul.u32 $0xF428, v38  }
0x25b: {  	s16 =	sand.u32 $0x7F, s15;
	v24 =	vand.u32 $0x7, v24  }
0x25c: {  	s17 =	sshra.s32 s15, $0x1F;
	p1 =	slt.s32 s15, $0x1;
	p2 =	sne.s32 s16, $0x0;
	v24 =	vor.u32 v24, v25  }
0x25d: {  	s17 =	sshrl.u32 s17, $0x19;
	p0 =	por !p1, !p2;
	v25 =	vperm.xlane v24, v4  }
0x25e: {  	s16 =	simm.s32 $0x1;
	s15 =	sadd.s32 s17, s15;
	p0 =	por !p0, !p0  }
0x25f: {  	s15 =	sshrl.u32 s15, $0x7;
	s16 =	simm.s32 @!p0 $0x0;
	v39 =	vperm.xlane v24, v6;
	v25 =	vadd.s32 v5, v25  }
0x260: {  	s15 =	ssub.s32 s15, s16  }
0x261: {  	s15 =	sshll.u32 s15, $0x7;
	v40 =	vperm.xlane v24, v7;
	v26 =	vadd.s32 v5, v39  }
0x262: {  	s15 =	sand.u32 $0x1FFFFF80, s15  }
0x263: {  	s18 =	simm.s32 $0x1280;
	s16 =	sld [smem:$0x62A];
	s15 =	sadd.s32 s1, s15;
	v41 =	vperm.xlane v24, v2;
	v27 =	vadd.s32 v5, v40  }
0x264: {  	[tilespmem:s18], [sflag:$0x2] =	stream.indirect_vreg.gather [hbm4b:s15+s2], $0x80, v25, vm0, $0xb8;
	[tilespmem:$0x14280] =	vst v63  }
0x265: {  	s17 =	sld [smem:$0x62B];
	v43 =	vperm.xlane v24, v8;
	v42 =	vadd.s32 v5, v41  }
0x266: {  	[tilespmem:s16], [sflag:$0x2] =	stream.indirect_vreg.gather [hbm4b:s15+s2], $0x80, v26, vm0, $0xb8;
	[tilespmem:$0x14280] =	vst v63  }
0x267: {  	v45 =	vperm.xlane v24, v9;
	v44 =	vadd.s32 v5, v43;
	s16 =	sld [smem:$0x62C]  }
0x268: {  	[tilespmem:s17], [sflag:$0x2] =	stream.indirect_vreg.gather [hbm4b:s15+s2], $0x80, v27, vm0, $0xb8;
	[tilespmem:$0x14280] =	vst v63  }
0x269: {  	v47 =	vperm.xlane v24, v10;
	v46 =	vadd.s32 v5, v45;
	s17 =	sld [smem:$0x62D]  }
0x26a: {  	[tilespmem:s16], [sflag:$0x2] =	stream.indirect_vreg.gather [hbm4b:s15+s2], $0x80, v42, vm0, $0xb8;
	[tilespmem:$0x14280] =	vst v63  }
0x26b: {  	v49 =	vperm.xlane v24, v3;
	v48 =	vadd.s32 v5, v47;
	s16 =	sld [smem:$0x62E]  }
0x26c: {  	[tilespmem:s17], [sflag:$0x2] =	stream.indirect_vreg.gather [hbm4b:s15+s2], $0x80, v44, vm0, $0xb8;
	[tilespmem:$0x14280] =	vst v63  }
0x26d: {  	v51 =	vperm.xlane v24, v11;
	v50 =	vadd.s32 v5, v49;
	s17 =	sld [smem:$0x62F]  }
0x26e: {  	[tilespmem:s16], [sflag:$0x2] =	stream.indirect_vreg.gather [hbm4b:s15+s2], $0x80, v46, vm0, $0xb8;
	[tilespmem:$0x14280] =	vst v63  }
0x26f: {  	v53 =	vperm.xlane v24, v12;
	v52 =	vadd.s32 v5, v51;
	s16 =	sld [smem:$0x630]  }
0x270: {  	[tilespmem:s17], [sflag:$0x2] =	stream.indirect_vreg.gather [hbm4b:s15+s2], $0x80, v48, vm0, $0xb8;
	[tilespmem:$0x14280] =	vst v63  }
0x271: {  	v55 =	vperm.xlane v24, v13;
	v54 =	vadd.s32 v5, v53;
	s17 =	sld [smem:$0x631]  }
0x272: {  	[tilespmem:s16], [sflag:$0x2] =	stream.indirect_vreg.gather [hbm4b:s15+s2], $0x80, v50, vm0, $0xb8;
	[tilespmem:$0x14280] =	vst v63  }
0x273: {  	v57 =	vperm.xlane v24, v14;
	v56 =	vadd.s32 v5, v55;
	s16 =	sld [smem:$0x632]  }
0x274: {  	[tilespmem:s17], [sflag:$0x2] =	stream.indirect_vreg.gather [hbm4b:s15+s2], $0x80, v52, vm0, $0xb8;
	[tilespmem:$0x14280] =	vst v63  }
0x275: {  	v59 =	vperm.xlane v24, v15;
	v58 =	vadd.s32 v5, v57;
	s17 =	sld [smem:$0x633]  }
0x276: {  	[tilespmem:s16], [sflag:$0x2] =	stream.indirect_vreg.gather [hbm4b:s15+s2], $0x80, v54, vm0, $0xb8;
	[tilespmem:$0x14280] =	vst v63  }
0x277: {  	v61 =	vperm.xlane v24, v16;
	v60 =	vadd.s32 v5, v59;
	s16 =	sld [smem:$0x634]  }
0x278: {  	[tilespmem:s17], [sflag:$0x2] =	stream.indirect_vreg.gather [hbm4b:s15+s2], $0x80, v56, vm0, $0xb8;
	[tilespmem:$0x14280] =	vst v63  }
0x279: {  	v63 =	vperm.xlane v24, v17;
	v62 =	vadd.s32 v5, v61;
	s17 =	sld [smem:$0x635]  }
0x27a: {  	[tilespmem:s16], [sflag:$0x2] =	stream.indirect_vreg.gather [hbm4b:s15+s2], $0x80, v58, vm0, $0xb8;
	[tilespmem:$0x14280] =	vst v63  }
0x27b: {  	v24 =	vperm.xlane v24, v18;
	v30 =	vadd.s32 v5, v63;
	s16 =	sld [smem:$0x636]  }
0x27c: {  	[tilespmem:s17], [sflag:$0x2] =	stream.indirect_vreg.gather [hbm4b:s15+s2], $0x80, v60, vm0, $0xb8;
	[tilespmem:$0x14280] =	vst v63  }
0x27d: {  	v24 =	vadd.s32 v5, v24;
	s17 =	sld [smem:$0x637]  }
0x27e: {  	[tilespmem:s16], [sflag:$0x2] =	stream.indirect_vreg.gather [hbm4b:s15+s2], $0x80, v62, vm0, $0xb8;
	[tilespmem:$0x14280] =	vst v63  }
0x27f: {  	s16 =	sld [smem:$0x638]  }
0x280: {  	[tilespmem:s17], [sflag:$0x2] =	stream.indirect_vreg.gather [hbm4b:s15+s2], $0x80, v30, vm0, $0xb8;
	[tilespmem:$0x14280] =	vst v63  }
0x281: {  	_ = 	snop  }
0x282: {  	[tilespmem:s16], [sflag:$0x2] =	stream.indirect_vreg.gather [hbm4b:s15+s2], $0x80, v24, vm0, $0xb8;
	[tilespmem:$0x14280] =	vst v63  }
0x283: {  	v24 =	vld [tilespmem:$0x210];
	_ =	sdelay $0x4  }
0x284: {  	v31 =	vshrl.u32 v24, $0x3  }
0x285: {  	v25 =	vmul.u32 $0xF428, v31  }
0x286: {  	v24 =	vand.u32 $0x7, v24  }
0x287: {  	v24 =	vor.u32 v24, v25  }
0x288: {  	v25 =	vperm.xlane v24, v4;
	_ =	sdelay $0x1  }
0x289: {  	v32 =	vperm.xlane v24, v6;
	v25 =	vadd.s32 v5, v25;
	_ =	sdelay $0x1  }
0x28a: {  	s16 =	sld [smem:$0x639];
	v33 =	vperm.xlane v24, v7;
	v26 =	vadd.s32 v5, v32;
	_ =	sdelay $0x1  }
0x28b: {  	s17 =	sld [smem:$0x63A];
	v34 =	vperm.xlane v24, v2;
	v27 =	vadd.s32 v5, v33  }
0x28c: {  	[tilespmem:s16], [sflag:$0x2] =	stream.indirect_vreg.gather [hbm4b:s15+s2], $0x80, v25, vm0, $0xb8;
	[tilespmem:$0x14280] =	vst v63  }
0x28d: {  	v36 =	vperm.xlane v24, v8;
	v35 =	vadd.s32 v5, v34;
	s16 =	sld [smem:$0x63B]  }
0x28e: {  	[tilespmem:s17], [sflag:$0x2] =	stream.indirect_vreg.gather [hbm4b:s15+s2], $0x80, v26, vm0, $0xb8;
	[tilespmem:$0x14280] =	vst v63  }
0x28f: {  	v38 =	vperm.xlane v24, v9;
	v37 =	vadd.s32 v5, v36;
	s17 =	sld [smem:$0x63C]  }
0x290: {  	[tilespmem:s16], [sflag:$0x2] =	stream.indirect_vreg.gather [hbm4b:s15+s2], $0x80, v27, vm0, $0xb8;
	[tilespmem:$0x14280] =	vst v63  }
0x291: {  	v40 =	vperm.xlane v24, v10;
	v39 =	vadd.s32 v5, v38;
	s16 =	sld [smem:$0x63D]  }
0x292: {  	[tilespmem:s17], [sflag:$0x2] =	stream.indirect_vreg.gather [hbm4b:s15+s2], $0x80, v35, vm0, $0xb8;
	[tilespmem:$0x14280] =	vst v63  }
0x293: {  	v42 =	vperm.xlane v24, v3;
	v41 =	vadd.s32 v5, v40;
	s17 =	sld [smem:$0x63E]  }
0x294: {  	[tilespmem:s16], [sflag:$0x2] =	stream.indirect_vreg.gather [hbm4b:s15+s2], $0x80, v37, vm0, $0xb8;
	[tilespmem:$0x14280] =	vst v63  }
0x295: {  	v44 =	vperm.xlane v24, v11;
	v43 =	vadd.s32 v5, v42;
	s16 =	sld [smem:$0x63F]  }
0x296: {  	[tilespmem:s17], [sflag:$0x2] =	stream.indirect_vreg.gather [hbm4b:s15+s2], $0x80, v39, vm0, $0xb8;
	[tilespmem:$0x14280] =	vst v63  }
0x297: {  	v46 =	vperm.xlane v24, v12;
	v45 =	vadd.s32 v5, v44;
	s17 =	sld [smem:$0x640]  }
0x298: {  	[tilespmem:s16], [sflag:$0x2] =	stream.indirect_vreg.gather [hbm4b:s15+s2], $0x80, v41, vm0, $0xb8;
	[tilespmem:$0x14280] =	vst v63  }
0x299: {  	v48 =	vperm.xlane v24, v13;
	v47 =	vadd.s32 v5, v46;
	s16 =	sld [smem:$0x641]  }
0x29a: {  	[tilespmem:s17], [sflag:$0x2] =	stream.indirect_vreg.gather [hbm4b:s15+s2], $0x80, v43, vm0, $0xb8;
	[tilespmem:$0x14280] =	vst v63  }
0x29b: {  	v50 =	vperm.xlane v24, v14;
	v49 =	vadd.s32 v5, v48;
	s17 =	sld [smem:$0x642]  }
0x29c: {  	[tilespmem:s16], [sflag:$0x2] =	stream.indirect_vreg.gather [hbm4b:s15+s2], $0x80, v45, vm0, $0xb8;
	[tilespmem:$0x14280] =	vst v63  }
0x29d: {  	v52 =	vperm.xlane v24, v15;
	v51 =	vadd.s32 v5, v50;
	s16 =	sld [smem:$0x643]  }
0x29e: {  	[tilespmem:s17], [sflag:$0x2] =	stream.indirect_vreg.gather [hbm4b:s15+s2], $0x80, v47, vm0, $0xb8;
	[tilespmem:$0x14280] =	vst v63  }
0x29f: {  	v54 =	vperm.xlane v24, v16;
	v53 =	vadd.s32 v5, v52;
	s17 =	sld [smem:$0x644]  }
0x2a0: {  	[tilespmem:s16], [sflag:$0x2] =	stream.indirect_vreg.gather [hbm4b:s15+s2], $0x80, v49, vm0, $0xb8;
	[tilespmem:$0x14280] =	vst v63  }
0x2a1: {  	v56 =	vperm.xlane v24, v17;
	v55 =	vadd.s32 v5, v54;
	s16 =	sld [smem:$0x645]  }
0x2a2: {  	(v2sf) =	vpush v23, $0x2;
	[tilespmem:s17], [sflag:$0x2] =	stream.indirect_vreg.gather [hbm4b:s15+s2], $0x80, v51, vm0, $0xb8;
	[tilespmem:$0x14280] =	vst v63  }
0x2a3: {  	v24 =	vperm.xlane v24, v18;
	v57 =	vadd.s32 v5, v56;
	s17 =	sld [smem:$0x646]  }
0x2a4: {  	[tilespmem:s16], [sflag:$0x2] =	stream.indirect_vreg.gather [hbm4b:s15+s2], $0x80, v53, vm0, $0xb8;
	[tilespmem:$0x14280] =	vst v63  }
0x2a5: {  	v24 =	vadd.s32 v5, v24;
	s16 =	sld [smem:$0x647]  }
0x2a6: {  	[tilespmem:s17], [sflag:$0x2] =	stream.indirect_vreg.gather [hbm4b:s15+s2], $0x80, v55, vm0, $0xb8;
	[tilespmem:$0x14280] =	vst v63  }
0x2a7: {  	s17 =	sld [smem:$0x648]  }
0x2a8: {  	[tilespmem:s16], [sflag:$0x2] =	stream.indirect_vreg.gather [hbm4b:s15+s2], $0x80, v57, vm0, $0xb8;
	[tilespmem:$0x14280] =	vst v63  }
0x2a9: {  	_ = 	snop  }
0x2aa: {  	[tilespmem:s17], [sflag:$0x2] =	stream.indirect_vreg.gather [hbm4b:s15+s2], $0x80, v24, vm0, $0xb8;
	[tilespmem:$0x14280] =	vst v63  }
0x2ab: {  	v24 =	vld [tilespmem:$0x200];
	_ =	sdelay $0x4  }
0x2ac: {  	v58 =	vshrl.u32 v24, $0x3  }
0x2ad: {  	s15 =	spop (v2sf);
	v25 =	vmul.u32 $0xF428, v58  }
0x2ae: {  	s16 =	sand.u32 $0x7F, s15;
	v24 =	vand.u32 $0x7, v24  }
0x2af: {  	s17 =	sshra.s32 s15, $0x1F;
	p3 =	slt.s32 s15, $0x1;
	p4 =	sne.s32 s16, $0x0;
	v24 =	vor.u32 v24, v25  }
0x2b0: {  	s17 =	sshrl.u32 s17, $0x19;
	p0 =	por !p3, !p4;
	v25 =	vperm.xlane v24, v4  }
0x2b1: {  	s16 =	simm.s32 $0x1;
	s15 =	sadd.s32 s17, s15;
	p0 =	por !p0, !p0  }
0x2b2: {  	s15 =	sshrl.u32 s15, $0x7;
	s16 =	simm.s32 @!p0 $0x0;
	v59 =	vperm.xlane v24, v6;
	v25 =	vadd.s32 v5, v25  }
0x2b3: {  	s15 =	ssub.s32 s15, s16  }
0x2b4: {  	s15 =	sshll.u32 s15, $0x7;
	v60 =	vperm.xlane v24, v7;
	v26 =	vadd.s32 v5, v59  }
0x2b5: {  	s15 =	sand.u32 $0x1FFFFF80, s15  }
0x2b6: {  	s18 =	simm.s32 $0x2280;
	s16 =	sld [smem:$0x649];
	s15 =	sadd.s32 s1, s15;
	v61 =	vperm.xlane v24, v2;
	v27 =	vadd.s32 v5, v60  }
0x2b7: {  	[tilespmem:s18], [sflag:$0x3] =	stream.indirect_vreg.gather [hbm4b:s15+s2], $0x80, v25, vm0, $0xb8;
	[tilespmem:$0x14280] =	vst v63  }
0x2b8: {  	s17 =	sld [smem:$0x64A];
	v63 =	vperm.xlane v24, v8;
	v62 =	vadd.s32 v5, v61  }
0x2b9: {  	[tilespmem:s16], [sflag:$0x3] =	stream.indirect_vreg.gather [hbm4b:s15+s2], $0x80, v26, vm0, $0xb8;
	[tilespmem:$0x14280] =	vst v63  }
0x2ba: {  	v33 =	vperm.xlane v24, v9;
	v32 =	vadd.s32 v5, v63;
	s16 =	sld [smem:$0x64B]  }
0x2bb: {  	[tilespmem:s17], [sflag:$0x3] =	stream.indirect_vreg.gather [hbm4b:s15+s2], $0x80, v27, vm0, $0xb8;
	[tilespmem:$0x14280] =	vst v63  }
0x2bc: {  	v35 =	vperm.xlane v24, v10;
	v34 =	vadd.s32 v5, v33;
	s17 =	sld [smem:$0x64C]  }
0x2bd: {  	[tilespmem:s16], [sflag:$0x3] =	stream.indirect_vreg.gather [hbm4b:s15+s2], $0x80, v62, vm0, $0xb8;
	[tilespmem:$0x14280] =	vst v63  }
0x2be: {  	v37 =	vperm.xlane v24, v3;
	v36 =	vadd.s32 v5, v35;
	s16 =	sld [smem:$0x64D]  }
0x2bf: {  	[tilespmem:s17], [sflag:$0x3] =	stream.indirect_vreg.gather [hbm4b:s15+s2], $0x80, v32, vm0, $0xb8;
	[tilespmem:$0x14280] =	vst v63  }
0x2c0: {  	v39 =	vperm.xlane v24, v11;
	v38 =	vadd.s32 v5, v37;
	s17 =	sld [smem:$0x64E]  }
0x2c1: {  	[tilespmem:s16], [sflag:$0x3] =	stream.indirect_vreg.gather [hbm4b:s15+s2], $0x80, v34, vm0, $0xb8;
	[tilespmem:$0x14280] =	vst v63  }
0x2c2: {  	v41 =	vperm.xlane v24, v12;
	v40 =	vadd.s32 v5, v39;
	s16 =	sld [smem:$0x64F]  }
0x2c3: {  	[tilespmem:s17], [sflag:$0x3] =	stream.indirect_vreg.gather [hbm4b:s15+s2], $0x80, v36, vm0, $0xb8;
	[tilespmem:$0x14280] =	vst v63  }
0x2c4: {  	v43 =	vperm.xlane v24, v13;
	v42 =	vadd.s32 v5, v41;
	s17 =	sld [smem:$0x650]  }
0x2c5: {  	[tilespmem:s16], [sflag:$0x3] =	stream.indirect_vreg.gather [hbm4b:s15+s2], $0x80, v38, vm0, $0xb8;
	[tilespmem:$0x14280] =	vst v63  }
0x2c6: {  	v45 =	vperm.xlane v24, v14;
	v44 =	vadd.s32 v5, v43;
	s16 =	sld [smem:$0x651]  }
0x2c7: {  	[tilespmem:s17], [sflag:$0x3] =	stream.indirect_vreg.gather [hbm4b:s15+s2], $0x80, v40, vm0, $0xb8;
	[tilespmem:$0x14280] =	vst v63  }
0x2c8: {  	v47 =	vperm.xlane v24, v15;
	v46 =	vadd.s32 v5, v45;
	s17 =	sld [smem:$0x652]  }
0x2c9: {  	[tilespmem:s16], [sflag:$0x3] =	stream.indirect_vreg.gather [hbm4b:s15+s2], $0x80, v42, vm0, $0xb8;
	[tilespmem:$0x14280] =	vst v63  }
0x2ca: {  	v49 =	vperm.xlane v24, v16;
	v48 =	vadd.s32 v5, v47;
	s16 =	sld [smem:$0x653]  }
0x2cb: {  	[tilespmem:s17], [sflag:$0x3] =	stream.indirect_vreg.gather [hbm4b:s15+s2], $0x80, v44, vm0, $0xb8;
	[tilespmem:$0x14280] =	vst v63  }
0x2cc: {  	v51 =	vperm.xlane v24, v17;
	v50 =	vadd.s32 v5, v49;
	s17 =	sld [smem:$0x654]  }
0x2cd: {  	[tilespmem:s16], [sflag:$0x3] =	stream.indirect_vreg.gather [hbm4b:s15+s2], $0x80, v46, vm0, $0xb8;
	[tilespmem:$0x14280] =	vst v63  }
0x2ce: {  	v24 =	vperm.xlane v24, v18;
	v52 =	vadd.s32 v5, v51;
	s16 =	sld [smem:$0x655]  }
0x2cf: {  	[tilespmem:s17], [sflag:$0x3] =	stream.indirect_vreg.gather [hbm4b:s15+s2], $0x80, v48, vm0, $0xb8;
	[tilespmem:$0x14280] =	vst v63  }
0x2d0: {  	v24 =	vadd.s32 v5, v24;
	s17 =	sld [smem:$0x656]  }
0x2d1: {  	[tilespmem:s16], [sflag:$0x3] =	stream.indirect_vreg.gather [hbm4b:s15+s2], $0x80, v50, vm0, $0xb8;
	[tilespmem:$0x14280] =	vst v63  }
0x2d2: {  	s16 =	sld [smem:$0x657]  }
0x2d3: {  	[tilespmem:s17], [sflag:$0x3] =	stream.indirect_vreg.gather [hbm4b:s15+s2], $0x80, v52, vm0, $0xb8;
	[tilespmem:$0x14280] =	vst v63  }
0x2d4: {  	_ = 	snop  }
0x2d5: {  	[tilespmem:s16], [sflag:$0x3] =	stream.indirect_vreg.gather [hbm4b:s15+s2], $0x80, v24, vm0, $0xb8;
	[tilespmem:$0x14280] =	vst v63  }
0x2d6: {  	v24 =	vld [tilespmem:$0x210];
	_ =	sdelay $0x4  }
0x2d7: {  	v53 =	vshrl.u32 v24, $0x3  }
0x2d8: {  	v25 =	vmul.u32 $0xF428, v53  }
0x2d9: {  	v24 =	vand.u32 $0x7, v24  }
0x2da: {  	v24 =	vor.u32 v24, v25  }
0x2db: {  	v25 =	vperm.xlane v24, v4;
	_ =	sdelay $0x1  }
0x2dc: {  	v54 =	vperm.xlane v24, v6;
	v25 =	vadd.s32 v5, v25;
	_ =	sdelay $0x1  }
0x2dd: {  	s16 =	sld [smem:$0x658];
	v55 =	vperm.xlane v24, v7;
	v26 =	vadd.s32 v5, v54;
	_ =	sdelay $0x1  }
0x2de: {  	s17 =	sld [smem:$0x659];
	v56 =	vperm.xlane v24, v2;
	v27 =	vadd.s32 v5, v55  }
0x2df: {  	[tilespmem:s16], [sflag:$0x3] =	stream.indirect_vreg.gather [hbm4b:s15+s2], $0x80, v25, vm0, $0xb8;
	[tilespmem:$0x14280] =	vst v63  }
0x2e0: {  	v58 =	vperm.xlane v24, v8;
	v57 =	vadd.s32 v5, v56;
	s16 =	sld [smem:$0x65A]  }
0x2e1: {  	[tilespmem:s17], [sflag:$0x3] =	stream.indirect_vreg.gather [hbm4b:s15+s2], $0x80, v26, vm0, $0xb8;
	[tilespmem:$0x14280] =	vst v63  }
0x2e2: {  	v60 =	vperm.xlane v24, v9;
	v59 =	vadd.s32 v5, v58;
	s17 =	sld [smem:$0x65B]  }
0x2e3: {  	[tilespmem:s16], [sflag:$0x3] =	stream.indirect_vreg.gather [hbm4b:s15+s2], $0x80, v27, vm0, $0xb8;
	[tilespmem:$0x14280] =	vst v63  }
0x2e4: {  	v62 =	vperm.xlane v24, v10;
	v61 =	vadd.s32 v5, v60;
	s16 =	sld [smem:$0x65C]  }
0x2e5: {  	[tilespmem:s17], [sflag:$0x3] =	stream.indirect_vreg.gather [hbm4b:s15+s2], $0x80, v57, vm0, $0xb8;
	[tilespmem:$0x14280] =	vst v63  }
0x2e6: {  	v32 =	vperm.xlane v24, v3;
	v63 =	vadd.s32 v5, v62;
	s17 =	sld [smem:$0x65D]  }
0x2e7: {  	[tilespmem:s16], [sflag:$0x3] =	stream.indirect_vreg.gather [hbm4b:s15+s2], $0x80, v59, vm0, $0xb8;
	[tilespmem:$0x14280] =	vst v63  }
0x2e8: {  	v34 =	vperm.xlane v24, v11;
	v33 =	vadd.s32 v5, v32;
	s16 =	sld [smem:$0x65E]  }
0x2e9: {  	[tilespmem:s17], [sflag:$0x3] =	stream.indirect_vreg.gather [hbm4b:s15+s2], $0x80, v61, vm0, $0xb8;
	[tilespmem:$0x14280] =	vst v63  }
0x2ea: {  	v36 =	vperm.xlane v24, v12;
	v35 =	vadd.s32 v5, v34;
	s17 =	sld [smem:$0x65F]  }
0x2eb: {  	[tilespmem:s16], [sflag:$0x3] =	stream.indirect_vreg.gather [hbm4b:s15+s2], $0x80, v63, vm0, $0xb8;
	[tilespmem:$0x14280] =	vst v63  }
0x2ec: {  	v38 =	vperm.xlane v24, v13;
	v37 =	vadd.s32 v5, v36;
	s16 =	sld [smem:$0x660]  }
0x2ed: {  	[tilespmem:s17], [sflag:$0x3] =	stream.indirect_vreg.gather [hbm4b:s15+s2], $0x80, v33, vm0, $0xb8;
	[tilespmem:$0x14280] =	vst v63  }
0x2ee: {  	v40 =	vperm.xlane v24, v14;
	v39 =	vadd.s32 v5, v38;
	s17 =	sld [smem:$0x661]  }
0x2ef: {  	[tilespmem:s16], [sflag:$0x3] =	stream.indirect_vreg.gather [hbm4b:s15+s2], $0x80, v35, vm0, $0xb8;
	[tilespmem:$0x14280] =	vst v63  }
0x2f0: {  	v42 =	vperm.xlane v24, v15;
	v41 =	vadd.s32 v5, v40;
	s16 =	sld [smem:$0x662]  }
0x2f1: {  	[tilespmem:s17], [sflag:$0x3] =	stream.indirect_vreg.gather [hbm4b:s15+s2], $0x80, v37, vm0, $0xb8;
	[tilespmem:$0x14280] =	vst v63  }
0x2f2: {  	v44 =	vperm.xlane v24, v16;
	v43 =	vadd.s32 v5, v42;
	s17 =	sld [smem:$0x663]  }
0x2f3: {  	[tilespmem:s16], [sflag:$0x3] =	stream.indirect_vreg.gather [hbm4b:s15+s2], $0x80, v39, vm0, $0xb8;
	[tilespmem:$0x14280] =	vst v63  }
0x2f4: {  	v46 =	vperm.xlane v24, v17;
	v45 =	vadd.s32 v5, v44;
	s16 =	sld [smem:$0x664]  }
0x2f5: {  	(v2sf) =	vpush v23, $0x3;
	[tilespmem:s17], [sflag:$0x3] =	stream.indirect_vreg.gather [hbm4b:s15+s2], $0x80, v41, vm0, $0xb8;
	[tilespmem:$0x14280] =	vst v63  }
0x2f6: {  	v24 =	vperm.xlane v24, v18;
	v47 =	vadd.s32 v5, v46;
	s17 =	sld [smem:$0x665]  }
0x2f7: {  	[tilespmem:s16], [sflag:$0x3] =	stream.indirect_vreg.gather [hbm4b:s15+s2], $0x80, v43, vm0, $0xb8;
	[tilespmem:$0x14280] =	vst v63  }
0x2f8: {  	v24 =	vadd.s32 v5, v24;
	s16 =	sld [smem:$0x666]  }
0x2f9: {  	[tilespmem:s17], [sflag:$0x3] =	stream.indirect_vreg.gather [hbm4b:s15+s2], $0x80, v45, vm0, $0xb8;
	[tilespmem:$0x14280] =	vst v63  }
0x2fa: {  	s17 =	sld [smem:$0x667]  }
0x2fb: {  	[tilespmem:s16], [sflag:$0x3] =	stream.indirect_vreg.gather [hbm4b:s15+s2], $0x80, v47, vm0, $0xb8;
	[tilespmem:$0x14280] =	vst v63  }
0x2fc: {  	_ = 	snop  }
0x2fd: {  	[tilespmem:s17], [sflag:$0x3] =	stream.indirect_vreg.gather [hbm4b:s15+s2], $0x80, v24, vm0, $0xb8;
	[tilespmem:$0x14280] =	vst v63  }
0x2fe: {  	v24 =	vld [tilespmem:$0x200];
	_ =	sdelay $0x4  }
0x2ff: {  	v48 =	vshrl.u32 v24, $0x3  }
0x300: {  	s15 =	spop (v2sf);
	v25 =	vmul.u32 $0xF428, v48  }
0x301: {  	s16 =	sand.u32 $0x7F, s15;
	v24 =	vand.u32 $0x7, v24  }
0x302: {  	s17 =	sshra.s32 s15, $0x1F;
	p5 =	slt.s32 s15, $0x1;
	p6 =	sne.s32 s16, $0x0;
	v24 =	vor.u32 v24, v25  }
0x303: {  	s17 =	sshrl.u32 s17, $0x19;
	p0 =	por !p5, !p6;
	v25 =	vperm.xlane v24, v4  }
0x304: {  	s16 =	simm.s32 $0x1;
	s15 =	sadd.s32 s17, s15;
	p0 =	por !p0, !p0  }
0x305: {  	s15 =	sshrl.u32 s15, $0x7;
	s16 =	simm.s32 @!p0 $0x0;
	v49 =	vperm.xlane v24, v6;
	v25 =	vadd.s32 v5, v25  }
0x306: {  	s15 =	ssub.s32 s15, s16  }
0x307: {  	s15 =	sshll.u32 s15, $0x7;
	v50 =	vperm.xlane v24, v7;
	v26 =	vadd.s32 v5, v49  }
0x308: {  	s15 =	sand.u32 $0x1FFFFF80, s15  }
0x309: {  	s19 =	simm.s32 $0x3280;
	s16 =	sld [smem:$0x668];
	s15 =	sadd.s32 s1, s15;
	v51 =	vperm.xlane v24, v2;
	v27 =	vadd.s32 v5, v50  }
0x30a: {  	[tilespmem:s19], [sflag:$0x4] =	stream.indirect_vreg.gather [hbm4b:s15+s2], $0x80, v25, vm0, $0xb8;
	[tilespmem:$0x14280] =	vst v63  }
0x30b: {  	s17 =	sld [smem:$0x669];
	v53 =	vperm.xlane v24, v8;
	v52 =	vadd.s32 v5, v51  }
0x30c: {  	[tilespmem:s16], [sflag:$0x4] =	stream.indirect_vreg.gather [hbm4b:s15+s2], $0x80, v26, vm0, $0xb8;
	[tilespmem:$0x14280] =	vst v63  }
0x30d: {  	v55 =	vperm.xlane v24, v9;
	v54 =	vadd.s32 v5, v53;
	s16 =	sld [smem:$0x66A]  }
0x30e: {  	[tilespmem:s17], [sflag:$0x4] =	stream.indirect_vreg.gather [hbm4b:s15+s2], $0x80, v27, vm0, $0xb8;
	[tilespmem:$0x14280] =	vst v63  }
0x30f: {  	v57 =	vperm.xlane v24, v10;
	v56 =	vadd.s32 v5, v55;
	s17 =	sld [smem:$0x66B]  }
0x310: {  	[tilespmem:s16], [sflag:$0x4] =	stream.indirect_vreg.gather [hbm4b:s15+s2], $0x80, v52, vm0, $0xb8;
	[tilespmem:$0x14280] =	vst v63  }
0x311: {  	v59 =	vperm.xlane v24, v3;
	v58 =	vadd.s32 v5, v57;
	s16 =	sld [smem:$0x66C]  }
0x312: {  	[tilespmem:s17], [sflag:$0x4] =	stream.indirect_vreg.gather [hbm4b:s15+s2], $0x80, v54, vm0, $0xb8;
	[tilespmem:$0x14280] =	vst v63  }
0x313: {  	v61 =	vperm.xlane v24, v11;
	v60 =	vadd.s32 v5, v59;
	s17 =	sld [smem:$0x66D]  }
0x314: {  	[tilespmem:s16], [sflag:$0x4] =	stream.indirect_vreg.gather [hbm4b:s15+s2], $0x80, v56, vm0, $0xb8;
	[tilespmem:$0x14280] =	vst v63  }
0x315: {  	v63 =	vperm.xlane v24, v12;
	v62 =	vadd.s32 v5, v61;
	s16 =	sld [smem:$0x66E]  }
0x316: {  	[tilespmem:s17], [sflag:$0x4] =	stream.indirect_vreg.gather [hbm4b:s15+s2], $0x80, v58, vm0, $0xb8;
	[tilespmem:$0x14280] =	vst v63  }
0x317: {  	v33 =	vperm.xlane v24, v13;
	v32 =	vadd.s32 v5, v63;
	s17 =	sld [smem:$0x66F]  }
0x318: {  	[tilespmem:s16], [sflag:$0x4] =	stream.indirect_vreg.gather [hbm4b:s15+s2], $0x80, v60, vm0, $0xb8;
	[tilespmem:$0x14280] =	vst v63  }
0x319: {  	v35 =	vperm.xlane v24, v14;
	v34 =	vadd.s32 v5, v33;
	s16 =	sld [smem:$0x670]  }
0x31a: {  	[tilespmem:s17], [sflag:$0x4] =	stream.indirect_vreg.gather [hbm4b:s15+s2], $0x80, v62, vm0, $0xb8;
	[tilespmem:$0x14280] =	vst v63  }
0x31b: {  	v37 =	vperm.xlane v24, v15;
	v36 =	vadd.s32 v5, v35;
	s17 =	sld [smem:$0x671]  }
0x31c: {  	[tilespmem:s16], [sflag:$0x4] =	stream.indirect_vreg.gather [hbm4b:s15+s2], $0x80, v32, vm0, $0xb8;
	[tilespmem:$0x14280] =	vst v63  }
0x31d: {  	v39 =	vperm.xlane v24, v16;
	v38 =	vadd.s32 v5, v37;
	s16 =	sld [smem:$0x672]  }
0x31e: {  	[tilespmem:s17], [sflag:$0x4] =	stream.indirect_vreg.gather [hbm4b:s15+s2], $0x80, v34, vm0, $0xb8;
	[tilespmem:$0x14280] =	vst v63  }
0x31f: {  	v41 =	vperm.xlane v24, v17;
	v40 =	vadd.s32 v5, v39;
	s17 =	sld [smem:$0x673]  }
0x320: {  	[tilespmem:s16], [sflag:$0x4] =	stream.indirect_vreg.gather [hbm4b:s15+s2], $0x80, v36, vm0, $0xb8;
	[tilespmem:$0x14280] =	vst v63  }
0x321: {  	v24 =	vperm.xlane v24, v18;
	v42 =	vadd.s32 v5, v41;
	s16 =	sld [smem:$0x674]  }
0x322: {  	[tilespmem:s17], [sflag:$0x4] =	stream.indirect_vreg.gather [hbm4b:s15+s2], $0x80, v38, vm0, $0xb8;
	[tilespmem:$0x14280] =	vst v63  }
0x323: {  	v24 =	vadd.s32 v5, v24;
	s17 =	sld [smem:$0x675]  }
0x324: {  	[tilespmem:s16], [sflag:$0x4] =	stream.indirect_vreg.gather [hbm4b:s15+s2], $0x80, v40, vm0, $0xb8;
	[tilespmem:$0x14280] =	vst v63  }
0x325: {  	s16 =	sld [smem:$0x676]  }
0x326: {  	[tilespmem:s17], [sflag:$0x4] =	stream.indirect_vreg.gather [hbm4b:s15+s2], $0x80, v42, vm0, $0xb8;
	[tilespmem:$0x14280] =	vst v63  }
0x327: {  	_ = 	snop  }
0x328: {  	[tilespmem:s16], [sflag:$0x4] =	stream.indirect_vreg.gather [hbm4b:s15+s2], $0x80, v24, vm0, $0xb8;
	[tilespmem:$0x14280] =	vst v63  }
0x329: {  	v24 =	vld [tilespmem:$0x210];
	_ =	sdelay $0x4  }
0x32a: {  	v43 =	vshrl.u32 v24, $0x3  }
0x32b: {  	v25 =	vmul.u32 $0xF428, v43  }
0x32c: {  	v24 =	vand.u32 $0x7, v24  }
0x32d: {  	v24 =	vor.u32 v24, v25  }
0x32e: {  	v25 =	vperm.xlane v24, v4;
	_ =	sdelay $0x1  }
0x32f: {  	v44 =	vperm.xlane v24, v6;
	v25 =	vadd.s32 v5, v25;
	_ =	sdelay $0x1  }
0x330: {  	s16 =	sld [smem:$0x677];
	v45 =	vperm.xlane v24, v7;
	v26 =	vadd.s32 v5, v44;
	_ =	sdelay $0x1  }
0x331: {  	s17 =	sld [smem:$0x678];
	v46 =	vperm.xlane v24, v2;
	v27 =	vadd.s32 v5, v45  }
0x332: {  	[tilespmem:s16], [sflag:$0x4] =	stream.indirect_vreg.gather [hbm4b:s15+s2], $0x80, v25, vm0, $0xb8;
	[tilespmem:$0x14280] =	vst v63  }
0x333: {  	v48 =	vperm.xlane v24, v8;
	v47 =	vadd.s32 v5, v46;
	s16 =	sld [smem:$0x679]  }
0x334: {  	[tilespmem:s17], [sflag:$0x4] =	stream.indirect_vreg.gather [hbm4b:s15+s2], $0x80, v26, vm0, $0xb8;
	[tilespmem:$0x14280] =	vst v63  }
0x335: {  	v50 =	vperm.xlane v24, v9;
	v49 =	vadd.s32 v5, v48;
	s17 =	sld [smem:$0x67A]  }
0x336: {  	[tilespmem:s16], [sflag:$0x4] =	stream.indirect_vreg.gather [hbm4b:s15+s2], $0x80, v27, vm0, $0xb8;
	[tilespmem:$0x14280] =	vst v63  }
0x337: {  	v52 =	vperm.xlane v24, v10;
	v51 =	vadd.s32 v5, v50;
	s16 =	sld [smem:$0x67B]  }
0x338: {  	[tilespmem:s17], [sflag:$0x4] =	stream.indirect_vreg.gather [hbm4b:s15+s2], $0x80, v47, vm0, $0xb8;
	[tilespmem:$0x14280] =	vst v63  }
0x339: {  	v54 =	vperm.xlane v24, v3;
	v53 =	vadd.s32 v5, v52;
	s17 =	sld [smem:$0x67C]  }
0x33a: {  	[tilespmem:s16], [sflag:$0x4] =	stream.indirect_vreg.gather [hbm4b:s15+s2], $0x80, v49, vm0, $0xb8;
	[tilespmem:$0x14280] =	vst v63  }
0x33b: {  	v56 =	vperm.xlane v24, v11;
	v55 =	vadd.s32 v5, v54;
	s16 =	sld [smem:$0x67D]  }
0x33c: {  	[tilespmem:s17], [sflag:$0x4] =	stream.indirect_vreg.gather [hbm4b:s15+s2], $0x80, v51, vm0, $0xb8;
	[tilespmem:$0x14280] =	vst v63  }
0x33d: {  	v58 =	vperm.xlane v24, v12;
	v57 =	vadd.s32 v5, v56;
	s17 =	sld [smem:$0x67E]  }
0x33e: {  	[tilespmem:s16], [sflag:$0x4] =	stream.indirect_vreg.gather [hbm4b:s15+s2], $0x80, v53, vm0, $0xb8;
	[tilespmem:$0x14280] =	vst v63  }
0x33f: {  	v60 =	vperm.xlane v24, v13;
	v59 =	vadd.s32 v5, v58;
	s16 =	sld [smem:$0x67F]  }
0x340: {  	[tilespmem:s17], [sflag:$0x4] =	stream.indirect_vreg.gather [hbm4b:s15+s2], $0x80, v55, vm0, $0xb8;
	[tilespmem:$0x14280] =	vst v63  }
0x341: {  	v62 =	vperm.xlane v24, v14;
	v61 =	vadd.s32 v5, v60;
	s17 =	sld [smem:$0x680]  }
0x342: {  	[tilespmem:s16], [sflag:$0x4] =	stream.indirect_vreg.gather [hbm4b:s15+s2], $0x80, v57, vm0, $0xb8;
	[tilespmem:$0x14280] =	vst v63  }
0x343: {  	v32 =	vperm.xlane v24, v15;
	v63 =	vadd.s32 v5, v62;
	s16 =	sld [smem:$0x681]  }
0x344: {  	[tilespmem:s17], [sflag:$0x4] =	stream.indirect_vreg.gather [hbm4b:s15+s2], $0x80, v59, vm0, $0xb8;
	[tilespmem:$0x14280] =	vst v63  }
0x345: {  	v34 =	vperm.xlane v24, v16;
	v33 =	vadd.s32 v5, v32;
	s17 =	sld [smem:$0x682]  }
0x346: {  	[tilespmem:s16], [sflag:$0x4] =	stream.indirect_vreg.gather [hbm4b:s15+s2], $0x80, v61, vm0, $0xb8;
	[tilespmem:$0x14280] =	vst v63  }
0x347: {  	v36 =	vperm.xlane v24, v17;
	v35 =	vadd.s32 v5, v34;
	s16 =	sld [smem:$0x683]  }
0x348: {  	(v2sf) =	vpush v23, $0x4;
	[tilespmem:s17], [sflag:$0x4] =	stream.indirect_vreg.gather [hbm4b:s15+s2], $0x80, v63, vm0, $0xb8;
	[tilespmem:$0x14280] =	vst v63  }
0x349: {  	v24 =	vperm.xlane v24, v18;
	v37 =	vadd.s32 v5, v36;
	s17 =	sld [smem:$0x684]  }
0x34a: {  	[tilespmem:s16], [sflag:$0x4] =	stream.indirect_vreg.gather [hbm4b:s15+s2], $0x80, v33, vm0, $0xb8;
	[tilespmem:$0x14280] =	vst v63  }
0x34b: {  	v24 =	vadd.s32 v5, v24;
	s16 =	sld [smem:$0x685]  }
0x34c: {  	[tilespmem:s17], [sflag:$0x4] =	stream.indirect_vreg.gather [hbm4b:s15+s2], $0x80, v35, vm0, $0xb8;
	[tilespmem:$0x14280] =	vst v63  }
0x34d: {  	s17 =	sld [smem:$0x686]  }
0x34e: {  	[tilespmem:s16], [sflag:$0x4] =	stream.indirect_vreg.gather [hbm4b:s15+s2], $0x80, v37, vm0, $0xb8;
	[tilespmem:$0x14280] =	vst v63  }
0x34f: {  	_ = 	snop  }
0x350: {  	[tilespmem:s17], [sflag:$0x4] =	stream.indirect_vreg.gather [hbm4b:s15+s2], $0x80, v24, vm0, $0xb8;
	[tilespmem:$0x14280] =	vst v63  }
0x351: {  	v24 =	vld [tilespmem:$0x200];
	_ =	sdelay $0x4  }
0x352: {  	v38 =	vshrl.u32 v24, $0x3  }
0x353: {  	s15 =	spop (v2sf);
	v25 =	vmul.u32 $0xF428, v38  }
0x354: {  	s16 =	sand.u32 $0x7F, s15;
	v24 =	vand.u32 $0x7, v24  }
0x355: {  	s17 =	sshra.s32 s15, $0x1F;
	p1 =	slt.s32 s15, $0x1;
	p2 =	sne.s32 s16, $0x0;
	v24 =	vor.u32 v24, v25  }
0x356: {  	s17 =	sshrl.u32 s17, $0x19;
	p0 =	por !p1, !p2;
	v25 =	vperm.xlane v24, v4  }
0x357: {  	s16 =	simm.s32 $0x1;
	s15 =	sadd.s32 s17, s15;
	p0 =	por !p0, !p0  }
0x358: {  	s15 =	sshrl.u32 s15, $0x7;
	s16 =	simm.s32 @!p0 $0x0;
	v39 =	vperm.xlane v24, v6;
	v25 =	vadd.s32 v5, v25  }
0x359: {  	s15 =	ssub.s32 s15, s16  }
0x35a: {  	s15 =	sshll.u32 s15, $0x7;
	v40 =	vperm.xlane v24, v7;
	v26 =	vadd.s32 v5, v39  }
0x35b: {  	s15 =	sand.u32 $0x1FFFFF80, s15  }
0x35c: {  	s19 =	simm.s32 $0x4280;
	s16 =	sld [smem:$0x687];
	s15 =	sadd.s32 s1, s15;
	v41 =	vperm.xlane v24, v2;
	v27 =	vadd.s32 v5, v40  }
0x35d: {  	[tilespmem:s19], [sflag:$0x5] =	stream.indirect_vreg.gather [hbm4b:s15+s2], $0x80, v25, vm0, $0xb8;
	[tilespmem:$0x14280] =	vst v63  }
0x35e: {  	s17 =	sld [smem:$0x688];
	v43 =	vperm.xlane v24, v8;
	v42 =	vadd.s32 v5, v41  }
0x35f: {  	[tilespmem:s16], [sflag:$0x5] =	stream.indirect_vreg.gather [hbm4b:s15+s2], $0x80, v26, vm0, $0xb8;
	[tilespmem:$0x14280] =	vst v63  }
0x360: {  	v45 =	vperm.xlane v24, v9;
	v44 =	vadd.s32 v5, v43;
	s16 =	sld [smem:$0x689]  }
0x361: {  	[tilespmem:s17], [sflag:$0x5] =	stream.indirect_vreg.gather [hbm4b:s15+s2], $0x80, v27, vm0, $0xb8;
	[tilespmem:$0x14280] =	vst v63  }
0x362: {  	v47 =	vperm.xlane v24, v10;
	v46 =	vadd.s32 v5, v45;
	s17 =	sld [smem:$0x68A]  }
0x363: {  	[tilespmem:s16], [sflag:$0x5] =	stream.indirect_vreg.gather [hbm4b:s15+s2], $0x80, v42, vm0, $0xb8;
	[tilespmem:$0x14280] =	vst v63  }
0x364: {  	v49 =	vperm.xlane v24, v3;
	v48 =	vadd.s32 v5, v47;
	s16 =	sld [smem:$0x68B]  }
0x365: {  	[tilespmem:s17], [sflag:$0x5] =	stream.indirect_vreg.gather [hbm4b:s15+s2], $0x80, v44, vm0, $0xb8;
	[tilespmem:$0x14280] =	vst v63  }
0x366: {  	v51 =	vperm.xlane v24, v11;
	v50 =	vadd.s32 v5, v49;
	s17 =	sld [smem:$0x68C]  }
0x367: {  	[tilespmem:s16], [sflag:$0x5] =	stream.indirect_vreg.gather [hbm4b:s15+s2], $0x80, v46, vm0, $0xb8;
	[tilespmem:$0x14280] =	vst v63  }
0x368: {  	v53 =	vperm.xlane v24, v12;
	v52 =	vadd.s32 v5, v51;
	s16 =	sld [smem:$0x68D]  }
0x369: {  	[tilespmem:s17], [sflag:$0x5] =	stream.indirect_vreg.gather [hbm4b:s15+s2], $0x80, v48, vm0, $0xb8;
	[tilespmem:$0x14280] =	vst v63  }
0x36a: {  	v55 =	vperm.xlane v24, v13;
	v54 =	vadd.s32 v5, v53;
	s17 =	sld [smem:$0x68E]  }
0x36b: {  	[tilespmem:s16], [sflag:$0x5] =	stream.indirect_vreg.gather [hbm4b:s15+s2], $0x80, v50, vm0, $0xb8;
	[tilespmem:$0x14280] =	vst v63  }
0x36c: {  	v57 =	vperm.xlane v24, v14;
	v56 =	vadd.s32 v5, v55;
	s16 =	sld [smem:$0x68F]  }
0x36d: {  	[tilespmem:s17], [sflag:$0x5] =	stream.indirect_vreg.gather [hbm4b:s15+s2], $0x80, v52, vm0, $0xb8;
	[tilespmem:$0x14280] =	vst v63  }
0x36e: {  	v59 =	vperm.xlane v24, v15;
	v58 =	vadd.s32 v5, v57;
	s17 =	sld [smem:$0x690]  }
0x36f: {  	[tilespmem:s16], [sflag:$0x5] =	stream.indirect_vreg.gather [hbm4b:s15+s2], $0x80, v54, vm0, $0xb8;
	[tilespmem:$0x14280] =	vst v63  }
0x370: {  	v61 =	vperm.xlane v24, v16;
	v60 =	vadd.s32 v5, v59;
	s16 =	sld [smem:$0x691]  }
0x371: {  	[tilespmem:s17], [sflag:$0x5] =	stream.indirect_vreg.gather [hbm4b:s15+s2], $0x80, v56, vm0, $0xb8;
	[tilespmem:$0x14280] =	vst v63  }
0x372: {  	v63 =	vperm.xlane v24, v17;
	v62 =	vadd.s32 v5, v61;
	s17 =	sld [smem:$0x692]  }
0x373: {  	[tilespmem:s16], [sflag:$0x5] =	stream.indirect_vreg.gather [hbm4b:s15+s2], $0x80, v58, vm0, $0xb8;
	[tilespmem:$0x14280] =	vst v63  }
0x374: {  	v24 =	vperm.xlane v24, v18;
	v30 =	vadd.s32 v5, v63;
	s16 =	sld [smem:$0x693]  }
0x375: {  	[tilespmem:s17], [sflag:$0x5] =	stream.indirect_vreg.gather [hbm4b:s15+s2], $0x80, v60, vm0, $0xb8;
	[tilespmem:$0x14280] =	vst v63  }
0x376: {  	v24 =	vadd.s32 v5, v24;
	s17 =	sld [smem:$0x694]  }
0x377: {  	[tilespmem:s16], [sflag:$0x5] =	stream.indirect_vreg.gather [hbm4b:s15+s2], $0x80, v62, vm0, $0xb8;
	[tilespmem:$0x14280] =	vst v63  }
0x378: {  	s16 =	sld [smem:$0x695]  }
0x379: {  	[tilespmem:s17], [sflag:$0x5] =	stream.indirect_vreg.gather [hbm4b:s15+s2], $0x80, v30, vm0, $0xb8;
	[tilespmem:$0x14280] =	vst v63  }
0x37a: {  	_ = 	snop  }
0x37b: {  	[tilespmem:s16], [sflag:$0x5] =	stream.indirect_vreg.gather [hbm4b:s15+s2], $0x80, v24, vm0, $0xb8;
	[tilespmem:$0x14280] =	vst v63  }
0x37c: {  	v24 =	vld [tilespmem:$0x210];
	_ =	sdelay $0x4  }
0x37d: {  	v31 =	vshrl.u32 v24, $0x3  }
0x37e: {  	v25 =	vmul.u32 $0xF428, v31  }
0x37f: {  	v24 =	vand.u32 $0x7, v24  }
0x380: {  	v24 =	vor.u32 v24, v25  }
0x381: {  	v25 =	vperm.xlane v24, v4;
	_ =	sdelay $0x1  }
0x382: {  	v32 =	vperm.xlane v24, v6;
	v25 =	vadd.s32 v5, v25;
	_ =	sdelay $0x1  }
0x383: {  	s16 =	sld [smem:$0x696];
	v33 =	vperm.xlane v24, v7;
	v26 =	vadd.s32 v5, v32;
	_ =	sdelay $0x1  }
0x384: {  	s17 =	sld [smem:$0x697];
	v34 =	vperm.xlane v24, v2;
	v27 =	vadd.s32 v5, v33  }
0x385: {  	[tilespmem:s16], [sflag:$0x5] =	stream.indirect_vreg.gather [hbm4b:s15+s2], $0x80, v25, vm0, $0xb8;
	[tilespmem:$0x14280] =	vst v63  }
0x386: {  	v36 =	vperm.xlane v24, v8;
	v35 =	vadd.s32 v5, v34;
	s16 =	sld [smem:$0x698]  }
0x387: {  	[tilespmem:s17], [sflag:$0x5] =	stream.indirect_vreg.gather [hbm4b:s15+s2], $0x80, v26, vm0, $0xb8;
	[tilespmem:$0x14280] =	vst v63  }
0x388: {  	v38 =	vperm.xlane v24, v9;
	v37 =	vadd.s32 v5, v36;
	s17 =	sld [smem:$0x699]  }
0x389: {  	[tilespmem:s16], [sflag:$0x5] =	stream.indirect_vreg.gather [hbm4b:s15+s2], $0x80, v27, vm0, $0xb8;
	[tilespmem:$0x14280] =	vst v63  }
0x38a: {  	v40 =	vperm.xlane v24, v10;
	v39 =	vadd.s32 v5, v38;
	s16 =	sld [smem:$0x69A]  }
0x38b: {  	[tilespmem:s17], [sflag:$0x5] =	stream.indirect_vreg.gather [hbm4b:s15+s2], $0x80, v35, vm0, $0xb8;
	[tilespmem:$0x14280] =	vst v63  }
0x38c: {  	v42 =	vperm.xlane v24, v3;
	v41 =	vadd.s32 v5, v40;
	s17 =	sld [smem:$0x69B]  }
0x38d: {  	[tilespmem:s16], [sflag:$0x5] =	stream.indirect_vreg.gather [hbm4b:s15+s2], $0x80, v37, vm0, $0xb8;
	[tilespmem:$0x14280] =	vst v63  }
0x38e: {  	v44 =	vperm.xlane v24, v11;
	v43 =	vadd.s32 v5, v42;
	s16 =	sld [smem:$0x69C]  }
0x38f: {  	[tilespmem:s17], [sflag:$0x5] =	stream.indirect_vreg.gather [hbm4b:s15+s2], $0x80, v39, vm0, $0xb8;
	[tilespmem:$0x14280] =	vst v63  }
0x390: {  	v46 =	vperm.xlane v24, v12;
	v45 =	vadd.s32 v5, v44;
	s17 =	sld [smem:$0x69D]  }
0x391: {  	[tilespmem:s16], [sflag:$0x5] =	stream.indirect_vreg.gather [hbm4b:s15+s2], $0x80, v41, vm0, $0xb8;
	[tilespmem:$0x14280] =	vst v63  }
0x392: {  	v48 =	vperm.xlane v24, v13;
	v47 =	vadd.s32 v5, v46;
	s16 =	sld [smem:$0x69E]  }
0x393: {  	[tilespmem:s17], [sflag:$0x5] =	stream.indirect_vreg.gather [hbm4b:s15+s2], $0x80, v43, vm0, $0xb8;
	[tilespmem:$0x14280] =	vst v63  }
0x394: {  	v50 =	vperm.xlane v24, v14;
	v49 =	vadd.s32 v5, v48;
	s17 =	sld [smem:$0x69F]  }
0x395: {  	[tilespmem:s16], [sflag:$0x5] =	stream.indirect_vreg.gather [hbm4b:s15+s2], $0x80, v45, vm0, $0xb8;
	[tilespmem:$0x14280] =	vst v63  }
0x396: {  	v52 =	vperm.xlane v24, v15;
	v51 =	vadd.s32 v5, v50;
	s16 =	sld [smem:$0x6A0]  }
0x397: {  	[tilespmem:s17], [sflag:$0x5] =	stream.indirect_vreg.gather [hbm4b:s15+s2], $0x80, v47, vm0, $0xb8;
	[tilespmem:$0x14280] =	vst v63  }
0x398: {  	v54 =	vperm.xlane v24, v16;
	v53 =	vadd.s32 v5, v52;
	s17 =	sld [smem:$0x6A1]  }
0x399: {  	[tilespmem:s16], [sflag:$0x5] =	stream.indirect_vreg.gather [hbm4b:s15+s2], $0x80, v49, vm0, $0xb8;
	[tilespmem:$0x14280] =	vst v63  }
0x39a: {  	v56 =	vperm.xlane v24, v17;
	v55 =	vadd.s32 v5, v54;
	s16 =	sld [smem:$0x6A2]  }
0x39b: {  	(v2sf) =	vpush v23, $0x5;
	[tilespmem:s17], [sflag:$0x5] =	stream.indirect_vreg.gather [hbm4b:s15+s2], $0x80, v51, vm0, $0xb8;
	[tilespmem:$0x14280] =	vst v63  }
0x39c: {  	v24 =	vperm.xlane v24, v18;
	v57 =	vadd.s32 v5, v56;
	s17 =	sld [smem:$0x6A3]  }
0x39d: {  	[tilespmem:s16], [sflag:$0x5] =	stream.indirect_vreg.gather [hbm4b:s15+s2], $0x80, v53, vm0, $0xb8;
	[tilespmem:$0x14280] =	vst v63  }
0x39e: {  	v24 =	vadd.s32 v5, v24;
	s16 =	sld [smem:$0x6A4]  }
0x39f: {  	[tilespmem:s17], [sflag:$0x5] =	stream.indirect_vreg.gather [hbm4b:s15+s2], $0x80, v55, vm0, $0xb8;
	[tilespmem:$0x14280] =	vst v63  }
0x3a0: {  	s17 =	sld [smem:$0x6A5]  }
0x3a1: {  	[tilespmem:s16], [sflag:$0x5] =	stream.indirect_vreg.gather [hbm4b:s15+s2], $0x80, v57, vm0, $0xb8;
	[tilespmem:$0x14280] =	vst v63  }
0x3a2: {  	_ = 	snop  }
0x3a3: {  	[tilespmem:s17], [sflag:$0x5] =	stream.indirect_vreg.gather [hbm4b:s15+s2], $0x80, v24, vm0, $0xb8;
	[tilespmem:$0x14280] =	vst v63  }
0x3a4: {  	v24 =	vld [tilespmem:$0x200];
	_ =	sdelay $0x4  }
0x3a5: {  	v58 =	vshrl.u32 v24, $0x3  }
0x3a6: {  	s15 =	spop (v2sf);
	v25 =	vmul.u32 $0xF428, v58  }
0x3a7: {  	s16 =	sand.u32 $0x7F, s15;
	v24 =	vand.u32 $0x7, v24  }
0x3a8: {  	s17 =	sshra.s32 s15, $0x1F;
	p3 =	slt.s32 s15, $0x1;
	p4 =	sne.s32 s16, $0x0;
	v24 =	vor.u32 v24, v25  }
0x3a9: {  	s17 =	sshrl.u32 s17, $0x19;
	p0 =	por !p3, !p4;
	v25 =	vperm.xlane v24, v4  }
0x3aa: {  	s16 =	simm.s32 $0x1;
	s15 =	sadd.s32 s17, s15;
	p0 =	por !p0, !p0  }
0x3ab: {  	s15 =	sshrl.u32 s15, $0x7;
	s16 =	simm.s32 @!p0 $0x0;
	v59 =	vperm.xlane v24, v6;
	v25 =	vadd.s32 v5, v25  }
0x3ac: {  	s15 =	ssub.s32 s15, s16  }
0x3ad: {  	s15 =	sshll.u32 s15, $0x7;
	v60 =	vperm.xlane v24, v7;
	v26 =	vadd.s32 v5, v59  }
0x3ae: {  	s15 =	sand.u32 $0x1FFFFF80, s15  }
0x3af: {  	s20 =	simm.s32 $0x5280;
	s16 =	sld [smem:$0x6A6];
	s15 =	sadd.s32 s1, s15;
	v61 =	vperm.xlane v24, v2;
	v27 =	vadd.s32 v5, v60  }
0x3b0: {  	[tilespmem:s20], [sflag:$0x6] =	stream.indirect_vreg.gather [hbm4b:s15+s2], $0x80, v25, vm0, $0xb8;
	[tilespmem:$0x14280] =	vst v63  }
0x3b1: {  	s17 =	sld [smem:$0x6A7];
	v63 =	vperm.xlane v24, v8;
	v62 =	vadd.s32 v5, v61  }
0x3b2: {  	[tilespmem:s16], [sflag:$0x6] =	stream.indirect_vreg.gather [hbm4b:s15+s2], $0x80, v26, vm0, $0xb8;
	[tilespmem:$0x14280] =	vst v63  }
0x3b3: {  	v33 =	vperm.xlane v24, v9;
	v32 =	vadd.s32 v5, v63;
	s16 =	sld [smem:$0x6A8]  }
0x3b4: {  	[tilespmem:s17], [sflag:$0x6] =	stream.indirect_vreg.gather [hbm4b:s15+s2], $0x80, v27, vm0, $0xb8;
	[tilespmem:$0x14280] =	vst v63  }
0x3b5: {  	v35 =	vperm.xlane v24, v10;
	v34 =	vadd.s32 v5, v33;
	s17 =	sld [smem:$0x6A9]  }
0x3b6: {  	[tilespmem:s16], [sflag:$0x6] =	stream.indirect_vreg.gather [hbm4b:s15+s2], $0x80, v62, vm0, $0xb8;
	[tilespmem:$0x14280] =	vst v63  }
0x3b7: {  	v37 =	vperm.xlane v24, v3;
	v36 =	vadd.s32 v5, v35;
	s16 =	sld [smem:$0x6AA]  }
0x3b8: {  	[tilespmem:s17], [sflag:$0x6] =	stream.indirect_vreg.gather [hbm4b:s15+s2], $0x80, v32, vm0, $0xb8;
	[tilespmem:$0x14280] =	vst v63  }
0x3b9: {  	v39 =	vperm.xlane v24, v11;
	v38 =	vadd.s32 v5, v37;
	s17 =	sld [smem:$0x6AB]  }
0x3ba: {  	[tilespmem:s16], [sflag:$0x6] =	stream.indirect_vreg.gather [hbm4b:s15+s2], $0x80, v34, vm0, $0xb8;
	[tilespmem:$0x14280] =	vst v63  }
0x3bb: {  	v41 =	vperm.xlane v24, v12;
	v40 =	vadd.s32 v5, v39;
	s16 =	sld [smem:$0x6AC]  }
0x3bc: {  	[tilespmem:s17], [sflag:$0x6] =	stream.indirect_vreg.gather [hbm4b:s15+s2], $0x80, v36, vm0, $0xb8;
	[tilespmem:$0x14280] =	vst v63  }
0x3bd: {  	v43 =	vperm.xlane v24, v13;
	v42 =	vadd.s32 v5, v41;
	s17 =	sld [smem:$0x6AD]  }
0x3be: {  	[tilespmem:s16], [sflag:$0x6] =	stream.indirect_vreg.gather [hbm4b:s15+s2], $0x80, v38, vm0, $0xb8;
	[tilespmem:$0x14280] =	vst v63  }
0x3bf: {  	v45 =	vperm.xlane v24, v14;
	v44 =	vadd.s32 v5, v43;
	s16 =	sld [smem:$0x6AE]  }
0x3c0: {  	[tilespmem:s17], [sflag:$0x6] =	stream.indirect_vreg.gather [hbm4b:s15+s2], $0x80, v40, vm0, $0xb8;
	[tilespmem:$0x14280] =	vst v63  }
0x3c1: {  	v47 =	vperm.xlane v24, v15;
	v46 =	vadd.s32 v5, v45;
	s17 =	sld [smem:$0x6AF]  }
0x3c2: {  	[tilespmem:s16], [sflag:$0x6] =	stream.indirect_vreg.gather [hbm4b:s15+s2], $0x80, v42, vm0, $0xb8;
	[tilespmem:$0x14280] =	vst v63  }
0x3c3: {  	v49 =	vperm.xlane v24, v16;
	v48 =	vadd.s32 v5, v47;
	s16 =	sld [smem:$0x6B0]  }
0x3c4: {  	[tilespmem:s17], [sflag:$0x6] =	stream.indirect_vreg.gather [hbm4b:s15+s2], $0x80, v44, vm0, $0xb8;
	[tilespmem:$0x14280] =	vst v63  }
0x3c5: {  	v51 =	vperm.xlane v24, v17;
	v50 =	vadd.s32 v5, v49;
	s17 =	sld [smem:$0x6B1]  }
0x3c6: {  	[tilespmem:s16], [sflag:$0x6] =	stream.indirect_vreg.gather [hbm4b:s15+s2], $0x80, v46, vm0, $0xb8;
	[tilespmem:$0x14280] =	vst v63  }
0x3c7: {  	v24 =	vperm.xlane v24, v18;
	v52 =	vadd.s32 v5, v51;
	s16 =	sld [smem:$0x6B2]  }
0x3c8: {  	[tilespmem:s17], [sflag:$0x6] =	stream.indirect_vreg.gather [hbm4b:s15+s2], $0x80, v48, vm0, $0xb8;
	[tilespmem:$0x14280] =	vst v63  }
0x3c9: {  	v24 =	vadd.s32 v5, v24;
	s17 =	sld [smem:$0x6B3]  }
0x3ca: {  	[tilespmem:s16], [sflag:$0x6] =	stream.indirect_vreg.gather [hbm4b:s15+s2], $0x80, v50, vm0, $0xb8;
	[tilespmem:$0x14280] =	vst v63  }
0x3cb: {  	s16 =	sld [smem:$0x6B4]  }
0x3cc: {  	[tilespmem:s17], [sflag:$0x6] =	stream.indirect_vreg.gather [hbm4b:s15+s2], $0x80, v52, vm0, $0xb8;
	[tilespmem:$0x14280] =	vst v63  }
0x3cd: {  	_ = 	snop  }
0x3ce: {  	[tilespmem:s16], [sflag:$0x6] =	stream.indirect_vreg.gather [hbm4b:s15+s2], $0x80, v24, vm0, $0xb8;
	[tilespmem:$0x14280] =	vst v63  }
0x3cf: {  	v24 =	vld [tilespmem:$0x210];
	_ =	sdelay $0x4  }
0x3d0: {  	v53 =	vshrl.u32 v24, $0x3  }
0x3d1: {  	v25 =	vmul.u32 $0xF428, v53  }
0x3d2: {  	v24 =	vand.u32 $0x7, v24  }
0x3d3: {  	v24 =	vor.u32 v24, v25  }
0x3d4: {  	v25 =	vperm.xlane v24, v4;
	_ =	sdelay $0x1  }
0x3d5: {  	v54 =	vperm.xlane v24, v6;
	v25 =	vadd.s32 v5, v25;
	_ =	sdelay $0x1  }
0x3d6: {  	s16 =	sld [smem:$0x6B5];
	v55 =	vperm.xlane v24, v7;
	v26 =	vadd.s32 v5, v54;
	_ =	sdelay $0x1  }
0x3d7: {  	s17 =	sld [smem:$0x6B6];
	v56 =	vperm.xlane v24, v2;
	v27 =	vadd.s32 v5, v55  }
0x3d8: {  	[tilespmem:s16], [sflag:$0x6] =	stream.indirect_vreg.gather [hbm4b:s15+s2], $0x80, v25, vm0, $0xb8;
	[tilespmem:$0x14280] =	vst v63  }
0x3d9: {  	v58 =	vperm.xlane v24, v8;
	v57 =	vadd.s32 v5, v56;
	s16 =	sld [smem:$0x6B7]  }
0x3da: {  	[tilespmem:s17], [sflag:$0x6] =	stream.indirect_vreg.gather [hbm4b:s15+s2], $0x80, v26, vm0, $0xb8;
	[tilespmem:$0x14280] =	vst v63  }
0x3db: {  	v60 =	vperm.xlane v24, v9;
	v59 =	vadd.s32 v5, v58;
	s17 =	sld [smem:$0x6B8]  }
0x3dc: {  	[tilespmem:s16], [sflag:$0x6] =	stream.indirect_vreg.gather [hbm4b:s15+s2], $0x80, v27, vm0, $0xb8;
	[tilespmem:$0x14280] =	vst v63  }
0x3dd: {  	v62 =	vperm.xlane v24, v10;
	v61 =	vadd.s32 v5, v60;
	s16 =	sld [smem:$0x6B9]  }
0x3de: {  	[tilespmem:s17], [sflag:$0x6] =	stream.indirect_vreg.gather [hbm4b:s15+s2], $0x80, v57, vm0, $0xb8;
	[tilespmem:$0x14280] =	vst v63  }
0x3df: {  	v32 =	vperm.xlane v24, v3;
	v63 =	vadd.s32 v5, v62;
	s17 =	sld [smem:$0x6BA]  }
0x3e0: {  	[tilespmem:s16], [sflag:$0x6] =	stream.indirect_vreg.gather [hbm4b:s15+s2], $0x80, v59, vm0, $0xb8;
	[tilespmem:$0x14280] =	vst v63  }
0x3e1: {  	v34 =	vperm.xlane v24, v11;
	v33 =	vadd.s32 v5, v32;
	s16 =	sld [smem:$0x6BB]  }
0x3e2: {  	[tilespmem:s17], [sflag:$0x6] =	stream.indirect_vreg.gather [hbm4b:s15+s2], $0x80, v61, vm0, $0xb8;
	[tilespmem:$0x14280] =	vst v63  }
0x3e3: {  	v36 =	vperm.xlane v24, v12;
	v35 =	vadd.s32 v5, v34;
	s17 =	sld [smem:$0x6BC]  }
0x3e4: {  	[tilespmem:s16], [sflag:$0x6] =	stream.indirect_vreg.gather [hbm4b:s15+s2], $0x80, v63, vm0, $0xb8;
	[tilespmem:$0x14280] =	vst v63  }
0x3e5: {  	v38 =	vperm.xlane v24, v13;
	v37 =	vadd.s32 v5, v36;
	s16 =	sld [smem:$0x6BD]  }
0x3e6: {  	[tilespmem:s17], [sflag:$0x6] =	stream.indirect_vreg.gather [hbm4b:s15+s2], $0x80, v33, vm0, $0xb8;
	[tilespmem:$0x14280] =	vst v63  }
0x3e7: {  	v40 =	vperm.xlane v24, v14;
	v39 =	vadd.s32 v5, v38;
	s17 =	sld [smem:$0x6BE]  }
0x3e8: {  	[tilespmem:s16], [sflag:$0x6] =	stream.indirect_vreg.gather [hbm4b:s15+s2], $0x80, v35, vm0, $0xb8;
	[tilespmem:$0x14280] =	vst v63  }
0x3e9: {  	v42 =	vperm.xlane v24, v15;
	v41 =	vadd.s32 v5, v40;
	s16 =	sld [smem:$0x6BF]  }
0x3ea: {  	[tilespmem:s17], [sflag:$0x6] =	stream.indirect_vreg.gather [hbm4b:s15+s2], $0x80, v37, vm0, $0xb8;
	[tilespmem:$0x14280] =	vst v63  }
0x3eb: {  	v44 =	vperm.xlane v24, v16;
	v43 =	vadd.s32 v5, v42;
	s17 =	sld [smem:$0x6C0]  }
0x3ec: {  	[tilespmem:s16], [sflag:$0x6] =	stream.indirect_vreg.gather [hbm4b:s15+s2], $0x80, v39, vm0, $0xb8;
	[tilespmem:$0x14280] =	vst v63  }
0x3ed: {  	v46 =	vperm.xlane v24, v17;
	v45 =	vadd.s32 v5, v44;
	s16 =	sld [smem:$0x6C1]  }
0x3ee: {  	(v2sf) =	vpush v23, $0x6;
	[tilespmem:s17], [sflag:$0x6] =	stream.indirect_vreg.gather [hbm4b:s15+s2], $0x80, v41, vm0, $0xb8;
	[tilespmem:$0x14280] =	vst v63  }
0x3ef: {  	v24 =	vperm.xlane v24, v18;
	v47 =	vadd.s32 v5, v46;
	s17 =	sld [smem:$0x6C2]  }
0x3f0: {  	[tilespmem:s16], [sflag:$0x6] =	stream.indirect_vreg.gather [hbm4b:s15+s2], $0x80, v43, vm0, $0xb8;
	[tilespmem:$0x14280] =	vst v63  }
0x3f1: {  	v24 =	vadd.s32 v5, v24;
	s16 =	sld [smem:$0x6C3]  }
0x3f2: {  	[tilespmem:s17], [sflag:$0x6] =	stream.indirect_vreg.gather [hbm4b:s15+s2], $0x80, v45, vm0, $0xb8;
	[tilespmem:$0x14280] =	vst v63  }
0x3f3: {  	s17 =	sld [smem:$0x6C4]  }
0x3f4: {  	[tilespmem:s16], [sflag:$0x6] =	stream.indirect_vreg.gather [hbm4b:s15+s2], $0x80, v47, vm0, $0xb8;
	[tilespmem:$0x14280] =	vst v63  }
0x3f5: {  	_ = 	snop  }
0x3f6: {  	[tilespmem:s17], [sflag:$0x6] =	stream.indirect_vreg.gather [hbm4b:s15+s2], $0x80, v24, vm0, $0xb8;
	[tilespmem:$0x14280] =	vst v63  }
0x3f7: {  	v24 =	vld [tilespmem:$0x200];
	_ =	sdelay $0x4  }
0x3f8: {  	v48 =	vshrl.u32 v24, $0x3  }
0x3f9: {  	s15 =	spop (v2sf);
	v25 =	vmul.u32 $0xF428, v48  }
0x3fa: {  	s16 =	sand.u32 $0x7F, s15;
	v24 =	vand.u32 $0x7, v24  }
0x3fb: {  	s17 =	sshra.s32 s15, $0x1F;
	p5 =	slt.s32 s15, $0x1;
	p6 =	sne.s32 s16, $0x0;
	v24 =	vor.u32 v24, v25  }
0x3fc: {  	s17 =	sshrl.u32 s17, $0x19;
	p0 =	por !p5, !p6;
	v25 =	vperm.xlane v24, v4  }
0x3fd: {  	s16 =	simm.s32 $0x1;
	s15 =	sadd.s32 s17, s15;
	p0 =	por !p0, !p0  }
0x3fe: {  	s15 =	sshrl.u32 s15, $0x7;
	s16 =	simm.s32 @!p0 $0x0;
	v49 =	vperm.xlane v24, v6;
	v25 =	vadd.s32 v5, v25  }
0x3ff: {  	s15 =	ssub.s32 s15, s16  }
0x400: {  	s15 =	sshll.u32 s15, $0x7;
	v50 =	vperm.xlane v24, v7;
	v26 =	vadd.s32 v5, v49  }
0x401: {  	s15 =	sand.u32 $0x1FFFFF80, s15  }
0x402: {  	s20 =	simm.s32 $0x6280;
	s16 =	sld [smem:$0x6C5];
	s15 =	sadd.s32 s1, s15;
	v51 =	vperm.xlane v24, v2;
	v27 =	vadd.s32 v5, v50  }
0x403: {  	[tilespmem:s20], [sflag:$0x7] =	stream.indirect_vreg.gather [hbm4b:s15+s2], $0x80, v25, vm0, $0xb8;
	[tilespmem:$0x14280] =	vst v63  }
0x404: {  	s17 =	sld [smem:$0x6C6];
	v53 =	vperm.xlane v24, v8;
	v52 =	vadd.s32 v5, v51  }
0x405: {  	[tilespmem:s16], [sflag:$0x7] =	stream.indirect_vreg.gather [hbm4b:s15+s2], $0x80, v26, vm0, $0xb8;
	[tilespmem:$0x14280] =	vst v63  }
0x406: {  	v55 =	vperm.xlane v24, v9;
	v54 =	vadd.s32 v5, v53;
	s16 =	sld [smem:$0x6C7]  }
0x407: {  	[tilespmem:s17], [sflag:$0x7] =	stream.indirect_vreg.gather [hbm4b:s15+s2], $0x80, v27, vm0, $0xb8;
	[tilespmem:$0x14280] =	vst v63  }
0x408: {  	v57 =	vperm.xlane v24, v10;
	v56 =	vadd.s32 v5, v55;
	s17 =	sld [smem:$0x6C8]  }
0x409: {  	[tilespmem:s16], [sflag:$0x7] =	stream.indirect_vreg.gather [hbm4b:s15+s2], $0x80, v52, vm0, $0xb8;
	[tilespmem:$0x14280] =	vst v63  }
0x40a: {  	v59 =	vperm.xlane v24, v3;
	v58 =	vadd.s32 v5, v57;
	s16 =	sld [smem:$0x6C9]  }
0x40b: {  	[tilespmem:s17], [sflag:$0x7] =	stream.indirect_vreg.gather [hbm4b:s15+s2], $0x80, v54, vm0, $0xb8;
	[tilespmem:$0x14280] =	vst v63  }
0x40c: {  	v61 =	vperm.xlane v24, v11;
	v60 =	vadd.s32 v5, v59;
	s17 =	sld [smem:$0x6CA]  }
0x40d: {  	[tilespmem:s16], [sflag:$0x7] =	stream.indirect_vreg.gather [hbm4b:s15+s2], $0x80, v56, vm0, $0xb8;
	[tilespmem:$0x14280] =	vst v63  }
0x40e: {  	v63 =	vperm.xlane v24, v12;
	v62 =	vadd.s32 v5, v61;
	s16 =	sld [smem:$0x6CB]  }
0x40f: {  	[tilespmem:s17], [sflag:$0x7] =	stream.indirect_vreg.gather [hbm4b:s15+s2], $0x80, v58, vm0, $0xb8;
	[tilespmem:$0x14280] =	vst v63  }
0x410: {  	v33 =	vperm.xlane v24, v13;
	v32 =	vadd.s32 v5, v63;
	s17 =	sld [smem:$0x6CC]  }
0x411: {  	[tilespmem:s16], [sflag:$0x7] =	stream.indirect_vreg.gather [hbm4b:s15+s2], $0x80, v60, vm0, $0xb8;
	[tilespmem:$0x14280] =	vst v63  }
0x412: {  	v35 =	vperm.xlane v24, v14;
	v34 =	vadd.s32 v5, v33;
	s16 =	sld [smem:$0x6CD]  }
0x413: {  	[tilespmem:s17], [sflag:$0x7] =	stream.indirect_vreg.gather [hbm4b:s15+s2], $0x80, v62, vm0, $0xb8;
	[tilespmem:$0x14280] =	vst v63  }
0x414: {  	v37 =	vperm.xlane v24, v15;
	v36 =	vadd.s32 v5, v35;
	s17 =	sld [smem:$0x6CE]  }
0x415: {  	[tilespmem:s16], [sflag:$0x7] =	stream.indirect_vreg.gather [hbm4b:s15+s2], $0x80, v32, vm0, $0xb8;
	[tilespmem:$0x14280] =	vst v63  }
0x416: {  	v39 =	vperm.xlane v24, v16;
	v38 =	vadd.s32 v5, v37;
	s16 =	sld [smem:$0x6CF]  }
0x417: {  	[tilespmem:s17], [sflag:$0x7] =	stream.indirect_vreg.gather [hbm4b:s15+s2], $0x80, v34, vm0, $0xb8;
	[tilespmem:$0x14280] =	vst v63  }
0x418: {  	v41 =	vperm.xlane v24, v17;
	v40 =	vadd.s32 v5, v39;
	s17 =	sld [smem:$0x6D0]  }
0x419: {  	[tilespmem:s16], [sflag:$0x7] =	stream.indirect_vreg.gather [hbm4b:s15+s2], $0x80, v36, vm0, $0xb8;
	[tilespmem:$0x14280] =	vst v63  }
0x41a: {  	v24 =	vperm.xlane v24, v18;
	v42 =	vadd.s32 v5, v41;
	s16 =	sld [smem:$0x6D1]  }
0x41b: {  	[tilespmem:s17], [sflag:$0x7] =	stream.indirect_vreg.gather [hbm4b:s15+s2], $0x80, v38, vm0, $0xb8;
	[tilespmem:$0x14280] =	vst v63  }
0x41c: {  	v24 =	vadd.s32 v5, v24;
	s17 =	sld [smem:$0x6D2]  }
0x41d: {  	[tilespmem:s16], [sflag:$0x7] =	stream.indirect_vreg.gather [hbm4b:s15+s2], $0x80, v40, vm0, $0xb8;
	[tilespmem:$0x14280] =	vst v63  }
0x41e: {  	s16 =	sld [smem:$0x6D3]  }
0x41f: {  	[tilespmem:s17], [sflag:$0x7] =	stream.indirect_vreg.gather [hbm4b:s15+s2], $0x80, v42, vm0, $0xb8;
	[tilespmem:$0x14280] =	vst v63  }
0x420: {  	_ = 	snop  }
0x421: {  	[tilespmem:s16], [sflag:$0x7] =	stream.indirect_vreg.gather [hbm4b:s15+s2], $0x80, v24, vm0, $0xb8;
	[tilespmem:$0x14280] =	vst v63  }
0x422: {  	v24 =	vld [tilespmem:$0x210];
	_ =	sdelay $0x4  }
0x423: {  	v43 =	vshrl.u32 v24, $0x3  }
0x424: {  	v25 =	vmul.u32 $0xF428, v43  }
0x425: {  	v24 =	vand.u32 $0x7, v24  }
0x426: {  	v24 =	vor.u32 v24, v25  }
0x427: {  	v25 =	vperm.xlane v24, v4;
	_ =	sdelay $0x1  }
0x428: {  	v44 =	vperm.xlane v24, v6;
	v25 =	vadd.s32 v5, v25;
	_ =	sdelay $0x1  }
0x429: {  	s16 =	sld [smem:$0x6D4];
	v45 =	vperm.xlane v24, v7;
	v26 =	vadd.s32 v5, v44;
	_ =	sdelay $0x1  }
0x42a: {  	s17 =	sld [smem:$0x6D5];
	v46 =	vperm.xlane v24, v2;
	v27 =	vadd.s32 v5, v45  }
0x42b: {  	[tilespmem:s16], [sflag:$0x7] =	stream.indirect_vreg.gather [hbm4b:s15+s2], $0x80, v25, vm0, $0xb8;
	[tilespmem:$0x14280] =	vst v63  }
0x42c: {  	v48 =	vperm.xlane v24, v8;
	v47 =	vadd.s32 v5, v46;
	s16 =	sld [smem:$0x6D6]  }
0x42d: {  	[tilespmem:s17], [sflag:$0x7] =	stream.indirect_vreg.gather [hbm4b:s15+s2], $0x80, v26, vm0, $0xb8;
	[tilespmem:$0x14280] =	vst v63  }
0x42e: {  	v50 =	vperm.xlane v24, v9;
	v49 =	vadd.s32 v5, v48;
	s17 =	sld [smem:$0x6D7]  }
0x42f: {  	[tilespmem:s16], [sflag:$0x7] =	stream.indirect_vreg.gather [hbm4b:s15+s2], $0x80, v27, vm0, $0xb8;
	[tilespmem:$0x14280] =	vst v63  }
0x430: {  	v52 =	vperm.xlane v24, v10;
	v51 =	vadd.s32 v5, v50;
	s16 =	sld [smem:$0x6D8]  }
0x431: {  	[tilespmem:s17], [sflag:$0x7] =	stream.indirect_vreg.gather [hbm4b:s15+s2], $0x80, v47, vm0, $0xb8;
	[tilespmem:$0x14280] =	vst v63  }
0x432: {  	v54 =	vperm.xlane v24, v3;
	v53 =	vadd.s32 v5, v52;
	s17 =	sld [smem:$0x6D9]  }
0x433: {  	[tilespmem:s16], [sflag:$0x7] =	stream.indirect_vreg.gather [hbm4b:s15+s2], $0x80, v49, vm0, $0xb8;
	[tilespmem:$0x14280] =	vst v63  }
0x434: {  	v56 =	vperm.xlane v24, v11;
	v55 =	vadd.s32 v5, v54;
	s16 =	sld [smem:$0x6DA]  }
0x435: {  	[tilespmem:s17], [sflag:$0x7] =	stream.indirect_vreg.gather [hbm4b:s15+s2], $0x80, v51, vm0, $0xb8;
	[tilespmem:$0x14280] =	vst v63  }
0x436: {  	v58 =	vperm.xlane v24, v12;
	v57 =	vadd.s32 v5, v56;
	s17 =	sld [smem:$0x6DB]  }
0x437: {  	[tilespmem:s16], [sflag:$0x7] =	stream.indirect_vreg.gather [hbm4b:s15+s2], $0x80, v53, vm0, $0xb8;
	[tilespmem:$0x14280] =	vst v63  }
0x438: {  	v60 =	vperm.xlane v24, v13;
	v59 =	vadd.s32 v5, v58;
	s16 =	sld [smem:$0x6DC]  }
0x439: {  	[tilespmem:s17], [sflag:$0x7] =	stream.indirect_vreg.gather [hbm4b:s15+s2], $0x80, v55, vm0, $0xb8;
	[tilespmem:$0x14280] =	vst v63  }
0x43a: {  	v62 =	vperm.xlane v24, v14;
	v61 =	vadd.s32 v5, v60;
	s17 =	sld [smem:$0x6DD]  }
0x43b: {  	[tilespmem:s16], [sflag:$0x7] =	stream.indirect_vreg.gather [hbm4b:s15+s2], $0x80, v57, vm0, $0xb8;
	[tilespmem:$0x14280] =	vst v63  }
0x43c: {  	v32 =	vperm.xlane v24, v15;
	v63 =	vadd.s32 v5, v62;
	s16 =	sld [smem:$0x6DE]  }
0x43d: {  	[tilespmem:s17], [sflag:$0x7] =	stream.indirect_vreg.gather [hbm4b:s15+s2], $0x80, v59, vm0, $0xb8;
	[tilespmem:$0x14280] =	vst v63  }
0x43e: {  	v34 =	vperm.xlane v24, v16;
	v33 =	vadd.s32 v5, v32;
	s17 =	sld [smem:$0x6DF]  }
0x43f: {  	[tilespmem:s16], [sflag:$0x7] =	stream.indirect_vreg.gather [hbm4b:s15+s2], $0x80, v61, vm0, $0xb8;
	[tilespmem:$0x14280] =	vst v63  }
0x440: {  	v36 =	vperm.xlane v24, v17;
	v35 =	vadd.s32 v5, v34;
	s16 =	sld [smem:$0x6E0]  }
0x441: {  	(v2sf) =	vpush v23, $0x7;
	[tilespmem:s17], [sflag:$0x7] =	stream.indirect_vreg.gather [hbm4b:s15+s2], $0x80, v63, vm0, $0xb8;
	[tilespmem:$0x14280] =	vst v63  }
0x442: {  	v24 =	vperm.xlane v24, v18;
	v37 =	vadd.s32 v5, v36;
	s17 =	sld [smem:$0x6E1]  }
0x443: {  	[tilespmem:s16], [sflag:$0x7] =	stream.indirect_vreg.gather [hbm4b:s15+s2], $0x80, v33, vm0, $0xb8;
	[tilespmem:$0x14280] =	vst v63  }
0x444: {  	v24 =	vadd.s32 v5, v24;
	s16 =	sld [smem:$0x6E2]  }
0x445: {  	[tilespmem:s17], [sflag:$0x7] =	stream.indirect_vreg.gather [hbm4b:s15+s2], $0x80, v35, vm0, $0xb8;
	[tilespmem:$0x14280] =	vst v63  }
0x446: {  	s17 =	sld [smem:$0x6E3]  }
0x447: {  	[tilespmem:s16], [sflag:$0x7] =	stream.indirect_vreg.gather [hbm4b:s15+s2], $0x80, v37, vm0, $0xb8;
	[tilespmem:$0x14280] =	vst v63  }
0x448: {  	_ = 	snop  }
0x449: {  	[tilespmem:s17], [sflag:$0x7] =	stream.indirect_vreg.gather [hbm4b:s15+s2], $0x80, v24, vm0, $0xb8;
	[tilespmem:$0x14280] =	vst v63  }
0x44a: {  	v24 =	vld [tilespmem:$0x200];
	_ =	sdelay $0x4  }
0x44b: {  	v38 =	vshrl.u32 v24, $0x3  }
0x44c: {  	s15 =	spop (v2sf);
	v25 =	vmul.u32 $0xF428, v38  }
0x44d: {  	s16 =	sand.u32 $0x7F, s15;
	v24 =	vand.u32 $0x7, v24  }
0x44e: {  	s17 =	sshra.s32 s15, $0x1F;
	p1 =	slt.s32 s15, $0x1;
	p2 =	sne.s32 s16, $0x0;
	v24 =	vor.u32 v24, v25  }
0x44f: {  	s17 =	sshrl.u32 s17, $0x19;
	p0 =	por !p1, !p2;
	v25 =	vperm.xlane v24, v4  }
0x450: {  	s16 =	simm.s32 $0x1;
	s15 =	sadd.s32 s17, s15;
	p0 =	por !p0, !p0  }
0x451: {  	s15 =	sshrl.u32 s15, $0x7;
	s16 =	simm.s32 @!p0 $0x0;
	v39 =	vperm.xlane v24, v6;
	v25 =	vadd.s32 v5, v25  }
0x452: {  	s15 =	ssub.s32 s15, s16  }
0x453: {  	s15 =	sshll.u32 s15, $0x7;
	v40 =	vperm.xlane v24, v7;
	v26 =	vadd.s32 v5, v39  }
0x454: {  	s15 =	sand.u32 $0x1FFFFF80, s15  }
0x455: {  	s16 =	sld [smem:$0x6E4];
	s15 =	sadd.s32 s1, s15;
	v41 =	vperm.xlane v24, v2;
	v27 =	vadd.s32 v5, v40  }
0x456: {  	[tilespmem:s21], [sflag:$0x8] =	stream.indirect_vreg.gather [hbm4b:s15+s2], $0x80, v25, vm0, $0xb8;
	[tilespmem:$0x14280] =	vst v63  }
0x457: {  	s17 =	sld [smem:$0x6E5];
	v43 =	vperm.xlane v24, v8;
	v42 =	vadd.s32 v5, v41  }
0x458: {  	[tilespmem:s16], [sflag:$0x8] =	stream.indirect_vreg.gather [hbm4b:s15+s2], $0x80, v26, vm0, $0xb8;
	[tilespmem:$0x14280] =	vst v63  }
0x459: {  	v45 =	vperm.xlane v24, v9;
	v44 =	vadd.s32 v5, v43;
	s16 =	sld [smem:$0x6E6]  }
0x45a: {  	[tilespmem:s17], [sflag:$0x8] =	stream.indirect_vreg.gather [hbm4b:s15+s2], $0x80, v27, vm0, $0xb8;
	[tilespmem:$0x14280] =	vst v63  }
0x45b: {  	v47 =	vperm.xlane v24, v10;
	v46 =	vadd.s32 v5, v45;
	s17 =	sld [smem:$0x6E7]  }
0x45c: {  	[tilespmem:s16], [sflag:$0x8] =	stream.indirect_vreg.gather [hbm4b:s15+s2], $0x80, v42, vm0, $0xb8;
	[tilespmem:$0x14280] =	vst v63  }
0x45d: {  	v49 =	vperm.xlane v24, v3;
	v48 =	vadd.s32 v5, v47;
	s16 =	sld [smem:$0x6E8]  }
0x45e: {  	[tilespmem:s17], [sflag:$0x8] =	stream.indirect_vreg.gather [hbm4b:s15+s2], $0x80, v44, vm0, $0xb8;
	[tilespmem:$0x14280] =	vst v63  }
0x45f: {  	v51 =	vperm.xlane v24, v11;
	v50 =	vadd.s32 v5, v49;
	s17 =	sld [smem:$0x6E9]  }
0x460: {  	[tilespmem:s16], [sflag:$0x8] =	stream.indirect_vreg.gather [hbm4b:s15+s2], $0x80, v46, vm0, $0xb8;
	[tilespmem:$0x14280] =	vst v63  }
0x461: {  	v53 =	vperm.xlane v24, v12;
	v52 =	vadd.s32 v5, v51;
	s16 =	sld [smem:$0x6EA]  }
0x462: {  	[tilespmem:s17], [sflag:$0x8] =	stream.indirect_vreg.gather [hbm4b:s15+s2], $0x80, v48, vm0, $0xb8;
	[tilespmem:$0x14280] =	vst v63  }
0x463: {  	v55 =	vperm.xlane v24, v13;
	v54 =	vadd.s32 v5, v53;
	s17 =	sld [smem:$0x6EB]  }
0x464: {  	[tilespmem:s16], [sflag:$0x8] =	stream.indirect_vreg.gather [hbm4b:s15+s2], $0x80, v50, vm0, $0xb8;
	[tilespmem:$0x14280] =	vst v63  }
0x465: {  	v57 =	vperm.xlane v24, v14;
	v56 =	vadd.s32 v5, v55;
	s16 =	sld [smem:$0x6EC]  }
0x466: {  	[tilespmem:s17], [sflag:$0x8] =	stream.indirect_vreg.gather [hbm4b:s15+s2], $0x80, v52, vm0, $0xb8;
	[tilespmem:$0x14280] =	vst v63  }
0x467: {  	v59 =	vperm.xlane v24, v15;
	v58 =	vadd.s32 v5, v57;
	s17 =	sld [smem:$0x6ED]  }
0x468: {  	[tilespmem:s16], [sflag:$0x8] =	stream.indirect_vreg.gather [hbm4b:s15+s2], $0x80, v54, vm0, $0xb8;
	[tilespmem:$0x14280] =	vst v63  }
0x469: {  	v61 =	vperm.xlane v24, v16;
	v60 =	vadd.s32 v5, v59;
	s16 =	sld [smem:$0x6EE]  }
0x46a: {  	[tilespmem:s17], [sflag:$0x8] =	stream.indirect_vreg.gather [hbm4b:s15+s2], $0x80, v56, vm0, $0xb8;
	[tilespmem:$0x14280] =	vst v63  }
0x46b: {  	v63 =	vperm.xlane v24, v17;
	v62 =	vadd.s32 v5, v61;
	s17 =	sld [smem:$0x6EF]  }
0x46c: {  	[tilespmem:s16], [sflag:$0x8] =	stream.indirect_vreg.gather [hbm4b:s15+s2], $0x80, v58, vm0, $0xb8;
	[tilespmem:$0x14280] =	vst v63  }
0x46d: {  	v24 =	vperm.xlane v24, v18;
	v30 =	vadd.s32 v5, v63;
	s16 =	sld [smem:$0x6F0]  }
0x46e: {  	[tilespmem:s17], [sflag:$0x8] =	stream.indirect_vreg.gather [hbm4b:s15+s2], $0x80, v60, vm0, $0xb8;
	[tilespmem:$0x14280] =	vst v63  }
0x46f: {  	v24 =	vadd.s32 v5, v24;
	s17 =	sld [smem:$0x6F1]  }
0x470: {  	[tilespmem:s16], [sflag:$0x8] =	stream.indirect_vreg.gather [hbm4b:s15+s2], $0x80, v62, vm0, $0xb8;
	[tilespmem:$0x14280] =	vst v63  }
0x471: {  	s16 =	sld [smem:$0x6F2]  }
0x472: {  	[tilespmem:s17], [sflag:$0x8] =	stream.indirect_vreg.gather [hbm4b:s15+s2], $0x80, v30, vm0, $0xb8;
	[tilespmem:$0x14280] =	vst v63  }
0x473: {  	_ = 	snop  }
0x474: {  	[tilespmem:s16], [sflag:$0x8] =	stream.indirect_vreg.gather [hbm4b:s15+s2], $0x80, v24, vm0, $0xb8;
	[tilespmem:$0x14280] =	vst v63  }
0x475: {  	v24 =	vld [tilespmem:$0x210];
	_ =	sdelay $0x4  }
0x476: {  	v31 =	vshrl.u32 v24, $0x3  }
0x477: {  	v25 =	vmul.u32 $0xF428, v31  }
0x478: {  	v24 =	vand.u32 $0x7, v24  }
0x479: {  	v24 =	vor.u32 v24, v25  }
0x47a: {  	v25 =	vperm.xlane v24, v4;
	_ =	sdelay $0x1  }
0x47b: {  	v32 =	vperm.xlane v24, v6;
	v25 =	vadd.s32 v5, v25;
	_ =	sdelay $0x1  }
0x47c: {  	s16 =	sld [smem:$0x6F3];
	v33 =	vperm.xlane v24, v7;
	v26 =	vadd.s32 v5, v32;
	_ =	sdelay $0x1  }
0x47d: {  	s17 =	sld [smem:$0x6F4];
	v34 =	vperm.xlane v24, v2;
	v27 =	vadd.s32 v5, v33  }
0x47e: {  	[tilespmem:s16], [sflag:$0x8] =	stream.indirect_vreg.gather [hbm4b:s15+s2], $0x80, v25, vm0, $0xb8;
	[tilespmem:$0x14280] =	vst v63  }
0x47f: {  	v36 =	vperm.xlane v24, v8;
	v35 =	vadd.s32 v5, v34;
	s16 =	sld [smem:$0x6F5]  }
0x480: {  	[tilespmem:s17], [sflag:$0x8] =	stream.indirect_vreg.gather [hbm4b:s15+s2], $0x80, v26, vm0, $0xb8;
	[tilespmem:$0x14280] =	vst v63  }
0x481: {  	v38 =	vperm.xlane v24, v9;
	v37 =	vadd.s32 v5, v36;
	s17 =	sld [smem:$0x6F6]  }
0x482: {  	[tilespmem:s16], [sflag:$0x8] =	stream.indirect_vreg.gather [hbm4b:s15+s2], $0x80, v27, vm0, $0xb8;
	[tilespmem:$0x14280] =	vst v63  }
0x483: {  	v40 =	vperm.xlane v24, v10;
	v39 =	vadd.s32 v5, v38;
	s16 =	sld [smem:$0x6F7]  }
0x484: {  	[tilespmem:s17], [sflag:$0x8] =	stream.indirect_vreg.gather [hbm4b:s15+s2], $0x80, v35, vm0, $0xb8;
	[tilespmem:$0x14280] =	vst v63  }
0x485: {  	v42 =	vperm.xlane v24, v3;
	v41 =	vadd.s32 v5, v40;
	s17 =	sld [smem:$0x6F8]  }
0x486: {  	[tilespmem:s16], [sflag:$0x8] =	stream.indirect_vreg.gather [hbm4b:s15+s2], $0x80, v37, vm0, $0xb8;
	[tilespmem:$0x14280] =	vst v63  }
0x487: {  	v44 =	vperm.xlane v24, v11;
	v43 =	vadd.s32 v5, v42;
	s16 =	sld [smem:$0x6F9]  }
0x488: {  	[tilespmem:s17], [sflag:$0x8] =	stream.indirect_vreg.gather [hbm4b:s15+s2], $0x80, v39, vm0, $0xb8;
	[tilespmem:$0x14280] =	vst v63  }
0x489: {  	v46 =	vperm.xlane v24, v12;
	v45 =	vadd.s32 v5, v44;
	s17 =	sld [smem:$0x6FA]  }
0x48a: {  	[tilespmem:s16], [sflag:$0x8] =	stream.indirect_vreg.gather [hbm4b:s15+s2], $0x80, v41, vm0, $0xb8;
	[tilespmem:$0x14280] =	vst v63  }
0x48b: {  	v48 =	vperm.xlane v24, v13;
	v47 =	vadd.s32 v5, v46;
	s16 =	sld [smem:$0x6FB]  }
0x48c: {  	[tilespmem:s17], [sflag:$0x8] =	stream.indirect_vreg.gather [hbm4b:s15+s2], $0x80, v43, vm0, $0xb8;
	[tilespmem:$0x14280] =	vst v63  }
0x48d: {  	v50 =	vperm.xlane v24, v14;
	v49 =	vadd.s32 v5, v48;
	s17 =	sld [smem:$0x6FC]  }
0x48e: {  	[tilespmem:s16], [sflag:$0x8] =	stream.indirect_vreg.gather [hbm4b:s15+s2], $0x80, v45, vm0, $0xb8;
	[tilespmem:$0x14280] =	vst v63  }
0x48f: {  	v52 =	vperm.xlane v24, v15;
	v51 =	vadd.s32 v5, v50;
	s16 =	sld [smem:$0x6FD]  }
0x490: {  	[tilespmem:s17], [sflag:$0x8] =	stream.indirect_vreg.gather [hbm4b:s15+s2], $0x80, v47, vm0, $0xb8;
	[tilespmem:$0x14280] =	vst v63  }
0x491: {  	v54 =	vperm.xlane v24, v16;
	v53 =	vadd.s32 v5, v52;
	s17 =	sld [smem:$0x6FE]  }
0x492: {  	[tilespmem:s16], [sflag:$0x8] =	stream.indirect_vreg.gather [hbm4b:s15+s2], $0x80, v49, vm0, $0xb8;
	[tilespmem:$0x14280] =	vst v63  }
0x493: {  	v56 =	vperm.xlane v24, v17;
	v55 =	vadd.s32 v5, v54;
	s16 =	sld [smem:$0x6FF]  }
0x494: {  	(v2sf) =	vpush v23, $0x8;
	[tilespmem:s17], [sflag:$0x8] =	stream.indirect_vreg.gather [hbm4b:s15+s2], $0x80, v51, vm0, $0xb8;
	[tilespmem:$0x14280] =	vst v63  }
0x495: {  	v24 =	vperm.xlane v24, v18;
	v57 =	vadd.s32 v5, v56;
	s17 =	sld [smem:$0x700]  }
0x496: {  	[tilespmem:s16], [sflag:$0x8] =	stream.indirect_vreg.gather [hbm4b:s15+s2], $0x80, v53, vm0, $0xb8;
	[tilespmem:$0x14280] =	vst v63  }
0x497: {  	v24 =	vadd.s32 v5, v24;
	s16 =	sld [smem:$0x701]  }
0x498: {  	[tilespmem:s17], [sflag:$0x8] =	stream.indirect_vreg.gather [hbm4b:s15+s2], $0x80, v55, vm0, $0xb8;
	[tilespmem:$0x14280] =	vst v63  }
0x499: {  	s17 =	sld [smem:$0x702]  }
0x49a: {  	[tilespmem:s16], [sflag:$0x8] =	stream.indirect_vreg.gather [hbm4b:s15+s2], $0x80, v57, vm0, $0xb8;
	[tilespmem:$0x14280] =	vst v63  }
0x49b: {  	_ = 	snop  }
0x49c: {  	[tilespmem:s17], [sflag:$0x8] =	stream.indirect_vreg.gather [hbm4b:s15+s2], $0x80, v24, vm0, $0xb8;
	[tilespmem:$0x14280] =	vst v63  }
0x49d: {  	v24 =	vld [tilespmem:$0x200];
	_ =	sdelay $0x4  }
0x49e: {  	v58 =	vshrl.u32 v24, $0x3  }
0x49f: {  	s15 =	spop (v2sf);
	v25 =	vmul.u32 $0xF428, v58  }
0x4a0: {  	s16 =	sand.u32 $0x7F, s15;
	v24 =	vand.u32 $0x7, v24  }
0x4a1: {  	s17 =	sshra.s32 s15, $0x1F;
	p3 =	slt.s32 s15, $0x1;
	p4 =	sne.s32 s16, $0x0;
	v24 =	vor.u32 v24, v25  }
0x4a2: {  	s17 =	sshrl.u32 s17, $0x19;
	p0 =	por !p3, !p4;
	v25 =	vperm.xlane v24, v4  }
0x4a3: {  	s16 =	simm.s32 $0x1;
	s15 =	sadd.s32 s17, s15;
	p0 =	por !p0, !p0  }
0x4a4: {  	s15 =	sshrl.u32 s15, $0x7;
	s16 =	simm.s32 @!p0 $0x0;
	v59 =	vperm.xlane v24, v6;
	v25 =	vadd.s32 v5, v25  }
0x4a5: {  	s15 =	ssub.s32 s15, s16  }
0x4a6: {  	s15 =	sshll.u32 s15, $0x7;
	v60 =	vperm.xlane v24, v7;
	v26 =	vadd.s32 v5, v59  }
0x4a7: {  	s15 =	sand.u32 $0x1FFFFF80, s15  }
0x4a8: {  	s16 =	sld [smem:$0x703];
	s15 =	sadd.s32 s1, s15;
	v61 =	vperm.xlane v24, v2;
	v27 =	vadd.s32 v5, v60  }
0x4a9: {  	[tilespmem:s24], [sflag:$0x9] =	stream.indirect_vreg.gather [hbm4b:s15+s2], $0x80, v25, vm0, $0xb8;
	[tilespmem:$0x14280] =	vst v63  }
0x4aa: {  	s17 =	sld [smem:$0x704];
	v63 =	vperm.xlane v24, v8;
	v62 =	vadd.s32 v5, v61  }
0x4ab: {  	[tilespmem:s16], [sflag:$0x9] =	stream.indirect_vreg.gather [hbm4b:s15+s2], $0x80, v26, vm0, $0xb8;
	[tilespmem:$0x14280] =	vst v63  }
0x4ac: {  	v33 =	vperm.xlane v24, v9;
	v32 =	vadd.s32 v5, v63;
	s16 =	sld [smem:$0x705]  }
0x4ad: {  	[tilespmem:s17], [sflag:$0x9] =	stream.indirect_vreg.gather [hbm4b:s15+s2], $0x80, v27, vm0, $0xb8;
	[tilespmem:$0x14280] =	vst v63  }
0x4ae: {  	v35 =	vperm.xlane v24, v10;
	v34 =	vadd.s32 v5, v33;
	s17 =	sld [smem:$0x706]  }
0x4af: {  	[tilespmem:s16], [sflag:$0x9] =	stream.indirect_vreg.gather [hbm4b:s15+s2], $0x80, v62, vm0, $0xb8;
	[tilespmem:$0x14280] =	vst v63  }
0x4b0: {  	v37 =	vperm.xlane v24, v3;
	v36 =	vadd.s32 v5, v35;
	s16 =	sld [smem:$0x707]  }
0x4b1: {  	[tilespmem:s17], [sflag:$0x9] =	stream.indirect_vreg.gather [hbm4b:s15+s2], $0x80, v32, vm0, $0xb8;
	[tilespmem:$0x14280] =	vst v63  }
0x4b2: {  	v39 =	vperm.xlane v24, v11;
	v38 =	vadd.s32 v5, v37;
	s17 =	sld [smem:$0x708]  }
0x4b3: {  	[tilespmem:s16], [sflag:$0x9] =	stream.indirect_vreg.gather [hbm4b:s15+s2], $0x80, v34, vm0, $0xb8;
	[tilespmem:$0x14280] =	vst v63  }
0x4b4: {  	v41 =	vperm.xlane v24, v12;
	v40 =	vadd.s32 v5, v39;
	s16 =	sld [smem:$0x709]  }
0x4b5: {  	[tilespmem:s17], [sflag:$0x9] =	stream.indirect_vreg.gather [hbm4b:s15+s2], $0x80, v36, vm0, $0xb8;
	[tilespmem:$0x14280] =	vst v63  }
0x4b6: {  	v43 =	vperm.xlane v24, v13;
	v42 =	vadd.s32 v5, v41;
	s17 =	sld [smem:$0x70A]  }
0x4b7: {  	[tilespmem:s16], [sflag:$0x9] =	stream.indirect_vreg.gather [hbm4b:s15+s2], $0x80, v38, vm0, $0xb8;
	[tilespmem:$0x14280] =	vst v63  }
0x4b8: {  	v45 =	vperm.xlane v24, v14;
	v44 =	vadd.s32 v5, v43;
	s16 =	sld [smem:$0x70C]  }
0x4b9: {  	[tilespmem:s17], [sflag:$0x9] =	stream.indirect_vreg.gather [hbm4b:s15+s2], $0x80, v40, vm0, $0xb8;
	[tilespmem:$0x14280] =	vst v63  }
0x4ba: {  	v47 =	vperm.xlane v24, v15;
	v46 =	vadd.s32 v5, v45;
	s17 =	sld [smem:$0x70D]  }
0x4bb: {  	[tilespmem:s16], [sflag:$0x9] =	stream.indirect_vreg.gather [hbm4b:s15+s2], $0x80, v42, vm0, $0xb8;
	[tilespmem:$0x14280] =	vst v63  }
0x4bc: {  	v49 =	vperm.xlane v24, v16;
	v48 =	vadd.s32 v5, v47;
	s16 =	sld [smem:$0x70E]  }
0x4bd: {  	[tilespmem:s17], [sflag:$0x9] =	stream.indirect_vreg.gather [hbm4b:s15+s2], $0x80, v44, vm0, $0xb8;
	[tilespmem:$0x14280] =	vst v63  }
0x4be: {  	v51 =	vperm.xlane v24, v17;
	v50 =	vadd.s32 v5, v49;
	s17 =	sld [smem:$0x70F]  }
0x4bf: {  	[tilespmem:s16], [sflag:$0x9] =	stream.indirect_vreg.gather [hbm4b:s15+s2], $0x80, v46, vm0, $0xb8;
	[tilespmem:$0x14280] =	vst v63  }
0x4c0: {  	v24 =	vperm.xlane v24, v18;
	v52 =	vadd.s32 v5, v51;
	s16 =	sld [smem:$0x710]  }
0x4c1: {  	[tilespmem:s17], [sflag:$0x9] =	stream.indirect_vreg.gather [hbm4b:s15+s2], $0x80, v48, vm0, $0xb8;
	[tilespmem:$0x14280] =	vst v63  }
0x4c2: {  	v24 =	vadd.s32 v5, v24;
	s17 =	sld [smem:$0x711]  }
0x4c3: {  	[tilespmem:s16], [sflag:$0x9] =	stream.indirect_vreg.gather [hbm4b:s15+s2], $0x80, v50, vm0, $0xb8;
	[tilespmem:$0x14280] =	vst v63  }
0x4c4: {  	s16 =	sld [smem:$0x712]  }
0x4c5: {  	[tilespmem:s17], [sflag:$0x9] =	stream.indirect_vreg.gather [hbm4b:s15+s2], $0x80, v52, vm0, $0xb8;
	[tilespmem:$0x14280] =	vst v63  }
0x4c6: {  	_ = 	snop  }
0x4c7: {  	[tilespmem:s16], [sflag:$0x9] =	stream.indirect_vreg.gather [hbm4b:s15+s2], $0x80, v24, vm0, $0xb8;
	[tilespmem:$0x14280] =	vst v63  }
0x4c8: {  	v24 =	vld [tilespmem:$0x210];
	_ =	sdelay $0x4  }
0x4c9: {  	v53 =	vshrl.u32 v24, $0x3  }
0x4ca: {  	v25 =	vmul.u32 $0xF428, v53  }
0x4cb: {  	v24 =	vand.u32 $0x7, v24  }
0x4cc: {  	v24 =	vor.u32 v24, v25  }
0x4cd: {  	v25 =	vperm.xlane v24, v4;
	_ =	sdelay $0x1  }
0x4ce: {  	v54 =	vperm.xlane v24, v6;
	v25 =	vadd.s32 v5, v25;
	_ =	sdelay $0x1  }
0x4cf: {  	s16 =	sld [smem:$0x715];
	v55 =	vperm.xlane v24, v7;
	v26 =	vadd.s32 v5, v54;
	_ =	sdelay $0x1  }
0x4d0: {  	s17 =	sld [smem:$0x716];
	v56 =	vperm.xlane v24, v2;
	v27 =	vadd.s32 v5, v55  }
0x4d1: {  	[tilespmem:s16], [sflag:$0x9] =	stream.indirect_vreg.gather [hbm4b:s15+s2], $0x80, v25, vm0, $0xb8;
	[tilespmem:$0x14280] =	vst v63  }
0x4d2: {  	v58 =	vperm.xlane v24, v8;
	v57 =	vadd.s32 v5, v56;
	s16 =	sld [smem:$0x717]  }
0x4d3: {  	[tilespmem:s17], [sflag:$0x9] =	stream.indirect_vreg.gather [hbm4b:s15+s2], $0x80, v26, vm0, $0xb8;
	[tilespmem:$0x14280] =	vst v63  }
0x4d4: {  	v60 =	vperm.xlane v24, v9;
	v59 =	vadd.s32 v5, v58;
	s17 =	sld [smem:$0x718]  }
0x4d5: {  	[tilespmem:s16], [sflag:$0x9] =	stream.indirect_vreg.gather [hbm4b:s15+s2], $0x80, v27, vm0, $0xb8;
	[tilespmem:$0x14280] =	vst v63  }
0x4d6: {  	v62 =	vperm.xlane v24, v10;
	v61 =	vadd.s32 v5, v60;
	s16 =	sld [smem:$0x719]  }
0x4d7: {  	[tilespmem:s17], [sflag:$0x9] =	stream.indirect_vreg.gather [hbm4b:s15+s2], $0x80, v57, vm0, $0xb8;
	[tilespmem:$0x14280] =	vst v63  }
0x4d8: {  	v32 =	vperm.xlane v24, v3;
	v63 =	vadd.s32 v5, v62;
	s17 =	sld [smem:$0x71A]  }
0x4d9: {  	[tilespmem:s16], [sflag:$0x9] =	stream.indirect_vreg.gather [hbm4b:s15+s2], $0x80, v59, vm0, $0xb8;
	[tilespmem:$0x14280] =	vst v63  }
0x4da: {  	v34 =	vperm.xlane v24, v11;
	v33 =	vadd.s32 v5, v32;
	s16 =	sld [smem:$0x71B]  }
0x4db: {  	[tilespmem:s17], [sflag:$0x9] =	stream.indirect_vreg.gather [hbm4b:s15+s2], $0x80, v61, vm0, $0xb8;
	[tilespmem:$0x14280] =	vst v63  }
0x4dc: {  	v36 =	vperm.xlane v24, v12;
	v35 =	vadd.s32 v5, v34;
	s17 =	sld [smem:$0x71C]  }
0x4dd: {  	[tilespmem:s16], [sflag:$0x9] =	stream.indirect_vreg.gather [hbm4b:s15+s2], $0x80, v63, vm0, $0xb8;
	[tilespmem:$0x14280] =	vst v63  }
0x4de: {  	v38 =	vperm.xlane v24, v13;
	v37 =	vadd.s32 v5, v36;
	s16 =	sld [smem:$0x71D]  }
0x4df: {  	[tilespmem:s17], [sflag:$0x9] =	stream.indirect_vreg.gather [hbm4b:s15+s2], $0x80, v33, vm0, $0xb8;
	[tilespmem:$0x14280] =	vst v63  }
0x4e0: {  	v40 =	vperm.xlane v24, v14;
	v39 =	vadd.s32 v5, v38;
	s17 =	sld [smem:$0x71E]  }
0x4e1: {  	[tilespmem:s16], [sflag:$0x9] =	stream.indirect_vreg.gather [hbm4b:s15+s2], $0x80, v35, vm0, $0xb8;
	[tilespmem:$0x14280] =	vst v63  }
0x4e2: {  	v42 =	vperm.xlane v24, v15;
	v41 =	vadd.s32 v5, v40;
	s16 =	sld [smem:$0x71F]  }
0x4e3: {  	[tilespmem:s17], [sflag:$0x9] =	stream.indirect_vreg.gather [hbm4b:s15+s2], $0x80, v37, vm0, $0xb8;
	[tilespmem:$0x14280] =	vst v63  }
0x4e4: {  	v44 =	vperm.xlane v24, v16;
	v43 =	vadd.s32 v5, v42;
	s17 =	sld [smem:$0x721]  }
0x4e5: {  	[tilespmem:s16], [sflag:$0x9] =	stream.indirect_vreg.gather [hbm4b:s15+s2], $0x80, v39, vm0, $0xb8;
	[tilespmem:$0x14280] =	vst v63  }
0x4e6: {  	v46 =	vperm.xlane v24, v17;
	v45 =	vadd.s32 v5, v44;
	s16 =	sld [smem:$0x722]  }
0x4e7: {  	(v2sf) =	vpush v23, $0x9;
	[tilespmem:s17], [sflag:$0x9] =	stream.indirect_vreg.gather [hbm4b:s15+s2], $0x80, v41, vm0, $0xb8;
	[tilespmem:$0x14280] =	vst v63  }
0x4e8: {  	v24 =	vperm.xlane v24, v18;
	v47 =	vadd.s32 v5, v46;
	s17 =	sld [smem:$0x723]  }
0x4e9: {  	[tilespmem:s16], [sflag:$0x9] =	stream.indirect_vreg.gather [hbm4b:s15+s2], $0x80, v43, vm0, $0xb8;
	[tilespmem:$0x14280] =	vst v63  }
0x4ea: {  	v24 =	vadd.s32 v5, v24;
	s16 =	sld [smem:$0x724]  }
0x4eb: {  	[tilespmem:s17], [sflag:$0x9] =	stream.indirect_vreg.gather [hbm4b:s15+s2], $0x80, v45, vm0, $0xb8;
	[tilespmem:$0x14280] =	vst v63  }
0x4ec: {  	s17 =	sld [smem:$0x725]  }
0x4ed: {  	[tilespmem:s16], [sflag:$0x9] =	stream.indirect_vreg.gather [hbm4b:s15+s2], $0x80, v47, vm0, $0xb8;
	[tilespmem:$0x14280] =	vst v63  }
0x4ee: {  	_ = 	snop  }
0x4ef: {  	[tilespmem:s17], [sflag:$0x9] =	stream.indirect_vreg.gather [hbm4b:s15+s2], $0x80, v24, vm0, $0xb8;
	[tilespmem:$0x14280] =	vst v63  }
0x4f0: {  	v24 =	vld [tilespmem:$0x200];
	_ =	sdelay $0x4  }
0x4f1: {  	v48 =	vshrl.u32 v24, $0x3  }
0x4f2: {  	s15 =	spop (v2sf);
	v25 =	vmul.u32 $0xF428, v48  }
0x4f3: {  	s16 =	sand.u32 $0x7F, s15;
	v24 =	vand.u32 $0x7, v24  }
0x4f4: {  	s17 =	sshra.s32 s15, $0x1F;
	p5 =	slt.s32 s15, $0x1;
	p6 =	sne.s32 s16, $0x0;
	v24 =	vor.u32 v24, v25  }
0x4f5: {  	s17 =	sshrl.u32 s17, $0x19;
	p0 =	por !p5, !p6;
	v25 =	vperm.xlane v24, v4  }
0x4f6: {  	s16 =	simm.s32 $0x1;
	s15 =	sadd.s32 s17, s15;
	p0 =	por !p0, !p0  }
0x4f7: {  	s15 =	sshrl.u32 s15, $0x7;
	s16 =	simm.s32 @!p0 $0x0;
	v49 =	vperm.xlane v24, v6;
	v25 =	vadd.s32 v5, v25  }
0x4f8: {  	s15 =	ssub.s32 s15, s16  }
0x4f9: {  	s15 =	sshll.u32 s15, $0x7;
	v50 =	vperm.xlane v24, v7;
	v26 =	vadd.s32 v5, v49  }
0x4fa: {  	s15 =	sand.u32 $0x1FFFFF80, s15  }
0x4fb: {  	s16 =	sld [smem:$0x726];
	s15 =	sadd.s32 s1, s15;
	v51 =	vperm.xlane v24, v2;
	v27 =	vadd.s32 v5, v50  }
0x4fc: {  	[tilespmem:s5], [sflag:$0xA] =	stream.indirect_vreg.gather [hbm4b:s15+s2], $0x80, v25, vm0, $0xb8;
	[tilespmem:$0x14280] =	vst v63  }
0x4fd: {  	s17 =	sld [smem:$0x727];
	v53 =	vperm.xlane v24, v8;
	v52 =	vadd.s32 v5, v51  }
0x4fe: {  	[tilespmem:s16], [sflag:$0xA] =	stream.indirect_vreg.gather [hbm4b:s15+s2], $0x80, v26, vm0, $0xb8;
	[tilespmem:$0x14280] =	vst v63  }
0x4ff: {  	v55 =	vperm.xlane v24, v9;
	v54 =	vadd.s32 v5, v53;
	s16 =	sld [smem:$0x728]  }
0x500: {  	[tilespmem:s17], [sflag:$0xA] =	stream.indirect_vreg.gather [hbm4b:s15+s2], $0x80, v27, vm0, $0xb8;
	[tilespmem:$0x14280] =	vst v63  }
0x501: {  	v57 =	vperm.xlane v24, v10;
	v56 =	vadd.s32 v5, v55;
	s17 =	sld [smem:$0x729]  }
0x502: {  	[tilespmem:s16], [sflag:$0xA] =	stream.indirect_vreg.gather [hbm4b:s15+s2], $0x80, v52, vm0, $0xb8;
	[tilespmem:$0x14280] =	vst v63  }
0x503: {  	v59 =	vperm.xlane v24, v3;
	v58 =	vadd.s32 v5, v57;
	s16 =	sld [smem:$0x72A]  }
0x504: {  	[tilespmem:s17], [sflag:$0xA] =	stream.indirect_vreg.gather [hbm4b:s15+s2], $0x80, v54, vm0, $0xb8;
	[tilespmem:$0x14280] =	vst v63  }
0x505: {  	v61 =	vperm.xlane v24, v11;
	v60 =	vadd.s32 v5, v59;
	s17 =	sld [smem:$0x72B]  }
0x506: {  	[tilespmem:s16], [sflag:$0xA] =	stream.indirect_vreg.gather [hbm4b:s15+s2], $0x80, v56, vm0, $0xb8;
	[tilespmem:$0x14280] =	vst v63  }
0x507: {  	v63 =	vperm.xlane v24, v12;
	v62 =	vadd.s32 v5, v61;
	s16 =	sld [smem:$0x72C]  }
0x508: {  	[tilespmem:s17], [sflag:$0xA] =	stream.indirect_vreg.gather [hbm4b:s15+s2], $0x80, v58, vm0, $0xb8;
	[tilespmem:$0x14280] =	vst v63  }
0x509: {  	v33 =	vperm.xlane v24, v13;
	v32 =	vadd.s32 v5, v63;
	s17 =	sld [smem:$0x72D]  }
0x50a: {  	[tilespmem:s16], [sflag:$0xA] =	stream.indirect_vreg.gather [hbm4b:s15+s2], $0x80, v60, vm0, $0xb8;
	[tilespmem:$0x14280] =	vst v63  }
0x50b: {  	v35 =	vperm.xlane v24, v14;
	v34 =	vadd.s32 v5, v33;
	s16 =	sld [smem:$0x72E]  }
0x50c: {  	[tilespmem:s17], [sflag:$0xA] =	stream.indirect_vreg.gather [hbm4b:s15+s2], $0x80, v62, vm0, $0xb8;
	[tilespmem:$0x14280] =	vst v63  }
0x50d: {  	v37 =	vperm.xlane v24, v15;
	v36 =	vadd.s32 v5, v35;
	s17 =	sld [smem:$0x72F]  }
0x50e: {  	[tilespmem:s16], [sflag:$0xA] =	stream.indirect_vreg.gather [hbm4b:s15+s2], $0x80, v32, vm0, $0xb8;
	[tilespmem:$0x14280] =	vst v63  }
0x50f: {  	v39 =	vperm.xlane v24, v16;
	v38 =	vadd.s32 v5, v37;
	s16 =	sld [smem:$0x730]  }
0x510: {  	[tilespmem:s17], [sflag:$0xA] =	stream.indirect_vreg.gather [hbm4b:s15+s2], $0x80, v34, vm0, $0xb8;
	[tilespmem:$0x14280] =	vst v63  }
0x511: {  	v41 =	vperm.xlane v24, v17;
	v40 =	vadd.s32 v5, v39;
	s17 =	sld [smem:$0x731]  }
0x512: {  	[tilespmem:s16], [sflag:$0xA] =	stream.indirect_vreg.gather [hbm4b:s15+s2], $0x80, v36, vm0, $0xb8;
	[tilespmem:$0x14280] =	vst v63  }
0x513: {  	v24 =	vperm.xlane v24, v18;
	v42 =	vadd.s32 v5, v41;
	s16 =	sld [smem:$0x732]  }
0x514: {  	[tilespmem:s17], [sflag:$0xA] =	stream.indirect_vreg.gather [hbm4b:s15+s2], $0x80, v38, vm0, $0xb8;
	[tilespmem:$0x14280] =	vst v63  }
0x515: {  	v24 =	vadd.s32 v5, v24;
	s17 =	sld [smem:$0x733]  }
0x516: {  	[tilespmem:s16], [sflag:$0xA] =	stream.indirect_vreg.gather [hbm4b:s15+s2], $0x80, v40, vm0, $0xb8;
	[tilespmem:$0x14280] =	vst v63  }
0x517: {  	s16 =	sld [smem:$0x734]  }
0x518: {  	[tilespmem:s17], [sflag:$0xA] =	stream.indirect_vreg.gather [hbm4b:s15+s2], $0x80, v42, vm0, $0xb8;
	[tilespmem:$0x14280] =	vst v63  }
0x519: {  	_ = 	snop  }
0x51a: {  	[tilespmem:s16], [sflag:$0xA] =	stream.indirect_vreg.gather [hbm4b:s15+s2], $0x80, v24, vm0, $0xb8;
	[tilespmem:$0x14280] =	vst v63  }
0x51b: {  	v24 =	vld [tilespmem:$0x210];
	_ =	sdelay $0x4  }
0x51c: {  	v43 =	vshrl.u32 v24, $0x3  }
0x51d: {  	v25 =	vmul.u32 $0xF428, v43  }
0x51e: {  	v24 =	vand.u32 $0x7, v24  }
0x51f: {  	v24 =	vor.u32 v24, v25  }
0x520: {  	v25 =	vperm.xlane v24, v4;
	_ =	sdelay $0x1  }
0x521: {  	v44 =	vperm.xlane v24, v6;
	v25 =	vadd.s32 v5, v25;
	_ =	sdelay $0x1  }
0x522: {  	s16 =	sld [smem:$0x735];
	v45 =	vperm.xlane v24, v7;
	v26 =	vadd.s32 v5, v44;
	_ =	sdelay $0x1  }
0x523: {  	s17 =	sld [smem:$0x736];
	v46 =	vperm.xlane v24, v2;
	v27 =	vadd.s32 v5, v45  }
0x524: {  	[tilespmem:s16], [sflag:$0xA] =	stream.indirect_vreg.gather [hbm4b:s15+s2], $0x80, v25, vm0, $0xb8;
	[tilespmem:$0x14280] =	vst v63  }
0x525: {  	v48 =	vperm.xlane v24, v8;
	v47 =	vadd.s32 v5, v46;
	s16 =	sld [smem:$0x737]  }
0x526: {  	[tilespmem:s17], [sflag:$0xA] =	stream.indirect_vreg.gather [hbm4b:s15+s2], $0x80, v26, vm0, $0xb8;
	[tilespmem:$0x14280] =	vst v63  }
0x527: {  	v50 =	vperm.xlane v24, v9;
	v49 =	vadd.s32 v5, v48;
	s17 =	sld [smem:$0x738]  }
0x528: {  	[tilespmem:s16], [sflag:$0xA] =	stream.indirect_vreg.gather [hbm4b:s15+s2], $0x80, v27, vm0, $0xb8;
	[tilespmem:$0x14280] =	vst v63  }
0x529: {  	v52 =	vperm.xlane v24, v10;
	v51 =	vadd.s32 v5, v50;
	s16 =	sld [smem:$0x739]  }
0x52a: {  	[tilespmem:s17], [sflag:$0xA] =	stream.indirect_vreg.gather [hbm4b:s15+s2], $0x80, v47, vm0, $0xb8;
	[tilespmem:$0x14280] =	vst v63  }
0x52b: {  	v54 =	vperm.xlane v24, v3;
	v53 =	vadd.s32 v5, v52;
	s17 =	sld [smem:$0x73A]  }
0x52c: {  	[tilespmem:s16], [sflag:$0xA] =	stream.indirect_vreg.gather [hbm4b:s15+s2], $0x80, v49, vm0, $0xb8;
	[tilespmem:$0x14280] =	vst v63  }
0x52d: {  	v56 =	vperm.xlane v24, v11;
	v55 =	vadd.s32 v5, v54;
	s16 =	sld [smem:$0x73B]  }
0x52e: {  	[tilespmem:s17], [sflag:$0xA] =	stream.indirect_vreg.gather [hbm4b:s15+s2], $0x80, v51, vm0, $0xb8;
	[tilespmem:$0x14280] =	vst v63  }
0x52f: {  	v58 =	vperm.xlane v24, v12;
	v57 =	vadd.s32 v5, v56;
	s17 =	sld [smem:$0x73C]  }
0x530: {  	[tilespmem:s16], [sflag:$0xA] =	stream.indirect_vreg.gather [hbm4b:s15+s2], $0x80, v53, vm0, $0xb8;
	[tilespmem:$0x14280] =	vst v63  }
0x531: {  	v60 =	vperm.xlane v24, v13;
	v59 =	vadd.s32 v5, v58;
	s16 =	sld [smem:$0x73E]  }
0x532: {  	[tilespmem:s17], [sflag:$0xA] =	stream.indirect_vreg.gather [hbm4b:s15+s2], $0x80, v55, vm0, $0xb8;
	[tilespmem:$0x14280] =	vst v63  }
0x533: {  	v62 =	vperm.xlane v24, v14;
	v61 =	vadd.s32 v5, v60;
	s17 =	sld [smem:$0x73F]  }
0x534: {  	[tilespmem:s16], [sflag:$0xA] =	stream.indirect_vreg.gather [hbm4b:s15+s2], $0x80, v57, vm0, $0xb8;
	[tilespmem:$0x14280] =	vst v63  }
0x535: {  	v32 =	vperm.xlane v24, v15;
	v63 =	vadd.s32 v5, v62;
	s16 =	sld [smem:$0x740]  }
0x536: {  	[tilespmem:s17], [sflag:$0xA] =	stream.indirect_vreg.gather [hbm4b:s15+s2], $0x80, v59, vm0, $0xb8;
	[tilespmem:$0x14280] =	vst v63  }
0x537: {  	v34 =	vperm.xlane v24, v16;
	v33 =	vadd.s32 v5, v32;
	s17 =	sld [smem:$0x741]  }
0x538: {  	[tilespmem:s16], [sflag:$0xA] =	stream.indirect_vreg.gather [hbm4b:s15+s2], $0x80, v61, vm0, $0xb8;
	[tilespmem:$0x14280] =	vst v63  }
0x539: {  	v36 =	vperm.xlane v24, v17;
	v35 =	vadd.s32 v5, v34;
	s16 =	sld [smem:$0x742]  }
0x53a: {  	[tilespmem:s17], [sflag:$0xA] =	stream.indirect_vreg.gather [hbm4b:s15+s2], $0x80, v63, vm0, $0xb8;
	[tilespmem:$0x14280] =	vst v63  }
0x53b: {  	v37 =	vadd.s32 v5, v36;
	s17 =	sld [smem:$0x743]  }
0x53c: {  	[tilespmem:s16], [sflag:$0xA] =	stream.indirect_vreg.gather [hbm4b:s15+s2], $0x80, v33, vm0, $0xb8;
	[tilespmem:$0x14280] =	vst v63  }
0x53d: {  	s16 =	sld [smem:$0x744]  }
0x53e: {  	[tilespmem:s17], [sflag:$0xA] =	stream.indirect_vreg.gather [hbm4b:s15+s2], $0x80, v35, vm0, $0xb8;
	[tilespmem:$0x14280] =	vst v63  }
0x53f: {  	_ = 	snop  }
0x540: {  	[tilespmem:s16], [sflag:$0xA] =	stream.indirect_vreg.gather [hbm4b:s15+s2], $0x80, v37, vm0, $0xb8;
	[tilespmem:$0x14280] =	vst v63  }
0x541: {  	s16 =	sld [smem:$0x745];
	(v2sf) =	vpush v23, $0xA  }
0x542: {  	v24 =	vperm.xlane v24, v18;
	_ =	sdelay $0x1  }
0x543: {  	v24 =	vadd.s32 v5, v24;
	_ =	sdelay $0x4  }
0x544: {  	[tilespmem:s16], [sflag:$0xA] =	stream.indirect_vreg.gather [hbm4b:s15+s2], $0x80, v24, vm0, $0xb8;
	[tilespmem:$0x14280] =	vst v63  }
0x545: {  	v24 =	vld [tilespmem:$0x200];
	_ =	sdelay $0x4  }
0x546: {  	v38 =	vshrl.u32 v24, $0x3  }
0x547: {  	v25 =	vmul.u32 $0xF428, v38;
	s15 =	spop (v2sf)  }
0x548: {  	v24 =	vand.u32 $0x7, v24;
	s16 =	sand.u32 $0x7F, s15  }
0x549: {  	v24 =	vor.u32 v24, v25;
	s17 =	sshra.s32 s15, $0x1F;
	p1 =	slt.s32 s15, $0x1;
	p2 =	sne.s32 s16, $0x0  }
0x54a: {  	v25 =	vperm.xlane v24, v4;
	s17 =	sshrl.u32 s17, $0x19;
	p0 =	por !p1, !p2  }
0x54b: {  	s16 =	simm.s32 $0x1;
	s15 =	sadd.s32 s17, s15;
	p0 =	por !p0, !p0  }
0x54c: {  	v39 =	vperm.xlane v24, v6;
	v25 =	vadd.s32 v5, v25;
	s15 =	sshrl.u32 s15, $0x7;
	s16 =	simm.s32 @!p0 $0x0  }
0x54d: {  	s15 =	ssub.s32 s15, s16  }
0x54e: {  	v40 =	vperm.xlane v24, v7;
	v26 =	vadd.s32 v5, v39;
	s15 =	sshll.u32 s15, $0x7  }
0x54f: {  	s15 =	sand.u32 $0x1FFFFF80, s15  }
0x550: {  	v41 =	vperm.xlane v24, v2;
	v27 =	vadd.s32 v5, v40;
	s16 =	sld [smem:$0x746];
	s15 =	sadd.s32 s1, s15  }
0x551: {  	[tilespmem:s6], [sflag:$0xB] =	stream.indirect_vreg.gather [hbm4b:s15+s2], $0x80, v25, vm0, $0xb8;
	[tilespmem:$0x14280] =	vst v63  }
0x552: {  	v43 =	vperm.xlane v24, v8;
	v42 =	vadd.s32 v5, v41;
	s17 =	sld [smem:$0x747]  }
0x553: {  	[tilespmem:s16], [sflag:$0xB] =	stream.indirect_vreg.gather [hbm4b:s15+s2], $0x80, v26, vm0, $0xb8;
	[tilespmem:$0x14280] =	vst v63  }
0x554: {  	v45 =	vperm.xlane v24, v9;
	v44 =	vadd.s32 v5, v43;
	s16 =	sld [smem:$0x748]  }
0x555: {  	[tilespmem:s17], [sflag:$0xB] =	stream.indirect_vreg.gather [hbm4b:s15+s2], $0x80, v27, vm0, $0xb8;
	[tilespmem:$0x14280] =	vst v63  }
0x556: {  	v47 =	vperm.xlane v24, v10;
	v46 =	vadd.s32 v5, v45;
	s17 =	sld [smem:$0x749]  }
0x557: {  	[tilespmem:s16], [sflag:$0xB] =	stream.indirect_vreg.gather [hbm4b:s15+s2], $0x80, v42, vm0, $0xb8;
	[tilespmem:$0x14280] =	vst v63  }
0x558: {  	v49 =	vperm.xlane v24, v3;
	v48 =	vadd.s32 v5, v47;
	s16 =	sld [smem:$0x74A]  }
0x559: {  	[tilespmem:s17], [sflag:$0xB] =	stream.indirect_vreg.gather [hbm4b:s15+s2], $0x80, v44, vm0, $0xb8;
	[tilespmem:$0x14280] =	vst v63  }
0x55a: {  	v51 =	vperm.xlane v24, v11;
	v50 =	vadd.s32 v5, v49;
	s17 =	sld [smem:$0x74B]  }
0x55b: {  	[tilespmem:s16], [sflag:$0xB] =	stream.indirect_vreg.gather [hbm4b:s15+s2], $0x80, v46, vm0, $0xb8;
	[tilespmem:$0x14280] =	vst v63  }
0x55c: {  	v53 =	vperm.xlane v24, v12;
	v52 =	vadd.s32 v5, v51;
	s16 =	sld [smem:$0x74C]  }
0x55d: {  	[tilespmem:s17], [sflag:$0xB] =	stream.indirect_vreg.gather [hbm4b:s15+s2], $0x80, v48, vm0, $0xb8;
	[tilespmem:$0x14280] =	vst v63  }
0x55e: {  	v55 =	vperm.xlane v24, v13;
	v54 =	vadd.s32 v5, v53;
	s17 =	sld [smem:$0x74D]  }
0x55f: {  	[tilespmem:s16], [sflag:$0xB] =	stream.indirect_vreg.gather [hbm4b:s15+s2], $0x80, v50, vm0, $0xb8;
	[tilespmem:$0x14280] =	vst v63  }
0x560: {  	v57 =	vperm.xlane v24, v14;
	v56 =	vadd.s32 v5, v55;
	s16 =	sld [smem:$0x74E]  }
0x561: {  	[tilespmem:s17], [sflag:$0xB] =	stream.indirect_vreg.gather [hbm4b:s15+s2], $0x80, v52, vm0, $0xb8;
	[tilespmem:$0x14280] =	vst v63  }
0x562: {  	v59 =	vperm.xlane v24, v15;
	v58 =	vadd.s32 v5, v57;
	s17 =	sld [smem:$0x74F]  }
0x563: {  	[tilespmem:s16], [sflag:$0xB] =	stream.indirect_vreg.gather [hbm4b:s15+s2], $0x80, v54, vm0, $0xb8;
	[tilespmem:$0x14280] =	vst v63  }
0x564: {  	v61 =	vperm.xlane v24, v16;
	v60 =	vadd.s32 v5, v59;
	s16 =	sld [smem:$0x750]  }
0x565: {  	[tilespmem:s17], [sflag:$0xB] =	stream.indirect_vreg.gather [hbm4b:s15+s2], $0x80, v56, vm0, $0xb8;
	[tilespmem:$0x14280] =	vst v63  }
0x566: {  	v63 =	vperm.xlane v24, v17;
	v62 =	vadd.s32 v5, v61;
	s17 =	sld [smem:$0x751]  }
0x567: {  	[tilespmem:s16], [sflag:$0xB] =	stream.indirect_vreg.gather [hbm4b:s15+s2], $0x80, v58, vm0, $0xb8;
	[tilespmem:$0x14280] =	vst v63  }
0x568: {  	v24 =	vperm.xlane v24, v18;
	v30 =	vadd.s32 v5, v63;
	s16 =	sld [smem:$0x752]  }
0x569: {  	[tilespmem:s17], [sflag:$0xB] =	stream.indirect_vreg.gather [hbm4b:s15+s2], $0x80, v60, vm0, $0xb8;
	[tilespmem:$0x14280] =	vst v63  }
0x56a: {  	v24 =	vadd.s32 v5, v24;
	s17 =	sld [smem:$0x753]  }
0x56b: {  	[tilespmem:s16], [sflag:$0xB] =	stream.indirect_vreg.gather [hbm4b:s15+s2], $0x80, v62, vm0, $0xb8;
	[tilespmem:$0x14280] =	vst v63  }
0x56c: {  	s16 =	sld [smem:$0x754]  }
0x56d: {  	[tilespmem:s17], [sflag:$0xB] =	stream.indirect_vreg.gather [hbm4b:s15+s2], $0x80, v30, vm0, $0xb8;
	[tilespmem:$0x14280] =	vst v63  }
0x56e: {  	_ = 	snop  }
0x56f: {  	[tilespmem:s16], [sflag:$0xB] =	stream.indirect_vreg.gather [hbm4b:s15+s2], $0x80, v24, vm0, $0xb8;
	[tilespmem:$0x14280] =	vst v63  }
0x570: {  	v24 =	vld [tilespmem:$0x210];
	_ =	sdelay $0x4  }
0x571: {  	v31 =	vshrl.u32 v24, $0x3  }
0x572: {  	v25 =	vmul.u32 $0xF428, v31  }
0x573: {  	v24 =	vand.u32 $0x7, v24  }
0x574: {  	v24 =	vor.u32 v24, v25  }
0x575: {  	v25 =	vperm.xlane v24, v4;
	_ =	sdelay $0x1  }
0x576: {  	v32 =	vperm.xlane v24, v6;
	v25 =	vadd.s32 v5, v25;
	_ =	sdelay $0x1  }
0x577: {  	s16 =	sld [smem:$0x755];
	v33 =	vperm.xlane v24, v7;
	v26 =	vadd.s32 v5, v32;
	_ =	sdelay $0x1  }
0x578: {  	s17 =	sld [smem:$0x756];
	v34 =	vperm.xlane v24, v2;
	v27 =	vadd.s32 v5, v33  }
0x579: {  	[tilespmem:s16], [sflag:$0xB] =	stream.indirect_vreg.gather [hbm4b:s15+s2], $0x80, v25, vm0, $0xb8;
	[tilespmem:$0x14280] =	vst v63  }
0x57a: {  	v36 =	vperm.xlane v24, v8;
	v35 =	vadd.s32 v5, v34;
	s16 =	sld [smem:$0x757]  }
0x57b: {  	[tilespmem:s17], [sflag:$0xB] =	stream.indirect_vreg.gather [hbm4b:s15+s2], $0x80, v26, vm0, $0xb8;
	[tilespmem:$0x14280] =	vst v63  }
0x57c: {  	v38 =	vperm.xlane v24, v9;
	v37 =	vadd.s32 v5, v36;
	s17 =	sld [smem:$0x758]  }
0x57d: {  	[tilespmem:s16], [sflag:$0xB] =	stream.indirect_vreg.gather [hbm4b:s15+s2], $0x80, v27, vm0, $0xb8;
	[tilespmem:$0x14280] =	vst v63  }
0x57e: {  	v40 =	vperm.xlane v24, v10;
	v39 =	vadd.s32 v5, v38;
	s16 =	sld [smem:$0x759]  }
0x57f: {  	[tilespmem:s17], [sflag:$0xB] =	stream.indirect_vreg.gather [hbm4b:s15+s2], $0x80, v35, vm0, $0xb8;
	[tilespmem:$0x14280] =	vst v63  }
0x580: {  	v42 =	vperm.xlane v24, v3;
	v41 =	vadd.s32 v5, v40;
	s17 =	sld [smem:$0x75A]  }
0x581: {  	[tilespmem:s16], [sflag:$0xB] =	stream.indirect_vreg.gather [hbm4b:s15+s2], $0x80, v37, vm0, $0xb8;
	[tilespmem:$0x14280] =	vst v63  }
0x582: {  	v44 =	vperm.xlane v24, v11;
	v43 =	vadd.s32 v5, v42;
	s16 =	sld [smem:$0x75B]  }
0x583: {  	[tilespmem:s17], [sflag:$0xB] =	stream.indirect_vreg.gather [hbm4b:s15+s2], $0x80, v39, vm0, $0xb8;
	[tilespmem:$0x14280] =	vst v63  }
0x584: {  	v46 =	vperm.xlane v24, v12;
	v45 =	vadd.s32 v5, v44;
	s17 =	sld [smem:$0x75C]  }
0x585: {  	[tilespmem:s16], [sflag:$0xB] =	stream.indirect_vreg.gather [hbm4b:s15+s2], $0x80, v41, vm0, $0xb8;
	[tilespmem:$0x14280] =	vst v63  }
0x586: {  	v48 =	vperm.xlane v24, v13;
	v47 =	vadd.s32 v5, v46;
	s16 =	sld [smem:$0x75E]  }
0x587: {  	[tilespmem:s17], [sflag:$0xB] =	stream.indirect_vreg.gather [hbm4b:s15+s2], $0x80, v43, vm0, $0xb8;
	[tilespmem:$0x14280] =	vst v63  }
0x588: {  	v50 =	vperm.xlane v24, v14;
	v49 =	vadd.s32 v5, v48;
	s17 =	sld [smem:$0x75F]  }
0x589: {  	[tilespmem:s16], [sflag:$0xB] =	stream.indirect_vreg.gather [hbm4b:s15+s2], $0x80, v45, vm0, $0xb8;
	[tilespmem:$0x14280] =	vst v63  }
0x58a: {  	v52 =	vperm.xlane v24, v15;
	v51 =	vadd.s32 v5, v50;
	s16 =	sld [smem:$0x760]  }
0x58b: {  	[tilespmem:s17], [sflag:$0xB] =	stream.indirect_vreg.gather [hbm4b:s15+s2], $0x80, v47, vm0, $0xb8;
	[tilespmem:$0x14280] =	vst v63  }
0x58c: {  	v54 =	vperm.xlane v24, v16;
	v53 =	vadd.s32 v5, v52;
	s17 =	sld [smem:$0x761]  }
0x58d: {  	[tilespmem:s16], [sflag:$0xB] =	stream.indirect_vreg.gather [hbm4b:s15+s2], $0x80, v49, vm0, $0xb8;
	[tilespmem:$0x14280] =	vst v63  }
0x58e: {  	v56 =	vperm.xlane v24, v17;
	v55 =	vadd.s32 v5, v54;
	s16 =	sld [smem:$0x762]  }
0x58f: {  	(v2sf) =	vpush v23, $0xB;
	[tilespmem:s17], [sflag:$0xB] =	stream.indirect_vreg.gather [hbm4b:s15+s2], $0x80, v51, vm0, $0xb8;
	[tilespmem:$0x14280] =	vst v63  }
0x590: {  	v24 =	vperm.xlane v24, v18;
	v57 =	vadd.s32 v5, v56;
	s17 =	sld [smem:$0x763]  }
0x591: {  	[tilespmem:s16], [sflag:$0xB] =	stream.indirect_vreg.gather [hbm4b:s15+s2], $0x80, v53, vm0, $0xb8;
	[tilespmem:$0x14280] =	vst v63  }
0x592: {  	v24 =	vadd.s32 v5, v24;
	s16 =	sld [smem:$0x764]  }
0x593: {  	[tilespmem:s17], [sflag:$0xB] =	stream.indirect_vreg.gather [hbm4b:s15+s2], $0x80, v55, vm0, $0xb8;
	[tilespmem:$0x14280] =	vst v63  }
0x594: {  	s17 =	sld [smem:$0x765]  }
0x595: {  	[tilespmem:s16], [sflag:$0xB] =	stream.indirect_vreg.gather [hbm4b:s15+s2], $0x80, v57, vm0, $0xb8;
	[tilespmem:$0x14280] =	vst v63  }
0x596: {  	_ = 	snop  }
0x597: {  	[tilespmem:s17], [sflag:$0xB] =	stream.indirect_vreg.gather [hbm4b:s15+s2], $0x80, v24, vm0, $0xb8;
	[tilespmem:$0x14280] =	vst v63  }
0x598: {  	v24 =	vld [tilespmem:$0x200];
	_ =	sdelay $0x4  }
0x599: {  	v58 =	vshrl.u32 v24, $0x3  }
0x59a: {  	s15 =	spop (v2sf);
	v25 =	vmul.u32 $0xF428, v58  }
0x59b: {  	s16 =	sand.u32 $0x7F, s15;
	v24 =	vand.u32 $0x7, v24  }
0x59c: {  	s17 =	sshra.s32 s15, $0x1F;
	p3 =	slt.s32 s15, $0x1;
	p4 =	sne.s32 s16, $0x0;
	v24 =	vor.u32 v24, v25  }
0x59d: {  	s17 =	sshrl.u32 s17, $0x19;
	p0 =	por !p3, !p4;
	v25 =	vperm.xlane v24, v4  }
0x59e: {  	s16 =	simm.s32 $0x1;
	s15 =	sadd.s32 s17, s15;
	p0 =	por !p0, !p0  }
0x59f: {  	s15 =	sshrl.u32 s15, $0x7;
	s16 =	simm.s32 @!p0 $0x0;
	v59 =	vperm.xlane v24, v6;
	v25 =	vadd.s32 v5, v25  }
0x5a0: {  	s15 =	ssub.s32 s15, s16  }
0x5a1: {  	s15 =	sshll.u32 s15, $0x7;
	v60 =	vperm.xlane v24, v7;
	v26 =	vadd.s32 v5, v59  }
0x5a2: {  	s15 =	sand.u32 $0x1FFFFF80, s15  }
0x5a3: {  	s16 =	sld [smem:$0x766];
	s15 =	sadd.s32 s1, s15;
	v61 =	vperm.xlane v24, v2;
	v27 =	vadd.s32 v5, v60  }
0x5a4: {  	[tilespmem:s7], [sflag:$0xC] =	stream.indirect_vreg.gather [hbm4b:s15+s2], $0x80, v25, vm0, $0xb8;
	[tilespmem:$0x14280] =	vst v63  }
0x5a5: {  	s17 =	sld [smem:$0x767];
	v63 =	vperm.xlane v24, v8;
	v62 =	vadd.s32 v5, v61  }
0x5a6: {  	[tilespmem:s16], [sflag:$0xC] =	stream.indirect_vreg.gather [hbm4b:s15+s2], $0x80, v26, vm0, $0xb8;
	[tilespmem:$0x14280] =	vst v63  }
0x5a7: {  	v33 =	vperm.xlane v24, v9;
	v32 =	vadd.s32 v5, v63;
	s16 =	sld [smem:$0x768]  }
0x5a8: {  	[tilespmem:s17], [sflag:$0xC] =	stream.indirect_vreg.gather [hbm4b:s15+s2], $0x80, v27, vm0, $0xb8;
	[tilespmem:$0x14280] =	vst v63  }
0x5a9: {  	v35 =	vperm.xlane v24, v10;
	v34 =	vadd.s32 v5, v33;
	s17 =	sld [smem:$0x769]  }
0x5aa: {  	[tilespmem:s16], [sflag:$0xC] =	stream.indirect_vreg.gather [hbm4b:s15+s2], $0x80, v62, vm0, $0xb8;
	[tilespmem:$0x14280] =	vst v63  }
0x5ab: {  	v37 =	vperm.xlane v24, v3;
	v36 =	vadd.s32 v5, v35;
	s16 =	sld [smem:$0x76A]  }
0x5ac: {  	[tilespmem:s17], [sflag:$0xC] =	stream.indirect_vreg.gather [hbm4b:s15+s2], $0x80, v32, vm0, $0xb8;
	[tilespmem:$0x14280] =	vst v63  }
0x5ad: {  	v39 =	vperm.xlane v24, v11;
	v38 =	vadd.s32 v5, v37;
	s17 =	sld [smem:$0x76B]  }
0x5ae: {  	[tilespmem:s16], [sflag:$0xC] =	stream.indirect_vreg.gather [hbm4b:s15+s2], $0x80, v34, vm0, $0xb8;
	[tilespmem:$0x14280] =	vst v63  }
0x5af: {  	v41 =	vperm.xlane v24, v12;
	v40 =	vadd.s32 v5, v39;
	s16 =	sld [smem:$0x76C]  }
0x5b0: {  	[tilespmem:s17], [sflag:$0xC] =	stream.indirect_vreg.gather [hbm4b:s15+s2], $0x80, v36, vm0, $0xb8;
	[tilespmem:$0x14280] =	vst v63  }
0x5b1: {  	v43 =	vperm.xlane v24, v13;
	v42 =	vadd.s32 v5, v41;
	s17 =	sld [smem:$0x76D]  }
0x5b2: {  	[tilespmem:s16], [sflag:$0xC] =	stream.indirect_vreg.gather [hbm4b:s15+s2], $0x80, v38, vm0, $0xb8;
	[tilespmem:$0x14280] =	vst v63  }
0x5b3: {  	v45 =	vperm.xlane v24, v14;
	v44 =	vadd.s32 v5, v43;
	s16 =	sld [smem:$0x76E]  }
0x5b4: {  	[tilespmem:s17], [sflag:$0xC] =	stream.indirect_vreg.gather [hbm4b:s15+s2], $0x80, v40, vm0, $0xb8;
	[tilespmem:$0x14280] =	vst v63  }
0x5b5: {  	v47 =	vperm.xlane v24, v15;
	v46 =	vadd.s32 v5, v45;
	s17 =	sld [smem:$0x76F]  }
0x5b6: {  	[tilespmem:s16], [sflag:$0xC] =	stream.indirect_vreg.gather [hbm4b:s15+s2], $0x80, v42, vm0, $0xb8;
	[tilespmem:$0x14280] =	vst v63  }
0x5b7: {  	v49 =	vperm.xlane v24, v16;
	v48 =	vadd.s32 v5, v47;
	s16 =	sld [smem:$0x770]  }
0x5b8: {  	[tilespmem:s17], [sflag:$0xC] =	stream.indirect_vreg.gather [hbm4b:s15+s2], $0x80, v44, vm0, $0xb8;
	[tilespmem:$0x14280] =	vst v63  }
0x5b9: {  	v51 =	vperm.xlane v24, v17;
	v50 =	vadd.s32 v5, v49;
	s17 =	sld [smem:$0x771]  }
0x5ba: {  	[tilespmem:s16], [sflag:$0xC] =	stream.indirect_vreg.gather [hbm4b:s15+s2], $0x80, v46, vm0, $0xb8;
	[tilespmem:$0x14280] =	vst v63  }
0x5bb: {  	v24 =	vperm.xlane v24, v18;
	v52 =	vadd.s32 v5, v51;
	s16 =	sld [smem:$0x772]  }
0x5bc: {  	[tilespmem:s17], [sflag:$0xC] =	stream.indirect_vreg.gather [hbm4b:s15+s2], $0x80, v48, vm0, $0xb8;
	[tilespmem:$0x14280] =	vst v63  }
0x5bd: {  	v24 =	vadd.s32 v5, v24;
	s17 =	sld [smem:$0x773]  }
0x5be: {  	[tilespmem:s16], [sflag:$0xC] =	stream.indirect_vreg.gather [hbm4b:s15+s2], $0x80, v50, vm0, $0xb8;
	[tilespmem:$0x14280] =	vst v63  }
0x5bf: {  	s16 =	sld [smem:$0x774]  }
0x5c0: {  	[tilespmem:s17], [sflag:$0xC] =	stream.indirect_vreg.gather [hbm4b:s15+s2], $0x80, v52, vm0, $0xb8;
	[tilespmem:$0x14280] =	vst v63  }
0x5c1: {  	_ = 	snop  }
0x5c2: {  	[tilespmem:s16], [sflag:$0xC] =	stream.indirect_vreg.gather [hbm4b:s15+s2], $0x80, v24, vm0, $0xb8;
	[tilespmem:$0x14280] =	vst v63  }
0x5c3: {  	v24 =	vld [tilespmem:$0x210];
	_ =	sdelay $0x4  }
0x5c4: {  	v53 =	vshrl.u32 v24, $0x3  }
0x5c5: {  	v25 =	vmul.u32 $0xF428, v53  }
0x5c6: {  	v24 =	vand.u32 $0x7, v24  }
0x5c7: {  	v24 =	vor.u32 v24, v25  }
0x5c8: {  	v25 =	vperm.xlane v24, v4;
	_ =	sdelay $0x1  }
0x5c9: {  	v54 =	vperm.xlane v24, v6;
	v25 =	vadd.s32 v5, v25;
	_ =	sdelay $0x1  }
0x5ca: {  	s16 =	sld [smem:$0x775];
	v55 =	vperm.xlane v24, v7;
	v26 =	vadd.s32 v5, v54;
	_ =	sdelay $0x1  }
0x5cb: {  	s17 =	sld [smem:$0x776];
	v56 =	vperm.xlane v24, v2;
	v27 =	vadd.s32 v5, v55  }
0x5cc: {  	[tilespmem:s16], [sflag:$0xC] =	stream.indirect_vreg.gather [hbm4b:s15+s2], $0x80, v25, vm0, $0xb8;
	[tilespmem:$0x14280] =	vst v63  }
0x5cd: {  	v58 =	vperm.xlane v24, v8;
	v57 =	vadd.s32 v5, v56;
	s16 =	sld [smem:$0x777]  }
0x5ce: {  	[tilespmem:s17], [sflag:$0xC] =	stream.indirect_vreg.gather [hbm4b:s15+s2], $0x80, v26, vm0, $0xb8;
	[tilespmem:$0x14280] =	vst v63  }
0x5cf: {  	v60 =	vperm.xlane v24, v9;
	v59 =	vadd.s32 v5, v58;
	s17 =	sld [smem:$0x778]  }
0x5d0: {  	[tilespmem:s16], [sflag:$0xC] =	stream.indirect_vreg.gather [hbm4b:s15+s2], $0x80, v27, vm0, $0xb8;
	[tilespmem:$0x14280] =	vst v63  }
0x5d1: {  	v62 =	vperm.xlane v24, v10;
	v61 =	vadd.s32 v5, v60;
	s16 =	sld [smem:$0x779]  }
0x5d2: {  	[tilespmem:s17], [sflag:$0xC] =	stream.indirect_vreg.gather [hbm4b:s15+s2], $0x80, v57, vm0, $0xb8;
	[tilespmem:$0x14280] =	vst v63  }
0x5d3: {  	v32 =	vperm.xlane v24, v3;
	v63 =	vadd.s32 v5, v62;
	s17 =	sld [smem:$0x77A]  }
0x5d4: {  	[tilespmem:s16], [sflag:$0xC] =	stream.indirect_vreg.gather [hbm4b:s15+s2], $0x80, v59, vm0, $0xb8;
	[tilespmem:$0x14280] =	vst v63  }
0x5d5: {  	v34 =	vperm.xlane v24, v11;
	v33 =	vadd.s32 v5, v32;
	s16 =	sld [smem:$0x77B]  }
0x5d6: {  	[tilespmem:s17], [sflag:$0xC] =	stream.indirect_vreg.gather [hbm4b:s15+s2], $0x80, v61, vm0, $0xb8;
	[tilespmem:$0x14280] =	vst v63  }
0x5d7: {  	v36 =	vperm.xlane v24, v12;
	v35 =	vadd.s32 v5, v34;
	s17 =	sld [smem:$0x77C]  }
0x5d8: {  	[tilespmem:s16], [sflag:$0xC] =	stream.indirect_vreg.gather [hbm4b:s15+s2], $0x80, v63, vm0, $0xb8;
	[tilespmem:$0x14280] =	vst v63  }
0x5d9: {  	v38 =	vperm.xlane v24, v13;
	v37 =	vadd.s32 v5, v36;
	s16 =	sld [smem:$0x77E]  }
0x5da: {  	[tilespmem:s17], [sflag:$0xC] =	stream.indirect_vreg.gather [hbm4b:s15+s2], $0x80, v33, vm0, $0xb8;
	[tilespmem:$0x14280] =	vst v63  }
0x5db: {  	v40 =	vperm.xlane v24, v14;
	v39 =	vadd.s32 v5, v38;
	s17 =	sld [smem:$0x77F]  }
0x5dc: {  	[tilespmem:s16], [sflag:$0xC] =	stream.indirect_vreg.gather [hbm4b:s15+s2], $0x80, v35, vm0, $0xb8;
	[tilespmem:$0x14280] =	vst v63  }
0x5dd: {  	v42 =	vperm.xlane v24, v15;
	v41 =	vadd.s32 v5, v40;
	s16 =	sld [smem:$0x780]  }
0x5de: {  	[tilespmem:s17], [sflag:$0xC] =	stream.indirect_vreg.gather [hbm4b:s15+s2], $0x80, v37, vm0, $0xb8;
	[tilespmem:$0x14280] =	vst v63  }
0x5df: {  	v44 =	vperm.xlane v24, v16;
	v43 =	vadd.s32 v5, v42;
	s17 =	sld [smem:$0x781]  }
0x5e0: {  	[tilespmem:s16], [sflag:$0xC] =	stream.indirect_vreg.gather [hbm4b:s15+s2], $0x80, v39, vm0, $0xb8;
	[tilespmem:$0x14280] =	vst v63  }
0x5e1: {  	v46 =	vperm.xlane v24, v17;
	v45 =	vadd.s32 v5, v44;
	s16 =	sld [smem:$0x782]  }
0x5e2: {  	(v2sf) =	vpush v23, $0xC;
	[tilespmem:s17], [sflag:$0xC] =	stream.indirect_vreg.gather [hbm4b:s15+s2], $0x80, v41, vm0, $0xb8;
	[tilespmem:$0x14280] =	vst v63  }
0x5e3: {  	v24 =	vperm.xlane v24, v18;
	v47 =	vadd.s32 v5, v46;
	s17 =	sld [smem:$0x783]  }
0x5e4: {  	[tilespmem:s16], [sflag:$0xC] =	stream.indirect_vreg.gather [hbm4b:s15+s2], $0x80, v43, vm0, $0xb8;
	[tilespmem:$0x14280] =	vst v63  }
0x5e5: {  	v24 =	vadd.s32 v5, v24;
	s16 =	sld [smem:$0x784]  }
0x5e6: {  	[tilespmem:s17], [sflag:$0xC] =	stream.indirect_vreg.gather [hbm4b:s15+s2], $0x80, v45, vm0, $0xb8;
	[tilespmem:$0x14280] =	vst v63  }
0x5e7: {  	s17 =	sld [smem:$0x785]  }
0x5e8: {  	[tilespmem:s16], [sflag:$0xC] =	stream.indirect_vreg.gather [hbm4b:s15+s2], $0x80, v47, vm0, $0xb8;
	[tilespmem:$0x14280] =	vst v63  }
0x5e9: {  	_ = 	snop  }
0x5ea: {  	[tilespmem:s17], [sflag:$0xC] =	stream.indirect_vreg.gather [hbm4b:s15+s2], $0x80, v24, vm0, $0xb8;
	[tilespmem:$0x14280] =	vst v63  }
0x5eb: {  	v24 =	vld [tilespmem:$0x200];
	_ =	sdelay $0x4  }
0x5ec: {  	v48 =	vshrl.u32 v24, $0x3  }
0x5ed: {  	s15 =	spop (v2sf);
	v25 =	vmul.u32 $0xF428, v48  }
0x5ee: {  	s16 =	sand.u32 $0x7F, s15;
	v24 =	vand.u32 $0x7, v24  }
0x5ef: {  	s17 =	sshra.s32 s15, $0x1F;
	p5 =	slt.s32 s15, $0x1;
	p6 =	sne.s32 s16, $0x0;
	v24 =	vor.u32 v24, v25  }
0x5f0: {  	s17 =	sshrl.u32 s17, $0x19;
	p0 =	por !p5, !p6;
	v25 =	vperm.xlane v24, v4  }
0x5f1: {  	s16 =	simm.s32 $0x1;
	s15 =	sadd.s32 s17, s15;
	p0 =	por !p0, !p0  }
0x5f2: {  	s15 =	sshrl.u32 s15, $0x7;
	s16 =	simm.s32 @!p0 $0x0;
	v49 =	vperm.xlane v24, v6;
	v25 =	vadd.s32 v5, v25  }
0x5f3: {  	s15 =	ssub.s32 s15, s16  }
0x5f4: {  	s15 =	sshll.u32 s15, $0x7;
	v50 =	vperm.xlane v24, v7;
	v26 =	vadd.s32 v5, v49  }
0x5f5: {  	s15 =	sand.u32 $0x1FFFFF80, s15  }
0x5f6: {  	s16 =	sld [smem:$0x786];
	s15 =	sadd.s32 s1, s15;
	v51 =	vperm.xlane v24, v2;
	v27 =	vadd.s32 v5, v50  }
0x5f7: {  	[tilespmem:s8], [sflag:$0xD] =	stream.indirect_vreg.gather [hbm4b:s15+s2], $0x80, v25, vm0, $0xb8;
	[tilespmem:$0x14280] =	vst v63  }
0x5f8: {  	s17 =	sld [smem:$0x787];
	v53 =	vperm.xlane v24, v8;
	v52 =	vadd.s32 v5, v51  }
0x5f9: {  	[tilespmem:s16], [sflag:$0xD] =	stream.indirect_vreg.gather [hbm4b:s15+s2], $0x80, v26, vm0, $0xb8;
	[tilespmem:$0x14280] =	vst v63  }
0x5fa: {  	v55 =	vperm.xlane v24, v9;
	v54 =	vadd.s32 v5, v53;
	s16 =	sld [smem:$0x788]  }
0x5fb: {  	[tilespmem:s17], [sflag:$0xD] =	stream.indirect_vreg.gather [hbm4b:s15+s2], $0x80, v27, vm0, $0xb8;
	[tilespmem:$0x14280] =	vst v63  }
0x5fc: {  	v57 =	vperm.xlane v24, v10;
	v56 =	vadd.s32 v5, v55;
	s17 =	sld [smem:$0x789]  }
0x5fd: {  	[tilespmem:s16], [sflag:$0xD] =	stream.indirect_vreg.gather [hbm4b:s15+s2], $0x80, v52, vm0, $0xb8;
	[tilespmem:$0x14280] =	vst v63  }
0x5fe: {  	v59 =	vperm.xlane v24, v3;
	v58 =	vadd.s32 v5, v57;
	s16 =	sld [smem:$0x78A]  }
0x5ff: {  	[tilespmem:s17], [sflag:$0xD] =	stream.indirect_vreg.gather [hbm4b:s15+s2], $0x80, v54, vm0, $0xb8;
	[tilespmem:$0x14280] =	vst v63  }
0x600: {  	v61 =	vperm.xlane v24, v11;
	v60 =	vadd.s32 v5, v59;
	s17 =	sld [smem:$0x78B]  }
0x601: {  	[tilespmem:s16], [sflag:$0xD] =	stream.indirect_vreg.gather [hbm4b:s15+s2], $0x80, v56, vm0, $0xb8;
	[tilespmem:$0x14280] =	vst v63  }
0x602: {  	v63 =	vperm.xlane v24, v12;
	v62 =	vadd.s32 v5, v61;
	s16 =	sld [smem:$0x78C]  }
0x603: {  	[tilespmem:s17], [sflag:$0xD] =	stream.indirect_vreg.gather [hbm4b:s15+s2], $0x80, v58, vm0, $0xb8;
	[tilespmem:$0x14280] =	vst v63  }
0x604: {  	v33 =	vperm.xlane v24, v13;
	v32 =	vadd.s32 v5, v63;
	s17 =	sld [smem:$0x78D]  }
0x605: {  	[tilespmem:s16], [sflag:$0xD] =	stream.indirect_vreg.gather [hbm4b:s15+s2], $0x80, v60, vm0, $0xb8;
	[tilespmem:$0x14280] =	vst v63  }
0x606: {  	v35 =	vperm.xlane v24, v14;
	v34 =	vadd.s32 v5, v33;
	s16 =	sld [smem:$0x78E]  }
0x607: {  	[tilespmem:s17], [sflag:$0xD] =	stream.indirect_vreg.gather [hbm4b:s15+s2], $0x80, v62, vm0, $0xb8;
	[tilespmem:$0x14280] =	vst v63  }
0x608: {  	v37 =	vperm.xlane v24, v15;
	v36 =	vadd.s32 v5, v35;
	s17 =	sld [smem:$0x78F]  }
0x609: {  	[tilespmem:s16], [sflag:$0xD] =	stream.indirect_vreg.gather [hbm4b:s15+s2], $0x80, v32, vm0, $0xb8;
	[tilespmem:$0x14280] =	vst v63  }
0x60a: {  	v39 =	vperm.xlane v24, v16;
	v38 =	vadd.s32 v5, v37;
	s16 =	sld [smem:$0x790]  }
0x60b: {  	[tilespmem:s17], [sflag:$0xD] =	stream.indirect_vreg.gather [hbm4b:s15+s2], $0x80, v34, vm0, $0xb8;
	[tilespmem:$0x14280] =	vst v63  }
0x60c: {  	v41 =	vperm.xlane v24, v17;
	v40 =	vadd.s32 v5, v39;
	s17 =	sld [smem:$0x791]  }
0x60d: {  	[tilespmem:s16], [sflag:$0xD] =	stream.indirect_vreg.gather [hbm4b:s15+s2], $0x80, v36, vm0, $0xb8;
	[tilespmem:$0x14280] =	vst v63  }
0x60e: {  	v24 =	vperm.xlane v24, v18;
	v42 =	vadd.s32 v5, v41;
	s16 =	sld [smem:$0x792]  }
0x60f: {  	[tilespmem:s17], [sflag:$0xD] =	stream.indirect_vreg.gather [hbm4b:s15+s2], $0x80, v38, vm0, $0xb8;
	[tilespmem:$0x14280] =	vst v63  }
0x610: {  	v24 =	vadd.s32 v5, v24;
	s17 =	sld [smem:$0x793]  }
0x611: {  	[tilespmem:s16], [sflag:$0xD] =	stream.indirect_vreg.gather [hbm4b:s15+s2], $0x80, v40, vm0, $0xb8;
	[tilespmem:$0x14280] =	vst v63  }
0x612: {  	s16 =	sld [smem:$0x794]  }
0x613: {  	[tilespmem:s17], [sflag:$0xD] =	stream.indirect_vreg.gather [hbm4b:s15+s2], $0x80, v42, vm0, $0xb8;
	[tilespmem:$0x14280] =	vst v63  }
0x614: {  	_ = 	snop  }
0x615: {  	[tilespmem:s16], [sflag:$0xD] =	stream.indirect_vreg.gather [hbm4b:s15+s2], $0x80, v24, vm0, $0xb8;
	[tilespmem:$0x14280] =	vst v63  }
0x616: {  	v24 =	vld [tilespmem:$0x210];
	_ =	sdelay $0x4  }
0x617: {  	v43 =	vshrl.u32 v24, $0x3  }
0x618: {  	v25 =	vmul.u32 $0xF428, v43  }
0x619: {  	v24 =	vand.u32 $0x7, v24  }
0x61a: {  	v24 =	vor.u32 v24, v25  }
0x61b: {  	v25 =	vperm.xlane v24, v4;
	_ =	sdelay $0x1  }
0x61c: {  	v44 =	vperm.xlane v24, v6;
	v25 =	vadd.s32 v5, v25;
	_ =	sdelay $0x1  }
0x61d: {  	s16 =	sld [smem:$0x795];
	v45 =	vperm.xlane v24, v7;
	v26 =	vadd.s32 v5, v44;
	_ =	sdelay $0x1  }
0x61e: {  	s17 =	sld [smem:$0x796];
	v46 =	vperm.xlane v24, v2;
	v27 =	vadd.s32 v5, v45  }
0x61f: {  	[tilespmem:s16], [sflag:$0xD] =	stream.indirect_vreg.gather [hbm4b:s15+s2], $0x80, v25, vm0, $0xb8;
	[tilespmem:$0x14280] =	vst v63  }
0x620: {  	v48 =	vperm.xlane v24, v8;
	v47 =	vadd.s32 v5, v46;
	s16 =	sld [smem:$0x797]  }
0x621: {  	[tilespmem:s17], [sflag:$0xD] =	stream.indirect_vreg.gather [hbm4b:s15+s2], $0x80, v26, vm0, $0xb8;
	[tilespmem:$0x14280] =	vst v63  }
0x622: {  	v50 =	vperm.xlane v24, v9;
	v49 =	vadd.s32 v5, v48;
	s17 =	sld [smem:$0x798]  }
0x623: {  	[tilespmem:s16], [sflag:$0xD] =	stream.indirect_vreg.gather [hbm4b:s15+s2], $0x80, v27, vm0, $0xb8;
	[tilespmem:$0x14280] =	vst v63  }
0x624: {  	v52 =	vperm.xlane v24, v10;
	v51 =	vadd.s32 v5, v50;
	s16 =	sld [smem:$0x799]  }
0x625: {  	[tilespmem:s17], [sflag:$0xD] =	stream.indirect_vreg.gather [hbm4b:s15+s2], $0x80, v47, vm0, $0xb8;
	[tilespmem:$0x14280] =	vst v63  }
0x626: {  	v54 =	vperm.xlane v24, v3;
	v53 =	vadd.s32 v5, v52;
	s17 =	sld [smem:$0x79A]  }
0x627: {  	[tilespmem:s16], [sflag:$0xD] =	stream.indirect_vreg.gather [hbm4b:s15+s2], $0x80, v49, vm0, $0xb8;
	[tilespmem:$0x14280] =	vst v63  }
0x628: {  	v56 =	vperm.xlane v24, v11;
	v55 =	vadd.s32 v5, v54;
	s16 =	sld [smem:$0x79B]  }
0x629: {  	[tilespmem:s17], [sflag:$0xD] =	stream.indirect_vreg.gather [hbm4b:s15+s2], $0x80, v51, vm0, $0xb8;
	[tilespmem:$0x14280] =	vst v63  }
0x62a: {  	v58 =	vperm.xlane v24, v12;
	v57 =	vadd.s32 v5, v56;
	s17 =	sld [smem:$0x79C]  }
0x62b: {  	[tilespmem:s16], [sflag:$0xD] =	stream.indirect_vreg.gather [hbm4b:s15+s2], $0x80, v53, vm0, $0xb8;
	[tilespmem:$0x14280] =	vst v63  }
0x62c: {  	v60 =	vperm.xlane v24, v13;
	v59 =	vadd.s32 v5, v58;
	s16 =	sld [smem:$0x79E]  }
0x62d: {  	[tilespmem:s17], [sflag:$0xD] =	stream.indirect_vreg.gather [hbm4b:s15+s2], $0x80, v55, vm0, $0xb8;
	[tilespmem:$0x14280] =	vst v63  }
0x62e: {  	v62 =	vperm.xlane v24, v14;
	v61 =	vadd.s32 v5, v60;
	s17 =	sld [smem:$0x79F]  }
0x62f: {  	[tilespmem:s16], [sflag:$0xD] =	stream.indirect_vreg.gather [hbm4b:s15+s2], $0x80, v57, vm0, $0xb8;
	[tilespmem:$0x14280] =	vst v63  }
0x630: {  	v32 =	vperm.xlane v24, v15;
	v63 =	vadd.s32 v5, v62;
	s16 =	sld [smem:$0x7A0]  }
0x631: {  	[tilespmem:s17], [sflag:$0xD] =	stream.indirect_vreg.gather [hbm4b:s15+s2], $0x80, v59, vm0, $0xb8;
	[tilespmem:$0x14280] =	vst v63  }
0x632: {  	v34 =	vperm.xlane v24, v16;
	v33 =	vadd.s32 v5, v32;
	s17 =	sld [smem:$0x7A1]  }
0x633: {  	[tilespmem:s16], [sflag:$0xD] =	stream.indirect_vreg.gather [hbm4b:s15+s2], $0x80, v61, vm0, $0xb8;
	[tilespmem:$0x14280] =	vst v63  }
0x634: {  	v36 =	vperm.xlane v24, v17;
	v35 =	vadd.s32 v5, v34;
	s16 =	sld [smem:$0x7A2]  }
0x635: {  	(v2sf) =	vpush v23, $0xD;
	[tilespmem:s17], [sflag:$0xD] =	stream.indirect_vreg.gather [hbm4b:s15+s2], $0x80, v63, vm0, $0xb8;
	[tilespmem:$0x14280] =	vst v63  }
0x636: {  	v24 =	vperm.xlane v24, v18;
	v37 =	vadd.s32 v5, v36;
	s17 =	sld [smem:$0x7A3]  }
0x637: {  	[tilespmem:s16], [sflag:$0xD] =	stream.indirect_vreg.gather [hbm4b:s15+s2], $0x80, v33, vm0, $0xb8;
	[tilespmem:$0x14280] =	vst v63  }
0x638: {  	v24 =	vadd.s32 v5, v24;
	s16 =	sld [smem:$0x7A4]  }
0x639: {  	[tilespmem:s17], [sflag:$0xD] =	stream.indirect_vreg.gather [hbm4b:s15+s2], $0x80, v35, vm0, $0xb8;
	[tilespmem:$0x14280] =	vst v63  }
0x63a: {  	s17 =	sld [smem:$0x7A5]  }
0x63b: {  	[tilespmem:s16], [sflag:$0xD] =	stream.indirect_vreg.gather [hbm4b:s15+s2], $0x80, v37, vm0, $0xb8;
	[tilespmem:$0x14280] =	vst v63  }
0x63c: {  	_ = 	snop  }
0x63d: {  	[tilespmem:s17], [sflag:$0xD] =	stream.indirect_vreg.gather [hbm4b:s15+s2], $0x80, v24, vm0, $0xb8;
	[tilespmem:$0x14280] =	vst v63  }
0x63e: {  	v24 =	vld [tilespmem:$0x200];
	_ =	sdelay $0x4  }
0x63f: {  	v38 =	vshrl.u32 v24, $0x3  }
0x640: {  	s15 =	spop (v2sf);
	v25 =	vmul.u32 $0xF428, v38  }
0x641: {  	s16 =	sand.u32 $0x7F, s15;
	v24 =	vand.u32 $0x7, v24  }
0x642: {  	s17 =	sshra.s32 s15, $0x1F;
	p1 =	slt.s32 s15, $0x1;
	p2 =	sne.s32 s16, $0x0;
	v24 =	vor.u32 v24, v25  }
0x643: {  	s17 =	sshrl.u32 s17, $0x19;
	p0 =	por !p1, !p2;
	v25 =	vperm.xlane v24, v4  }
0x644: {  	s16 =	simm.s32 $0x1;
	s15 =	sadd.s32 s17, s15;
	p0 =	por !p0, !p0  }
0x645: {  	s15 =	sshrl.u32 s15, $0x7;
	s16 =	simm.s32 @!p0 $0x0;
	v39 =	vperm.xlane v24, v6;
	v25 =	vadd.s32 v5, v25  }
0x646: {  	s15 =	ssub.s32 s15, s16  }
0x647: {  	s15 =	sshll.u32 s15, $0x7;
	v40 =	vperm.xlane v24, v7;
	v26 =	vadd.s32 v5, v39  }
0x648: {  	s15 =	sand.u32 $0x1FFFFF80, s15  }
0x649: {  	s16 =	sld [smem:$0x7A6];
	s15 =	sadd.s32 s1, s15;
	v41 =	vperm.xlane v24, v2;
	v27 =	vadd.s32 v5, v40  }
0x64a: {  	[tilespmem:s9], [sflag:$0xE] =	stream.indirect_vreg.gather [hbm4b:s15+s2], $0x80, v25, vm0, $0xb8;
	[tilespmem:$0x14280] =	vst v63  }
0x64b: {  	s17 =	sld [smem:$0x7A7];
	v43 =	vperm.xlane v24, v8;
	v42 =	vadd.s32 v5, v41  }
0x64c: {  	[tilespmem:s16], [sflag:$0xE] =	stream.indirect_vreg.gather [hbm4b:s15+s2], $0x80, v26, vm0, $0xb8;
	[tilespmem:$0x14280] =	vst v63  }
0x64d: {  	v45 =	vperm.xlane v24, v9;
	v44 =	vadd.s32 v5, v43;
	s16 =	sld [smem:$0x7A8]  }
0x64e: {  	[tilespmem:s17], [sflag:$0xE] =	stream.indirect_vreg.gather [hbm4b:s15+s2], $0x80, v27, vm0, $0xb8;
	[tilespmem:$0x14280] =	vst v63  }
0x64f: {  	v47 =	vperm.xlane v24, v10;
	v46 =	vadd.s32 v5, v45;
	s17 =	sld [smem:$0x7A9]  }
0x650: {  	[tilespmem:s16], [sflag:$0xE] =	stream.indirect_vreg.gather [hbm4b:s15+s2], $0x80, v42, vm0, $0xb8;
	[tilespmem:$0x14280] =	vst v63  }
0x651: {  	v49 =	vperm.xlane v24, v3;
	v48 =	vadd.s32 v5, v47;
	s16 =	sld [smem:$0x7AA]  }
0x652: {  	[tilespmem:s17], [sflag:$0xE] =	stream.indirect_vreg.gather [hbm4b:s15+s2], $0x80, v44, vm0, $0xb8;
	[tilespmem:$0x14280] =	vst v63  }
0x653: {  	v51 =	vperm.xlane v24, v11;
	v50 =	vadd.s32 v5, v49;
	s17 =	sld [smem:$0x7AB]  }
0x654: {  	[tilespmem:s16], [sflag:$0xE] =	stream.indirect_vreg.gather [hbm4b:s15+s2], $0x80, v46, vm0, $0xb8;
	[tilespmem:$0x14280] =	vst v63  }
0x655: {  	v53 =	vperm.xlane v24, v12;
	v52 =	vadd.s32 v5, v51;
	s16 =	sld [smem:$0x7AC]  }
0x656: {  	[tilespmem:s17], [sflag:$0xE] =	stream.indirect_vreg.gather [hbm4b:s15+s2], $0x80, v48, vm0, $0xb8;
	[tilespmem:$0x14280] =	vst v63  }
0x657: {  	v55 =	vperm.xlane v24, v13;
	v54 =	vadd.s32 v5, v53;
	s17 =	sld [smem:$0x7AD]  }
0x658: {  	[tilespmem:s16], [sflag:$0xE] =	stream.indirect_vreg.gather [hbm4b:s15+s2], $0x80, v50, vm0, $0xb8;
	[tilespmem:$0x14280] =	vst v63  }
0x659: {  	v57 =	vperm.xlane v24, v14;
	v56 =	vadd.s32 v5, v55;
	s16 =	sld [smem:$0x7AE]  }
0x65a: {  	[tilespmem:s17], [sflag:$0xE] =	stream.indirect_vreg.gather [hbm4b:s15+s2], $0x80, v52, vm0, $0xb8;
	[tilespmem:$0x14280] =	vst v63  }
0x65b: {  	v59 =	vperm.xlane v24, v15;
	v58 =	vadd.s32 v5, v57;
	s17 =	sld [smem:$0x7AF]  }
0x65c: {  	[tilespmem:s16], [sflag:$0xE] =	stream.indirect_vreg.gather [hbm4b:s15+s2], $0x80, v54, vm0, $0xb8;
	[tilespmem:$0x14280] =	vst v63  }
0x65d: {  	v61 =	vperm.xlane v24, v16;
	v60 =	vadd.s32 v5, v59;
	s16 =	sld [smem:$0x7B0]  }
0x65e: {  	[tilespmem:s17], [sflag:$0xE] =	stream.indirect_vreg.gather [hbm4b:s15+s2], $0x80, v56, vm0, $0xb8;
	[tilespmem:$0x14280] =	vst v63  }
0x65f: {  	v63 =	vperm.xlane v24, v17;
	v62 =	vadd.s32 v5, v61;
	s17 =	sld [smem:$0x7B1]  }
0x660: {  	[tilespmem:s16], [sflag:$0xE] =	stream.indirect_vreg.gather [hbm4b:s15+s2], $0x80, v58, vm0, $0xb8;
	[tilespmem:$0x14280] =	vst v63  }
0x661: {  	v24 =	vperm.xlane v24, v18;
	v32 =	vadd.s32 v5, v63;
	s16 =	sld [smem:$0x7B2]  }
0x662: {  	[tilespmem:s17], [sflag:$0xE] =	stream.indirect_vreg.gather [hbm4b:s15+s2], $0x80, v60, vm0, $0xb8;
	[tilespmem:$0x14280] =	vst v63  }
0x663: {  	v24 =	vadd.s32 v5, v24;
	s17 =	sld [smem:$0x7B3]  }
0x664: {  	[tilespmem:s16], [sflag:$0xE] =	stream.indirect_vreg.gather [hbm4b:s15+s2], $0x80, v62, vm0, $0xb8;
	[tilespmem:$0x14280] =	vst v63  }
0x665: {  	s16 =	sld [smem:$0x7B4]  }
0x666: {  	[tilespmem:s17], [sflag:$0xE] =	stream.indirect_vreg.gather [hbm4b:s15+s2], $0x80, v32, vm0, $0xb8;
	[tilespmem:$0x14280] =	vst v63  }
0x667: {  	_ = 	snop  }
0x668: {  	[tilespmem:s16], [sflag:$0xE] =	stream.indirect_vreg.gather [hbm4b:s15+s2], $0x80, v24, vm0, $0xb8;
	[tilespmem:$0x14280] =	vst v63  }
0x669: {  	v24 =	vld [tilespmem:$0x210];
	_ =	sdelay $0x4  }
0x66a: {  	v33 =	vshrl.u32 v24, $0x3  }
0x66b: {  	v25 =	vmul.u32 $0xF428, v33  }
0x66c: {  	v24 =	vand.u32 $0x7, v24  }
0x66d: {  	v24 =	vor.u32 v24, v25  }
0x66e: {  	v25 =	vperm.xlane v24, v4;
	_ =	sdelay $0x1  }
0x66f: {  	v34 =	vperm.xlane v24, v6;
	v25 =	vadd.s32 v5, v25;
	_ =	sdelay $0x1  }
0x670: {  	s16 =	sld [smem:$0x7B5];
	v35 =	vperm.xlane v24, v7;
	v26 =	vadd.s32 v5, v34;
	_ =	sdelay $0x1  }
0x671: {  	s17 =	sld [smem:$0x7B6];
	v36 =	vperm.xlane v24, v2;
	v27 =	vadd.s32 v5, v35  }
0x672: {  	[tilespmem:s16], [sflag:$0xE] =	stream.indirect_vreg.gather [hbm4b:s15+s2], $0x80, v25, vm0, $0xb8;
	[tilespmem:$0x14280] =	vst v63  }
0x673: {  	v38 =	vperm.xlane v24, v8;
	v37 =	vadd.s32 v5, v36;
	s16 =	sld [smem:$0x7B7]  }
0x674: {  	[tilespmem:s17], [sflag:$0xE] =	stream.indirect_vreg.gather [hbm4b:s15+s2], $0x80, v26, vm0, $0xb8;
	[tilespmem:$0x14280] =	vst v63  }
0x675: {  	v40 =	vperm.xlane v24, v9;
	v39 =	vadd.s32 v5, v38;
	s17 =	sld [smem:$0x7B8]  }
0x676: {  	[tilespmem:s16], [sflag:$0xE] =	stream.indirect_vreg.gather [hbm4b:s15+s2], $0x80, v27, vm0, $0xb8;
	[tilespmem:$0x14280] =	vst v63  }
0x677: {  	v42 =	vperm.xlane v24, v10;
	v41 =	vadd.s32 v5, v40;
	s16 =	sld [smem:$0x7B9]  }
0x678: {  	[tilespmem:s17], [sflag:$0xE] =	stream.indirect_vreg.gather [hbm4b:s15+s2], $0x80, v37, vm0, $0xb8;
	[tilespmem:$0x14280] =	vst v63  }
0x679: {  	v44 =	vperm.xlane v24, v3;
	v43 =	vadd.s32 v5, v42;
	s17 =	sld [smem:$0x7BA]  }
0x67a: {  	[tilespmem:s16], [sflag:$0xE] =	stream.indirect_vreg.gather [hbm4b:s15+s2], $0x80, v39, vm0, $0xb8;
	[tilespmem:$0x14280] =	vst v63  }
0x67b: {  	v46 =	vperm.xlane v24, v11;
	v45 =	vadd.s32 v5, v44;
	s16 =	sld [smem:$0x7BB]  }
0x67c: {  	[tilespmem:s17], [sflag:$0xE] =	stream.indirect_vreg.gather [hbm4b:s15+s2], $0x80, v41, vm0, $0xb8;
	[tilespmem:$0x14280] =	vst v63  }
0x67d: {  	v48 =	vperm.xlane v24, v12;
	v47 =	vadd.s32 v5, v46;
	s17 =	sld [smem:$0x7BC]  }
0x67e: {  	[tilespmem:s16], [sflag:$0xE] =	stream.indirect_vreg.gather [hbm4b:s15+s2], $0x80, v43, vm0, $0xb8;
	[tilespmem:$0x14280] =	vst v63  }
0x67f: {  	v50 =	vperm.xlane v24, v13;
	v49 =	vadd.s32 v5, v48;
	s16 =	sld [smem:$0x7BE]  }
0x680: {  	[tilespmem:s17], [sflag:$0xE] =	stream.indirect_vreg.gather [hbm4b:s15+s2], $0x80, v45, vm0, $0xb8;
	[tilespmem:$0x14280] =	vst v63  }
0x681: {  	v52 =	vperm.xlane v24, v14;
	v51 =	vadd.s32 v5, v50;
	s17 =	sld [smem:$0x7BF]  }
0x682: {  	[tilespmem:s16], [sflag:$0xE] =	stream.indirect_vreg.gather [hbm4b:s15+s2], $0x80, v47, vm0, $0xb8;
	[tilespmem:$0x14280] =	vst v63  }
0x683: {  	v54 =	vperm.xlane v24, v15;
	v53 =	vadd.s32 v5, v52;
	s16 =	sld [smem:$0x7C0]  }
0x684: {  	[tilespmem:s17], [sflag:$0xE] =	stream.indirect_vreg.gather [hbm4b:s15+s2], $0x80, v49, vm0, $0xb8;
	[tilespmem:$0x14280] =	vst v63  }
0x685: {  	v56 =	vperm.xlane v24, v16;
	v55 =	vadd.s32 v5, v54;
	s17 =	sld [smem:$0x7C1]  }
0x686: {  	[tilespmem:s16], [sflag:$0xE] =	stream.indirect_vreg.gather [hbm4b:s15+s2], $0x80, v51, vm0, $0xb8;
	[tilespmem:$0x14280] =	vst v63  }
0x687: {  	v58 =	vperm.xlane v24, v17;
	v57 =	vadd.s32 v5, v56;
	s16 =	sld [smem:$0x7C2]  }
0x688: {  	(v2sf) =	vpush v23, $0xE;
	[tilespmem:s17], [sflag:$0xE] =	stream.indirect_vreg.gather [hbm4b:s15+s2], $0x80, v53, vm0, $0xb8;
	[tilespmem:$0x14280] =	vst v63  }
0x689: {  	v24 =	vperm.xlane v24, v18;
	v59 =	vadd.s32 v5, v58;
	s17 =	sld [smem:$0x7C3]  }
0x68a: {  	[tilespmem:s16], [sflag:$0xE] =	stream.indirect_vreg.gather [hbm4b:s15+s2], $0x80, v55, vm0, $0xb8;
	[tilespmem:$0x14280] =	vst v63  }
0x68b: {  	v24 =	vadd.s32 v5, v24;
	s16 =	sld [smem:$0x7C4]  }
0x68c: {  	[tilespmem:s17], [sflag:$0xE] =	stream.indirect_vreg.gather [hbm4b:s15+s2], $0x80, v57, vm0, $0xb8;
	[tilespmem:$0x14280] =	vst v63  }
0x68d: {  	s17 =	sld [smem:$0x7C5]  }
0x68e: {  	[tilespmem:s16], [sflag:$0xE] =	stream.indirect_vreg.gather [hbm4b:s15+s2], $0x80, v59, vm0, $0xb8;
	[tilespmem:$0x14280] =	vst v63  }
0x68f: {  	_ = 	snop  }
0x690: {  	[tilespmem:s17], [sflag:$0xE] =	stream.indirect_vreg.gather [hbm4b:s15+s2], $0x80, v24, vm0, $0xb8;
	[tilespmem:$0x14280] =	vst v63  }
0x691: {  	v24 =	vld [tilespmem:$0x200];
	_ =	sdelay $0x4  }
0x692: {  	v60 =	vshrl.u32 v24, $0x3  }
0x693: {  	s15 =	spop (v2sf);
	v25 =	vmul.u32 $0xF428, v60  }
0x694: {  	s16 =	sand.u32 $0x7F, s15;
	v24 =	vand.u32 $0x7, v24  }
0x695: {  	s17 =	sshra.s32 s15, $0x1F;
	p3 =	slt.s32 s15, $0x1;
	p4 =	sne.s32 s16, $0x0;
	v24 =	vor.u32 v24, v25  }
0x696: {  	s17 =	sshrl.u32 s17, $0x19;
	p0 =	por !p3, !p4;
	v25 =	vperm.xlane v24, v4  }
0x697: {  	s16 =	simm.s32 $0x1;
	s15 =	sadd.s32 s17, s15;
	p0 =	por !p0, !p0  }
0x698: {  	s15 =	sshrl.u32 s15, $0x7;
	s16 =	simm.s32 @!p0 $0x0;
	v61 =	vperm.xlane v24, v6;
	v25 =	vadd.s32 v5, v25  }
0x699: {  	s15 =	ssub.s32 s15, s16  }
0x69a: {  	s15 =	sshll.u32 s15, $0x7;
	v62 =	vperm.xlane v24, v7;
	v26 =	vadd.s32 v5, v61  }
0x69b: {  	s15 =	sand.u32 $0x1FFFFF80, s15  }
0x69c: {  	s16 =	sld [smem:$0x7C6];
	s15 =	sadd.s32 s1, s15;
	v63 =	vperm.xlane v24, v2;
	v27 =	vadd.s32 v5, v62  }
0x69d: {  	[tilespmem:s10], [sflag:$0xF] =	stream.indirect_vreg.gather [hbm4b:s15+s2], $0x80, v25, vm0, $0xb8;
	[tilespmem:$0x14280] =	vst v63  }
0x69e: {  	s17 =	sld [smem:$0x7C7];
	v33 =	vperm.xlane v24, v8;
	v32 =	vadd.s32 v5, v63  }
0x69f: {  	[tilespmem:s16], [sflag:$0xF] =	stream.indirect_vreg.gather [hbm4b:s15+s2], $0x80, v26, vm0, $0xb8;
	[tilespmem:$0x14280] =	vst v63  }
0x6a0: {  	v35 =	vperm.xlane v24, v9;
	v34 =	vadd.s32 v5, v33;
	s16 =	sld [smem:$0x7C8]  }
0x6a1: {  	[tilespmem:s17], [sflag:$0xF] =	stream.indirect_vreg.gather [hbm4b:s15+s2], $0x80, v27, vm0, $0xb8;
	[tilespmem:$0x14280] =	vst v63  }
0x6a2: {  	v37 =	vperm.xlane v24, v10;
	v36 =	vadd.s32 v5, v35;
	s17 =	sld [smem:$0x7C9]  }
0x6a3: {  	[tilespmem:s16], [sflag:$0xF] =	stream.indirect_vreg.gather [hbm4b:s15+s2], $0x80, v32, vm0, $0xb8;
	[tilespmem:$0x14280] =	vst v63  }
0x6a4: {  	v39 =	vperm.xlane v24, v3;
	v38 =	vadd.s32 v5, v37;
	s16 =	sld [smem:$0x7CA]  }
0x6a5: {  	[tilespmem:s17], [sflag:$0xF] =	stream.indirect_vreg.gather [hbm4b:s15+s2], $0x80, v34, vm0, $0xb8;
	[tilespmem:$0x14280] =	vst v63  }
0x6a6: {  	v41 =	vperm.xlane v24, v11;
	v40 =	vadd.s32 v5, v39;
	s17 =	sld [smem:$0x7CB]  }
0x6a7: {  	[tilespmem:s16], [sflag:$0xF] =	stream.indirect_vreg.gather [hbm4b:s15+s2], $0x80, v36, vm0, $0xb8;
	[tilespmem:$0x14280] =	vst v63  }
0x6a8: {  	v43 =	vperm.xlane v24, v12;
	v42 =	vadd.s32 v5, v41;
	s16 =	sld [smem:$0x7CC]  }
0x6a9: {  	[tilespmem:s17], [sflag:$0xF] =	stream.indirect_vreg.gather [hbm4b:s15+s2], $0x80, v38, vm0, $0xb8;
	[tilespmem:$0x14280] =	vst v63  }
0x6aa: {  	v45 =	vperm.xlane v24, v13;
	v44 =	vadd.s32 v5, v43;
	s17 =	sld [smem:$0x7CD]  }
0x6ab: {  	[tilespmem:s16], [sflag:$0xF] =	stream.indirect_vreg.gather [hbm4b:s15+s2], $0x80, v40, vm0, $0xb8;
	[tilespmem:$0x14280] =	vst v63  }
0x6ac: {  	v47 =	vperm.xlane v24, v14;
	v46 =	vadd.s32 v5, v45;
	s16 =	sld [smem:$0x7CE]  }
0x6ad: {  	[tilespmem:s17], [sflag:$0xF] =	stream.indirect_vreg.gather [hbm4b:s15+s2], $0x80, v42, vm0, $0xb8;
	[tilespmem:$0x14280] =	vst v63  }
0x6ae: {  	v49 =	vperm.xlane v24, v15;
	v48 =	vadd.s32 v5, v47;
	s17 =	sld [smem:$0x7CF]  }
0x6af: {  	[tilespmem:s16], [sflag:$0xF] =	stream.indirect_vreg.gather [hbm4b:s15+s2], $0x80, v44, vm0, $0xb8;
	[tilespmem:$0x14280] =	vst v63  }
0x6b0: {  	v51 =	vperm.xlane v24, v16;
	v50 =	vadd.s32 v5, v49;
	s16 =	sld [smem:$0x7D0]  }
0x6b1: {  	[tilespmem:s17], [sflag:$0xF] =	stream.indirect_vreg.gather [hbm4b:s15+s2], $0x80, v46, vm0, $0xb8;
	[tilespmem:$0x14280] =	vst v63  }
0x6b2: {  	v53 =	vperm.xlane v24, v17;
	v52 =	vadd.s32 v5, v51;
	s17 =	sld [smem:$0x7D1]  }
0x6b3: {  	[tilespmem:s16], [sflag:$0xF] =	stream.indirect_vreg.gather [hbm4b:s15+s2], $0x80, v48, vm0, $0xb8;
	[tilespmem:$0x14280] =	vst v63  }
0x6b4: {  	v24 =	vperm.xlane v24, v18;
	v54 =	vadd.s32 v5, v53;
	s16 =	sld [smem:$0x7D2]  }
0x6b5: {  	[tilespmem:s17], [sflag:$0xF] =	stream.indirect_vreg.gather [hbm4b:s15+s2], $0x80, v50, vm0, $0xb8;
	[tilespmem:$0x14280] =	vst v63  }
0x6b6: {  	v24 =	vadd.s32 v5, v24;
	s17 =	sld [smem:$0x7D3]  }
0x6b7: {  	[tilespmem:s16], [sflag:$0xF] =	stream.indirect_vreg.gather [hbm4b:s15+s2], $0x80, v52, vm0, $0xb8;
	[tilespmem:$0x14280] =	vst v63  }
0x6b8: {  	s16 =	sld [smem:$0x7D4]  }
0x6b9: {  	[tilespmem:s17], [sflag:$0xF] =	stream.indirect_vreg.gather [hbm4b:s15+s2], $0x80, v54, vm0, $0xb8;
	[tilespmem:$0x14280] =	vst v63  }
0x6ba: {  	_ = 	snop  }
0x6bb: {  	[tilespmem:s16], [sflag:$0xF] =	stream.indirect_vreg.gather [hbm4b:s15+s2], $0x80, v24, vm0, $0xb8;
	[tilespmem:$0x14280] =	vst v63  }
0x6bc: {  	v24 =	vld [tilespmem:$0x210];
	_ =	sdelay $0x4  }
0x6bd: {  	v55 =	vshrl.u32 v24, $0x3  }
0x6be: {  	v25 =	vmul.u32 $0xF428, v55  }
0x6bf: {  	v24 =	vand.u32 $0x7, v24  }
0x6c0: {  	v24 =	vor.u32 v24, v25  }
0x6c1: {  	v25 =	vperm.xlane v24, v4;
	_ =	sdelay $0x1  }
0x6c2: {  	v56 =	vperm.xlane v24, v6;
	v25 =	vadd.s32 v5, v25;
	_ =	sdelay $0x1  }
0x6c3: {  	s16 =	sld [smem:$0x7D5];
	v57 =	vperm.xlane v24, v7;
	v26 =	vadd.s32 v5, v56;
	_ =	sdelay $0x1  }
0x6c4: {  	s17 =	sld [smem:$0x7D6];
	v58 =	vperm.xlane v24, v2;
	v27 =	vadd.s32 v5, v57  }
0x6c5: {  	[tilespmem:s16], [sflag:$0xF] =	stream.indirect_vreg.gather [hbm4b:s15+s2], $0x80, v25, vm0, $0xb8;
	[tilespmem:$0x14280] =	vst v63  }
0x6c6: {  	v60 =	vperm.xlane v24, v8;
	v59 =	vadd.s32 v5, v58;
	s16 =	sld [smem:$0x7D7]  }
0x6c7: {  	[tilespmem:s17], [sflag:$0xF] =	stream.indirect_vreg.gather [hbm4b:s15+s2], $0x80, v26, vm0, $0xb8;
	[tilespmem:$0x14280] =	vst v63  }
0x6c8: {  	v62 =	vperm.xlane v24, v9;
	v61 =	vadd.s32 v5, v60;
	s17 =	sld [smem:$0x7D8]  }
0x6c9: {  	[tilespmem:s16], [sflag:$0xF] =	stream.indirect_vreg.gather [hbm4b:s15+s2], $0x80, v27, vm0, $0xb8;
	[tilespmem:$0x14280] =	vst v63  }
0x6ca: {  	v32 =	vperm.xlane v24, v10;
	v63 =	vadd.s32 v5, v62;
	s16 =	sld [smem:$0x7D9]  }
0x6cb: {  	[tilespmem:s17], [sflag:$0xF] =	stream.indirect_vreg.gather [hbm4b:s15+s2], $0x80, v59, vm0, $0xb8;
	[tilespmem:$0x14280] =	vst v63  }
0x6cc: {  	v34 =	vperm.xlane v24, v3;
	v33 =	vadd.s32 v5, v32;
	s17 =	sld [smem:$0x7DA]  }
0x6cd: {  	[tilespmem:s16], [sflag:$0xF] =	stream.indirect_vreg.gather [hbm4b:s15+s2], $0x80, v61, vm0, $0xb8;
	[tilespmem:$0x14280] =	vst v63  }
0x6ce: {  	v36 =	vperm.xlane v24, v11;
	v35 =	vadd.s32 v5, v34;
	s16 =	sld [smem:$0x7DB]  }
0x6cf: {  	[tilespmem:s17], [sflag:$0xF] =	stream.indirect_vreg.gather [hbm4b:s15+s2], $0x80, v63, vm0, $0xb8;
	[tilespmem:$0x14280] =	vst v63  }
0x6d0: {  	v38 =	vperm.xlane v24, v12;
	v37 =	vadd.s32 v5, v36;
	s17 =	sld [smem:$0x7DC]  }
0x6d1: {  	[tilespmem:s16], [sflag:$0xF] =	stream.indirect_vreg.gather [hbm4b:s15+s2], $0x80, v33, vm0, $0xb8;
	[tilespmem:$0x14280] =	vst v63  }
0x6d2: {  	v40 =	vperm.xlane v24, v13;
	v39 =	vadd.s32 v5, v38;
	s16 =	sld [smem:$0x7DE]  }
0x6d3: {  	[tilespmem:s17], [sflag:$0xF] =	stream.indirect_vreg.gather [hbm4b:s15+s2], $0x80, v35, vm0, $0xb8;
	[tilespmem:$0x14280] =	vst v63  }
0x6d4: {  	v42 =	vperm.xlane v24, v14;
	v41 =	vadd.s32 v5, v40;
	s17 =	sld [smem:$0x7DF]  }
0x6d5: {  	[tilespmem:s16], [sflag:$0xF] =	stream.indirect_vreg.gather [hbm4b:s15+s2], $0x80, v37, vm0, $0xb8;
	[tilespmem:$0x14280] =	vst v63  }
0x6d6: {  	v44 =	vperm.xlane v24, v15;
	v43 =	vadd.s32 v5, v42;
	s16 =	sld [smem:$0x7E0]  }
0x6d7: {  	[tilespmem:s17], [sflag:$0xF] =	stream.indirect_vreg.gather [hbm4b:s15+s2], $0x80, v39, vm0, $0xb8;
	[tilespmem:$0x14280] =	vst v63  }
0x6d8: {  	v46 =	vperm.xlane v24, v16;
	v45 =	vadd.s32 v5, v44;
	s17 =	sld [smem:$0x7E1]  }
0x6d9: {  	[tilespmem:s16], [sflag:$0xF] =	stream.indirect_vreg.gather [hbm4b:s15+s2], $0x80, v41, vm0, $0xb8;
	[tilespmem:$0x14280] =	vst v63  }
0x6da: {  	v48 =	vperm.xlane v24, v17;
	v47 =	vadd.s32 v5, v46;
	s16 =	sld [smem:$0x7E2]  }
0x6db: {  	(v2sf) =	vpush v23, $0xF;
	[tilespmem:s17], [sflag:$0xF] =	stream.indirect_vreg.gather [hbm4b:s15+s2], $0x80, v43, vm0, $0xb8;
	[tilespmem:$0x14280] =	vst v63  }
0x6dc: {  	v24 =	vperm.xlane v24, v18;
	v49 =	vadd.s32 v5, v48;
	s17 =	sld [smem:$0x7E3]  }
0x6dd: {  	[tilespmem:s16], [sflag:$0xF] =	stream.indirect_vreg.gather [hbm4b:s15+s2], $0x80, v45, vm0, $0xb8;
	[tilespmem:$0x14280] =	vst v63  }
0x6de: {  	v24 =	vadd.s32 v5, v24;
	s16 =	sld [smem:$0x7E4]  }
0x6df: {  	[tilespmem:s17], [sflag:$0xF] =	stream.indirect_vreg.gather [hbm4b:s15+s2], $0x80, v47, vm0, $0xb8;
	[tilespmem:$0x14280] =	vst v63  }
0x6e0: {  	s17 =	sld [smem:$0x7E5]  }
0x6e1: {  	[tilespmem:s16], [sflag:$0xF] =	stream.indirect_vreg.gather [hbm4b:s15+s2], $0x80, v49, vm0, $0xb8;
	[tilespmem:$0x14280] =	vst v63  }
0x6e2: {  	_ = 	snop  }
0x6e3: {  	[tilespmem:s17], [sflag:$0xF] =	stream.indirect_vreg.gather [hbm4b:s15+s2], $0x80, v24, vm0, $0xb8;
	[tilespmem:$0x14280] =	vst v63  }
0x6e4: {  	v24 =	vld [tilespmem:$0x200];
	_ =	sdelay $0x4  }
0x6e5: {  	v50 =	vshrl.u32 v24, $0x3  }
0x6e6: {  	s15 =	spop (v2sf);
	v25 =	vmul.u32 $0xF428, v50  }
0x6e7: {  	s16 =	sand.u32 $0x7F, s15;
	v24 =	vand.u32 $0x7, v24  }
0x6e8: {  	s17 =	sshra.s32 s15, $0x1F;
	p5 =	slt.s32 s15, $0x1;
	p6 =	sne.s32 s16, $0x0;
	v24 =	vor.u32 v24, v25  }
0x6e9: {  	s17 =	sshrl.u32 s17, $0x19;
	p0 =	por !p5, !p6;
	v25 =	vperm.xlane v24, v4  }
0x6ea: {  	s16 =	simm.s32 $0x1;
	s15 =	sadd.s32 s17, s15;
	p0 =	por !p0, !p0  }
0x6eb: {  	s15 =	sshrl.u32 s15, $0x7;
	s16 =	simm.s32 @!p0 $0x0;
	v51 =	vperm.xlane v24, v6;
	v25 =	vadd.s32 v5, v25  }
0x6ec: {  	s15 =	ssub.s32 s15, s16  }
0x6ed: {  	s15 =	sshll.u32 s15, $0x7;
	v52 =	vperm.xlane v24, v7;
	v26 =	vadd.s32 v5, v51  }
0x6ee: {  	s15 =	sand.u32 $0x1FFFFF80, s15  }
0x6ef: {  	s16 =	sld [smem:$0x7E6];
	s15 =	sadd.s32 s1, s15;
	v53 =	vperm.xlane v24, v2;
	v27 =	vadd.s32 v5, v52  }
0x6f0: {  	[tilespmem:s11], [sflag:$0x10] =	stream.indirect_vreg.gather [hbm4b:s15+s2], $0x80, v25, vm0, $0xb8;
	[tilespmem:$0x14280] =	vst v63  }
0x6f1: {  	s17 =	sld [smem:$0x7E7];
	v55 =	vperm.xlane v24, v8;
	v54 =	vadd.s32 v5, v53  }
0x6f2: {  	[tilespmem:s16], [sflag:$0x10] =	stream.indirect_vreg.gather [hbm4b:s15+s2], $0x80, v26, vm0, $0xb8;
	[tilespmem:$0x14280] =	vst v63  }
0x6f3: {  	v57 =	vperm.xlane v24, v9;
	v56 =	vadd.s32 v5, v55;
	s16 =	sld [smem:$0x7E8]  }
0x6f4: {  	[tilespmem:s17], [sflag:$0x10] =	stream.indirect_vreg.gather [hbm4b:s15+s2], $0x80, v27, vm0, $0xb8;
	[tilespmem:$0x14280] =	vst v63  }
0x6f5: {  	v59 =	vperm.xlane v24, v10;
	v58 =	vadd.s32 v5, v57;
	s17 =	sld [smem:$0x7E9]  }
0x6f6: {  	[tilespmem:s16], [sflag:$0x10] =	stream.indirect_vreg.gather [hbm4b:s15+s2], $0x80, v54, vm0, $0xb8;
	[tilespmem:$0x14280] =	vst v63  }
0x6f7: {  	v61 =	vperm.xlane v24, v3;
	v60 =	vadd.s32 v5, v59;
	s16 =	sld [smem:$0x7EA]  }
0x6f8: {  	[tilespmem:s17], [sflag:$0x10] =	stream.indirect_vreg.gather [hbm4b:s15+s2], $0x80, v56, vm0, $0xb8;
	[tilespmem:$0x14280] =	vst v63  }
0x6f9: {  	v63 =	vperm.xlane v24, v11;
	v62 =	vadd.s32 v5, v61;
	s17 =	sld [smem:$0x7EB]  }
0x6fa: {  	[tilespmem:s16], [sflag:$0x10] =	stream.indirect_vreg.gather [hbm4b:s15+s2], $0x80, v58, vm0, $0xb8;
	[tilespmem:$0x14280] =	vst v63  }
0x6fb: {  	v33 =	vperm.xlane v24, v12;
	v32 =	vadd.s32 v5, v63;
	s16 =	sld [smem:$0x7ED]  }
0x6fc: {  	[tilespmem:s17], [sflag:$0x10] =	stream.indirect_vreg.gather [hbm4b:s15+s2], $0x80, v60, vm0, $0xb8;
	[tilespmem:$0x14280] =	vst v63  }
0x6fd: {  	v35 =	vperm.xlane v24, v13;
	v34 =	vadd.s32 v5, v33;
	s17 =	sld [smem:$0x7EF]  }
0x6fe: {  	[tilespmem:s16], [sflag:$0x10] =	stream.indirect_vreg.gather [hbm4b:s15+s2], $0x80, v62, vm0, $0xb8;
	[tilespmem:$0x14280] =	vst v63  }
0x6ff: {  	v37 =	vperm.xlane v24, v14;
	v36 =	vadd.s32 v5, v35;
	s16 =	sld [smem:$0x7F3]  }
0x700: {  	[tilespmem:s17], [sflag:$0x10] =	stream.indirect_vreg.gather [hbm4b:s15+s2], $0x80, v32, vm0, $0xb8;
	[tilespmem:$0x14280] =	vst v63  }
0x701: {  	v39 =	vperm.xlane v24, v15;
	v38 =	vadd.s32 v5, v37;
	s17 =	sld [smem:$0x7F4]  }
0x702: {  	[tilespmem:s16], [sflag:$0x10] =	stream.indirect_vreg.gather [hbm4b:s15+s2], $0x80, v34, vm0, $0xb8;
	[tilespmem:$0x14280] =	vst v63  }
0x703: {  	v41 =	vperm.xlane v24, v16;
	v40 =	vadd.s32 v5, v39;
	s16 =	sld [smem:$0x7F5]  }
0x704: {  	[tilespmem:s17], [sflag:$0x10] =	stream.indirect_vreg.gather [hbm4b:s15+s2], $0x80, v36, vm0, $0xb8;
	[tilespmem:$0x14280] =	vst v63  }
0x705: {  	v43 =	vperm.xlane v24, v17;
	v42 =	vadd.s32 v5, v41;
	s17 =	sld [smem:$0x713]  }
0x706: {  	[tilespmem:s16], [sflag:$0x10] =	stream.indirect_vreg.gather [hbm4b:s15+s2], $0x80, v38, vm0, $0xb8;
	[tilespmem:$0x14280] =	vst v63  }
0x707: {  	v24 =	vperm.xlane v24, v18;
	v44 =	vadd.s32 v5, v43;
	s16 =	sld [smem:$0x720]  }
0x708: {  	[tilespmem:s17], [sflag:$0x10] =	stream.indirect_vreg.gather [hbm4b:s15+s2], $0x80, v40, vm0, $0xb8;
	[tilespmem:$0x14280] =	vst v63  }
0x709: {  	v24 =	vadd.s32 v5, v24;
	s17 =	sld [smem:$0x7F9]  }
0x70a: {  	[tilespmem:s16], [sflag:$0x10] =	stream.indirect_vreg.gather [hbm4b:s15+s2], $0x80, v42, vm0, $0xb8;
	[tilespmem:$0x14280] =	vst v63  }
0x70b: {  	s16 =	sld [smem:$0x7F8]  }
0x70c: {  	[tilespmem:s17], [sflag:$0x10] =	stream.indirect_vreg.gather [hbm4b:s15+s2], $0x80, v44, vm0, $0xb8;
	[tilespmem:$0x14280] =	vst v63  }
0x70d: {  	_ = 	snop  }
0x70e: {  	[tilespmem:s16], [sflag:$0x10] =	stream.indirect_vreg.gather [hbm4b:s15+s2], $0x80, v24, vm0, $0xb8;
	[tilespmem:$0x14280] =	vst v63  }
0x70f: {  	v24 =	vld [tilespmem:$0x210];
	_ =	sdelay $0x4  }
0x710: {  	v45 =	vshrl.u32 v24, $0x3  }
0x711: {  	v25 =	vmul.u32 $0xF428, v45  }
0x712: {  	v24 =	vand.u32 $0x7, v24  }
0x713: {  	v24 =	vor.u32 v24, v25  }
0x714: {  	v25 =	vperm.xlane v24, v4;
	_ =	sdelay $0x1  }
0x715: {  	v46 =	vperm.xlane v24, v6;
	v25 =	vadd.s32 v5, v25;
	_ =	sdelay $0x1  }
0x716: {  	s16 =	sld [smem:$0x7F7];
	v47 =	vperm.xlane v24, v7;
	v26 =	vadd.s32 v5, v46;
	_ =	sdelay $0x1  }
0x717: {  	s17 =	sld [smem:$0x7F6];
	v48 =	vperm.xlane v24, v2;
	v27 =	vadd.s32 v5, v47  }
0x718: {  	[tilespmem:s16], [sflag:$0x10] =	stream.indirect_vreg.gather [hbm4b:s15+s2], $0x80, v25, vm0, $0xb8;
	[tilespmem:$0x14280] =	vst v63  }
0x719: {  	v50 =	vperm.xlane v24, v8;
	v49 =	vadd.s32 v5, v48;
	s16 =	sld [smem:$0x7F2]  }
0x71a: {  	[tilespmem:s17], [sflag:$0x10] =	stream.indirect_vreg.gather [hbm4b:s15+s2], $0x80, v26, vm0, $0xb8;
	[tilespmem:$0x14280] =	vst v63  }
0x71b: {  	v52 =	vperm.xlane v24, v9;
	v51 =	vadd.s32 v5, v50;
	s17 =	sld [smem:$0x7F1]  }
0x71c: {  	[tilespmem:s16], [sflag:$0x10] =	stream.indirect_vreg.gather [hbm4b:s15+s2], $0x80, v27, vm0, $0xb8;
	[tilespmem:$0x14280] =	vst v63  }
0x71d: {  	v54 =	vperm.xlane v24, v10;
	v53 =	vadd.s32 v5, v52;
	s16 =	sld [smem:$0x7DD]  }
0x71e: {  	[tilespmem:s17], [sflag:$0x10] =	stream.indirect_vreg.gather [hbm4b:s15+s2], $0x80, v49, vm0, $0xb8;
	[tilespmem:$0x14280] =	vst v63  }
0x71f: {  	v56 =	vperm.xlane v24, v3;
	v55 =	vadd.s32 v5, v54;
	s17 =	sld [smem:$0x7BD]  }
0x720: {  	[tilespmem:s16], [sflag:$0x10] =	stream.indirect_vreg.gather [hbm4b:s15+s2], $0x80, v51, vm0, $0xb8;
	[tilespmem:$0x14280] =	vst v63  }
0x721: {  	v58 =	vperm.xlane v24, v11;
	v57 =	vadd.s32 v5, v56;
	s16 =	sld [smem:$0x79D]  }
0x722: {  	[tilespmem:s17], [sflag:$0x10] =	stream.indirect_vreg.gather [hbm4b:s15+s2], $0x80, v53, vm0, $0xb8;
	[tilespmem:$0x14280] =	vst v63  }
0x723: {  	v60 =	vperm.xlane v24, v12;
	v59 =	vadd.s32 v5, v58;
	s17 =	sld [smem:$0x77D]  }
0x724: {  	[tilespmem:s16], [sflag:$0x10] =	stream.indirect_vreg.gather [hbm4b:s15+s2], $0x80, v55, vm0, $0xb8;
	[tilespmem:$0x14280] =	vst v63  }
0x725: {  	v62 =	vperm.xlane v24, v13;
	v61 =	vadd.s32 v5, v60;
	s16 =	sld [smem:$0x75D]  }
0x726: {  	[tilespmem:s17], [sflag:$0x10] =	stream.indirect_vreg.gather [hbm4b:s15+s2], $0x80, v57, vm0, $0xb8;
	[tilespmem:$0x14280] =	vst v63  }
0x727: {  	v32 =	vperm.xlane v24, v14;
	v63 =	vadd.s32 v5, v62;
	s17 =	sld [smem:$0x73D]  }
0x728: {  	[tilespmem:s16], [sflag:$0x10] =	stream.indirect_vreg.gather [hbm4b:s15+s2], $0x80, v59, vm0, $0xb8;
	[tilespmem:$0x14280] =	vst v63  }
0x729: {  	v34 =	vperm.xlane v24, v15;
	v33 =	vadd.s32 v5, v32;
	s16 =	sld [smem:$0x714]  }
0x72a: {  	[tilespmem:s17], [sflag:$0x10] =	stream.indirect_vreg.gather [hbm4b:s15+s2], $0x80, v61, vm0, $0xb8;
	[tilespmem:$0x14280] =	vst v63  }
0x72b: {  	v36 =	vperm.xlane v24, v16;
	v35 =	vadd.s32 v5, v34;
	s17 =	sld [smem:$0x7FA]  }
0x72c: {  	[tilespmem:s16], [sflag:$0x10] =	stream.indirect_vreg.gather [hbm4b:s15+s2], $0x80, v63, vm0, $0xb8;
	[tilespmem:$0x14280] =	vst v63  }
0x72d: {  	v38 =	vperm.xlane v24, v17;
	v37 =	vadd.s32 v5, v36;
	s16 =	sld [smem:$0x7FB]  }
0x72e: {  	[tilespmem:s17], [sflag:$0x10] =	stream.indirect_vreg.gather [hbm4b:s15+s2], $0x80, v33, vm0, $0xb8;
	[tilespmem:$0x14280] =	vst v63  }
0x72f: {  	v24 =	vperm.xlane v24, v18;
	v39 =	vadd.s32 v5, v38;
	s17 =	sld [smem:$0x7FC]  }
0x730: {  	[tilespmem:s16], [sflag:$0x10] =	stream.indirect_vreg.gather [hbm4b:s15+s2], $0x80, v35, vm0, $0xb8;
	[tilespmem:$0x14280] =	vst v63  }
0x731: {  	v24 =	vadd.s32 v5, v24;
	s16 =	sld [smem:$0x7FD]  }
0x732: {  	v23 =	vand.u32 $0x7F, v23;
	[tilespmem:s17], [sflag:$0x10] =	stream.indirect_vreg.gather [hbm4b:s15+s2], $0x80, v37, vm0, $0xb8;
	[tilespmem:$0x14280] =	vst v63  }
0x733: {  	v40 =	vbroadcast v23, $0x0;
	s17 =	sld [smem:$0x70B]  }
0x734: {  	[tilespmem:s16], [sflag:$0x10] =	stream.indirect_vreg.gather [hbm4b:s15+s2], $0x80, v39, vm0, $0xb8;
	[tilespmem:$0x14280] =	vst v63  }
0x735: {  	v41 =	vor.u32 v19, v40;
	s16 =	sadd.s32 $0xFFFFFFF1, s14  }
0x736: {  	v42 =	vmov s16;
	[tilespmem:s17], [sflag:$0x10] =	stream.indirect_vreg.gather [hbm4b:s15+s2], $0x80, v24, vm0, $0xb8;
	[tilespmem:$0x14280] =	vst v63  }
0x737: {  	v43 =	vshll.u32 v42, $0x3;
	_ =	swait.ge [sflag:s28], $0x1000  }
0x738: {  	v24 =	vand.u32 $0x70, v42;
	v27 =	vand.u32 $0xC00, v43;
	[sflag:s28] =	ssyncset.done $0x0  }
0x739: {  	v24 =	vor.u32 v24, v27;
	[sflag:s28] =	ssyncadd.s32 $0xFFFFF000  }
0x73a: {  	v27 =	vor.u32 v20, v24;
	v26 =	vld.idx.msk [tilespmem:v41+s30+$0x0], $0xffff  }
0x73b: {  	v25 =	vor.u32 v21, v40;
	_ =	sdelay $0x3  }
0x73c: {  	[tilespmem:v27+s4+$0x0] =	vst.idx.msk $0xffff, v26  }
0x73d: {  	v24 =	vor.u32 v22, v24;
	v25 =	vld.idx.msk [tilespmem:v25+s30+$0x0], $0xffff;
	_ =	sdelay $0x1  }
0x73e: {  	v44 =	vbroadcast v23, $0x1;
	_ =	sdelay $0x1  }
0x73f: {  	v45 =	vor.u32 v19, v44;
	s15 =	sadd.s32 $0xFFFFFFF2, s14  }
0x740: {  	v46 =	vmov s15;
	[tilespmem:v24+s4+$0x0] =	vst.idx.msk $0xffff, v25  }
0x741: {  	v47 =	vshll.u32 v46, $0x3;
	_ =	swait.ge [sflag:s31], $0x1000  }
0x742: {  	v24 =	vand.u32 $0x71, v46;
	v25 =	vand.u32 $0xC00, v47;
	[sflag:s31] =	ssyncset.done $0x0  }
0x743: {  	s16 =	simm.s32 $0x1280;
	v24 =	vor.u32 v24, v25;
	[sflag:s31] =	ssyncadd.s32 $0xFFFFF000  }
0x744: {  	v49 =	vor.u32 v20, v24;
	v48 =	vld.idx.msk [tilespmem:v45+s16+$0x0], $0xffff  }
0x745: {  	v26 =	vor.u32 v21, v44;
	_ =	sdelay $0x3  }
0x746: {  	[tilespmem:v49+s4+$0x0] =	vst.idx.msk $0xffff, v48  }
0x747: {  	v24 =	vor.u32 v22, v24;
	v25 =	vld.idx.msk [tilespmem:v26+s16+$0x0], $0xffff;
	_ =	sdelay $0x1  }
0x748: {  	v50 =	vbroadcast v23, $0x2;
	_ =	sdelay $0x1  }
0x749: {  	v51 =	vor.u32 v19, v50;
	s15 =	sadd.s32 $0xFFFFFFF3, s14  }
0x74a: {  	v52 =	vmov s15;
	[tilespmem:v24+s4+$0x0] =	vst.idx.msk $0xffff, v25  }
0x74b: {  	v53 =	vshll.u32 v52, $0x3;
	_ =	swait.ge [sflag:s29], $0x1000  }
0x74c: {  	v24 =	vand.u32 $0x72, v52;
	v25 =	vand.u32 $0xC00, v53;
	[sflag:s29] =	ssyncset.done $0x0  }
0x74d: {  	v24 =	vor.u32 v24, v25;
	[sflag:s29] =	ssyncadd.s32 $0xFFFFF000  }
0x74e: {  	v55 =	vor.u32 v20, v24;
	v54 =	vld.idx.msk [tilespmem:v51+s18+$0x0], $0xffff  }
0x74f: {  	v26 =	vor.u32 v21, v50;
	_ =	sdelay $0x3  }
0x750: {  	[tilespmem:v55+s4+$0x0] =	vst.idx.msk $0xffff, v54  }
0x751: {  	v24 =	vor.u32 v22, v24;
	v25 =	vld.idx.msk [tilespmem:v26+s18+$0x0], $0xffff;
	_ =	sdelay $0x1  }
0x752: {  	v56 =	vbroadcast v23, $0x3;
	_ =	sdelay $0x1  }
0x753: {  	v57 =	vor.u32 v19, v56;
	s18 =	sadd.s32 $0xFFFFFFF4, s14  }
0x754: {  	v58 =	vmov s18;
	[tilespmem:v24+s4+$0x0] =	vst.idx.msk $0xffff, v25  }
0x755: {  	v59 =	vshll.u32 v58, $0x3;
	_ =	swait.ge [sflag:s26], $0x1000  }
0x756: {  	v24 =	vand.u32 $0x73, v58;
	v25 =	vand.u32 $0xC00, v59;
	[sflag:s26] =	ssyncset.done $0x0  }
0x757: {  	s16 =	simm.s32 $0x3280;
	v24 =	vor.u32 v24, v25;
	[sflag:s26] =	ssyncadd.s32 $0xFFFFF000  }
0x758: {  	v61 =	vor.u32 v20, v24;
	v60 =	vld.idx.msk [tilespmem:v57+s16+$0x0], $0xffff  }
0x759: {  	v26 =	vor.u32 v21, v56;
	_ =	sdelay $0x3  }
0x75a: {  	[tilespmem:v61+s4+$0x0] =	vst.idx.msk $0xffff, v60  }
0x75b: {  	v24 =	vor.u32 v22, v24;
	v25 =	vld.idx.msk [tilespmem:v26+s16+$0x0], $0xffff;
	_ =	sdelay $0x1  }
0x75c: {  	v62 =	vbroadcast v23, $0x4;
	_ =	sdelay $0x1  }
0x75d: {  	v63 =	vor.u32 v19, v62;
	s18 =	sadd.s32 $0xFFFFFFF5, s14  }
0x75e: {  	v28 =	vmov s18;
	[tilespmem:v24+s4+$0x0] =	vst.idx.msk $0xffff, v25  }
0x75f: {  	v29 =	vshll.u32 v28, $0x3;
	_ =	swait.ge [sflag:s25], $0x1000  }
0x760: {  	v24 =	vand.u32 $0x74, v28;
	v25 =	vand.u32 $0xC00, v29;
	[sflag:s25] =	ssyncset.done $0x0  }
0x761: {  	v24 =	vor.u32 v24, v25;
	[sflag:s25] =	ssyncadd.s32 $0xFFFFF000  }
0x762: {  	v31 =	vor.u32 v20, v24;
	v30 =	vld.idx.msk [tilespmem:v63+s19+$0x0], $0xffff  }
0x763: {  	v26 =	vor.u32 v21, v62;
	_ =	sdelay $0x3  }
0x764: {  	[tilespmem:v31+s4+$0x0] =	vst.idx.msk $0xffff, v30  }
0x765: {  	v24 =	vor.u32 v22, v24;
	v25 =	vld.idx.msk [tilespmem:v26+s19+$0x0], $0xffff;
	_ =	sdelay $0x1  }
0x766: {  	v32 =	vbroadcast v23, $0x5;
	_ =	sdelay $0x1  }
0x767: {  	v33 =	vor.u32 v19, v32;
	s18 =	sadd.s32 $0xFFFFFFF6, s14  }
0x768: {  	s17 =	simm.s32 $0x6;
	v34 =	vmov s18;
	[tilespmem:v24+s4+$0x0] =	vst.idx.msk $0xffff, v25  }
0x769: {  	v35 =	vshll.u32 v34, $0x3;
	_ =	swait.ge [sflag:s17], $0x1000  }
0x76a: {  	v24 =	vand.u32 $0x75, v34;
	v25 =	vand.u32 $0xC00, v35;
	[sflag:s17] =	ssyncset.done $0x0  }
0x76b: {  	s16 =	simm.s32 $0x5280;
	v24 =	vor.u32 v24, v25;
	[sflag:s17] =	ssyncadd.s32 $0xFFFFF000  }
0x76c: {  	v37 =	vor.u32 v20, v24;
	v36 =	vld.idx.msk [tilespmem:v33+s16+$0x0], $0xffff  }
0x76d: {  	v26 =	vor.u32 v21, v32;
	_ =	sdelay $0x3  }
0x76e: {  	[tilespmem:v37+s4+$0x0] =	vst.idx.msk $0xffff, v36  }
0x76f: {  	v24 =	vor.u32 v22, v24;
	v25 =	vld.idx.msk [tilespmem:v26+s16+$0x0], $0xffff;
	_ =	sdelay $0x1  }
0x770: {  	v38 =	vbroadcast v23, $0x6;
	_ =	sdelay $0x1  }
0x771: {  	v39 =	vor.u32 v19, v38;
	s18 =	sadd.s32 $0xFFFFFFF7, s14  }
0x772: {  	v40 =	vmov s18;
	s19 =	simm.s32 $0x7;
	[tilespmem:v24+s4+$0x0] =	vst.idx.msk $0xffff, v25  }
0x773: {  	v41 =	vshll.u32 v40, $0x3;
	_ =	swait.ge [sflag:s19], $0x1000  }
0x774: {  	v24 =	vand.u32 $0x76, v40;
	v25 =	vand.u32 $0xC00, v41;
	[sflag:s19] =	ssyncset.done $0x0  }
0x775: {  	v24 =	vor.u32 v24, v25;
	[sflag:s19] =	ssyncadd.s32 $0xFFFFF000  }
0x776: {  	v43 =	vor.u32 v20, v24;
	v42 =	vld.idx.msk [tilespmem:v39+s20+$0x0], $0xffff  }
0x777: {  	v26 =	vor.u32 v21, v38;
	_ =	sdelay $0x3  }
0x778: {  	[tilespmem:v43+s4+$0x0] =	vst.idx.msk $0xffff, v42  }
0x779: {  	v24 =	vor.u32 v22, v24;
	v25 =	vld.idx.msk [tilespmem:v26+s20+$0x0], $0xffff;
	_ =	sdelay $0x1  }
0x77a: {  	v44 =	vbroadcast v23, $0x7;
	_ =	sdelay $0x1  }
0x77b: {  	v45 =	vor.u32 v19, v44;
	s18 =	sadd.s32 $0xFFFFFFF8, s14  }
0x77c: {  	v46 =	vmov s18;
	s19 =	simm.s32 $0x8;
	[tilespmem:v24+s4+$0x0] =	vst.idx.msk $0xffff, v25  }
0x77d: {  	v47 =	vshll.u32 v46, $0x3;
	_ =	swait.ge [sflag:s19], $0x1000  }
0x77e: {  	v24 =	vand.u32 $0x77, v46;
	v25 =	vand.u32 $0xC00, v47;
	[sflag:s19] =	ssyncset.done $0x0  }
0x77f: {  	s16 =	simm.s32 $0x7280;
	v24 =	vor.u32 v24, v25;
	[sflag:s19] =	ssyncadd.s32 $0xFFFFF000  }
0x780: {  	v49 =	vor.u32 v20, v24;
	v48 =	vld.idx.msk [tilespmem:v45+s16+$0x0], $0xffff  }
0x781: {  	v26 =	vor.u32 v21, v44;
	_ =	sdelay $0x3  }
0x782: {  	[tilespmem:v49+s4+$0x0] =	vst.idx.msk $0xffff, v48  }
0x783: {  	v24 =	vor.u32 v22, v24;
	v25 =	vld.idx.msk [tilespmem:v26+s16+$0x0], $0xffff;
	_ =	sdelay $0x1  }
0x784: {  	v50 =	vbroadcast v23, $0x8;
	_ =	sdelay $0x1  }
0x785: {  	v51 =	vor.u32 v19, v50;
	s20 =	sadd.s32 $0xFFFFFFF9, s14  }
0x786: {  	v52 =	vmov s20;
	s19 =	simm.s32 $0x9;
	[tilespmem:v24+s4+$0x0] =	vst.idx.msk $0xffff, v25  }
0x787: {  	v53 =	vshll.u32 v52, $0x3;
	_ =	swait.ge [sflag:s19], $0x1000  }
0x788: {  	v24 =	vand.u32 $0x78, v52;
	v25 =	vand.u32 $0xC00, v53;
	[sflag:s19] =	ssyncset.done $0x0  }
0x789: {  	v24 =	vor.u32 v24, v25;
	[sflag:s19] =	ssyncadd.s32 $0xFFFFF000  }
0x78a: {  	v55 =	vor.u32 v20, v24;
	v54 =	vld.idx.msk [tilespmem:v51+s24+$0x0], $0xffff  }
0x78b: {  	v26 =	vor.u32 v21, v50;
	_ =	sdelay $0x3  }
0x78c: {  	[tilespmem:v55+s4+$0x0] =	vst.idx.msk $0xffff, v54  }
0x78d: {  	v24 =	vor.u32 v22, v24;
	v25 =	vld.idx.msk [tilespmem:v26+s24+$0x0], $0xffff;
	_ =	sdelay $0x1  }
0x78e: {  	v56 =	vbroadcast v23, $0x9;
	_ =	sdelay $0x1  }
0x78f: {  	s18 =	sadd.s32 $0xFFFFFFFA, s14;
	v57 =	vor.u32 v19, v56  }
0x790: {  	v58 =	vmov s18;
	s17 =	simm.s32 $0xA;
	[tilespmem:v24+s4+$0x0] =	vst.idx.msk $0xffff, v25  }
0x791: {  	v59 =	vshll.u32 v58, $0x3;
	_ =	swait.ge [sflag:s17], $0x1000  }
0x792: {  	v24 =	vand.u32 $0x79, v58;
	v25 =	vand.u32 $0xC00, v59;
	[sflag:s17] =	ssyncset.done $0x0  }
0x793: {  	v24 =	vor.u32 v24, v25;
	[sflag:s17] =	ssyncadd.s32 $0xFFFFF000  }
0x794: {  	v61 =	vor.u32 v20, v24;
	v60 =	vld.idx.msk [tilespmem:v57+s5+$0x0], $0xffff  }
0x795: {  	v26 =	vor.u32 v21, v56;
	_ =	sdelay $0x3  }
0x796: {  	[tilespmem:v61+s4+$0x0] =	vst.idx.msk $0xffff, v60  }
0x797: {  	v24 =	vor.u32 v22, v24;
	v25 =	vld.idx.msk [tilespmem:v26+s5+$0x0], $0xffff;
	_ =	sdelay $0x1  }
0x798: {  	v62 =	vbroadcast v23, $0xA;
	_ =	sdelay $0x1  }
0x799: {  	v63 =	vor.u32 v19, v62;
	s20 =	sadd.s32 $0xFFFFFFFB, s14  }
0x79a: {  	v30 =	vmov s20;
	s19 =	simm.s32 $0xB;
	[tilespmem:v24+s4+$0x0] =	vst.idx.msk $0xffff, v25  }
0x79b: {  	v31 =	vshll.u32 v30, $0x3;
	_ =	swait.ge [sflag:s19], $0x1000  }
0x79c: {  	v24 =	vand.u32 $0x7A, v30;
	v25 =	vand.u32 $0xC00, v31;
	[sflag:s19] =	ssyncset.done $0x0  }
0x79d: {  	v24 =	vor.u32 v24, v25;
	[sflag:s19] =	ssyncadd.s32 $0xFFFFF000  }
0x79e: {  	v33 =	vor.u32 v20, v24;
	v32 =	vld.idx.msk [tilespmem:v63+s6+$0x0], $0xffff  }
0x79f: {  	v26 =	vor.u32 v21, v62;
	_ =	sdelay $0x3  }
0x7a0: {  	[tilespmem:v33+s4+$0x0] =	vst.idx.msk $0xffff, v32  }
0x7a1: {  	v24 =	vor.u32 v22, v24;
	v25 =	vld.idx.msk [tilespmem:v26+s6+$0x0], $0xffff;
	_ =	sdelay $0x1  }
0x7a2: {  	v34 =	vbroadcast v23, $0xB;
	_ =	sdelay $0x1  }
0x7a3: {  	v35 =	vor.u32 v19, v34;
	s17 =	sadd.s32 $0xFFFFFFFC, s14  }
0x7a4: {  	v36 =	vmov s17;
	[tilespmem:v24+s4+$0x0] =	vst.idx.msk $0xffff, v25  }
0x7a5: {  	v37 =	vshll.u32 v36, $0x3;
	_ =	swait.ge [sflag:s22], $0x1000  }
0x7a6: {  	v24 =	vand.u32 $0x7B, v36;
	v25 =	vand.u32 $0xC00, v37;
	[sflag:s22] =	ssyncset.done $0x0  }
0x7a7: {  	v24 =	vor.u32 v24, v25;
	[sflag:s22] =	ssyncadd.s32 $0xFFFFF000  }
0x7a8: {  	v39 =	vor.u32 v20, v24;
	v38 =	vld.idx.msk [tilespmem:v35+s7+$0x0], $0xffff  }
0x7a9: {  	v26 =	vor.u32 v21, v34;
	_ =	sdelay $0x3  }
0x7aa: {  	[tilespmem:v39+s4+$0x0] =	vst.idx.msk $0xffff, v38  }
0x7ab: {  	v24 =	vor.u32 v22, v24;
	v25 =	vld.idx.msk [tilespmem:v26+s7+$0x0], $0xffff;
	_ =	sdelay $0x1  }
0x7ac: {  	v40 =	vbroadcast v23, $0xC;
	_ =	sdelay $0x1  }
0x7ad: {  	s18 =	sadd.s32 $0xFFFFFFFD, s14;
	v41 =	vor.u32 v19, v40  }
0x7ae: {  	v42 =	vmov s18;
	[tilespmem:v24+s4+$0x0] =	vst.idx.msk $0xffff, v25  }
0x7af: {  	v43 =	vshll.u32 v42, $0x3;
	_ =	swait.ge [sflag:s23], $0x1000  }
0x7b0: {  	v24 =	vand.u32 $0x7C, v42;
	v25 =	vand.u32 $0xC00, v43;
	[sflag:s23] =	ssyncset.done $0x0  }
0x7b1: {  	v24 =	vor.u32 v24, v25;
	[sflag:s23] =	ssyncadd.s32 $0xFFFFF000  }
0x7b2: {  	v45 =	vor.u32 v20, v24;
	v44 =	vld.idx.msk [tilespmem:v41+s8+$0x0], $0xffff  }
0x7b3: {  	v26 =	vor.u32 v21, v40;
	_ =	sdelay $0x3  }
0x7b4: {  	[tilespmem:v45+s4+$0x0] =	vst.idx.msk $0xffff, v44  }
0x7b5: {  	v24 =	vor.u32 v22, v24;
	v25 =	vld.idx.msk [tilespmem:v26+s8+$0x0], $0xffff;
	_ =	sdelay $0x1  }
0x7b6: {  	v46 =	vbroadcast v23, $0xD;
	_ =	sdelay $0x1  }
0x7b7: {  	v47 =	vor.u32 v19, v46;
	s19 =	sadd.s32 $0xFFFFFFFE, s14  }
0x7b8: {  	v48 =	vmov s19;
	[tilespmem:v24+s4+$0x0] =	vst.idx.msk $0xffff, v25  }
0x7b9: {  	v49 =	vshll.u32 v48, $0x3;
	_ =	swait.ge [sflag:s0], $0x1000  }
0x7ba: {  	v24 =	vand.u32 $0x7D, v48;
	v25 =	vand.u32 $0xC00, v49;
	[sflag:s0] =	ssyncset.done $0x0  }
0x7bb: {  	v24 =	vor.u32 v24, v25;
	[sflag:s0] =	ssyncadd.s32 $0xFFFFF000  }
0x7bc: {  	v51 =	vor.u32 v20, v24;
	v50 =	vld.idx.msk [tilespmem:v47+s9+$0x0], $0xffff  }
0x7bd: {  	v26 =	vor.u32 v21, v46;
	_ =	sdelay $0x3  }
0x7be: {  	[tilespmem:v51+s4+$0x0] =	vst.idx.msk $0xffff, v50  }
0x7bf: {  	v24 =	vor.u32 v22, v24;
	v25 =	vld.idx.msk [tilespmem:v26+s9+$0x0], $0xffff;
	_ =	sdelay $0x1  }
0x7c0: {  	v52 =	vbroadcast v23, $0xE;
	_ =	sdelay $0x1  }
0x7c1: {  	s20 =	sadd.s32 $0xFFFFFFFF, s14;
	v53 =	vor.u32 v19, v52  }
0x7c2: {  	v54 =	vmov s20;
	[tilespmem:v24+s4+$0x0] =	vst.idx.msk $0xffff, v25  }
0x7c3: {  	v55 =	vshll.u32 v54, $0x3;
	_ =	swait.ge [sflag:s3], $0x1000  }
0x7c4: {  	v56 =	vand.u32 $0x7E, v54;
	v24 =	vand.u32 $0xC00, v55;
	[sflag:s3] =	ssyncset.done $0x0  }
0x7c5: {  	v24 =	vor.u32 v56, v24;
	[sflag:s3] =	ssyncadd.s32 $0xFFFFF000  }
0x7c6: {  	v58 =	vor.u32 v20, v24;
	v57 =	vld.idx.msk [tilespmem:v53+s10+$0x0], $0xffff  }
0x7c7: {  	v26 =	vor.u32 v21, v52;
	_ =	sdelay $0x3  }
0x7c8: {  	[tilespmem:v58+s4+$0x0] =	vst.idx.msk $0xffff, v57  }
0x7c9: {  	v24 =	vor.u32 v22, v24;
	v25 =	vld.idx.msk [tilespmem:v26+s10+$0x0], $0xffff;
	_ =	sdelay $0x1  }
0x7ca: {  	v23 =	vbroadcast v23, $0xF;
	_ =	sdelay $0x1  }
0x7cb: {  	v59 =	vor.u32 v19, v23  }
0x7cc: {  	v60 =	vmov s14;
	[tilespmem:v24+s4+$0x0] =	vst.idx.msk $0xffff, v25  }
0x7cd: {  	v61 =	vshll.u32 v60, $0x3;
	_ =	swait.ge [sflag:s12], $0x1000  }
0x7ce: {  	v24 =	vand.u32 $0x7F, v60;
	v25 =	vand.u32 $0xC00, v61;
	[sflag:s12] =	ssyncset.done $0x0  }
0x7cf: {  	v24 =	vor.u32 v24, v25;
	[sflag:s12] =	ssyncadd.s32 $0xFFFFF000  }
0x7d0: {  	v63 =	vor.u32 v20, v24;
	v62 =	vld.idx.msk [tilespmem:v59+s11+$0x0], $0xffff  }
0x7d1: {  	v23 =	vor.u32 v21, v23;
	_ =	sdelay $0x3  }
0x7d2: {  	[tilespmem:v63+s4+$0x0] =	vst.idx.msk $0xffff, v62  }
0x7d3: {  	p0 =	sne.s32 s14, $0x1FF;
	v24 =	vor.u32 v22, v24;
	v23 =	vld.idx.msk [tilespmem:v23+s11+$0x0], $0xffff  }
.Ltmp0:
0x7d4: {  	_ = 	snop;
	(pc) =	sbr.rel @p0 .LBB2_2-.Ltmp0, $2  }
0x7d5: {  	_ =	sdelay $0x2  }
0x7d6: {  	s13 =	sadd.s32 $0x10, s13;
	s14 =	sadd.s32 $0x10, s14;
	[tilespmem:v24+s4+$0x0] =	vst.idx.msk $0xffff, v23  }
0x7d7: {  	s13 =	sld [smem:$0x7EE];
	_ =	sdelay $0x1  }
0x7d8: {  	s14 =	simm.s32 $0x20000;
	s15 =	simm.s32 $0x1000  }
0x7d9: {  	[hbm4b:s13+s15] =	stream.strided.scatter [tilespmem:s4], [sflag:$0x11], $0x4000, s14, s15, $0x38;
	[tilespmem:$0x14280] =	vst v63  }
0x7da: {  	s14 =	simm.s32 $0x11  }
0x7db: {  	_ =	swait.ge [sflag:s14], $0x4000  }
0x7dc: {  	s19 =	sld [smem:$0x627]  }
0x7dd: {  	s20 =	sld [smem:$0x7F0];
	_ =	sdelay $0x1  }
0x7de: {  	s15 =	sadd.s32 $0x1, s19  }
0x7df: {  	p0 =	sne.s32 s15, s20  }
.Ltmp1:
0x7e0: {  	_ = 	snop;
	(pc) =	sbr.rel @p0 .LBB2_1-.Ltmp1, $3  }
0x7e1: {  	_ =	sdelay $0x1  }
0x7e2: {  	[sflag:s14] =	ssyncset.done $0x0  }
0x7e3: {  	[sflag:s14] =	ssyncadd.s32 $0xFFFFC000  }
0x7e4: {  	_ =	sfence.sel $0x180000  }
0x7e5: {  	[bflag:$0x0] =	sbarrier.arrive $0xFFFF  }
0x7e6: {  	_ =	strace $0x90000047  }
0x7e7: {  	s0 =	stileid.u32;
	[bflag:$0x2] =	sbarrier.arrive $0xFFFF  }
0x7e8: {  	p0 =	sne.s32 s0, $0x0;
	s0 =	rddreg [dreg:$0x3]  }
0x7e9: {  	s0 =	sadd.s32 @!p0 $0x100000, s0  }
0x7ea: {  	[sflag:s0] =	ssyncadd.tile.s32 @!p0 $0x1;
	_ =	shalt  }
.Lfunc_end2:
_tile_overlayer_lowered:
.L_overlay_start_2:
0x7eb: {  	(tag) =	ssettag $0x2  }
0x7ec: {  	s0 =	rddreg [dreg:$0x0];
	s2 =	stileid.u32  }
0x7ed: {  	s1 =	rddreg [dreg:$0x1];
	p0 =	sne.s32 s2, $0x0  }
0x7ee: {  	s3 =	rddreg [dreg:$0x2];
	[bflag:$0x3] =	sbarrier.arrive $0xFFFF;
	s2 =	simm.s32 @!p0 $0x1C11  }
0x7ef: {  	[timem:s3], [sflag:s2] =	dma.local @!p0 [hbm:s0], s1  }
0x7f0: {  	s0 =	simm.s32 @!p0 $0x11  }
0x7f1: {  	_ =	swait.ge @!p0 [sflag:s0], s1  }
0x7f2: {  	s1 =	ssub.s32 @!p0 $0x0, s1;
	[sflag:s0] =	ssyncset.done @!p0 $0x0  }
0x7f3: {  	[sflag:s0] =	ssyncadd.s32 @!p0 s1  }
0x7f4: {  	[bflag:$0x3] =	sbarrier.arrive $0xFFFF  }
0x7f5: {  	_ =	shalt  }

</sc_bundles>
